<compile_context>
chip_gen: v7x
topology: tpu7x:2x2x1
jax: 0.10.2.dev20260603
libtpu: 0.0.44.dev20260713+nightly
codegen_flags: <defaults>
</compile_context>

<pallas_src>
import jax
import jax.numpy as jnp
from jax import lax
from jax.experimental import pallas as pl
from jax.experimental.pallas import tpu as pltpu
from jax.experimental.pallas import tpu_sc as plsc

NU = 5000
NEV = 5000
D = 128
E = 320000
NS = 16
NC = 2
NW = NC * NS
CH = 320
CPT = 32
NCHUNK = NW * CPT
EP = NCHUNK * CH
NROW = NCHUNK
K = 1
NB = CPT // K
R = 5120
RPT = R // NS
TRASH = 5000

_f32 = jnp.float32



def _make_sc_agg(with_deg):
  mesh = plsc.VectorSubcoreMesh(core_axis_name="c", subcore_axis_name="s",
                                num_cores=NC)

  out_type = [
      jax.ShapeDtypeStruct((NC * R, D), _f32),
      jax.ShapeDtypeStruct((NC * R, D), _f32),
  ]
  if with_deg:
    out_type += [
        jax.ShapeDtypeStruct((NC * R, D), _f32),
        jax.ShapeDtypeStruct((NC * R, D), _f32),
    ]
  scratch = [
      pltpu.VMEM((2, K, CH), jnp.int32),
      pltpu.VMEM((2, K, CH), jnp.int32),
      pltpu.VMEM((CH, D), _f32),
      pltpu.VMEM((CH, D), _f32),
      pltpu.VMEM_SHARED((R, D), _f32),
      pltpu.SemaphoreType.DMA,
      pltpu.SemaphoreType.DMA,
      pltpu.SemaphoreType.DMA,
  ]

  def body(*refs):
    if with_deg:
      (he, hu, src2, dst2, zeros, ones,
       aggu_o, agge_o, degu_o, dege_o,
       gib, sib, r0, r1, acc, sg, ss, si) = refs
    else:
      (he, hu, src2, dst2, zeros,
       aggu_o, agge_o,
       gib, sib, r0, r1, acc, sg, ss, si) = refs

    rows = (r0, r1)
    c = lax.axis_index("c")
    s = lax.axis_index("s")
    row_base = (c * NS + s) * CPT
    slab = pl.ds(s * RPT, RPT)
    out_slab = pl.ds(c * R + s * RPT, RPT)

    def init_acc():
      pltpu.sync_copy(zeros.at[slab], acc.at[slab])
      plsc.subcore_barrier()

    def dump_acc(out_ref):
      plsc.subcore_barrier()
      pltpu.sync_copy(acc.at[slab], out_ref.at[out_slab])

    def load_idx_block(idx2, buf, b, sem):
      return pltpu.make_async_copy(
          idx2.at[pl.ds(row_base + b * K, K)], buf, sem)

    def run_pipeline(superstep):
      superstep(0, 0, True, False)

      def pair(t, carry):
        superstep(2 * t + 1, 1, False, False)
        superstep(2 * t + 2, 0, False, False)
        return carry

      lax.fori_loop(0, (NB - 2) // 2, pair, 0)
      superstep(NB - 1, 1, False, True)

    def agg_pass(gidx2, sidx2, table, out_ref):
      init_acc()
      load_idx_block(gidx2, gib.at[0], 0, si).start()
      load_idx_block(sidx2, sib.at[0], 0, si).start()
      load_idx_block(gidx2, gib.at[0], 0, si).wait()
      load_idx_block(sidx2, sib.at[0], 0, si).wait()
      for j in range(K):
        pltpu.async_copy(table.at[gib.at[0, j]], rows[0], sg)

      def superstep(b, p, first, last):
        q = 1 - p
        if not first:
          for j in range(K):
            pltpu.make_async_copy(rows[q], acc.at[sib.at[q, j]], ss).wait()
        if not last:
          load_idx_block(gidx2, gib.at[q], b + 1, si).start()
          load_idx_block(sidx2, sib.at[q], b + 1, si).start()
        for j in range(K):
          pltpu.make_async_copy(table.at[gib.at[p, j]], rows[p], sg).wait()
        for j in range(K):
          pltpu.async_copy(rows[p], acc.at[sib.at[p, j]], ss, add=True)
        if not last:
          load_idx_block(gidx2, gib.at[q], b + 1, si).wait()
          load_idx_block(sidx2, sib.at[q], b + 1, si).wait()
          for j in range(K):
            pltpu.async_copy(table.at[gib.at[q, j]], rows[q], sg)

      run_pipeline(superstep)
      for j in range(K):
        pltpu.make_async_copy(rows[1], acc.at[sib.at[1, j]], ss).wait()
      dump_acc(out_ref)

    def deg_pass(sidx2, out_ref):
      init_acc()
      load_idx_block(sidx2, sib.at[0], 0, si).start()
      load_idx_block(sidx2, sib.at[0], 0, si).wait()

      def superstep(b, p, first, last):
        q = 1 - p
        if not first:
          for j in range(K):
            pltpu.make_async_copy(r0, acc.at[sib.at[q, j]], ss).wait()
        if not last:
          load_idx_block(sidx2, sib.at[q], b + 1, si).start()
        for j in range(K):
          pltpu.async_copy(r0, acc.at[sib.at[p, j]], ss, add=True)
        if not last:
          load_idx_block(sidx2, sib.at[q], b + 1, si).wait()

      run_pipeline(superstep)
      for j in range(K):
        pltpu.make_async_copy(r0, acc.at[sib.at[1, j]], ss).wait()
      dump_acc(out_ref)

    agg_pass(src2, dst2, he, aggu_o)
    agg_pass(dst2, src2, hu, agge_o)
    if with_deg:
      pltpu.sync_copy(ones, r0)
      deg_pass(dst2, degu_o)
      deg_pass(src2, dege_o)

  return pl.kernel(body, out_type=out_type, mesh=mesh, scratch_types=scratch,
                   name="sc_agg_deg" if with_deg else "sc_agg")


_sc_agg_deg = _make_sc_agg(True)
_sc_agg = _make_sc_agg(False)



def _matmul(x, w, b):
  y = lax.dot_general(x, w, (((1,), (1,)), ((), ())),
                      preferred_element_type=_f32)
  return y + b


def _proj2_body(xu, wu, bu, xe, we, be, hu_o, he_o):
  hu_o[:NU] = _matmul(xu[:], wu[:], bu[:])
  hu_o[NU:] = jnp.zeros((R - NU, D), _f32)
  he_o[:NEV] = _matmul(xe[:], we[:], be[:])
  he_o[NEV:] = jnp.zeros((R - NEV, D), _f32)


def _norm(agg, h, deg):
  a = agg[:NU] + agg[R:R + NU]
  d = deg[:NU, 0:1] + deg[R:R + NU, 0:1]
  return (a + h[:NU]) / (d + 1.0)


def _combine_proj2_body(aggu, agge, hu, he, degu, dege, wu, bu, we, be,
                        hu_o, he_o):
  xu = _norm(aggu[:], hu[:], degu[:])
  xe = _norm(agge[:], he[:], dege[:])
  hu_o[:NU] = _matmul(xu, wu[:], bu[:])
  hu_o[NU:] = jnp.zeros((R - NU, D), _f32)
  he_o[:NEV] = _matmul(xe, we[:], be[:])
  he_o[NEV:] = jnp.zeros((R - NEV, D), _f32)


def _final2_body(aggu, agge, hu, he, degu, dege, ou, oe):
  ou[...] = _norm(aggu[:], hu[:], degu[:])
  oe[...] = _norm(agge[:], he[:], dege[:])


_proj2 = pl.pallas_call(
    _proj2_body,
    out_shape=(jax.ShapeDtypeStruct((R, D), _f32),
               jax.ShapeDtypeStruct((R, D), _f32)),
)

_combine_proj2 = pl.pallas_call(
    _combine_proj2_body,
    out_shape=(jax.ShapeDtypeStruct((R, D), _f32),
               jax.ShapeDtypeStruct((R, D), _f32)),
)

_final2 = pl.pallas_call(
    _final2_body,
    out_shape=(jax.ShapeDtypeStruct((NU, D), _f32),
               jax.ShapeDtypeStruct((NEV, D), _f32)),
)



@jax.jit
def kernel(x_user, x_event, Wu0, bu0, We0, be0, Wu1, bu1, We1, be1, edge_index):
  ei = edge_index.astype(jnp.int32)
  pad = jnp.full((EP - E,), TRASH, jnp.int32)
  src = jnp.concatenate([ei[0], pad]).reshape(NROW, CH)
  dst = jnp.concatenate([ei[1], pad]).reshape(NROW, CH)

  zeros = jnp.zeros((R, D), _f32)
  ones = jnp.ones((CH, D), _f32)

  bu0r = bu0.reshape(1, D)
  be0r = be0.reshape(1, D)
  bu1r = bu1.reshape(1, D)
  be1r = be1.reshape(1, D)

  hu0, he0 = _proj2(x_user, Wu0, bu0r, x_event, We0, be0r)
  aggu, agge, degu, dege = _sc_agg_deg(he0, hu0, src, dst, zeros, ones)
  hu1, he1 = _combine_proj2(aggu, agge, hu0, he0, degu, dege,
                            Wu1, bu1r, We1, be1r)
  aggu2, agge2 = _sc_agg(he1, hu1, src, dst, zeros)
  return _final2(aggu2, agge2, hu1, he1, degu, dege)

# --- scband reference (transcript-rebuilt; emitter-appended) ---
"""Pipeline reference for scband-heterogeneous-aggregation-layers-42099269435817 (READ-ONLY COPY).

The authoritative reference and input builder live on the scoring server;
editing this copy changes nothing except your own understanding.
"""

import jax, jax.numpy as jnp
import numpy as np

NUM_USER = 5000
NUM_EVENT = 5000
E = 320000
D = 128


def setup_inputs(seed: int = 0) -> dict:
    key = jax.random.key(seed)
    ks = jax.random.split(key, 12)
    s = 1.0 / np.sqrt(D)
    inp = {
        "x_user": jax.random.normal(ks[0], (NUM_USER, D), dtype=jnp.float32),
        "x_event": jax.random.normal(ks[1], (NUM_EVENT, D), dtype=jnp.float32),
        "Wu0": jax.random.uniform(ks[2], (D, D), jnp.float32, -s, s),
        "bu0": jax.random.uniform(ks[3], (D,), jnp.float32, -s, s),
        "We0": jax.random.uniform(ks[4], (D, D), jnp.float32, -s, s),
        "be0": jax.random.uniform(ks[5], (D,), jnp.float32, -s, s),
        "Wu1": jax.random.uniform(ks[6], (D, D), jnp.float32, -s, s),
        "bu1": jax.random.uniform(ks[7], (D,), jnp.float32, -s, s),
        "We1": jax.random.uniform(ks[8], (D, D), jnp.float32, -s, s),
        "be1": jax.random.uniform(ks[9], (D,), jnp.float32, -s, s),
        "edge_index": jax.random.randint(ks[10], (2, E), 0, NUM_EVENT, dtype=jnp.int64),
    }
    return inp


def _layer(xu, xe, edge_index, Wu, bu, We, be):
    # linear projections (nn.Linear: x @ W.T + b)
    xe = xe @ We.T + be
    xu = xu @ Wu.T + bu
    src = edge_index[0]  # event indices (source for user aggregation)
    dst = edge_index[1]  # user indices (target for user aggregation)
    # propagate(edge_index, x=(event, user), size=(num_event, num_user)) with aggr='add'
    agg_u = jax.ops.segment_sum(xe[src], dst, num_segments=NUM_USER)
    # propagate(edge_index[[1,0]], x=(user, event), size=(num_user, num_event))
    agg_e = jax.ops.segment_sum(xu[dst], src, num_segments=NUM_EVENT)
    new_u = agg_u + xu
    new_e = agg_e + xe
    ones = jnp.ones((edge_index.shape[1],), dtype=xu.dtype)
    deg_e = jax.ops.segment_sum(ones, src, num_segments=NUM_EVENT)
    deg_u = jax.ops.segment_sum(ones, dst, num_segments=NUM_USER)
    new_e = new_e / (deg_e + 1.0)[:, None]
    new_u = new_u / (deg_u + 1.0)[:, None]
    return new_u, new_e


def reference(x_user, x_event, Wu0, bu0, We0, be0, Wu1, bu1, We1, be1, edge_index):
    xu, xe = _layer(x_user, x_event, edge_index, Wu0, bu0, We0, be0)
    xu, xe = _layer(xu, xe, edge_index, Wu1, bu1, We1, be1)
    return xu, xe

if __name__ == "__main__":
    import jax
    _d = setup_inputs()
    print(jax.jit(kernel)(*tuple(_d.values())))

</pallas_src>

<mosaic_0001>
#map = affine_map<(d0, d1) -> (0, 0)>
module attributes {stable_mosaic.version = 14 : i64} {
  func.func @sc_agg_deg(%arg0: i32, %arg1: i32, %arg2: memref<5120x128xf32, #tpu.memory_space<hbm>>, %arg3: memref<5120x128xf32, #tpu.memory_space<hbm>>, %arg4: memref<1024x320xi32, #tpu.memory_space<hbm>>, %arg5: memref<1024x320xi32, #tpu.memory_space<hbm>>, %arg6: memref<5120x128xf32, #tpu.memory_space<hbm>>, %arg7: memref<320x128xf32, #tpu.memory_space<hbm>>, %arg8: memref<10240x128xf32, #tpu.memory_space<hbm>>, %arg9: memref<10240x128xf32, #tpu.memory_space<hbm>>, %arg10: memref<10240x128xf32, #tpu.memory_space<hbm>>, %arg11: memref<10240x128xf32, #tpu.memory_space<hbm>>, %arg12: memref<2x1x320xi32, #tpu.memory_space<vmem>>, %arg13: memref<2x1x320xi32, #tpu.memory_space<vmem>>, %arg14: memref<320x128xf32, #tpu.memory_space<vmem>>, %arg15: memref<320x128xf32, #tpu.memory_space<vmem>>, %arg16: memref<5120x128xf32, #tpu.memory_space<vmem_shared>>, %arg17: memref<!tpu.dma_semaphore, #tpu.memory_space<semaphore_mem>>, %arg18: memref<!tpu.dma_semaphore, #tpu.memory_space<semaphore_mem>>, %arg19: memref<!tpu.dma_semaphore, #tpu.memory_space<semaphore_mem>>) attributes {dimension_semantics = [#tpu.dimension_semantics<core_parallel>, #tpu.dimension_semantics<subcore_parallel>], iteration_bounds = array<i64: 2, 16>, scalar_prefetch = 0 : i64, scratch_operands = 8 : i64, tpu.core_type = #tpu.core_type<sc_vector_subcore>, window_params = [{transform_indices = #map}, {transform_indices = #map}, {transform_indices = #map}, {transform_indices = #map}, {transform_indices = #map}, {transform_indices = #map}, {transform_indices = #map}, {transform_indices = #map}, {transform_indices = #map}, {transform_indices = #map}]} {
    %mul3A = arith.constant 16 : i32
    %mul3A_0 = arith.muli %arg0, %mul3A : i32
    %add3A = arith.addi %mul3A_0, %arg1 : i32
    %mul3A_1 = arith.constant 32 : i32
    %mul3A_2 = arith.muli %add3A, %mul3A_1 : i32
    %mul3A_3 = arith.constant 320 : i32
    %mul3A_4 = arith.muli %arg1, %mul3A_3 : i32
    %mul3A_5 = arith.constant 5120 : i32
    %mul3A_6 = arith.muli %arg0, %mul3A_5 : i32
    %mul3A_7 = arith.constant 320 : i32
    %mul3A_8 = arith.muli %arg1, %mul3A_7 : i32
    %add3A_9 = arith.addi %mul3A_6, %mul3A_8 : i32
    "tpu.region"() ({
      %run_scoped3A = tpu.sem_alloc : memref<!tpu.dma_semaphore, #tpu.memory_space<semaphore_mem>>
      %dma_start3A_590 = arith.constant 0 : i32
      %dma_start3A_591 = tpu.memref_slice %arg16[%mul3A_4, %dma_start3A_590] : memref<5120x128xf32, #tpu.memory_space<vmem_shared>> -> memref<320x128xf32, #tpu.memory_space<vmem_shared>>
      %dma_start3A_592 = arith.constant 0 : i32
      %dma_start3A_593 = tpu.memref_slice %arg6[%mul3A_4, %dma_start3A_592] : memref<5120x128xf32, #tpu.memory_space<hbm>> -> memref<320x128xf32, #tpu.memory_space<hbm>>
      tpu.enqueue_dma source(%dma_start3A_593 : memref<320x128xf32, #tpu.memory_space<hbm>>) target(%dma_start3A_591 : memref<320x128xf32, #tpu.memory_space<vmem_shared>>) target_semaphore(%run_scoped3A : memref<!tpu.dma_semaphore, #tpu.memory_space<semaphore_mem>>)
      %dma_wait3A_594 = arith.constant 0 : i32
      %dma_wait3A_595 = tpu.memref_slice %arg16[%mul3A_4, %dma_wait3A_594] : memref<5120x128xf32, #tpu.memory_space<vmem_shared>> -> memref<320x128xf32, #tpu.memory_space<vmem_shared>>
      %dma_wait3A_596 = arith.constant 0 : i32
      %dma_wait3A_597 = tpu.memref_slice %arg6[%mul3A_4, %dma_wait3A_596] : memref<5120x128xf32, #tpu.memory_space<hbm>> -> memref<320x128xf32, #tpu.memory_space<hbm>>
      tpu.wait_dma2 semaphore(%run_scoped3A : memref<!tpu.dma_semaphore, #tpu.memory_space<semaphore_mem>>) src(%dma_wait3A_597 : memref<320x128xf32, #tpu.memory_space<hbm>>) dst(%dma_wait3A_595 : memref<320x128xf32, #tpu.memory_space<vmem_shared>>)
      tpu.yield
    }) : () -> ()
    %barrier3A = arith.constant 0 : index
    tpu.barrier barrier_id(%barrier3A)
    %add3A_10 = arith.constant 0 : i32
    %add3A_11 = arith.addi %mul3A_2, %add3A_10 : i32
    %dma_start3A = arith.constant 0 : i32
    %dma_start3A_12 = arith.constant 0 : i32
    %dma_start3A_13 = arith.constant 0 : i32
    %dma_start3A_14 = tpu.memref_slice %arg12[%dma_start3A, %dma_start3A_12, %dma_start3A_13] : memref<2x1x320xi32, #tpu.memory_space<vmem>> -> memref<1x1x320xi32, #tpu.memory_space<vmem>>
    %dma_start3A_15 = tpu.memref_squeeze %dma_start3A_14 : memref<1x1x320xi32, #tpu.memory_space<vmem>> -> memref<1x320xi32, #tpu.memory_space<vmem>>
    %dma_start3A_16 = arith.constant 0 : i32
    %dma_start3A_17 = tpu.memref_slice %arg4[%add3A_11, %dma_start3A_16] : memref<1024x320xi32, #tpu.memory_space<hbm>> -> memref<1x320xi32, #tpu.memory_space<hbm>>
    %dma_start3A_18 = arith.constant 0 : i32
    %dma_start3A_19 = arith.constant 0 : i32
    %dma_start3A_20 = tpu.memref_slice %arg12[%dma_start3A, %dma_start3A_18, %dma_start3A_19] : memref<2x1x320xi32, #tpu.memory_space<vmem>> -> memref<1x1x320xi32, #tpu.memory_space<vmem>>
    %dma_start3A_21 = tpu.memref_squeeze %dma_start3A_20 : memref<1x1x320xi32, #tpu.memory_space<vmem>> -> memref<1x320xi32, #tpu.memory_space<vmem>>
    %dma_start3A_22 = arith.constant 0 : i32
    %dma_start3A_23 = tpu.memref_slice %arg4[%add3A_11, %dma_start3A_22] : memref<1024x320xi32, #tpu.memory_space<hbm>> -> memref<1x320xi32, #tpu.memory_space<hbm>>
    tpu.enqueue_dma source(%dma_start3A_23 : memref<1x320xi32, #tpu.memory_space<hbm>>) target(%dma_start3A_21 : memref<1x320xi32, #tpu.memory_space<vmem>>) target_semaphore(%arg19 : memref<!tpu.dma_semaphore, #tpu.memory_space<semaphore_mem>>)
    %add3A_24 = arith.constant 0 : i32
    %add3A_25 = arith.addi %mul3A_2, %add3A_24 : i32
    %dma_start3A_26 = arith.constant 0 : i32
    %dma_start3A_27 = arith.constant 0 : i32
    %dma_start3A_28 = arith.constant 0 : i32
    %dma_start3A_29 = tpu.memref_slice %arg13[%dma_start3A_26, %dma_start3A_27, %dma_start3A_28] : memref<2x1x320xi32, #tpu.memory_space<vmem>> -> memref<1x1x320xi32, #tpu.memory_space<vmem>>
    %dma_start3A_30 = tpu.memref_squeeze %dma_start3A_29 : memref<1x1x320xi32, #tpu.memory_space<vmem>> -> memref<1x320xi32, #tpu.memory_space<vmem>>
    %dma_start3A_31 = arith.constant 0 : i32
    %dma_start3A_32 = tpu.memref_slice %arg5[%add3A_25, %dma_start3A_31] : memref<1024x320xi32, #tpu.memory_space<hbm>> -> memref<1x320xi32, #tpu.memory_space<hbm>>
    %dma_start3A_33 = arith.constant 0 : i32
    %dma_start3A_34 = arith.constant 0 : i32
    %dma_start3A_35 = tpu.memref_slice %arg13[%dma_start3A_26, %dma_start3A_33, %dma_start3A_34] : memref<2x1x320xi32, #tpu.memory_space<vmem>> -> memref<1x1x320xi32, #tpu.memory_space<vmem>>
    %dma_start3A_36 = tpu.memref_squeeze %dma_start3A_35 : memref<1x1x320xi32, #tpu.memory_space<vmem>> -> memref<1x320xi32, #tpu.memory_space<vmem>>
    %dma_start3A_37 = arith.constant 0 : i32
    %dma_start3A_38 = tpu.memref_slice %arg5[%add3A_25, %dma_start3A_37] : memref<1024x320xi32, #tpu.memory_space<hbm>> -> memref<1x320xi32, #tpu.memory_space<hbm>>
    tpu.enqueue_dma source(%dma_start3A_38 : memref<1x320xi32, #tpu.memory_space<hbm>>) target(%dma_start3A_36 : memref<1x320xi32, #tpu.memory_space<vmem>>) target_semaphore(%arg19 : memref<!tpu.dma_semaphore, #tpu.memory_space<semaphore_mem>>)
    %add3A_39 = arith.constant 0 : i32
    %add3A_40 = arith.addi %mul3A_2, %add3A_39 : i32
    %dma_wait3A = arith.constant 0 : i32
    %dma_wait3A_41 = arith.constant 0 : i32
    %dma_wait3A_42 = arith.constant 0 : i32
    %dma_wait3A_43 = tpu.memref_slice %arg12[%dma_wait3A, %dma_wait3A_41, %dma_wait3A_42] : memref<2x1x320xi32, #tpu.memory_space<vmem>> -> memref<1x1x320xi32, #tpu.memory_space<vmem>>
    %dma_wait3A_44 = tpu.memref_squeeze %dma_wait3A_43 : memref<1x1x320xi32, #tpu.memory_space<vmem>> -> memref<1x320xi32, #tpu.memory_space<vmem>>
    %dma_wait3A_45 = arith.constant 0 : i32
    %dma_wait3A_46 = tpu.memref_slice %arg4[%add3A_40, %dma_wait3A_45] : memref<1024x320xi32, #tpu.memory_space<hbm>> -> memref<1x320xi32, #tpu.memory_space<hbm>>
    %dma_wait3A_47 = arith.constant 0 : i32
    %dma_wait3A_48 = arith.constant 0 : i32
    %dma_wait3A_49 = tpu.memref_slice %arg12[%dma_wait3A, %dma_wait3A_47, %dma_wait3A_48] : memref<2x1x320xi32, #tpu.memory_space<vmem>> -> memref<1x1x320xi32, #tpu.memory_space<vmem>>
    %dma_wait3A_50 = tpu.memref_squeeze %dma_wait3A_49 : memref<1x1x320xi32, #tpu.memory_space<vmem>> -> memref<1x320xi32, #tpu.memory_space<vmem>>
    %dma_wait3A_51 = arith.constant 0 : i32
    %dma_wait3A_52 = tpu.memref_slice %arg4[%add3A_40, %dma_wait3A_51] : memref<1024x320xi32, #tpu.memory_space<hbm>> -> memref<1x320xi32, #tpu.memory_space<hbm>>
    tpu.wait_dma2 semaphore(%arg19 : memref<!tpu.dma_semaphore, #tpu.memory_space<semaphore_mem>>) src(%dma_wait3A_52 : memref<1x320xi32, #tpu.memory_space<hbm>>) dst(%dma_wait3A_50 : memref<1x320xi32, #tpu.memory_space<vmem>>)
    %add3A_53 = arith.constant 0 : i32
    %add3A_54 = arith.addi %mul3A_2, %add3A_53 : i32
    %dma_wait3A_55 = arith.constant 0 : i32
    %dma_wait3A_56 = arith.constant 0 : i32
    %dma_wait3A_57 = arith.constant 0 : i32
    %dma_wait3A_58 = tpu.memref_slice %arg13[%dma_wait3A_55, %dma_wait3A_56, %dma_wait3A_57] : memref<2x1x320xi32, #tpu.memory_space<vmem>> -> memref<1x1x320xi32, #tpu.memory_space<vmem>>
    %dma_wait3A_59 = tpu.memref_squeeze %dma_wait3A_58 : memref<1x1x320xi32, #tpu.memory_space<vmem>> -> memref<1x320xi32, #tpu.memory_space<vmem>>
    %dma_wait3A_60 = arith.constant 0 : i32
    %dma_wait3A_61 = tpu.memref_slice %arg5[%add3A_54, %dma_wait3A_60] : memref<1024x320xi32, #tpu.memory_space<hbm>> -> memref<1x320xi32, #tpu.memory_space<hbm>>
    %dma_wait3A_62 = arith.constant 0 : i32
    %dma_wait3A_63 = arith.constant 0 : i32
    %dma_wait3A_64 = tpu.memref_slice %arg13[%dma_wait3A_55, %dma_wait3A_62, %dma_wait3A_63] : memref<2x1x320xi32, #tpu.memory_space<vmem>> -> memref<1x1x320xi32, #tpu.memory_space<vmem>>
    %dma_wait3A_65 = tpu.memref_squeeze %dma_wait3A_64 : memref<1x1x320xi32, #tpu.memory_space<vmem>> -> memref<1x320xi32, #tpu.memory_space<vmem>>
    %dma_wait3A_66 = arith.constant 0 : i32
    %dma_wait3A_67 = tpu.memref_slice %arg5[%add3A_54, %dma_wait3A_66] : memref<1024x320xi32, #tpu.memory_space<hbm>> -> memref<1x320xi32, #tpu.memory_space<hbm>>
    tpu.wait_dma2 semaphore(%arg19 : memref<!tpu.dma_semaphore, #tpu.memory_space<semaphore_mem>>) src(%dma_wait3A_67 : memref<1x320xi32, #tpu.memory_space<hbm>>) dst(%dma_wait3A_65 : memref<1x320xi32, #tpu.memory_space<vmem>>)
    %dma_start3A_68 = arith.constant 0 : i32
    %dma_start3A_69 = arith.constant 0 : i32
    %dma_start3A_70 = arith.constant 0 : i32
    %dma_start3A_71 = tpu.memref_slice %arg12[%dma_start3A_68, %dma_start3A_69, %dma_start3A_70] : memref<2x1x320xi32, #tpu.memory_space<vmem>> -> memref<1x1x320xi32, #tpu.memory_space<vmem>>
    %dma_start3A_72 = tpu.memref_squeeze %dma_start3A_71 : memref<1x1x320xi32, #tpu.memory_space<vmem>> -> memref<320xi32, #tpu.memory_space<vmem>>
    %dma_start3A_73 = arith.constant 0 : i32
    %dma_start3A_74 = arith.constant 0 : i32
    %dma_start3A_75 = tpu.memref_slice %arg2[%dma_start3A_73, %dma_start3A_74] : memref<5120x128xf32, #tpu.memory_space<hbm>> -> memref<5120x128xf32, #tpu.memory_space<hbm>>
    tpu.enqueue_indirect_dma source(%dma_start3A_75 : memref<5120x128xf32, #tpu.memory_space<hbm>>) target(%arg14 : memref<320x128xf32, #tpu.memory_space<vmem>>) offsets(%dma_start3A_72 : memref<320xi32, #tpu.memory_space<vmem>>) semaphore(%arg17 : memref<!tpu.dma_semaphore, #tpu.memory_space<semaphore_mem>>)
    %add3A_76 = arith.constant 1 : i32
    %add3A_77 = arith.addi %mul3A_2, %add3A_76 : i32
    %dma_start3A_78 = arith.constant 1 : i32
    %dma_start3A_79 = arith.constant 0 : i32
    %dma_start3A_80 = arith.constant 0 : i32
    %dma_start3A_81 = tpu.memref_slice %arg12[%dma_start3A_78, %dma_start3A_79, %dma_start3A_80] : memref<2x1x320xi32, #tpu.memory_space<vmem>> -> memref<1x1x320xi32, #tpu.memory_space<vmem>>
    %dma_start3A_82 = tpu.memref_squeeze %dma_start3A_81 : memref<1x1x320xi32, #tpu.memory_space<vmem>> -> memref<1x320xi32, #tpu.memory_space<vmem>>
    %dma_start3A_83 = arith.constant 0 : i32
    %dma_start3A_84 = tpu.memref_slice %arg4[%add3A_77, %dma_start3A_83] : memref<1024x320xi32, #tpu.memory_space<hbm>> -> memref<1x320xi32, #tpu.memory_space<hbm>>
    %dma_start3A_85 = arith.constant 0 : i32
    %dma_start3A_86 = arith.constant 0 : i32
    %dma_start3A_87 = tpu.memref_slice %arg12[%dma_start3A_78, %dma_start3A_85, %dma_start3A_86] : memref<2x1x320xi32, #tpu.memory_space<vmem>> -> memref<1x1x320xi32, #tpu.memory_space<vmem>>
    %dma_start3A_88 = tpu.memref_squeeze %dma_start3A_87 : memref<1x1x320xi32, #tpu.memory_space<vmem>> -> memref<1x320xi32, #tpu.memory_space<vmem>>
    %dma_start3A_89 = arith.constant 0 : i32
    %dma_start3A_90 = tpu.memref_slice %arg4[%add3A_77, %dma_start3A_89] : memref<1024x320xi32, #tpu.memory_space<hbm>> -> memref<1x320xi32, #tpu.memory_space<hbm>>
    tpu.enqueue_dma source(%dma_start3A_90 : memref<1x320xi32, #tpu.memory_space<hbm>>) target(%dma_start3A_88 : memref<1x320xi32, #tpu.memory_space<vmem>>) target_semaphore(%arg19 : memref<!tpu.dma_semaphore, #tpu.memory_space<semaphore_mem>>)
    %add3A_91 = arith.constant 1 : i32
    %add3A_92 = arith.addi %mul3A_2, %add3A_91 : i32
    %dma_start3A_93 = arith.constant 1 : i32
    %dma_start3A_94 = arith.constant 0 : i32
    %dma_start3A_95 = arith.constant 0 : i32
    %dma_start3A_96 = tpu.memref_slice %arg13[%dma_start3A_93, %dma_start3A_94, %dma_start3A_95] : memref<2x1x320xi32, #tpu.memory_space<vmem>> -> memref<1x1x320xi32, #tpu.memory_space<vmem>>
    %dma_start3A_97 = tpu.memref_squeeze %dma_start3A_96 : memref<1x1x320xi32, #tpu.memory_space<vmem>> -> memref<1x320xi32, #tpu.memory_space<vmem>>
    %dma_start3A_98 = arith.constant 0 : i32
    %dma_start3A_99 = tpu.memref_slice %arg5[%add3A_92, %dma_start3A_98] : memref<1024x320xi32, #tpu.memory_space<hbm>> -> memref<1x320xi32, #tpu.memory_space<hbm>>
    %dma_start3A_100 = arith.constant 0 : i32
    %dma_start3A_101 = arith.constant 0 : i32
    %dma_start3A_102 = tpu.memref_slice %arg13[%dma_start3A_93, %dma_start3A_100, %dma_start3A_101] : memref<2x1x320xi32, #tpu.memory_space<vmem>> -> memref<1x1x320xi32, #tpu.memory_space<vmem>>
    %dma_start3A_103 = tpu.memref_squeeze %dma_start3A_102 : memref<1x1x320xi32, #tpu.memory_space<vmem>> -> memref<1x320xi32, #tpu.memory_space<vmem>>
    %dma_start3A_104 = arith.constant 0 : i32
    %dma_start3A_105 = tpu.memref_slice %arg5[%add3A_92, %dma_start3A_104] : memref<1024x320xi32, #tpu.memory_space<hbm>> -> memref<1x320xi32, #tpu.memory_space<hbm>>
    tpu.enqueue_dma source(%dma_start3A_105 : memref<1x320xi32, #tpu.memory_space<hbm>>) target(%dma_start3A_103 : memref<1x320xi32, #tpu.memory_space<vmem>>) target_semaphore(%arg19 : memref<!tpu.dma_semaphore, #tpu.memory_space<semaphore_mem>>)
    %dma_wait3A_106 = arith.constant 0 : i32
    %dma_wait3A_107 = arith.constant 0 : i32
    %dma_wait3A_108 = arith.constant 0 : i32
    %dma_wait3A_109 = tpu.memref_slice %arg12[%dma_wait3A_106, %dma_wait3A_107, %dma_wait3A_108] : memref<2x1x320xi32, #tpu.memory_space<vmem>> -> memref<1x1x320xi32, #tpu.memory_space<vmem>>
    %dma_wait3A_110 = tpu.memref_squeeze %dma_wait3A_109 : memref<1x1x320xi32, #tpu.memory_space<vmem>> -> memref<320xi32, #tpu.memory_space<vmem>>
    %dma_wait3A_111 = arith.constant 0 : i32
    %dma_wait3A_112 = arith.constant 0 : i32
    %dma_wait3A_113 = tpu.memref_slice %arg2[%dma_wait3A_111, %dma_wait3A_112] : memref<5120x128xf32, #tpu.memory_space<hbm>> -> memref<5120x128xf32, #tpu.memory_space<hbm>>
    tpu.wait_indirect_dma semaphore(%arg17 : memref<!tpu.dma_semaphore, #tpu.memory_space<semaphore_mem>>) src(%dma_wait3A_113 : memref<5120x128xf32, #tpu.memory_space<hbm>>) dst(%arg14 : memref<320x128xf32, #tpu.memory_space<vmem>>)
    %dma_start3A_114 = arith.constant 0 : i32
    %dma_start3A_115 = arith.constant 0 : i32
    %dma_start3A_116 = arith.constant 0 : i32
    %dma_start3A_117 = tpu.memref_slice %arg13[%dma_start3A_114, %dma_start3A_115, %dma_start3A_116] : memref<2x1x320xi32, #tpu.memory_space<vmem>> -> memref<1x1x320xi32, #tpu.memory_space<vmem>>
    %dma_start3A_118 = tpu.memref_squeeze %dma_start3A_117 : memref<1x1x320xi32, #tpu.memory_space<vmem>> -> memref<320xi32, #tpu.memory_space<vmem>>
    %dma_start3A_119 = arith.constant 0 : i32
    %dma_start3A_120 = arith.constant 0 : i32
    %dma_start3A_121 = tpu.memref_slice %arg16[%dma_start3A_119, %dma_start3A_120] : memref<5120x128xf32, #tpu.memory_space<vmem_shared>> -> memref<5120x128xf32, #tpu.memory_space<vmem_shared>>
    tpu.enqueue_indirect_dma source(%arg14 : memref<320x128xf32, #tpu.memory_space<vmem>>) target(%dma_start3A_121 : memref<5120x128xf32, #tpu.memory_space<vmem_shared>>) offsets(%dma_start3A_118 : memref<320xi32, #tpu.memory_space<vmem>>) semaphore(%arg18 : memref<!tpu.dma_semaphore, #tpu.memory_space<semaphore_mem>>) {add = true}
    %add3A_122 = arith.constant 1 : i32
    %add3A_123 = arith.addi %mul3A_2, %add3A_122 : i32
    %dma_wait3A_124 = arith.constant 1 : i32
    %dma_wait3A_125 = arith.constant 0 : i32
    %dma_wait3A_126 = arith.constant 0 : i32
    %dma_wait3A_127 = tpu.memref_slice %arg12[%dma_wait3A_124, %dma_wait3A_125, %dma_wait3A_126] : memref<2x1x320xi32, #tpu.memory_space<vmem>> -> memref<1x1x320xi32, #tpu.memory_space<vmem>>
    %dma_wait3A_128 = tpu.memref_squeeze %dma_wait3A_127 : memref<1x1x320xi32, #tpu.memory_space<vmem>> -> memref<1x320xi32, #tpu.memory_space<vmem>>
    %dma_wait3A_129 = arith.constant 0 : i32
    %dma_wait3A_130 = tpu.memref_slice %arg4[%add3A_123, %dma_wait3A_129] : memref<1024x320xi32, #tpu.memory_space<hbm>> -> memref<1x320xi32, #tpu.memory_space<hbm>>
    %dma_wait3A_131 = arith.constant 0 : i32
    %dma_wait3A_132 = arith.constant 0 : i32
    %dma_wait3A_133 = tpu.memref_slice %arg12[%dma_wait3A_124, %dma_wait3A_131, %dma_wait3A_132] : memref<2x1x320xi32, #tpu.memory_space<vmem>> -> memref<1x1x320xi32, #tpu.memory_space<vmem>>
    %dma_wait3A_134 = tpu.memref_squeeze %dma_wait3A_133 : memref<1x1x320xi32, #tpu.memory_space<vmem>> -> memref<1x320xi32, #tpu.memory_space<vmem>>
    %dma_wait3A_135 = arith.constant 0 : i32
    %dma_wait3A_136 = tpu.memref_slice %arg4[%add3A_123, %dma_wait3A_135] : memref<1024x320xi32, #tpu.memory_space<hbm>> -> memref<1x320xi32, #tpu.memory_space<hbm>>
    tpu.wait_dma2 semaphore(%arg19 : memref<!tpu.dma_semaphore, #tpu.memory_space<semaphore_mem>>) src(%dma_wait3A_136 : memref<1x320xi32, #tpu.memory_space<hbm>>) dst(%dma_wait3A_134 : memref<1x320xi32, #tpu.memory_space<vmem>>)
    %add3A_137 = arith.constant 1 : i32
    %add3A_138 = arith.addi %mul3A_2, %add3A_137 : i32
    %dma_wait3A_139 = arith.constant 1 : i32
    %dma_wait3A_140 = arith.constant 0 : i32
    %dma_wait3A_141 = arith.constant 0 : i32
    %dma_wait3A_142 = tpu.memref_slice %arg13[%dma_wait3A_139, %dma_wait3A_140, %dma_wait3A_141] : memref<2x1x320xi32, #tpu.memory_space<vmem>> -> memref<1x1x320xi32, #tpu.memory_space<vmem>>
    %dma_wait3A_143 = tpu.memref_squeeze %dma_wait3A_142 : memref<1x1x320xi32, #tpu.memory_space<vmem>> -> memref<1x320xi32, #tpu.memory_space<vmem>>
    %dma_wait3A_144 = arith.constant 0 : i32
    %dma_wait3A_145 = tpu.memref_slice %arg5[%add3A_138, %dma_wait3A_144] : memref<1024x320xi32, #tpu.memory_space<hbm>> -> memref<1x320xi32, #tpu.memory_space<hbm>>
    %dma_wait3A_146 = arith.constant 0 : i32
    %dma_wait3A_147 = arith.constant 0 : i32
    %dma_wait3A_148 = tpu.memref_slice %arg13[%dma_wait3A_139, %dma_wait3A_146, %dma_wait3A_147] : memref<2x1x320xi32, #tpu.memory_space<vmem>> -> memref<1x1x320xi32, #tpu.memory_space<vmem>>
    %dma_wait3A_149 = tpu.memref_squeeze %dma_wait3A_148 : memref<1x1x320xi32, #tpu.memory_space<vmem>> -> memref<1x320xi32, #tpu.memory_space<vmem>>
    %dma_wait3A_150 = arith.constant 0 : i32
    %dma_wait3A_151 = tpu.memref_slice %arg5[%add3A_138, %dma_wait3A_150] : memref<1024x320xi32, #tpu.memory_space<hbm>> -> memref<1x320xi32, #tpu.memory_space<hbm>>
    tpu.wait_dma2 semaphore(%arg19 : memref<!tpu.dma_semaphore, #tpu.memory_space<semaphore_mem>>) src(%dma_wait3A_151 : memref<1x320xi32, #tpu.memory_space<hbm>>) dst(%dma_wait3A_149 : memref<1x320xi32, #tpu.memory_space<vmem>>)
    %dma_start3A_152 = arith.constant 1 : i32
    %dma_start3A_153 = arith.constant 0 : i32
    %dma_start3A_154 = arith.constant 0 : i32
    %dma_start3A_155 = tpu.memref_slice %arg12[%dma_start3A_152, %dma_start3A_153, %dma_start3A_154] : memref<2x1x320xi32, #tpu.memory_space<vmem>> -> memref<1x1x320xi32, #tpu.memory_space<vmem>>
    %dma_start3A_156 = tpu.memref_squeeze %dma_start3A_155 : memref<1x1x320xi32, #tpu.memory_space<vmem>> -> memref<320xi32, #tpu.memory_space<vmem>>
    %dma_start3A_157 = arith.constant 0 : i32
    %dma_start3A_158 = arith.constant 0 : i32
    %dma_start3A_159 = tpu.memref_slice %arg2[%dma_start3A_157, %dma_start3A_158] : memref<5120x128xf32, #tpu.memory_space<hbm>> -> memref<5120x128xf32, #tpu.memory_space<hbm>>
    tpu.enqueue_indirect_dma source(%dma_start3A_159 : memref<5120x128xf32, #tpu.memory_space<hbm>>) target(%arg15 : memref<320x128xf32, #tpu.memory_space<vmem>>) offsets(%dma_start3A_156 : memref<320xi32, #tpu.memory_space<vmem>>) semaphore(%arg17 : memref<!tpu.dma_semaphore, #tpu.memory_space<semaphore_mem>>)
    %scan3A = arith.constant 0 : i32
    %scan3A_160 = arith.constant 0 : i32
    %scan3A_161 = arith.constant 15 : i32
    %scan3A_162 = arith.addi %scan3A_160, %scan3A_161 : i32
    %scan3A_163 = arith.constant 1 : i32
    scf.for %scan3A_590 = %scan3A_160 to %scan3A_162 step %scan3A_163  : i32 {
      %mul3A_591 = arith.constant 2 : i32
      %mul3A_592 = arith.muli %mul3A_591, %scan3A_590 : i32
      %add3A_593 = arith.constant 1 : i32
      %add3A_594 = arith.addi %mul3A_592, %add3A_593 : i32
      %dma_wait3A_595 = arith.constant 0 : i32
      %dma_wait3A_596 = arith.constant 0 : i32
      %dma_wait3A_597 = arith.constant 0 : i32
      %dma_wait3A_598 = tpu.memref_slice %arg13[%dma_wait3A_595, %dma_wait3A_596, %dma_wait3A_597] : memref<2x1x320xi32, #tpu.memory_space<vmem>> -> memref<1x1x320xi32, #tpu.memory_space<vmem>>
      %dma_wait3A_599 = tpu.memref_squeeze %dma_wait3A_598 : memref<1x1x320xi32, #tpu.memory_space<vmem>> -> memref<320xi32, #tpu.memory_space<vmem>>
      %dma_wait3A_600 = arith.constant 0 : i32
      %dma_wait3A_601 = arith.constant 0 : i32
      %dma_wait3A_602 = tpu.memref_slice %arg16[%dma_wait3A_600, %dma_wait3A_601] : memref<5120x128xf32, #tpu.memory_space<vmem_shared>> -> memref<5120x128xf32, #tpu.memory_space<vmem_shared>>
      tpu.wait_indirect_dma semaphore(%arg18 : memref<!tpu.dma_semaphore, #tpu.memory_space<semaphore_mem>>) src(%arg14 : memref<320x128xf32, #tpu.memory_space<vmem>>) dst(%dma_wait3A_602 : memref<5120x128xf32, #tpu.memory_space<vmem_shared>>)
      %add3A_603 = arith.constant 1 : i32
      %add3A_604 = arith.addi %add3A_594, %add3A_603 : i32
      %mul3A_605 = arith.constant 1 : i32
      %mul3A_606 = arith.muli %add3A_604, %mul3A_605 : i32
      %add3A_607 = arith.addi %mul3A_2, %mul3A_606 : i32
      %dma_start3A_608 = arith.constant 0 : i32
      %dma_start3A_609 = arith.constant 0 : i32
      %dma_start3A_610 = arith.constant 0 : i32
      %dma_start3A_611 = tpu.memref_slice %arg12[%dma_start3A_608, %dma_start3A_609, %dma_start3A_610] : memref<2x1x320xi32, #tpu.memory_space<vmem>> -> memref<1x1x320xi32, #tpu.memory_space<vmem>>
      %dma_start3A_612 = tpu.memref_squeeze %dma_start3A_611 : memref<1x1x320xi32, #tpu.memory_space<vmem>> -> memref<1x320xi32, #tpu.memory_space<vmem>>
      %dma_start3A_613 = arith.constant 0 : i32
      %dma_start3A_614 = tpu.memref_slice %arg4[%add3A_607, %dma_start3A_613] : memref<1024x320xi32, #tpu.memory_space<hbm>> -> memref<1x320xi32, #tpu.memory_space<hbm>>
      %dma_start3A_615 = arith.constant 0 : i32
      %dma_start3A_616 = arith.constant 0 : i32
      %dma_start3A_617 = tpu.memref_slice %arg12[%dma_start3A_608, %dma_start3A_615, %dma_start3A_616] : memref<2x1x320xi32, #tpu.memory_space<vmem>> -> memref<1x1x320xi32, #tpu.memory_space<vmem>>
      %dma_start3A_618 = tpu.memref_squeeze %dma_start3A_617 : memref<1x1x320xi32, #tpu.memory_space<vmem>> -> memref<1x320xi32, #tpu.memory_space<vmem>>
      %dma_start3A_619 = arith.constant 0 : i32
      %dma_start3A_620 = tpu.memref_slice %arg4[%add3A_607, %dma_start3A_619] : memref<1024x320xi32, #tpu.memory_space<hbm>> -> memref<1x320xi32, #tpu.memory_space<hbm>>
      tpu.enqueue_dma source(%dma_start3A_620 : memref<1x320xi32, #tpu.memory_space<hbm>>) target(%dma_start3A_618 : memref<1x320xi32, #tpu.memory_space<vmem>>) target_semaphore(%arg19 : memref<!tpu.dma_semaphore, #tpu.memory_space<semaphore_mem>>)
      %add3A_621 = arith.constant 1 : i32
      %add3A_622 = arith.addi %add3A_594, %add3A_621 : i32
      %mul3A_623 = arith.constant 1 : i32
      %mul3A_624 = arith.muli %add3A_622, %mul3A_623 : i32
      %add3A_625 = arith.addi %mul3A_2, %mul3A_624 : i32
      %dma_start3A_626 = arith.constant 0 : i32
      %dma_start3A_627 = arith.constant 0 : i32
      %dma_start3A_628 = arith.constant 0 : i32
      %dma_start3A_629 = tpu.memref_slice %arg13[%dma_start3A_626, %dma_start3A_627, %dma_start3A_628] : memref<2x1x320xi32, #tpu.memory_space<vmem>> -> memref<1x1x320xi32, #tpu.memory_space<vmem>>
      %dma_start3A_630 = tpu.memref_squeeze %dma_start3A_629 : memref<1x1x320xi32, #tpu.memory_space<vmem>> -> memref<1x320xi32, #tpu.memory_space<vmem>>
      %dma_start3A_631 = arith.constant 0 : i32
      %dma_start3A_632 = tpu.memref_slice %arg5[%add3A_625, %dma_start3A_631] : memref<1024x320xi32, #tpu.memory_space<hbm>> -> memref<1x320xi32, #tpu.memory_space<hbm>>
      %dma_start3A_633 = arith.constant 0 : i32
      %dma_start3A_634 = arith.constant 0 : i32
      %dma_start3A_635 = tpu.memref_slice %arg13[%dma_start3A_626, %dma_start3A_633, %dma_start3A_634] : memref<2x1x320xi32, #tpu.memory_space<vmem>> -> memref<1x1x320xi32, #tpu.memory_space<vmem>>
      %dma_start3A_636 = tpu.memref_squeeze %dma_start3A_635 : memref<1x1x320xi32, #tpu.memory_space<vmem>> -> memref<1x320xi32, #tpu.memory_space<vmem>>
      %dma_start3A_637 = arith.constant 0 : i32
      %dma_start3A_638 = tpu.memref_slice %arg5[%add3A_625, %dma_start3A_637] : memref<1024x320xi32, #tpu.memory_space<hbm>> -> memref<1x320xi32, #tpu.memory_space<hbm>>
      tpu.enqueue_dma source(%dma_start3A_638 : memref<1x320xi32, #tpu.memory_space<hbm>>) target(%dma_start3A_636 : memref<1x320xi32, #tpu.memory_space<vmem>>) target_semaphore(%arg19 : memref<!tpu.dma_semaphore, #tpu.memory_space<semaphore_mem>>)
      %dma_wait3A_639 = arith.constant 1 : i32
      %dma_wait3A_640 = arith.constant 0 : i32
      %dma_wait3A_641 = arith.constant 0 : i32
      %dma_wait3A_642 = tpu.memref_slice %arg12[%dma_wait3A_639, %dma_wait3A_640, %dma_wait3A_641] : memref<2x1x320xi32, #tpu.memory_space<vmem>> -> memref<1x1x320xi32, #tpu.memory_space<vmem>>
      %dma_wait3A_643 = tpu.memref_squeeze %dma_wait3A_642 : memref<1x1x320xi32, #tpu.memory_space<vmem>> -> memref<320xi32, #tpu.memory_space<vmem>>
      %dma_wait3A_644 = arith.constant 0 : i32
      %dma_wait3A_645 = arith.constant 0 : i32
      %dma_wait3A_646 = tpu.memref_slice %arg2[%dma_wait3A_644, %dma_wait3A_645] : memref<5120x128xf32, #tpu.memory_space<hbm>> -> memref<5120x128xf32, #tpu.memory_space<hbm>>
      tpu.wait_indirect_dma semaphore(%arg17 : memref<!tpu.dma_semaphore, #tpu.memory_space<semaphore_mem>>) src(%dma_wait3A_646 : memref<5120x128xf32, #tpu.memory_space<hbm>>) dst(%arg15 : memref<320x128xf32, #tpu.memory_space<vmem>>)
      %dma_start3A_647 = arith.constant 1 : i32
      %dma_start3A_648 = arith.constant 0 : i32
      %dma_start3A_649 = arith.constant 0 : i32
      %dma_start3A_650 = tpu.memref_slice %arg13[%dma_start3A_647, %dma_start3A_648, %dma_start3A_649] : memref<2x1x320xi32, #tpu.memory_space<vmem>> -> memref<1x1x320xi32, #tpu.memory_space<vmem>>
      %dma_start3A_651 = tpu.memref_squeeze %dma_start3A_650 : memref<1x1x320xi32, #tpu.memory_space<vmem>> -> memref<320xi32, #tpu.memory_space<vmem>>
      %dma_start3A_652 = arith.constant 0 : i32
      %dma_start3A_653 = arith.constant 0 : i32
      %dma_start3A_654 = tpu.memref_slice %arg16[%dma_start3A_652, %dma_start3A_653] : memref<5120x128xf32, #tpu.memory_space<vmem_shared>> -> memref<5120x128xf32, #tpu.memory_space<vmem_shared>>
      tpu.enqueue_indirect_dma source(%arg15 : memref<320x128xf32, #tpu.memory_space<vmem>>) target(%dma_start3A_654 : memref<5120x128xf32, #tpu.memory_space<vmem_shared>>) offsets(%dma_start3A_651 : memref<320xi32, #tpu.memory_space<vmem>>) semaphore(%arg18 : memref<!tpu.dma_semaphore, #tpu.memory_space<semaphore_mem>>) {add = true}
      %add3A_655 = arith.constant 1 : i32
      %add3A_656 = arith.addi %add3A_594, %add3A_655 : i32
      %mul3A_657 = arith.constant 1 : i32
      %mul3A_658 = arith.muli %add3A_656, %mul3A_657 : i32
      %add3A_659 = arith.addi %mul3A_2, %mul3A_658 : i32
      %dma_wait3A_660 = arith.constant 0 : i32
      %dma_wait3A_661 = arith.constant 0 : i32
      %dma_wait3A_662 = arith.constant 0 : i32
      %dma_wait3A_663 = tpu.memref_slice %arg12[%dma_wait3A_660, %dma_wait3A_661, %dma_wait3A_662] : memref<2x1x320xi32, #tpu.memory_space<vmem>> -> memref<1x1x320xi32, #tpu.memory_space<vmem>>
      %dma_wait3A_664 = tpu.memref_squeeze %dma_wait3A_663 : memref<1x1x320xi32, #tpu.memory_space<vmem>> -> memref<1x320xi32, #tpu.memory_space<vmem>>
      %dma_wait3A_665 = arith.constant 0 : i32
      %dma_wait3A_666 = tpu.memref_slice %arg4[%add3A_659, %dma_wait3A_665] : memref<1024x320xi32, #tpu.memory_space<hbm>> -> memref<1x320xi32, #tpu.memory_space<hbm>>
      %dma_wait3A_667 = arith.constant 0 : i32
      %dma_wait3A_668 = arith.constant 0 : i32
      %dma_wait3A_669 = tpu.memref_slice %arg12[%dma_wait3A_660, %dma_wait3A_667, %dma_wait3A_668] : memref<2x1x320xi32, #tpu.memory_space<vmem>> -> memref<1x1x320xi32, #tpu.memory_space<vmem>>
      %dma_wait3A_670 = tpu.memref_squeeze %dma_wait3A_669 : memref<1x1x320xi32, #tpu.memory_space<vmem>> -> memref<1x320xi32, #tpu.memory_space<vmem>>
      %dma_wait3A_671 = arith.constant 0 : i32
      %dma_wait3A_672 = tpu.memref_slice %arg4[%add3A_659, %dma_wait3A_671] : memref<1024x320xi32, #tpu.memory_space<hbm>> -> memref<1x320xi32, #tpu.memory_space<hbm>>
      tpu.wait_dma2 semaphore(%arg19 : memref<!tpu.dma_semaphore, #tpu.memory_space<semaphore_mem>>) src(%dma_wait3A_672 : memref<1x320xi32, #tpu.memory_space<hbm>>) dst(%dma_wait3A_670 : memref<1x320xi32, #tpu.memory_space<vmem>>)
      %add3A_673 = arith.constant 1 : i32
      %add3A_674 = arith.addi %add3A_594, %add3A_673 : i32
      %mul3A_675 = arith.constant 1 : i32
      %mul3A_676 = arith.muli %add3A_674, %mul3A_675 : i32
      %add3A_677 = arith.addi %mul3A_2, %mul3A_676 : i32
      %dma_wait3A_678 = arith.constant 0 : i32
      %dma_wait3A_679 = arith.constant 0 : i32
      %dma_wait3A_680 = arith.constant 0 : i32
      %dma_wait3A_681 = tpu.memref_slice %arg13[%dma_wait3A_678, %dma_wait3A_679, %dma_wait3A_680] : memref<2x1x320xi32, #tpu.memory_space<vmem>> -> memref<1x1x320xi32, #tpu.memory_space<vmem>>
      %dma_wait3A_682 = tpu.memref_squeeze %dma_wait3A_681 : memref<1x1x320xi32, #tpu.memory_space<vmem>> -> memref<1x320xi32, #tpu.memory_space<vmem>>
      %dma_wait3A_683 = arith.constant 0 : i32
      %dma_wait3A_684 = tpu.memref_slice %arg5[%add3A_677, %dma_wait3A_683] : memref<1024x320xi32, #tpu.memory_space<hbm>> -> memref<1x320xi32, #tpu.memory_space<hbm>>
      %dma_wait3A_685 = arith.constant 0 : i32
      %dma_wait3A_686 = arith.constant 0 : i32
      %dma_wait3A_687 = tpu.memref_slice %arg13[%dma_wait3A_678, %dma_wait3A_685, %dma_wait3A_686] : memref<2x1x320xi32, #tpu.memory_space<vmem>> -> memref<1x1x320xi32, #tpu.memory_space<vmem>>
      %dma_wait3A_688 = tpu.memref_squeeze %dma_wait3A_687 : memref<1x1x320xi32, #tpu.memory_space<vmem>> -> memref<1x320xi32, #tpu.memory_space<vmem>>
      %dma_wait3A_689 = arith.constant 0 : i32
      %dma_wait3A_690 = tpu.memref_slice %arg5[%add3A_677, %dma_wait3A_689] : memref<1024x320xi32, #tpu.memory_space<hbm>> -> memref<1x320xi32, #tpu.memory_space<hbm>>
      tpu.wait_dma2 semaphore(%arg19 : memref<!tpu.dma_semaphore, #tpu.memory_space<semaphore_mem>>) src(%dma_wait3A_690 : memref<1x320xi32, #tpu.memory_space<hbm>>) dst(%dma_wait3A_688 : memref<1x320xi32, #tpu.memory_space<vmem>>)
      %dma_start3A_691 = arith.constant 0 : i32
      %dma_start3A_692 = arith.constant 0 : i32
      %dma_start3A_693 = arith.constant 0 : i32
      %dma_start3A_694 = tpu.memref_slice %arg12[%dma_start3A_691, %dma_start3A_692, %dma_start3A_693] : memref<2x1x320xi32, #tpu.memory_space<vmem>> -> memref<1x1x320xi32, #tpu.memory_space<vmem>>
      %dma_start3A_695 = tpu.memref_squeeze %dma_start3A_694 : memref<1x1x320xi32, #tpu.memory_space<vmem>> -> memref<320xi32, #tpu.memory_space<vmem>>
      %dma_start3A_696 = arith.constant 0 : i32
      %dma_start3A_697 = arith.constant 0 : i32
      %dma_start3A_698 = tpu.memref_slice %arg2[%dma_start3A_696, %dma_start3A_697] : memref<5120x128xf32, #tpu.memory_space<hbm>> -> memref<5120x128xf32, #tpu.memory_space<hbm>>
      tpu.enqueue_indirect_dma source(%dma_start3A_698 : memref<5120x128xf32, #tpu.memory_space<hbm>>) target(%arg14 : memref<320x128xf32, #tpu.memory_space<vmem>>) offsets(%dma_start3A_695 : memref<320xi32, #tpu.memory_space<vmem>>) semaphore(%arg17 : memref<!tpu.dma_semaphore, #tpu.memory_space<semaphore_mem>>)
      %mul3A_699 = arith.constant 2 : i32
      %mul3A_700 = arith.muli %mul3A_699, %scan3A_590 : i32
      %add3A_701 = arith.constant 2 : i32
      %add3A_702 = arith.addi %mul3A_700, %add3A_701 : i32
      %dma_wait3A_703 = arith.constant 1 : i32
      %dma_wait3A_704 = arith.constant 0 : i32
      %dma_wait3A_705 = arith.constant 0 : i32
      %dma_wait3A_706 = tpu.memref_slice %arg13[%dma_wait3A_703, %dma_wait3A_704, %dma_wait3A_705] : memref<2x1x320xi32, #tpu.memory_space<vmem>> -> memref<1x1x320xi32, #tpu.memory_space<vmem>>
      %dma_wait3A_707 = tpu.memref_squeeze %dma_wait3A_706 : memref<1x1x320xi32, #tpu.memory_space<vmem>> -> memref<320xi32, #tpu.memory_space<vmem>>
      %dma_wait3A_708 = arith.constant 0 : i32
      %dma_wait3A_709 = arith.constant 0 : i32
      %dma_wait3A_710 = tpu.memref_slice %arg16[%dma_wait3A_708, %dma_wait3A_709] : memref<5120x128xf32, #tpu.memory_space<vmem_shared>> -> memref<5120x128xf32, #tpu.memory_space<vmem_shared>>
      tpu.wait_indirect_dma semaphore(%arg18 : memref<!tpu.dma_semaphore, #tpu.memory_space<semaphore_mem>>) src(%arg15 : memref<320x128xf32, #tpu.memory_space<vmem>>) dst(%dma_wait3A_710 : memref<5120x128xf32, #tpu.memory_space<vmem_shared>>)
      %add3A_711 = arith.constant 1 : i32
      %add3A_712 = arith.addi %add3A_702, %add3A_711 : i32
      %mul3A_713 = arith.constant 1 : i32
      %mul3A_714 = arith.muli %add3A_712, %mul3A_713 : i32
      %add3A_715 = arith.addi %mul3A_2, %mul3A_714 : i32
      %dma_start3A_716 = arith.constant 1 : i32
      %dma_start3A_717 = arith.constant 0 : i32
      %dma_start3A_718 = arith.constant 0 : i32
      %dma_start3A_719 = tpu.memref_slice %arg12[%dma_start3A_716, %dma_start3A_717, %dma_start3A_718] : memref<2x1x320xi32, #tpu.memory_space<vmem>> -> memref<1x1x320xi32, #tpu.memory_space<vmem>>
      %dma_start3A_720 = tpu.memref_squeeze %dma_start3A_719 : memref<1x1x320xi32, #tpu.memory_space<vmem>> -> memref<1x320xi32, #tpu.memory_space<vmem>>
      %dma_start3A_721 = arith.constant 0 : i32
      %dma_start3A_722 = tpu.memref_slice %arg4[%add3A_715, %dma_start3A_721] : memref<1024x320xi32, #tpu.memory_space<hbm>> -> memref<1x320xi32, #tpu.memory_space<hbm>>
      %dma_start3A_723 = arith.constant 0 : i32
      %dma_start3A_724 = arith.constant 0 : i32
      %dma_start3A_725 = tpu.memref_slice %arg12[%dma_start3A_716, %dma_start3A_723, %dma_start3A_724] : memref<2x1x320xi32, #tpu.memory_space<vmem>> -> memref<1x1x320xi32, #tpu.memory_space<vmem>>
      %dma_start3A_726 = tpu.memref_squeeze %dma_start3A_725 : memref<1x1x320xi32, #tpu.memory_space<vmem>> -> memref<1x320xi32, #tpu.memory_space<vmem>>
      %dma_start3A_727 = arith.constant 0 : i32
      %dma_start3A_728 = tpu.memref_slice %arg4[%add3A_715, %dma_start3A_727] : memref<1024x320xi32, #tpu.memory_space<hbm>> -> memref<1x320xi32, #tpu.memory_space<hbm>>
      tpu.enqueue_dma source(%dma_start3A_728 : memref<1x320xi32, #tpu.memory_space<hbm>>) target(%dma_start3A_726 : memref<1x320xi32, #tpu.memory_space<vmem>>) target_semaphore(%arg19 : memref<!tpu.dma_semaphore, #tpu.memory_space<semaphore_mem>>)
      %add3A_729 = arith.constant 1 : i32
      %add3A_730 = arith.addi %add3A_702, %add3A_729 : i32
      %mul3A_731 = arith.constant 1 : i32
      %mul3A_732 = arith.muli %add3A_730, %mul3A_731 : i32
      %add3A_733 = arith.addi %mul3A_2, %mul3A_732 : i32
      %dma_start3A_734 = arith.constant 1 : i32
      %dma_start3A_735 = arith.constant 0 : i32
      %dma_start3A_736 = arith.constant 0 : i32
      %dma_start3A_737 = tpu.memref_slice %arg13[%dma_start3A_734, %dma_start3A_735, %dma_start3A_736] : memref<2x1x320xi32, #tpu.memory_space<vmem>> -> memref<1x1x320xi32, #tpu.memory_space<vmem>>
      %dma_start3A_738 = tpu.memref_squeeze %dma_start3A_737 : memref<1x1x320xi32, #tpu.memory_space<vmem>> -> memref<1x320xi32, #tpu.memory_space<vmem>>
      %dma_start3A_739 = arith.constant 0 : i32
      %dma_start3A_740 = tpu.memref_slice %arg5[%add3A_733, %dma_start3A_739] : memref<1024x320xi32, #tpu.memory_space<hbm>> -> memref<1x320xi32, #tpu.memory_space<hbm>>
      %dma_start3A_741 = arith.constant 0 : i32
      %dma_start3A_742 = arith.constant 0 : i32
      %dma_start3A_743 = tpu.memref_slice %arg13[%dma_start3A_734, %dma_start3A_741, %dma_start3A_742] : memref<2x1x320xi32, #tpu.memory_space<vmem>> -> memref<1x1x320xi32, #tpu.memory_space<vmem>>
      %dma_start3A_744 = tpu.memref_squeeze %dma_start3A_743 : memref<1x1x320xi32, #tpu.memory_space<vmem>> -> memref<1x320xi32, #tpu.memory_space<vmem>>
      %dma_start3A_745 = arith.constant 0 : i32
      %dma_start3A_746 = tpu.memref_slice %arg5[%add3A_733, %dma_start3A_745] : memref<1024x320xi32, #tpu.memory_space<hbm>> -> memref<1x320xi32, #tpu.memory_space<hbm>>
      tpu.enqueue_dma source(%dma_start3A_746 : memref<1x320xi32, #tpu.memory_space<hbm>>) target(%dma_start3A_744 : memref<1x320xi32, #tpu.memory_space<vmem>>) target_semaphore(%arg19 : memref<!tpu.dma_semaphore, #tpu.memory_space<semaphore_mem>>)
      %dma_wait3A_747 = arith.constant 0 : i32
      %dma_wait3A_748 = arith.constant 0 : i32
      %dma_wait3A_749 = arith.constant 0 : i32
      %dma_wait3A_750 = tpu.memref_slice %arg12[%dma_wait3A_747, %dma_wait3A_748, %dma_wait3A_749] : memref<2x1x320xi32, #tpu.memory_space<vmem>> -> memref<1x1x320xi32, #tpu.memory_space<vmem>>
      %dma_wait3A_751 = tpu.memref_squeeze %dma_wait3A_750 : memref<1x1x320xi32, #tpu.memory_space<vmem>> -> memref<320xi32, #tpu.memory_space<vmem>>
      %dma_wait3A_752 = arith.constant 0 : i32
      %dma_wait3A_753 = arith.constant 0 : i32
      %dma_wait3A_754 = tpu.memref_slice %arg2[%dma_wait3A_752, %dma_wait3A_753] : memref<5120x128xf32, #tpu.memory_space<hbm>> -> memref<5120x128xf32, #tpu.memory_space<hbm>>
      tpu.wait_indirect_dma semaphore(%arg17 : memref<!tpu.dma_semaphore, #tpu.memory_space<semaphore_mem>>) src(%dma_wait3A_754 : memref<5120x128xf32, #tpu.memory_space<hbm>>) dst(%arg14 : memref<320x128xf32, #tpu.memory_space<vmem>>)
      %dma_start3A_755 = arith.constant 0 : i32
      %dma_start3A_756 = arith.constant 0 : i32
      %dma_start3A_757 = arith.constant 0 : i32
      %dma_start3A_758 = tpu.memref_slice %arg13[%dma_start3A_755, %dma_start3A_756, %dma_start3A_757] : memref<2x1x320xi32, #tpu.memory_space<vmem>> -> memref<1x1x320xi32, #tpu.memory_space<vmem>>
      %dma_start3A_759 = tpu.memref_squeeze %dma_start3A_758 : memref<1x1x320xi32, #tpu.memory_space<vmem>> -> memref<320xi32, #tpu.memory_space<vmem>>
      %dma_start3A_760 = arith.constant 0 : i32
      %dma_start3A_761 = arith.constant 0 : i32
      %dma_start3A_762 = tpu.memref_slice %arg16[%dma_start3A_760, %dma_start3A_761] : memref<5120x128xf32, #tpu.memory_space<vmem_shared>> -> memref<5120x128xf32, #tpu.memory_space<vmem_shared>>
      tpu.enqueue_indirect_dma source(%arg14 : memref<320x128xf32, #tpu.memory_space<vmem>>) target(%dma_start3A_762 : memref<5120x128xf32, #tpu.memory_space<vmem_shared>>) offsets(%dma_start3A_759 : memref<320xi32, #tpu.memory_space<vmem>>) semaphore(%arg18 : memref<!tpu.dma_semaphore, #tpu.memory_space<semaphore_mem>>) {add = true}
      %add3A_763 = arith.constant 1 : i32
      %add3A_764 = arith.addi %add3A_702, %add3A_763 : i32
      %mul3A_765 = arith.constant 1 : i32
      %mul3A_766 = arith.muli %add3A_764, %mul3A_765 : i32
      %add3A_767 = arith.addi %mul3A_2, %mul3A_766 : i32
      %dma_wait3A_768 = arith.constant 1 : i32
      %dma_wait3A_769 = arith.constant 0 : i32
      %dma_wait3A_770 = arith.constant 0 : i32
      %dma_wait3A_771 = tpu.memref_slice %arg12[%dma_wait3A_768, %dma_wait3A_769, %dma_wait3A_770] : memref<2x1x320xi32, #tpu.memory_space<vmem>> -> memref<1x1x320xi32, #tpu.memory_space<vmem>>
      %dma_wait3A_772 = tpu.memref_squeeze %dma_wait3A_771 : memref<1x1x320xi32, #tpu.memory_space<vmem>> -> memref<1x320xi32, #tpu.memory_space<vmem>>
      %dma_wait3A_773 = arith.constant 0 : i32
      %dma_wait3A_774 = tpu.memref_slice %arg4[%add3A_767, %dma_wait3A_773] : memref<1024x320xi32, #tpu.memory_space<hbm>> -> memref<1x320xi32, #tpu.memory_space<hbm>>
      %dma_wait3A_775 = arith.constant 0 : i32
      %dma_wait3A_776 = arith.constant 0 : i32
      %dma_wait3A_777 = tpu.memref_slice %arg12[%dma_wait3A_768, %dma_wait3A_775, %dma_wait3A_776] : memref<2x1x320xi32, #tpu.memory_space<vmem>> -> memref<1x1x320xi32, #tpu.memory_space<vmem>>
      %dma_wait3A_778 = tpu.memref_squeeze %dma_wait3A_777 : memref<1x1x320xi32, #tpu.memory_space<vmem>> -> memref<1x320xi32, #tpu.memory_space<vmem>>
      %dma_wait3A_779 = arith.constant 0 : i32
      %dma_wait3A_780 = tpu.memref_slice %arg4[%add3A_767, %dma_wait3A_779] : memref<1024x320xi32, #tpu.memory_space<hbm>> -> memref<1x320xi32, #tpu.memory_space<hbm>>
      tpu.wait_dma2 semaphore(%arg19 : memref<!tpu.dma_semaphore, #tpu.memory_space<semaphore_mem>>) src(%dma_wait3A_780 : memref<1x320xi32, #tpu.memory_space<hbm>>) dst(%dma_wait3A_778 : memref<1x320xi32, #tpu.memory_space<vmem>>)
      %add3A_781 = arith.constant 1 : i32
      %add3A_782 = arith.addi %add3A_702, %add3A_781 : i32
      %mul3A_783 = arith.constant 1 : i32
      %mul3A_784 = arith.muli %add3A_782, %mul3A_783 : i32
      %add3A_785 = arith.addi %mul3A_2, %mul3A_784 : i32
      %dma_wait3A_786 = arith.constant 1 : i32
      %dma_wait3A_787 = arith.constant 0 : i32
      %dma_wait3A_788 = arith.constant 0 : i32
      %dma_wait3A_789 = tpu.memref_slice %arg13[%dma_wait3A_786, %dma_wait3A_787, %dma_wait3A_788] : memref<2x1x320xi32, #tpu.memory_space<vmem>> -> memref<1x1x320xi32, #tpu.memory_space<vmem>>
      %dma_wait3A_790 = tpu.memref_squeeze %dma_wait3A_789 : memref<1x1x320xi32, #tpu.memory_space<vmem>> -> memref<1x320xi32, #tpu.memory_space<vmem>>
      %dma_wait3A_791 = arith.constant 0 : i32
      %dma_wait3A_792 = tpu.memref_slice %arg5[%add3A_785, %dma_wait3A_791] : memref<1024x320xi32, #tpu.memory_space<hbm>> -> memref<1x320xi32, #tpu.memory_space<hbm>>
      %dma_wait3A_793 = arith.constant 0 : i32
      %dma_wait3A_794 = arith.constant 0 : i32
      %dma_wait3A_795 = tpu.memref_slice %arg13[%dma_wait3A_786, %dma_wait3A_793, %dma_wait3A_794] : memref<2x1x320xi32, #tpu.memory_space<vmem>> -> memref<1x1x320xi32, #tpu.memory_space<vmem>>
      %dma_wait3A_796 = tpu.memref_squeeze %dma_wait3A_795 : memref<1x1x320xi32, #tpu.memory_space<vmem>> -> memref<1x320xi32, #tpu.memory_space<vmem>>
      %dma_wait3A_797 = arith.constant 0 : i32
      %dma_wait3A_798 = tpu.memref_slice %arg5[%add3A_785, %dma_wait3A_797] : memref<1024x320xi32, #tpu.memory_space<hbm>> -> memref<1x320xi32, #tpu.memory_space<hbm>>
      tpu.wait_dma2 semaphore(%arg19 : memref<!tpu.dma_semaphore, #tpu.memory_space<semaphore_mem>>) src(%dma_wait3A_798 : memref<1x320xi32, #tpu.memory_space<hbm>>) dst(%dma_wait3A_796 : memref<1x320xi32, #tpu.memory_space<vmem>>)
      %dma_start3A_799 = arith.constant 1 : i32
      %dma_start3A_800 = arith.constant 0 : i32
      %dma_start3A_801 = arith.constant 0 : i32
      %dma_start3A_802 = tpu.memref_slice %arg12[%dma_start3A_799, %dma_start3A_800, %dma_start3A_801] : memref<2x1x320xi32, #tpu.memory_space<vmem>> -> memref<1x1x320xi32, #tpu.memory_space<vmem>>
      %dma_start3A_803 = tpu.memref_squeeze %dma_start3A_802 : memref<1x1x320xi32, #tpu.memory_space<vmem>> -> memref<320xi32, #tpu.memory_space<vmem>>
      %dma_start3A_804 = arith.constant 0 : i32
      %dma_start3A_805 = arith.constant 0 : i32
      %dma_start3A_806 = tpu.memref_slice %arg2[%dma_start3A_804, %dma_start3A_805] : memref<5120x128xf32, #tpu.memory_space<hbm>> -> memref<5120x128xf32, #tpu.memory_space<hbm>>
      tpu.enqueue_indirect_dma source(%dma_start3A_806 : memref<5120x128xf32, #tpu.memory_space<hbm>>) target(%arg15 : memref<320x128xf32, #tpu.memory_space<vmem>>) offsets(%dma_start3A_803 : memref<320xi32, #tpu.memory_space<vmem>>) semaphore(%arg17 : memref<!tpu.dma_semaphore, #tpu.memory_space<semaphore_mem>>)
    }
    %scan3A_164 = arith.constant 15 : i32
    %dma_wait3A_165 = arith.constant 0 : i32
    %dma_wait3A_166 = arith.constant 0 : i32
    %dma_wait3A_167 = arith.constant 0 : i32
    %dma_wait3A_168 = tpu.memref_slice %arg13[%dma_wait3A_165, %dma_wait3A_166, %dma_wait3A_167] : memref<2x1x320xi32, #tpu.memory_space<vmem>> -> memref<1x1x320xi32, #tpu.memory_space<vmem>>
    %dma_wait3A_169 = tpu.memref_squeeze %dma_wait3A_168 : memref<1x1x320xi32, #tpu.memory_space<vmem>> -> memref<320xi32, #tpu.memory_space<vmem>>
    %dma_wait3A_170 = arith.constant 0 : i32
    %dma_wait3A_171 = arith.constant 0 : i32
    %dma_wait3A_172 = tpu.memref_slice %arg16[%dma_wait3A_170, %dma_wait3A_171] : memref<5120x128xf32, #tpu.memory_space<vmem_shared>> -> memref<5120x128xf32, #tpu.memory_space<vmem_shared>>
    tpu.wait_indirect_dma semaphore(%arg18 : memref<!tpu.dma_semaphore, #tpu.memory_space<semaphore_mem>>) src(%arg14 : memref<320x128xf32, #tpu.memory_space<vmem>>) dst(%dma_wait3A_172 : memref<5120x128xf32, #tpu.memory_space<vmem_shared>>)
    %dma_wait3A_173 = arith.constant 1 : i32
    %dma_wait3A_174 = arith.constant 0 : i32
    %dma_wait3A_175 = arith.constant 0 : i32
    %dma_wait3A_176 = tpu.memref_slice %arg12[%dma_wait3A_173, %dma_wait3A_174, %dma_wait3A_175] : memref<2x1x320xi32, #tpu.memory_space<vmem>> -> memref<1x1x320xi32, #tpu.memory_space<vmem>>
    %dma_wait3A_177 = tpu.memref_squeeze %dma_wait3A_176 : memref<1x1x320xi32, #tpu.memory_space<vmem>> -> memref<320xi32, #tpu.memory_space<vmem>>
    %dma_wait3A_178 = arith.constant 0 : i32
    %dma_wait3A_179 = arith.constant 0 : i32
    %dma_wait3A_180 = tpu.memref_slice %arg2[%dma_wait3A_178, %dma_wait3A_179] : memref<5120x128xf32, #tpu.memory_space<hbm>> -> memref<5120x128xf32, #tpu.memory_space<hbm>>
    tpu.wait_indirect_dma semaphore(%arg17 : memref<!tpu.dma_semaphore, #tpu.memory_space<semaphore_mem>>) src(%dma_wait3A_180 : memref<5120x128xf32, #tpu.memory_space<hbm>>) dst(%arg15 : memref<320x128xf32, #tpu.memory_space<vmem>>)
    %dma_start3A_181 = arith.constant 1 : i32
    %dma_start3A_182 = arith.constant 0 : i32
    %dma_start3A_183 = arith.constant 0 : i32
    %dma_start3A_184 = tpu.memref_slice %arg13[%dma_start3A_181, %dma_start3A_182, %dma_start3A_183] : memref<2x1x320xi32, #tpu.memory_space<vmem>> -> memref<1x1x320xi32, #tpu.memory_space<vmem>>
    %dma_start3A_185 = tpu.memref_squeeze %dma_start3A_184 : memref<1x1x320xi32, #tpu.memory_space<vmem>> -> memref<320xi32, #tpu.memory_space<vmem>>
    %dma_start3A_186 = arith.constant 0 : i32
    %dma_start3A_187 = arith.constant 0 : i32
    %dma_start3A_188 = tpu.memref_slice %arg16[%dma_start3A_186, %dma_start3A_187] : memref<5120x128xf32, #tpu.memory_space<vmem_shared>> -> memref<5120x128xf32, #tpu.memory_space<vmem_shared>>
    tpu.enqueue_indirect_dma source(%arg15 : memref<320x128xf32, #tpu.memory_space<vmem>>) target(%dma_start3A_188 : memref<5120x128xf32, #tpu.memory_space<vmem_shared>>) offsets(%dma_start3A_185 : memref<320xi32, #tpu.memory_space<vmem>>) semaphore(%arg18 : memref<!tpu.dma_semaphore, #tpu.memory_space<semaphore_mem>>) {add = true}
    %dma_wait3A_189 = arith.constant 1 : i32
    %dma_wait3A_190 = arith.constant 0 : i32
    %dma_wait3A_191 = arith.constant 0 : i32
    %dma_wait3A_192 = tpu.memref_slice %arg13[%dma_wait3A_189, %dma_wait3A_190, %dma_wait3A_191] : memref<2x1x320xi32, #tpu.memory_space<vmem>> -> memref<1x1x320xi32, #tpu.memory_space<vmem>>
    %dma_wait3A_193 = tpu.memref_squeeze %dma_wait3A_192 : memref<1x1x320xi32, #tpu.memory_space<vmem>> -> memref<320xi32, #tpu.memory_space<vmem>>
    %dma_wait3A_194 = arith.constant 0 : i32
    %dma_wait3A_195 = arith.constant 0 : i32
    %dma_wait3A_196 = tpu.memref_slice %arg16[%dma_wait3A_194, %dma_wait3A_195] : memref<5120x128xf32, #tpu.memory_space<vmem_shared>> -> memref<5120x128xf32, #tpu.memory_space<vmem_shared>>
    tpu.wait_indirect_dma semaphore(%arg18 : memref<!tpu.dma_semaphore, #tpu.memory_space<semaphore_mem>>) src(%arg15 : memref<320x128xf32, #tpu.memory_space<vmem>>) dst(%dma_wait3A_196 : memref<5120x128xf32, #tpu.memory_space<vmem_shared>>)
    %barrier3A_197 = arith.constant 0 : index
    tpu.barrier barrier_id(%barrier3A_197)
    "tpu.region"() ({
      %run_scoped3A = tpu.sem_alloc : memref<!tpu.dma_semaphore, #tpu.memory_space<semaphore_mem>>
      %dma_start3A_590 = arith.constant 0 : i32
      %dma_start3A_591 = tpu.memref_slice %arg8[%add3A_9, %dma_start3A_590] : memref<10240x128xf32, #tpu.memory_space<hbm>> -> memref<320x128xf32, #tpu.memory_space<hbm>>
      %dma_start3A_592 = arith.constant 0 : i32
      %dma_start3A_593 = tpu.memref_slice %arg16[%mul3A_4, %dma_start3A_592] : memref<5120x128xf32, #tpu.memory_space<vmem_shared>> -> memref<320x128xf32, #tpu.memory_space<vmem_shared>>
      tpu.enqueue_dma source(%dma_start3A_593 : memref<320x128xf32, #tpu.memory_space<vmem_shared>>) target(%dma_start3A_591 : memref<320x128xf32, #tpu.memory_space<hbm>>) target_semaphore(%run_scoped3A : memref<!tpu.dma_semaphore, #tpu.memory_space<semaphore_mem>>)
      %dma_wait3A_594 = arith.constant 0 : i32
      %dma_wait3A_595 = tpu.memref_slice %arg8[%add3A_9, %dma_wait3A_594] : memref<10240x128xf32, #tpu.memory_space<hbm>> -> memref<320x128xf32, #tpu.memory_space<hbm>>
      %dma_wait3A_596 = arith.constant 0 : i32
      %dma_wait3A_597 = tpu.memref_slice %arg16[%mul3A_4, %dma_wait3A_596] : memref<5120x128xf32, #tpu.memory_space<vmem_shared>> -> memref<320x128xf32, #tpu.memory_space<vmem_shared>>
      tpu.wait_dma2 semaphore(%run_scoped3A : memref<!tpu.dma_semaphore, #tpu.memory_space<semaphore_mem>>) src(%dma_wait3A_597 : memref<320x128xf32, #tpu.memory_space<vmem_shared>>) dst(%dma_wait3A_595 : memref<320x128xf32, #tpu.memory_space<hbm>>)
      tpu.yield
    }) : () -> ()
    "tpu.region"() ({
      %run_scoped3A = tpu.sem_alloc : memref<!tpu.dma_semaphore, #tpu.memory_space<semaphore_mem>>
      %dma_start3A_590 = arith.constant 0 : i32
      %dma_start3A_591 = tpu.memref_slice %arg16[%mul3A_4, %dma_start3A_590] : memref<5120x128xf32, #tpu.memory_space<vmem_shared>> -> memref<320x128xf32, #tpu.memory_space<vmem_shared>>
      %dma_start3A_592 = arith.constant 0 : i32
      %dma_start3A_593 = tpu.memref_slice %arg6[%mul3A_4, %dma_start3A_592] : memref<5120x128xf32, #tpu.memory_space<hbm>> -> memref<320x128xf32, #tpu.memory_space<hbm>>
      tpu.enqueue_dma source(%dma_start3A_593 : memref<320x128xf32, #tpu.memory_space<hbm>>) target(%dma_start3A_591 : memref<320x128xf32, #tpu.memory_space<vmem_shared>>) target_semaphore(%run_scoped3A : memref<!tpu.dma_semaphore, #tpu.memory_space<semaphore_mem>>)
      %dma_wait3A_594 = arith.constant 0 : i32
      %dma_wait3A_595 = tpu.memref_slice %arg16[%mul3A_4, %dma_wait3A_594] : memref<5120x128xf32, #tpu.memory_space<vmem_shared>> -> memref<320x128xf32, #tpu.memory_space<vmem_shared>>
      %dma_wait3A_596 = arith.constant 0 : i32
      %dma_wait3A_597 = tpu.memref_slice %arg6[%mul3A_4, %dma_wait3A_596] : memref<5120x128xf32, #tpu.memory_space<hbm>> -> memref<320x128xf32, #tpu.memory_space<hbm>>
      tpu.wait_dma2 semaphore(%run_scoped3A : memref<!tpu.dma_semaphore, #tpu.memory_space<semaphore_mem>>) src(%dma_wait3A_597 : memref<320x128xf32, #tpu.memory_space<hbm>>) dst(%dma_wait3A_595 : memref<320x128xf32, #tpu.memory_space<vmem_shared>>)
      tpu.yield
    }) : () -> ()
    %barrier3A_198 = arith.constant 0 : index
    tpu.barrier barrier_id(%barrier3A_198)
    %add3A_199 = arith.constant 0 : i32
    %add3A_200 = arith.addi %mul3A_2, %add3A_199 : i32
    %dma_start3A_201 = arith.constant 0 : i32
    %dma_start3A_202 = arith.constant 0 : i32
    %dma_start3A_203 = arith.constant 0 : i32
    %dma_start3A_204 = tpu.memref_slice %arg12[%dma_start3A_201, %dma_start3A_202, %dma_start3A_203] : memref<2x1x320xi32, #tpu.memory_space<vmem>> -> memref<1x1x320xi32, #tpu.memory_space<vmem>>
    %dma_start3A_205 = tpu.memref_squeeze %dma_start3A_204 : memref<1x1x320xi32, #tpu.memory_space<vmem>> -> memref<1x320xi32, #tpu.memory_space<vmem>>
    %dma_start3A_206 = arith.constant 0 : i32
    %dma_start3A_207 = tpu.memref_slice %arg5[%add3A_200, %dma_start3A_206] : memref<1024x320xi32, #tpu.memory_space<hbm>> -> memref<1x320xi32, #tpu.memory_space<hbm>>
    %dma_start3A_208 = arith.constant 0 : i32
    %dma_start3A_209 = arith.constant 0 : i32
    %dma_start3A_210 = tpu.memref_slice %arg12[%dma_start3A_201, %dma_start3A_208, %dma_start3A_209] : memref<2x1x320xi32, #tpu.memory_space<vmem>> -> memref<1x1x320xi32, #tpu.memory_space<vmem>>
    %dma_start3A_211 = tpu.memref_squeeze %dma_start3A_210 : memref<1x1x320xi32, #tpu.memory_space<vmem>> -> memref<1x320xi32, #tpu.memory_space<vmem>>
    %dma_start3A_212 = arith.constant 0 : i32
    %dma_start3A_213 = tpu.memref_slice %arg5[%add3A_200, %dma_start3A_212] : memref<1024x320xi32, #tpu.memory_space<hbm>> -> memref<1x320xi32, #tpu.memory_space<hbm>>
    tpu.enqueue_dma source(%dma_start3A_213 : memref<1x320xi32, #tpu.memory_space<hbm>>) target(%dma_start3A_211 : memref<1x320xi32, #tpu.memory_space<vmem>>) target_semaphore(%arg19 : memref<!tpu.dma_semaphore, #tpu.memory_space<semaphore_mem>>)
    %add3A_214 = arith.constant 0 : i32
    %add3A_215 = arith.addi %mul3A_2, %add3A_214 : i32
    %dma_start3A_216 = arith.constant 0 : i32
    %dma_start3A_217 = arith.constant 0 : i32
    %dma_start3A_218 = arith.constant 0 : i32
    %dma_start3A_219 = tpu.memref_slice %arg13[%dma_start3A_216, %dma_start3A_217, %dma_start3A_218] : memref<2x1x320xi32, #tpu.memory_space<vmem>> -> memref<1x1x320xi32, #tpu.memory_space<vmem>>
    %dma_start3A_220 = tpu.memref_squeeze %dma_start3A_219 : memref<1x1x320xi32, #tpu.memory_space<vmem>> -> memref<1x320xi32, #tpu.memory_space<vmem>>
    %dma_start3A_221 = arith.constant 0 : i32
    %dma_start3A_222 = tpu.memref_slice %arg4[%add3A_215, %dma_start3A_221] : memref<1024x320xi32, #tpu.memory_space<hbm>> -> memref<1x320xi32, #tpu.memory_space<hbm>>
    %dma_start3A_223 = arith.constant 0 : i32
    %dma_start3A_224 = arith.constant 0 : i32
    %dma_start3A_225 = tpu.memref_slice %arg13[%dma_start3A_216, %dma_start3A_223, %dma_start3A_224] : memref<2x1x320xi32, #tpu.memory_space<vmem>> -> memref<1x1x320xi32, #tpu.memory_space<vmem>>
    %dma_start3A_226 = tpu.memref_squeeze %dma_start3A_225 : memref<1x1x320xi32, #tpu.memory_space<vmem>> -> memref<1x320xi32, #tpu.memory_space<vmem>>
    %dma_start3A_227 = arith.constant 0 : i32
    %dma_start3A_228 = tpu.memref_slice %arg4[%add3A_215, %dma_start3A_227] : memref<1024x320xi32, #tpu.memory_space<hbm>> -> memref<1x320xi32, #tpu.memory_space<hbm>>
    tpu.enqueue_dma source(%dma_start3A_228 : memref<1x320xi32, #tpu.memory_space<hbm>>) target(%dma_start3A_226 : memref<1x320xi32, #tpu.memory_space<vmem>>) target_semaphore(%arg19 : memref<!tpu.dma_semaphore, #tpu.memory_space<semaphore_mem>>)
    %add3A_229 = arith.constant 0 : i32
    %add3A_230 = arith.addi %mul3A_2, %add3A_229 : i32
    %dma_wait3A_231 = arith.constant 0 : i32
    %dma_wait3A_232 = arith.constant 0 : i32
    %dma_wait3A_233 = arith.constant 0 : i32
    %dma_wait3A_234 = tpu.memref_slice %arg12[%dma_wait3A_231, %dma_wait3A_232, %dma_wait3A_233] : memref<2x1x320xi32, #tpu.memory_space<vmem>> -> memref<1x1x320xi32, #tpu.memory_space<vmem>>
    %dma_wait3A_235 = tpu.memref_squeeze %dma_wait3A_234 : memref<1x1x320xi32, #tpu.memory_space<vmem>> -> memref<1x320xi32, #tpu.memory_space<vmem>>
    %dma_wait3A_236 = arith.constant 0 : i32
    %dma_wait3A_237 = tpu.memref_slice %arg5[%add3A_230, %dma_wait3A_236] : memref<1024x320xi32, #tpu.memory_space<hbm>> -> memref<1x320xi32, #tpu.memory_space<hbm>>
    %dma_wait3A_238 = arith.constant 0 : i32
    %dma_wait3A_239 = arith.constant 0 : i32
    %dma_wait3A_240 = tpu.memref_slice %arg12[%dma_wait3A_231, %dma_wait3A_238, %dma_wait3A_239] : memref<2x1x320xi32, #tpu.memory_space<vmem>> -> memref<1x1x320xi32, #tpu.memory_space<vmem>>
    %dma_wait3A_241 = tpu.memref_squeeze %dma_wait3A_240 : memref<1x1x320xi32, #tpu.memory_space<vmem>> -> memref<1x320xi32, #tpu.memory_space<vmem>>
    %dma_wait3A_242 = arith.constant 0 : i32
    %dma_wait3A_243 = tpu.memref_slice %arg5[%add3A_230, %dma_wait3A_242] : memref<1024x320xi32, #tpu.memory_space<hbm>> -> memref<1x320xi32, #tpu.memory_space<hbm>>
    tpu.wait_dma2 semaphore(%arg19 : memref<!tpu.dma_semaphore, #tpu.memory_space<semaphore_mem>>) src(%dma_wait3A_243 : memref<1x320xi32, #tpu.memory_space<hbm>>) dst(%dma_wait3A_241 : memref<1x320xi32, #tpu.memory_space<vmem>>)
    %add3A_244 = arith.constant 0 : i32
    %add3A_245 = arith.addi %mul3A_2, %add3A_244 : i32
    %dma_wait3A_246 = arith.constant 0 : i32
    %dma_wait3A_247 = arith.constant 0 : i32
    %dma_wait3A_248 = arith.constant 0 : i32
    %dma_wait3A_249 = tpu.memref_slice %arg13[%dma_wait3A_246, %dma_wait3A_247, %dma_wait3A_248] : memref<2x1x320xi32, #tpu.memory_space<vmem>> -> memref<1x1x320xi32, #tpu.memory_space<vmem>>
    %dma_wait3A_250 = tpu.memref_squeeze %dma_wait3A_249 : memref<1x1x320xi32, #tpu.memory_space<vmem>> -> memref<1x320xi32, #tpu.memory_space<vmem>>
    %dma_wait3A_251 = arith.constant 0 : i32
    %dma_wait3A_252 = tpu.memref_slice %arg4[%add3A_245, %dma_wait3A_251] : memref<1024x320xi32, #tpu.memory_space<hbm>> -> memref<1x320xi32, #tpu.memory_space<hbm>>
    %dma_wait3A_253 = arith.constant 0 : i32
    %dma_wait3A_254 = arith.constant 0 : i32
    %dma_wait3A_255 = tpu.memref_slice %arg13[%dma_wait3A_246, %dma_wait3A_253, %dma_wait3A_254] : memref<2x1x320xi32, #tpu.memory_space<vmem>> -> memref<1x1x320xi32, #tpu.memory_space<vmem>>
    %dma_wait3A_256 = tpu.memref_squeeze %dma_wait3A_255 : memref<1x1x320xi32, #tpu.memory_space<vmem>> -> memref<1x320xi32, #tpu.memory_space<vmem>>
    %dma_wait3A_257 = arith.constant 0 : i32
    %dma_wait3A_258 = tpu.memref_slice %arg4[%add3A_245, %dma_wait3A_257] : memref<1024x320xi32, #tpu.memory_space<hbm>> -> memref<1x320xi32, #tpu.memory_space<hbm>>
    tpu.wait_dma2 semaphore(%arg19 : memref<!tpu.dma_semaphore, #tpu.memory_space<semaphore_mem>>) src(%dma_wait3A_258 : memref<1x320xi32, #tpu.memory_space<hbm>>) dst(%dma_wait3A_256 : memref<1x320xi32, #tpu.memory_space<vmem>>)
    %dma_start3A_259 = arith.constant 0 : i32
    %dma_start3A_260 = arith.constant 0 : i32
    %dma_start3A_261 = arith.constant 0 : i32
    %dma_start3A_262 = tpu.memref_slice %arg12[%dma_start3A_259, %dma_start3A_260, %dma_start3A_261] : memref<2x1x320xi32, #tpu.memory_space<vmem>> -> memref<1x1x320xi32, #tpu.memory_space<vmem>>
    %dma_start3A_263 = tpu.memref_squeeze %dma_start3A_262 : memref<1x1x320xi32, #tpu.memory_space<vmem>> -> memref<320xi32, #tpu.memory_space<vmem>>
    %dma_start3A_264 = arith.constant 0 : i32
    %dma_start3A_265 = arith.constant 0 : i32
    %dma_start3A_266 = tpu.memref_slice %arg3[%dma_start3A_264, %dma_start3A_265] : memref<5120x128xf32, #tpu.memory_space<hbm>> -> memref<5120x128xf32, #tpu.memory_space<hbm>>
    tpu.enqueue_indirect_dma source(%dma_start3A_266 : memref<5120x128xf32, #tpu.memory_space<hbm>>) target(%arg14 : memref<320x128xf32, #tpu.memory_space<vmem>>) offsets(%dma_start3A_263 : memref<320xi32, #tpu.memory_space<vmem>>) semaphore(%arg17 : memref<!tpu.dma_semaphore, #tpu.memory_space<semaphore_mem>>)
    %add3A_267 = arith.constant 1 : i32
    %add3A_268 = arith.addi %mul3A_2, %add3A_267 : i32
    %dma_start3A_269 = arith.constant 1 : i32
    %dma_start3A_270 = arith.constant 0 : i32
    %dma_start3A_271 = arith.constant 0 : i32
    %dma_start3A_272 = tpu.memref_slice %arg12[%dma_start3A_269, %dma_start3A_270, %dma_start3A_271] : memref<2x1x320xi32, #tpu.memory_space<vmem>> -> memref<1x1x320xi32, #tpu.memory_space<vmem>>
    %dma_start3A_273 = tpu.memref_squeeze %dma_start3A_272 : memref<1x1x320xi32, #tpu.memory_space<vmem>> -> memref<1x320xi32, #tpu.memory_space<vmem>>
    %dma_start3A_274 = arith.constant 0 : i32
    %dma_start3A_275 = tpu.memref_slice %arg5[%add3A_268, %dma_start3A_274] : memref<1024x320xi32, #tpu.memory_space<hbm>> -> memref<1x320xi32, #tpu.memory_space<hbm>>
    %dma_start3A_276 = arith.constant 0 : i32
    %dma_start3A_277 = arith.constant 0 : i32
    %dma_start3A_278 = tpu.memref_slice %arg12[%dma_start3A_269, %dma_start3A_276, %dma_start3A_277] : memref<2x1x320xi32, #tpu.memory_space<vmem>> -> memref<1x1x320xi32, #tpu.memory_space<vmem>>
    %dma_start3A_279 = tpu.memref_squeeze %dma_start3A_278 : memref<1x1x320xi32, #tpu.memory_space<vmem>> -> memref<1x320xi32, #tpu.memory_space<vmem>>
    %dma_start3A_280 = arith.constant 0 : i32
    %dma_start3A_281 = tpu.memref_slice %arg5[%add3A_268, %dma_start3A_280] : memref<1024x320xi32, #tpu.memory_space<hbm>> -> memref<1x320xi32, #tpu.memory_space<hbm>>
    tpu.enqueue_dma source(%dma_start3A_281 : memref<1x320xi32, #tpu.memory_space<hbm>>) target(%dma_start3A_279 : memref<1x320xi32, #tpu.memory_space<vmem>>) target_semaphore(%arg19 : memref<!tpu.dma_semaphore, #tpu.memory_space<semaphore_mem>>)
    %add3A_282 = arith.constant 1 : i32
    %add3A_283 = arith.addi %mul3A_2, %add3A_282 : i32
    %dma_start3A_284 = arith.constant 1 : i32
    %dma_start3A_285 = arith.constant 0 : i32
    %dma_start3A_286 = arith.constant 0 : i32
    %dma_start3A_287 = tpu.memref_slice %arg13[%dma_start3A_284, %dma_start3A_285, %dma_start3A_286] : memref<2x1x320xi32, #tpu.memory_space<vmem>> -> memref<1x1x320xi32, #tpu.memory_space<vmem>>
    %dma_start3A_288 = tpu.memref_squeeze %dma_start3A_287 : memref<1x1x320xi32, #tpu.memory_space<vmem>> -> memref<1x320xi32, #tpu.memory_space<vmem>>
    %dma_start3A_289 = arith.constant 0 : i32
    %dma_start3A_290 = tpu.memref_slice %arg4[%add3A_283, %dma_start3A_289] : memref<1024x320xi32, #tpu.memory_space<hbm>> -> memref<1x320xi32, #tpu.memory_space<hbm>>
    %dma_start3A_291 = arith.constant 0 : i32
    %dma_start3A_292 = arith.constant 0 : i32
    %dma_start3A_293 = tpu.memref_slice %arg13[%dma_start3A_284, %dma_start3A_291, %dma_start3A_292] : memref<2x1x320xi32, #tpu.memory_space<vmem>> -> memref<1x1x320xi32, #tpu.memory_space<vmem>>
    %dma_start3A_294 = tpu.memref_squeeze %dma_start3A_293 : memref<1x1x320xi32, #tpu.memory_space<vmem>> -> memref<1x320xi32, #tpu.memory_space<vmem>>
    %dma_start3A_295 = arith.constant 0 : i32
    %dma_start3A_296 = tpu.memref_slice %arg4[%add3A_283, %dma_start3A_295] : memref<1024x320xi32, #tpu.memory_space<hbm>> -> memref<1x320xi32, #tpu.memory_space<hbm>>
    tpu.enqueue_dma source(%dma_start3A_296 : memref<1x320xi32, #tpu.memory_space<hbm>>) target(%dma_start3A_294 : memref<1x320xi32, #tpu.memory_space<vmem>>) target_semaphore(%arg19 : memref<!tpu.dma_semaphore, #tpu.memory_space<semaphore_mem>>)
    %dma_wait3A_297 = arith.constant 0 : i32
    %dma_wait3A_298 = arith.constant 0 : i32
    %dma_wait3A_299 = arith.constant 0 : i32
    %dma_wait3A_300 = tpu.memref_slice %arg12[%dma_wait3A_297, %dma_wait3A_298, %dma_wait3A_299] : memref<2x1x320xi32, #tpu.memory_space<vmem>> -> memref<1x1x320xi32, #tpu.memory_space<vmem>>
    %dma_wait3A_301 = tpu.memref_squeeze %dma_wait3A_300 : memref<1x1x320xi32, #tpu.memory_space<vmem>> -> memref<320xi32, #tpu.memory_space<vmem>>
    %dma_wait3A_302 = arith.constant 0 : i32
    %dma_wait3A_303 = arith.constant 0 : i32
    %dma_wait3A_304 = tpu.memref_slice %arg3[%dma_wait3A_302, %dma_wait3A_303] : memref<5120x128xf32, #tpu.memory_space<hbm>> -> memref<5120x128xf32, #tpu.memory_space<hbm>>
    tpu.wait_indirect_dma semaphore(%arg17 : memref<!tpu.dma_semaphore, #tpu.memory_space<semaphore_mem>>) src(%dma_wait3A_304 : memref<5120x128xf32, #tpu.memory_space<hbm>>) dst(%arg14 : memref<320x128xf32, #tpu.memory_space<vmem>>)
    %dma_start3A_305 = arith.constant 0 : i32
    %dma_start3A_306 = arith.constant 0 : i32
    %dma_start3A_307 = arith.constant 0 : i32
    %dma_start3A_308 = tpu.memref_slice %arg13[%dma_start3A_305, %dma_start3A_306, %dma_start3A_307] : memref<2x1x320xi32, #tpu.memory_space<vmem>> -> memref<1x1x320xi32, #tpu.memory_space<vmem>>
    %dma_start3A_309 = tpu.memref_squeeze %dma_start3A_308 : memref<1x1x320xi32, #tpu.memory_space<vmem>> -> memref<320xi32, #tpu.memory_space<vmem>>
    %dma_start3A_310 = arith.constant 0 : i32
    %dma_start3A_311 = arith.constant 0 : i32
    %dma_start3A_312 = tpu.memref_slice %arg16[%dma_start3A_310, %dma_start3A_311] : memref<5120x128xf32, #tpu.memory_space<vmem_shared>> -> memref<5120x128xf32, #tpu.memory_space<vmem_shared>>
    tpu.enqueue_indirect_dma source(%arg14 : memref<320x128xf32, #tpu.memory_space<vmem>>) target(%dma_start3A_312 : memref<5120x128xf32, #tpu.memory_space<vmem_shared>>) offsets(%dma_start3A_309 : memref<320xi32, #tpu.memory_space<vmem>>) semaphore(%arg18 : memref<!tpu.dma_semaphore, #tpu.memory_space<semaphore_mem>>) {add = true}
    %add3A_313 = arith.constant 1 : i32
    %add3A_314 = arith.addi %mul3A_2, %add3A_313 : i32
    %dma_wait3A_315 = arith.constant 1 : i32
    %dma_wait3A_316 = arith.constant 0 : i32
    %dma_wait3A_317 = arith.constant 0 : i32
    %dma_wait3A_318 = tpu.memref_slice %arg12[%dma_wait3A_315, %dma_wait3A_316, %dma_wait3A_317] : memref<2x1x320xi32, #tpu.memory_space<vmem>> -> memref<1x1x320xi32, #tpu.memory_space<vmem>>
    %dma_wait3A_319 = tpu.memref_squeeze %dma_wait3A_318 : memref<1x1x320xi32, #tpu.memory_space<vmem>> -> memref<1x320xi32, #tpu.memory_space<vmem>>
    %dma_wait3A_320 = arith.constant 0 : i32
    %dma_wait3A_321 = tpu.memref_slice %arg5[%add3A_314, %dma_wait3A_320] : memref<1024x320xi32, #tpu.memory_space<hbm>> -> memref<1x320xi32, #tpu.memory_space<hbm>>
    %dma_wait3A_322 = arith.constant 0 : i32
    %dma_wait3A_323 = arith.constant 0 : i32
    %dma_wait3A_324 = tpu.memref_slice %arg12[%dma_wait3A_315, %dma_wait3A_322, %dma_wait3A_323] : memref<2x1x320xi32, #tpu.memory_space<vmem>> -> memref<1x1x320xi32, #tpu.memory_space<vmem>>
    %dma_wait3A_325 = tpu.memref_squeeze %dma_wait3A_324 : memref<1x1x320xi32, #tpu.memory_space<vmem>> -> memref<1x320xi32, #tpu.memory_space<vmem>>
    %dma_wait3A_326 = arith.constant 0 : i32
    %dma_wait3A_327 = tpu.memref_slice %arg5[%add3A_314, %dma_wait3A_326] : memref<1024x320xi32, #tpu.memory_space<hbm>> -> memref<1x320xi32, #tpu.memory_space<hbm>>
    tpu.wait_dma2 semaphore(%arg19 : memref<!tpu.dma_semaphore, #tpu.memory_space<semaphore_mem>>) src(%dma_wait3A_327 : memref<1x320xi32, #tpu.memory_space<hbm>>) dst(%dma_wait3A_325 : memref<1x320xi32, #tpu.memory_space<vmem>>)
    %add3A_328 = arith.constant 1 : i32
    %add3A_329 = arith.addi %mul3A_2, %add3A_328 : i32
    %dma_wait3A_330 = arith.constant 1 : i32
    %dma_wait3A_331 = arith.constant 0 : i32
    %dma_wait3A_332 = arith.constant 0 : i32
    %dma_wait3A_333 = tpu.memref_slice %arg13[%dma_wait3A_330, %dma_wait3A_331, %dma_wait3A_332] : memref<2x1x320xi32, #tpu.memory_space<vmem>> -> memref<1x1x320xi32, #tpu.memory_space<vmem>>
    %dma_wait3A_334 = tpu.memref_squeeze %dma_wait3A_333 : memref<1x1x320xi32, #tpu.memory_space<vmem>> -> memref<1x320xi32, #tpu.memory_space<vmem>>
    %dma_wait3A_335 = arith.constant 0 : i32
    %dma_wait3A_336 = tpu.memref_slice %arg4[%add3A_329, %dma_wait3A_335] : memref<1024x320xi32, #tpu.memory_space<hbm>> -> memref<1x320xi32, #tpu.memory_space<hbm>>
    %dma_wait3A_337 = arith.constant 0 : i32
    %dma_wait3A_338 = arith.constant 0 : i32
    %dma_wait3A_339 = tpu.memref_slice %arg13[%dma_wait3A_330, %dma_wait3A_337, %dma_wait3A_338] : memref<2x1x320xi32, #tpu.memory_space<vmem>> -> memref<1x1x320xi32, #tpu.memory_space<vmem>>
    %dma_wait3A_340 = tpu.memref_squeeze %dma_wait3A_339 : memref<1x1x320xi32, #tpu.memory_space<vmem>> -> memref<1x320xi32, #tpu.memory_space<vmem>>
    %dma_wait3A_341 = arith.constant 0 : i32
    %dma_wait3A_342 = tpu.memref_slice %arg4[%add3A_329, %dma_wait3A_341] : memref<1024x320xi32, #tpu.memory_space<hbm>> -> memref<1x320xi32, #tpu.memory_space<hbm>>
    tpu.wait_dma2 semaphore(%arg19 : memref<!tpu.dma_semaphore, #tpu.memory_space<semaphore_mem>>) src(%dma_wait3A_342 : memref<1x320xi32, #tpu.memory_space<hbm>>) dst(%dma_wait3A_340 : memref<1x320xi32, #tpu.memory_space<vmem>>)
    %dma_start3A_343 = arith.constant 1 : i32
    %dma_start3A_344 = arith.constant 0 : i32
    %dma_start3A_345 = arith.constant 0 : i32
    %dma_start3A_346 = tpu.memref_slice %arg12[%dma_start3A_343, %dma_start3A_344, %dma_start3A_345] : memref<2x1x320xi32, #tpu.memory_space<vmem>> -> memref<1x1x320xi32, #tpu.memory_space<vmem>>
    %dma_start3A_347 = tpu.memref_squeeze %dma_start3A_346 : memref<1x1x320xi32, #tpu.memory_space<vmem>> -> memref<320xi32, #tpu.memory_space<vmem>>
    %dma_start3A_348 = arith.constant 0 : i32
    %dma_start3A_349 = arith.constant 0 : i32
    %dma_start3A_350 = tpu.memref_slice %arg3[%dma_start3A_348, %dma_start3A_349] : memref<5120x128xf32, #tpu.memory_space<hbm>> -> memref<5120x128xf32, #tpu.memory_space<hbm>>
    tpu.enqueue_indirect_dma source(%dma_start3A_350 : memref<5120x128xf32, #tpu.memory_space<hbm>>) target(%arg15 : memref<320x128xf32, #tpu.memory_space<vmem>>) offsets(%dma_start3A_347 : memref<320xi32, #tpu.memory_space<vmem>>) semaphore(%arg17 : memref<!tpu.dma_semaphore, #tpu.memory_space<semaphore_mem>>)
    %scan3A_351 = arith.constant 0 : i32
    %scan3A_352 = arith.constant 0 : i32
    %scan3A_353 = arith.constant 15 : i32
    %scan3A_354 = arith.addi %scan3A_352, %scan3A_353 : i32
    %scan3A_355 = arith.constant 1 : i32
    scf.for %scan3A_590 = %scan3A_352 to %scan3A_354 step %scan3A_355  : i32 {
      %mul3A_591 = arith.constant 2 : i32
      %mul3A_592 = arith.muli %mul3A_591, %scan3A_590 : i32
      %add3A_593 = arith.constant 1 : i32
      %add3A_594 = arith.addi %mul3A_592, %add3A_593 : i32
      %dma_wait3A_595 = arith.constant 0 : i32
      %dma_wait3A_596 = arith.constant 0 : i32
      %dma_wait3A_597 = arith.constant 0 : i32
      %dma_wait3A_598 = tpu.memref_slice %arg13[%dma_wait3A_595, %dma_wait3A_596, %dma_wait3A_597] : memref<2x1x320xi32, #tpu.memory_space<vmem>> -> memref<1x1x320xi32, #tpu.memory_space<vmem>>
      %dma_wait3A_599 = tpu.memref_squeeze %dma_wait3A_598 : memref<1x1x320xi32, #tpu.memory_space<vmem>> -> memref<320xi32, #tpu.memory_space<vmem>>
      %dma_wait3A_600 = arith.constant 0 : i32
      %dma_wait3A_601 = arith.constant 0 : i32
      %dma_wait3A_602 = tpu.memref_slice %arg16[%dma_wait3A_600, %dma_wait3A_601] : memref<5120x128xf32, #tpu.memory_space<vmem_shared>> -> memref<5120x128xf32, #tpu.memory_space<vmem_shared>>
      tpu.wait_indirect_dma semaphore(%arg18 : memref<!tpu.dma_semaphore, #tpu.memory_space<semaphore_mem>>) src(%arg14 : memref<320x128xf32, #tpu.memory_space<vmem>>) dst(%dma_wait3A_602 : memref<5120x128xf32, #tpu.memory_space<vmem_shared>>)
      %add3A_603 = arith.constant 1 : i32
      %add3A_604 = arith.addi %add3A_594, %add3A_603 : i32
      %mul3A_605 = arith.constant 1 : i32
      %mul3A_606 = arith.muli %add3A_604, %mul3A_605 : i32
      %add3A_607 = arith.addi %mul3A_2, %mul3A_606 : i32
      %dma_start3A_608 = arith.constant 0 : i32
      %dma_start3A_609 = arith.constant 0 : i32
      %dma_start3A_610 = arith.constant 0 : i32
      %dma_start3A_611 = tpu.memref_slice %arg12[%dma_start3A_608, %dma_start3A_609, %dma_start3A_610] : memref<2x1x320xi32, #tpu.memory_space<vmem>> -> memref<1x1x320xi32, #tpu.memory_space<vmem>>
      %dma_start3A_612 = tpu.memref_squeeze %dma_start3A_611 : memref<1x1x320xi32, #tpu.memory_space<vmem>> -> memref<1x320xi32, #tpu.memory_space<vmem>>
      %dma_start3A_613 = arith.constant 0 : i32
      %dma_start3A_614 = tpu.memref_slice %arg5[%add3A_607, %dma_start3A_613] : memref<1024x320xi32, #tpu.memory_space<hbm>> -> memref<1x320xi32, #tpu.memory_space<hbm>>
      %dma_start3A_615 = arith.constant 0 : i32
      %dma_start3A_616 = arith.constant 0 : i32
      %dma_start3A_617 = tpu.memref_slice %arg12[%dma_start3A_608, %dma_start3A_615, %dma_start3A_616] : memref<2x1x320xi32, #tpu.memory_space<vmem>> -> memref<1x1x320xi32, #tpu.memory_space<vmem>>
      %dma_start3A_618 = tpu.memref_squeeze %dma_start3A_617 : memref<1x1x320xi32, #tpu.memory_space<vmem>> -> memref<1x320xi32, #tpu.memory_space<vmem>>
      %dma_start3A_619 = arith.constant 0 : i32
      %dma_start3A_620 = tpu.memref_slice %arg5[%add3A_607, %dma_start3A_619] : memref<1024x320xi32, #tpu.memory_space<hbm>> -> memref<1x320xi32, #tpu.memory_space<hbm>>
      tpu.enqueue_dma source(%dma_start3A_620 : memref<1x320xi32, #tpu.memory_space<hbm>>) target(%dma_start3A_618 : memref<1x320xi32, #tpu.memory_space<vmem>>) target_semaphore(%arg19 : memref<!tpu.dma_semaphore, #tpu.memory_space<semaphore_mem>>)
      %add3A_621 = arith.constant 1 : i32
      %add3A_622 = arith.addi %add3A_594, %add3A_621 : i32
      %mul3A_623 = arith.constant 1 : i32
      %mul3A_624 = arith.muli %add3A_622, %mul3A_623 : i32
      %add3A_625 = arith.addi %mul3A_2, %mul3A_624 : i32
      %dma_start3A_626 = arith.constant 0 : i32
      %dma_start3A_627 = arith.constant 0 : i32
      %dma_start3A_628 = arith.constant 0 : i32
      %dma_start3A_629 = tpu.memref_slice %arg13[%dma_start3A_626, %dma_start3A_627, %dma_start3A_628] : memref<2x1x320xi32, #tpu.memory_space<vmem>> -> memref<1x1x320xi32, #tpu.memory_space<vmem>>
      %dma_start3A_630 = tpu.memref_squeeze %dma_start3A_629 : memref<1x1x320xi32, #tpu.memory_space<vmem>> -> memref<1x320xi32, #tpu.memory_space<vmem>>
      %dma_start3A_631 = arith.constant 0 : i32
      %dma_start3A_632 = tpu.memref_slice %arg4[%add3A_625, %dma_start3A_631] : memref<1024x320xi32, #tpu.memory_space<hbm>> -> memref<1x320xi32, #tpu.memory_space<hbm>>
      %dma_start3A_633 = arith.constant 0 : i32
      %dma_start3A_634 = arith.constant 0 : i32
      %dma_start3A_635 = tpu.memref_slice %arg13[%dma_start3A_626, %dma_start3A_633, %dma_start3A_634] : memref<2x1x320xi32, #tpu.memory_space<vmem>> -> memref<1x1x320xi32, #tpu.memory_space<vmem>>
      %dma_start3A_636 = tpu.memref_squeeze %dma_start3A_635 : memref<1x1x320xi32, #tpu.memory_space<vmem>> -> memref<1x320xi32, #tpu.memory_space<vmem>>
      %dma_start3A_637 = arith.constant 0 : i32
      %dma_start3A_638 = tpu.memref_slice %arg4[%add3A_625, %dma_start3A_637] : memref<1024x320xi32, #tpu.memory_space<hbm>> -> memref<1x320xi32, #tpu.memory_space<hbm>>
      tpu.enqueue_dma source(%dma_start3A_638 : memref<1x320xi32, #tpu.memory_space<hbm>>) target(%dma_start3A_636 : memref<1x320xi32, #tpu.memory_space<vmem>>) target_semaphore(%arg19 : memref<!tpu.dma_semaphore, #tpu.memory_space<semaphore_mem>>)
      %dma_wait3A_639 = arith.constant 1 : i32
      %dma_wait3A_640 = arith.constant 0 : i32
      %dma_wait3A_641 = arith.constant 0 : i32
      %dma_wait3A_642 = tpu.memref_slice %arg12[%dma_wait3A_639, %dma_wait3A_640, %dma_wait3A_641] : memref<2x1x320xi32, #tpu.memory_space<vmem>> -> memref<1x1x320xi32, #tpu.memory_space<vmem>>
      %dma_wait3A_643 = tpu.memref_squeeze %dma_wait3A_642 : memref<1x1x320xi32, #tpu.memory_space<vmem>> -> memref<320xi32, #tpu.memory_space<vmem>>
      %dma_wait3A_644 = arith.constant 0 : i32
      %dma_wait3A_645 = arith.constant 0 : i32
      %dma_wait3A_646 = tpu.memref_slice %arg3[%dma_wait3A_644, %dma_wait3A_645] : memref<5120x128xf32, #tpu.memory_space<hbm>> -> memref<5120x128xf32, #tpu.memory_space<hbm>>
      tpu.wait_indirect_dma semaphore(%arg17 : memref<!tpu.dma_semaphore, #tpu.memory_space<semaphore_mem>>) src(%dma_wait3A_646 : memref<5120x128xf32, #tpu.memory_space<hbm>>) dst(%arg15 : memref<320x128xf32, #tpu.memory_space<vmem>>)
      %dma_start3A_647 = arith.constant 1 : i32
      %dma_start3A_648 = arith.constant 0 : i32
      %dma_start3A_649 = arith.constant 0 : i32
      %dma_start3A_650 = tpu.memref_slice %arg13[%dma_start3A_647, %dma_start3A_648, %dma_start3A_649] : memref<2x1x320xi32, #tpu.memory_space<vmem>> -> memref<1x1x320xi32, #tpu.memory_space<vmem>>
      %dma_start3A_651 = tpu.memref_squeeze %dma_start3A_650 : memref<1x1x320xi32, #tpu.memory_space<vmem>> -> memref<320xi32, #tpu.memory_space<vmem>>
      %dma_start3A_652 = arith.constant 0 : i32
      %dma_start3A_653 = arith.constant 0 : i32
      %dma_start3A_654 = tpu.memref_slice %arg16[%dma_start3A_652, %dma_start3A_653] : memref<5120x128xf32, #tpu.memory_space<vmem_shared>> -> memref<5120x128xf32, #tpu.memory_space<vmem_shared>>
      tpu.enqueue_indirect_dma source(%arg15 : memref<320x128xf32, #tpu.memory_space<vmem>>) target(%dma_start3A_654 : memref<5120x128xf32, #tpu.memory_space<vmem_shared>>) offsets(%dma_start3A_651 : memref<320xi32, #tpu.memory_space<vmem>>) semaphore(%arg18 : memref<!tpu.dma_semaphore, #tpu.memory_space<semaphore_mem>>) {add = true}
      %add3A_655 = arith.constant 1 : i32
      %add3A_656 = arith.addi %add3A_594, %add3A_655 : i32
      %mul3A_657 = arith.constant 1 : i32
      %mul3A_658 = arith.muli %add3A_656, %mul3A_657 : i32
      %add3A_659 = arith.addi %mul3A_2, %mul3A_658 : i32
      %dma_wait3A_660 = arith.constant 0 : i32
      %dma_wait3A_661 = arith.constant 0 : i32
      %dma_wait3A_662 = arith.constant 0 : i32
      %dma_wait3A_663 = tpu.memref_slice %arg12[%dma_wait3A_660, %dma_wait3A_661, %dma_wait3A_662] : memref<2x1x320xi32, #tpu.memory_space<vmem>> -> memref<1x1x320xi32, #tpu.memory_space<vmem>>
      %dma_wait3A_664 = tpu.memref_squeeze %dma_wait3A_663 : memref<1x1x320xi32, #tpu.memory_space<vmem>> -> memref<1x320xi32, #tpu.memory_space<vmem>>
      %dma_wait3A_665 = arith.constant 0 : i32
      %dma_wait3A_666 = tpu.memref_slice %arg5[%add3A_659, %dma_wait3A_665] : memref<1024x320xi32, #tpu.memory_space<hbm>> -> memref<1x320xi32, #tpu.memory_space<hbm>>
      %dma_wait3A_667 = arith.constant 0 : i32
      %dma_wait3A_668 = arith.constant 0 : i32
      %dma_wait3A_669 = tpu.memref_slice %arg12[%dma_wait3A_660, %dma_wait3A_667, %dma_wait3A_668] : memref<2x1x320xi32, #tpu.memory_space<vmem>> -> memref<1x1x320xi32, #tpu.memory_space<vmem>>
      %dma_wait3A_670 = tpu.memref_squeeze %dma_wait3A_669 : memref<1x1x320xi32, #tpu.memory_space<vmem>> -> memref<1x320xi32, #tpu.memory_space<vmem>>
      %dma_wait3A_671 = arith.constant 0 : i32
      %dma_wait3A_672 = tpu.memref_slice %arg5[%add3A_659, %dma_wait3A_671] : memref<1024x320xi32, #tpu.memory_space<hbm>> -> memref<1x320xi32, #tpu.memory_space<hbm>>
      tpu.wait_dma2 semaphore(%arg19 : memref<!tpu.dma_semaphore, #tpu.memory_space<semaphore_mem>>) src(%dma_wait3A_672 : memref<1x320xi32, #tpu.memory_space<hbm>>) dst(%dma_wait3A_670 : memref<1x320xi32, #tpu.memory_space<vmem>>)
      %add3A_673 = arith.constant 1 : i32
      %add3A_674 = arith.addi %add3A_594, %add3A_673 : i32
      %mul3A_675 = arith.constant 1 : i32
      %mul3A_676 = arith.muli %add3A_674, %mul3A_675 : i32
      %add3A_677 = arith.addi %mul3A_2, %mul3A_676 : i32
      %dma_wait3A_678 = arith.constant 0 : i32
      %dma_wait3A_679 = arith.constant 0 : i32
      %dma_wait3A_680 = arith.constant 0 : i32
      %dma_wait3A_681 = tpu.memref_slice %arg13[%dma_wait3A_678, %dma_wait3A_679, %dma_wait3A_680] : memref<2x1x320xi32, #tpu.memory_space<vmem>> -> memref<1x1x320xi32, #tpu.memory_space<vmem>>
      %dma_wait3A_682 = tpu.memref_squeeze %dma_wait3A_681 : memref<1x1x320xi32, #tpu.memory_space<vmem>> -> memref<1x320xi32, #tpu.memory_space<vmem>>
      %dma_wait3A_683 = arith.constant 0 : i32
      %dma_wait3A_684 = tpu.memref_slice %arg4[%add3A_677, %dma_wait3A_683] : memref<1024x320xi32, #tpu.memory_space<hbm>> -> memref<1x320xi32, #tpu.memory_space<hbm>>
      %dma_wait3A_685 = arith.constant 0 : i32
      %dma_wait3A_686 = arith.constant 0 : i32
      %dma_wait3A_687 = tpu.memref_slice %arg13[%dma_wait3A_678, %dma_wait3A_685, %dma_wait3A_686] : memref<2x1x320xi32, #tpu.memory_space<vmem>> -> memref<1x1x320xi32, #tpu.memory_space<vmem>>
      %dma_wait3A_688 = tpu.memref_squeeze %dma_wait3A_687 : memref<1x1x320xi32, #tpu.memory_space<vmem>> -> memref<1x320xi32, #tpu.memory_space<vmem>>
      %dma_wait3A_689 = arith.constant 0 : i32
      %dma_wait3A_690 = tpu.memref_slice %arg4[%add3A_677, %dma_wait3A_689] : memref<1024x320xi32, #tpu.memory_space<hbm>> -> memref<1x320xi32, #tpu.memory_space<hbm>>
      tpu.wait_dma2 semaphore(%arg19 : memref<!tpu.dma_semaphore, #tpu.memory_space<semaphore_mem>>) src(%dma_wait3A_690 : memref<1x320xi32, #tpu.memory_space<hbm>>) dst(%dma_wait3A_688 : memref<1x320xi32, #tpu.memory_space<vmem>>)
      %dma_start3A_691 = arith.constant 0 : i32
      %dma_start3A_692 = arith.constant 0 : i32
      %dma_start3A_693 = arith.constant 0 : i32
      %dma_start3A_694 = tpu.memref_slice %arg12[%dma_start3A_691, %dma_start3A_692, %dma_start3A_693] : memref<2x1x320xi32, #tpu.memory_space<vmem>> -> memref<1x1x320xi32, #tpu.memory_space<vmem>>
      %dma_start3A_695 = tpu.memref_squeeze %dma_start3A_694 : memref<1x1x320xi32, #tpu.memory_space<vmem>> -> memref<320xi32, #tpu.memory_space<vmem>>
      %dma_start3A_696 = arith.constant 0 : i32
      %dma_start3A_697 = arith.constant 0 : i32
      %dma_start3A_698 = tpu.memref_slice %arg3[%dma_start3A_696, %dma_start3A_697] : memref<5120x128xf32, #tpu.memory_space<hbm>> -> memref<5120x128xf32, #tpu.memory_space<hbm>>
      tpu.enqueue_indirect_dma source(%dma_start3A_698 : memref<5120x128xf32, #tpu.memory_space<hbm>>) target(%arg14 : memref<320x128xf32, #tpu.memory_space<vmem>>) offsets(%dma_start3A_695 : memref<320xi32, #tpu.memory_space<vmem>>) semaphore(%arg17 : memref<!tpu.dma_semaphore, #tpu.memory_space<semaphore_mem>>)
      %mul3A_699 = arith.constant 2 : i32
      %mul3A_700 = arith.muli %mul3A_699, %scan3A_590 : i32
      %add3A_701 = arith.constant 2 : i32
      %add3A_702 = arith.addi %mul3A_700, %add3A_701 : i32
      %dma_wait3A_703 = arith.constant 1 : i32
      %dma_wait3A_704 = arith.constant 0 : i32
      %dma_wait3A_705 = arith.constant 0 : i32
      %dma_wait3A_706 = tpu.memref_slice %arg13[%dma_wait3A_703, %dma_wait3A_704, %dma_wait3A_705] : memref<2x1x320xi32, #tpu.memory_space<vmem>> -> memref<1x1x320xi32, #tpu.memory_space<vmem>>
      %dma_wait3A_707 = tpu.memref_squeeze %dma_wait3A_706 : memref<1x1x320xi32, #tpu.memory_space<vmem>> -> memref<320xi32, #tpu.memory_space<vmem>>
      %dma_wait3A_708 = arith.constant 0 : i32
      %dma_wait3A_709 = arith.constant 0 : i32
      %dma_wait3A_710 = tpu.memref_slice %arg16[%dma_wait3A_708, %dma_wait3A_709] : memref<5120x128xf32, #tpu.memory_space<vmem_shared>> -> memref<5120x128xf32, #tpu.memory_space<vmem_shared>>
      tpu.wait_indirect_dma semaphore(%arg18 : memref<!tpu.dma_semaphore, #tpu.memory_space<semaphore_mem>>) src(%arg15 : memref<320x128xf32, #tpu.memory_space<vmem>>) dst(%dma_wait3A_710 : memref<5120x128xf32, #tpu.memory_space<vmem_shared>>)
      %add3A_711 = arith.constant 1 : i32
      %add3A_712 = arith.addi %add3A_702, %add3A_711 : i32
      %mul3A_713 = arith.constant 1 : i32
      %mul3A_714 = arith.muli %add3A_712, %mul3A_713 : i32
      %add3A_715 = arith.addi %mul3A_2, %mul3A_714 : i32
      %dma_start3A_716 = arith.constant 1 : i32
      %dma_start3A_717 = arith.constant 0 : i32
      %dma_start3A_718 = arith.constant 0 : i32
      %dma_start3A_719 = tpu.memref_slice %arg12[%dma_start3A_716, %dma_start3A_717, %dma_start3A_718] : memref<2x1x320xi32, #tpu.memory_space<vmem>> -> memref<1x1x320xi32, #tpu.memory_space<vmem>>
      %dma_start3A_720 = tpu.memref_squeeze %dma_start3A_719 : memref<1x1x320xi32, #tpu.memory_space<vmem>> -> memref<1x320xi32, #tpu.memory_space<vmem>>
      %dma_start3A_721 = arith.constant 0 : i32
      %dma_start3A_722 = tpu.memref_slice %arg5[%add3A_715, %dma_start3A_721] : memref<1024x320xi32, #tpu.memory_space<hbm>> -> memref<1x320xi32, #tpu.memory_space<hbm>>
      %dma_start3A_723 = arith.constant 0 : i32
      %dma_start3A_724 = arith.constant 0 : i32
      %dma_start3A_725 = tpu.memref_slice %arg12[%dma_start3A_716, %dma_start3A_723, %dma_start3A_724] : memref<2x1x320xi32, #tpu.memory_space<vmem>> -> memref<1x1x320xi32, #tpu.memory_space<vmem>>
      %dma_start3A_726 = tpu.memref_squeeze %dma_start3A_725 : memref<1x1x320xi32, #tpu.memory_space<vmem>> -> memref<1x320xi32, #tpu.memory_space<vmem>>
      %dma_start3A_727 = arith.constant 0 : i32
      %dma_start3A_728 = tpu.memref_slice %arg5[%add3A_715, %dma_start3A_727] : memref<1024x320xi32, #tpu.memory_space<hbm>> -> memref<1x320xi32, #tpu.memory_space<hbm>>
      tpu.enqueue_dma source(%dma_start3A_728 : memref<1x320xi32, #tpu.memory_space<hbm>>) target(%dma_start3A_726 : memref<1x320xi32, #tpu.memory_space<vmem>>) target_semaphore(%arg19 : memref<!tpu.dma_semaphore, #tpu.memory_space<semaphore_mem>>)
      %add3A_729 = arith.constant 1 : i32
      %add3A_730 = arith.addi %add3A_702, %add3A_729 : i32
      %mul3A_731 = arith.constant 1 : i32
      %mul3A_732 = arith.muli %add3A_730, %mul3A_731 : i32
      %add3A_733 = arith.addi %mul3A_2, %mul3A_732 : i32
      %dma_start3A_734 = arith.constant 1 : i32
      %dma_start3A_735 = arith.constant 0 : i32
      %dma_start3A_736 = arith.constant 0 : i32
      %dma_start3A_737 = tpu.memref_slice %arg13[%dma_start3A_734, %dma_start3A_735, %dma_start3A_736] : memref<2x1x320xi32, #tpu.memory_space<vmem>> -> memref<1x1x320xi32, #tpu.memory_space<vmem>>
      %dma_start3A_738 = tpu.memref_squeeze %dma_start3A_737 : memref<1x1x320xi32, #tpu.memory_space<vmem>> -> memref<1x320xi32, #tpu.memory_space<vmem>>
      %dma_start3A_739 = arith.constant 0 : i32
      %dma_start3A_740 = tpu.memref_slice %arg4[%add3A_733, %dma_start3A_739] : memref<1024x320xi32, #tpu.memory_space<hbm>> -> memref<1x320xi32, #tpu.memory_space<hbm>>
      %dma_start3A_741 = arith.constant 0 : i32
      %dma_start3A_742 = arith.constant 0 : i32
      %dma_start3A_743 = tpu.memref_slice %arg13[%dma_start3A_734, %dma_start3A_741, %dma_start3A_742] : memref<2x1x320xi32, #tpu.memory_space<vmem>> -> memref<1x1x320xi32, #tpu.memory_space<vmem>>
      %dma_start3A_744 = tpu.memref_squeeze %dma_start3A_743 : memref<1x1x320xi32, #tpu.memory_space<vmem>> -> memref<1x320xi32, #tpu.memory_space<vmem>>
      %dma_start3A_745 = arith.constant 0 : i32
      %dma_start3A_746 = tpu.memref_slice %arg4[%add3A_733, %dma_start3A_745] : memref<1024x320xi32, #tpu.memory_space<hbm>> -> memref<1x320xi32, #tpu.memory_space<hbm>>
      tpu.enqueue_dma source(%dma_start3A_746 : memref<1x320xi32, #tpu.memory_space<hbm>>) target(%dma_start3A_744 : memref<1x320xi32, #tpu.memory_space<vmem>>) target_semaphore(%arg19 : memref<!tpu.dma_semaphore, #tpu.memory_space<semaphore_mem>>)
      %dma_wait3A_747 = arith.constant 0 : i32
      %dma_wait3A_748 = arith.constant 0 : i32
      %dma_wait3A_749 = arith.constant 0 : i32
      %dma_wait3A_750 = tpu.memref_slice %arg12[%dma_wait3A_747, %dma_wait3A_748, %dma_wait3A_749] : memref<2x1x320xi32, #tpu.memory_space<vmem>> -> memref<1x1x320xi32, #tpu.memory_space<vmem>>
      %dma_wait3A_751 = tpu.memref_squeeze %dma_wait3A_750 : memref<1x1x320xi32, #tpu.memory_space<vmem>> -> memref<320xi32, #tpu.memory_space<vmem>>
      %dma_wait3A_752 = arith.constant 0 : i32
      %dma_wait3A_753 = arith.constant 0 : i32
      %dma_wait3A_754 = tpu.memref_slice %arg3[%dma_wait3A_752, %dma_wait3A_753] : memref<5120x128xf32, #tpu.memory_space<hbm>> -> memref<5120x128xf32, #tpu.memory_space<hbm>>
      tpu.wait_indirect_dma semaphore(%arg17 : memref<!tpu.dma_semaphore, #tpu.memory_space<semaphore_mem>>) src(%dma_wait3A_754 : memref<5120x128xf32, #tpu.memory_space<hbm>>) dst(%arg14 : memref<320x128xf32, #tpu.memory_space<vmem>>)
      %dma_start3A_755 = arith.constant 0 : i32
      %dma_start3A_756 = arith.constant 0 : i32
      %dma_start3A_757 = arith.constant 0 : i32
      %dma_start3A_758 = tpu.memref_slice %arg13[%dma_start3A_755, %dma_start3A_756, %dma_start3A_757] : memref<2x1x320xi32, #tpu.memory_space<vmem>> -> memref<1x1x320xi32, #tpu.memory_space<vmem>>
      %dma_start3A_759 = tpu.memref_squeeze %dma_start3A_758 : memref<1x1x320xi32, #tpu.memory_space<vmem>> -> memref<320xi32, #tpu.memory_space<vmem>>
      %dma_start3A_760 = arith.constant 0 : i32
      %dma_start3A_761 = arith.constant 0 : i32
      %dma_start3A_762 = tpu.memref_slice %arg16[%dma_start3A_760, %dma_start3A_761] : memref<5120x128xf32, #tpu.memory_space<vmem_shared>> -> memref<5120x128xf32, #tpu.memory_space<vmem_shared>>
      tpu.enqueue_indirect_dma source(%arg14 : memref<320x128xf32, #tpu.memory_space<vmem>>) target(%dma_start3A_762 : memref<5120x128xf32, #tpu.memory_space<vmem_shared>>) offsets(%dma_start3A_759 : memref<320xi32, #tpu.memory_space<vmem>>) semaphore(%arg18 : memref<!tpu.dma_semaphore, #tpu.memory_space<semaphore_mem>>) {add = true}
      %add3A_763 = arith.constant 1 : i32
      %add3A_764 = arith.addi %add3A_702, %add3A_763 : i32
      %mul3A_765 = arith.constant 1 : i32
      %mul3A_766 = arith.muli %add3A_764, %mul3A_765 : i32
      %add3A_767 = arith.addi %mul3A_2, %mul3A_766 : i32
      %dma_wait3A_768 = arith.constant 1 : i32
      %dma_wait3A_769 = arith.constant 0 : i32
      %dma_wait3A_770 = arith.constant 0 : i32
      %dma_wait3A_771 = tpu.memref_slice %arg12[%dma_wait3A_768, %dma_wait3A_769, %dma_wait3A_770] : memref<2x1x320xi32, #tpu.memory_space<vmem>> -> memref<1x1x320xi32, #tpu.memory_space<vmem>>
      %dma_wait3A_772 = tpu.memref_squeeze %dma_wait3A_771 : memref<1x1x320xi32, #tpu.memory_space<vmem>> -> memref<1x320xi32, #tpu.memory_space<vmem>>
      %dma_wait3A_773 = arith.constant 0 : i32
      %dma_wait3A_774 = tpu.memref_slice %arg5[%add3A_767, %dma_wait3A_773] : memref<1024x320xi32, #tpu.memory_space<hbm>> -> memref<1x320xi32, #tpu.memory_space<hbm>>
      %dma_wait3A_775 = arith.constant 0 : i32
      %dma_wait3A_776 = arith.constant 0 : i32
      %dma_wait3A_777 = tpu.memref_slice %arg12[%dma_wait3A_768, %dma_wait3A_775, %dma_wait3A_776] : memref<2x1x320xi32, #tpu.memory_space<vmem>> -> memref<1x1x320xi32, #tpu.memory_space<vmem>>
      %dma_wait3A_778 = tpu.memref_squeeze %dma_wait3A_777 : memref<1x1x320xi32, #tpu.memory_space<vmem>> -> memref<1x320xi32, #tpu.memory_space<vmem>>
      %dma_wait3A_779 = arith.constant 0 : i32
      %dma_wait3A_780 = tpu.memref_slice %arg5[%add3A_767, %dma_wait3A_779] : memref<1024x320xi32, #tpu.memory_space<hbm>> -> memref<1x320xi32, #tpu.memory_space<hbm>>
      tpu.wait_dma2 semaphore(%arg19 : memref<!tpu.dma_semaphore, #tpu.memory_space<semaphore_mem>>) src(%dma_wait3A_780 : memref<1x320xi32, #tpu.memory_space<hbm>>) dst(%dma_wait3A_778 : memref<1x320xi32, #tpu.memory_space<vmem>>)
      %add3A_781 = arith.constant 1 : i32
      %add3A_782 = arith.addi %add3A_702, %add3A_781 : i32
      %mul3A_783 = arith.constant 1 : i32
      %mul3A_784 = arith.muli %add3A_782, %mul3A_783 : i32
      %add3A_785 = arith.addi %mul3A_2, %mul3A_784 : i32
      %dma_wait3A_786 = arith.constant 1 : i32
      %dma_wait3A_787 = arith.constant 0 : i32
      %dma_wait3A_788 = arith.constant 0 : i32
      %dma_wait3A_789 = tpu.memref_slice %arg13[%dma_wait3A_786, %dma_wait3A_787, %dma_wait3A_788] : memref<2x1x320xi32, #tpu.memory_space<vmem>> -> memref<1x1x320xi32, #tpu.memory_space<vmem>>
      %dma_wait3A_790 = tpu.memref_squeeze %dma_wait3A_789 : memref<1x1x320xi32, #tpu.memory_space<vmem>> -> memref<1x320xi32, #tpu.memory_space<vmem>>
      %dma_wait3A_791 = arith.constant 0 : i32
      %dma_wait3A_792 = tpu.memref_slice %arg4[%add3A_785, %dma_wait3A_791] : memref<1024x320xi32, #tpu.memory_space<hbm>> -> memref<1x320xi32, #tpu.memory_space<hbm>>
      %dma_wait3A_793 = arith.constant 0 : i32
      %dma_wait3A_794 = arith.constant 0 : i32
      %dma_wait3A_795 = tpu.memref_slice %arg13[%dma_wait3A_786, %dma_wait3A_793, %dma_wait3A_794] : memref<2x1x320xi32, #tpu.memory_space<vmem>> -> memref<1x1x320xi32, #tpu.memory_space<vmem>>
      %dma_wait3A_796 = tpu.memref_squeeze %dma_wait3A_795 : memref<1x1x320xi32, #tpu.memory_space<vmem>> -> memref<1x320xi32, #tpu.memory_space<vmem>>
      %dma_wait3A_797 = arith.constant 0 : i32
      %dma_wait3A_798 = tpu.memref_slice %arg4[%add3A_785, %dma_wait3A_797] : memref<1024x320xi32, #tpu.memory_space<hbm>> -> memref<1x320xi32, #tpu.memory_space<hbm>>
      tpu.wait_dma2 semaphore(%arg19 : memref<!tpu.dma_semaphore, #tpu.memory_space<semaphore_mem>>) src(%dma_wait3A_798 : memref<1x320xi32, #tpu.memory_space<hbm>>) dst(%dma_wait3A_796 : memref<1x320xi32, #tpu.memory_space<vmem>>)
      %dma_start3A_799 = arith.constant 1 : i32
      %dma_start3A_800 = arith.constant 0 : i32
      %dma_start3A_801 = arith.constant 0 : i32
      %dma_start3A_802 = tpu.memref_slice %arg12[%dma_start3A_799, %dma_start3A_800, %dma_start3A_801] : memref<2x1x320xi32, #tpu.memory_space<vmem>> -> memref<1x1x320xi32, #tpu.memory_space<vmem>>
      %dma_start3A_803 = tpu.memref_squeeze %dma_start3A_802 : memref<1x1x320xi32, #tpu.memory_space<vmem>> -> memref<320xi32, #tpu.memory_space<vmem>>
      %dma_start3A_804 = arith.constant 0 : i32
      %dma_start3A_805 = arith.constant 0 : i32
      %dma_start3A_806 = tpu.memref_slice %arg3[%dma_start3A_804, %dma_start3A_805] : memref<5120x128xf32, #tpu.memory_space<hbm>> -> memref<5120x128xf32, #tpu.memory_space<hbm>>
      tpu.enqueue_indirect_dma source(%dma_start3A_806 : memref<5120x128xf32, #tpu.memory_space<hbm>>) target(%arg15 : memref<320x128xf32, #tpu.memory_space<vmem>>) offsets(%dma_start3A_803 : memref<320xi32, #tpu.memory_space<vmem>>) semaphore(%arg17 : memref<!tpu.dma_semaphore, #tpu.memory_space<semaphore_mem>>)
    }
    %scan3A_356 = arith.constant 15 : i32
    %dma_wait3A_357 = arith.constant 0 : i32
    %dma_wait3A_358 = arith.constant 0 : i32
    %dma_wait3A_359 = arith.constant 0 : i32
    %dma_wait3A_360 = tpu.memref_slice %arg13[%dma_wait3A_357, %dma_wait3A_358, %dma_wait3A_359] : memref<2x1x320xi32, #tpu.memory_space<vmem>> -> memref<1x1x320xi32, #tpu.memory_space<vmem>>
    %dma_wait3A_361 = tpu.memref_squeeze %dma_wait3A_360 : memref<1x1x320xi32, #tpu.memory_space<vmem>> -> memref<320xi32, #tpu.memory_space<vmem>>
    %dma_wait3A_362 = arith.constant 0 : i32
    %dma_wait3A_363 = arith.constant 0 : i32
    %dma_wait3A_364 = tpu.memref_slice %arg16[%dma_wait3A_362, %dma_wait3A_363] : memref<5120x128xf32, #tpu.memory_space<vmem_shared>> -> memref<5120x128xf32, #tpu.memory_space<vmem_shared>>
    tpu.wait_indirect_dma semaphore(%arg18 : memref<!tpu.dma_semaphore, #tpu.memory_space<semaphore_mem>>) src(%arg14 : memref<320x128xf32, #tpu.memory_space<vmem>>) dst(%dma_wait3A_364 : memref<5120x128xf32, #tpu.memory_space<vmem_shared>>)
    %dma_wait3A_365 = arith.constant 1 : i32
    %dma_wait3A_366 = arith.constant 0 : i32
    %dma_wait3A_367 = arith.constant 0 : i32
    %dma_wait3A_368 = tpu.memref_slice %arg12[%dma_wait3A_365, %dma_wait3A_366, %dma_wait3A_367] : memref<2x1x320xi32, #tpu.memory_space<vmem>> -> memref<1x1x320xi32, #tpu.memory_space<vmem>>
    %dma_wait3A_369 = tpu.memref_squeeze %dma_wait3A_368 : memref<1x1x320xi32, #tpu.memory_space<vmem>> -> memref<320xi32, #tpu.memory_space<vmem>>
    %dma_wait3A_370 = arith.constant 0 : i32
    %dma_wait3A_371 = arith.constant 0 : i32
    %dma_wait3A_372 = tpu.memref_slice %arg3[%dma_wait3A_370, %dma_wait3A_371] : memref<5120x128xf32, #tpu.memory_space<hbm>> -> memref<5120x128xf32, #tpu.memory_space<hbm>>
    tpu.wait_indirect_dma semaphore(%arg17 : memref<!tpu.dma_semaphore, #tpu.memory_space<semaphore_mem>>) src(%dma_wait3A_372 : memref<5120x128xf32, #tpu.memory_space<hbm>>) dst(%arg15 : memref<320x128xf32, #tpu.memory_space<vmem>>)
    %dma_start3A_373 = arith.constant 1 : i32
    %dma_start3A_374 = arith.constant 0 : i32
    %dma_start3A_375 = arith.constant 0 : i32
    %dma_start3A_376 = tpu.memref_slice %arg13[%dma_start3A_373, %dma_start3A_374, %dma_start3A_375] : memref<2x1x320xi32, #tpu.memory_space<vmem>> -> memref<1x1x320xi32, #tpu.memory_space<vmem>>
    %dma_start3A_377 = tpu.memref_squeeze %dma_start3A_376 : memref<1x1x320xi32, #tpu.memory_space<vmem>> -> memref<320xi32, #tpu.memory_space<vmem>>
    %dma_start3A_378 = arith.constant 0 : i32
    %dma_start3A_379 = arith.constant 0 : i32
    %dma_start3A_380 = tpu.memref_slice %arg16[%dma_start3A_378, %dma_start3A_379] : memref<5120x128xf32, #tpu.memory_space<vmem_shared>> -> memref<5120x128xf32, #tpu.memory_space<vmem_shared>>
    tpu.enqueue_indirect_dma source(%arg15 : memref<320x128xf32, #tpu.memory_space<vmem>>) target(%dma_start3A_380 : memref<5120x128xf32, #tpu.memory_space<vmem_shared>>) offsets(%dma_start3A_377 : memref<320xi32, #tpu.memory_space<vmem>>) semaphore(%arg18 : memref<!tpu.dma_semaphore, #tpu.memory_space<semaphore_mem>>) {add = true}
    %dma_wait3A_381 = arith.constant 1 : i32
    %dma_wait3A_382 = arith.constant 0 : i32
    %dma_wait3A_383 = arith.constant 0 : i32
    %dma_wait3A_384 = tpu.memref_slice %arg13[%dma_wait3A_381, %dma_wait3A_382, %dma_wait3A_383] : memref<2x1x320xi32, #tpu.memory_space<vmem>> -> memref<1x1x320xi32, #tpu.memory_space<vmem>>
    %dma_wait3A_385 = tpu.memref_squeeze %dma_wait3A_384 : memref<1x1x320xi32, #tpu.memory_space<vmem>> -> memref<320xi32, #tpu.memory_space<vmem>>
    %dma_wait3A_386 = arith.constant 0 : i32
    %dma_wait3A_387 = arith.constant 0 : i32
    %dma_wait3A_388 = tpu.memref_slice %arg16[%dma_wait3A_386, %dma_wait3A_387] : memref<5120x128xf32, #tpu.memory_space<vmem_shared>> -> memref<5120x128xf32, #tpu.memory_space<vmem_shared>>
    tpu.wait_indirect_dma semaphore(%arg18 : memref<!tpu.dma_semaphore, #tpu.memory_space<semaphore_mem>>) src(%arg15 : memref<320x128xf32, #tpu.memory_space<vmem>>) dst(%dma_wait3A_388 : memref<5120x128xf32, #tpu.memory_space<vmem_shared>>)
    %barrier3A_389 = arith.constant 0 : index
    tpu.barrier barrier_id(%barrier3A_389)
    "tpu.region"() ({
      %run_scoped3A = tpu.sem_alloc : memref<!tpu.dma_semaphore, #tpu.memory_space<semaphore_mem>>
      %dma_start3A_590 = arith.constant 0 : i32
      %dma_start3A_591 = tpu.memref_slice %arg9[%add3A_9, %dma_start3A_590] : memref<10240x128xf32, #tpu.memory_space<hbm>> -> memref<320x128xf32, #tpu.memory_space<hbm>>
      %dma_start3A_592 = arith.constant 0 : i32
      %dma_start3A_593 = tpu.memref_slice %arg16[%mul3A_4, %dma_start3A_592] : memref<5120x128xf32, #tpu.memory_space<vmem_shared>> -> memref<320x128xf32, #tpu.memory_space<vmem_shared>>
      tpu.enqueue_dma source(%dma_start3A_593 : memref<320x128xf32, #tpu.memory_space<vmem_shared>>) target(%dma_start3A_591 : memref<320x128xf32, #tpu.memory_space<hbm>>) target_semaphore(%run_scoped3A : memref<!tpu.dma_semaphore, #tpu.memory_space<semaphore_mem>>)
      %dma_wait3A_594 = arith.constant 0 : i32
      %dma_wait3A_595 = tpu.memref_slice %arg9[%add3A_9, %dma_wait3A_594] : memref<10240x128xf32, #tpu.memory_space<hbm>> -> memref<320x128xf32, #tpu.memory_space<hbm>>
      %dma_wait3A_596 = arith.constant 0 : i32
      %dma_wait3A_597 = tpu.memref_slice %arg16[%mul3A_4, %dma_wait3A_596] : memref<5120x128xf32, #tpu.memory_space<vmem_shared>> -> memref<320x128xf32, #tpu.memory_space<vmem_shared>>
      tpu.wait_dma2 semaphore(%run_scoped3A : memref<!tpu.dma_semaphore, #tpu.memory_space<semaphore_mem>>) src(%dma_wait3A_597 : memref<320x128xf32, #tpu.memory_space<vmem_shared>>) dst(%dma_wait3A_595 : memref<320x128xf32, #tpu.memory_space<hbm>>)
      tpu.yield
    }) : () -> ()
    "tpu.region"() ({
      %run_scoped3A = tpu.sem_alloc : memref<!tpu.dma_semaphore, #tpu.memory_space<semaphore_mem>>
      tpu.enqueue_dma source(%arg7 : memref<320x128xf32, #tpu.memory_space<hbm>>) target(%arg14 : memref<320x128xf32, #tpu.memory_space<vmem>>) target_semaphore(%run_scoped3A : memref<!tpu.dma_semaphore, #tpu.memory_space<semaphore_mem>>)
      tpu.wait_dma2 semaphore(%run_scoped3A : memref<!tpu.dma_semaphore, #tpu.memory_space<semaphore_mem>>) src(%arg7 : memref<320x128xf32, #tpu.memory_space<hbm>>) dst(%arg14 : memref<320x128xf32, #tpu.memory_space<vmem>>)
      tpu.yield
    }) : () -> ()
    "tpu.region"() ({
      %run_scoped3A = tpu.sem_alloc : memref<!tpu.dma_semaphore, #tpu.memory_space<semaphore_mem>>
      %dma_start3A_590 = arith.constant 0 : i32
      %dma_start3A_591 = tpu.memref_slice %arg16[%mul3A_4, %dma_start3A_590] : memref<5120x128xf32, #tpu.memory_space<vmem_shared>> -> memref<320x128xf32, #tpu.memory_space<vmem_shared>>
      %dma_start3A_592 = arith.constant 0 : i32
      %dma_start3A_593 = tpu.memref_slice %arg6[%mul3A_4, %dma_start3A_592] : memref<5120x128xf32, #tpu.memory_space<hbm>> -> memref<320x128xf32, #tpu.memory_space<hbm>>
      tpu.enqueue_dma source(%dma_start3A_593 : memref<320x128xf32, #tpu.memory_space<hbm>>) target(%dma_start3A_591 : memref<320x128xf32, #tpu.memory_space<vmem_shared>>) target_semaphore(%run_scoped3A : memref<!tpu.dma_semaphore, #tpu.memory_space<semaphore_mem>>)
      %dma_wait3A_594 = arith.constant 0 : i32
      %dma_wait3A_595 = tpu.memref_slice %arg16[%mul3A_4, %dma_wait3A_594] : memref<5120x128xf32, #tpu.memory_space<vmem_shared>> -> memref<320x128xf32, #tpu.memory_space<vmem_shared>>
      %dma_wait3A_596 = arith.constant 0 : i32
      %dma_wait3A_597 = tpu.memref_slice %arg6[%mul3A_4, %dma_wait3A_596] : memref<5120x128xf32, #tpu.memory_space<hbm>> -> memref<320x128xf32, #tpu.memory_space<hbm>>
      tpu.wait_dma2 semaphore(%run_scoped3A : memref<!tpu.dma_semaphore, #tpu.memory_space<semaphore_mem>>) src(%dma_wait3A_597 : memref<320x128xf32, #tpu.memory_space<hbm>>) dst(%dma_wait3A_595 : memref<320x128xf32, #tpu.memory_space<vmem_shared>>)
      tpu.yield
    }) : () -> ()
    %barrier3A_390 = arith.constant 0 : index
    tpu.barrier barrier_id(%barrier3A_390)
    %add3A_391 = arith.constant 0 : i32
    %add3A_392 = arith.addi %mul3A_2, %add3A_391 : i32
    %dma_start3A_393 = arith.constant 0 : i32
    %dma_start3A_394 = arith.constant 0 : i32
    %dma_start3A_395 = arith.constant 0 : i32
    %dma_start3A_396 = tpu.memref_slice %arg13[%dma_start3A_393, %dma_start3A_394, %dma_start3A_395] : memref<2x1x320xi32, #tpu.memory_space<vmem>> -> memref<1x1x320xi32, #tpu.memory_space<vmem>>
    %dma_start3A_397 = tpu.memref_squeeze %dma_start3A_396 : memref<1x1x320xi32, #tpu.memory_space<vmem>> -> memref<1x320xi32, #tpu.memory_space<vmem>>
    %dma_start3A_398 = arith.constant 0 : i32
    %dma_start3A_399 = tpu.memref_slice %arg5[%add3A_392, %dma_start3A_398] : memref<1024x320xi32, #tpu.memory_space<hbm>> -> memref<1x320xi32, #tpu.memory_space<hbm>>
    %dma_start3A_400 = arith.constant 0 : i32
    %dma_start3A_401 = arith.constant 0 : i32
    %dma_start3A_402 = tpu.memref_slice %arg13[%dma_start3A_393, %dma_start3A_400, %dma_start3A_401] : memref<2x1x320xi32, #tpu.memory_space<vmem>> -> memref<1x1x320xi32, #tpu.memory_space<vmem>>
    %dma_start3A_403 = tpu.memref_squeeze %dma_start3A_402 : memref<1x1x320xi32, #tpu.memory_space<vmem>> -> memref<1x320xi32, #tpu.memory_space<vmem>>
    %dma_start3A_404 = arith.constant 0 : i32
    %dma_start3A_405 = tpu.memref_slice %arg5[%add3A_392, %dma_start3A_404] : memref<1024x320xi32, #tpu.memory_space<hbm>> -> memref<1x320xi32, #tpu.memory_space<hbm>>
    tpu.enqueue_dma source(%dma_start3A_405 : memref<1x320xi32, #tpu.memory_space<hbm>>) target(%dma_start3A_403 : memref<1x320xi32, #tpu.memory_space<vmem>>) target_semaphore(%arg19 : memref<!tpu.dma_semaphore, #tpu.memory_space<semaphore_mem>>)
    %add3A_406 = arith.constant 0 : i32
    %add3A_407 = arith.addi %mul3A_2, %add3A_406 : i32
    %dma_wait3A_408 = arith.constant 0 : i32
    %dma_wait3A_409 = arith.constant 0 : i32
    %dma_wait3A_410 = arith.constant 0 : i32
    %dma_wait3A_411 = tpu.memref_slice %arg13[%dma_wait3A_408, %dma_wait3A_409, %dma_wait3A_410] : memref<2x1x320xi32, #tpu.memory_space<vmem>> -> memref<1x1x320xi32, #tpu.memory_space<vmem>>
    %dma_wait3A_412 = tpu.memref_squeeze %dma_wait3A_411 : memref<1x1x320xi32, #tpu.memory_space<vmem>> -> memref<1x320xi32, #tpu.memory_space<vmem>>
    %dma_wait3A_413 = arith.constant 0 : i32
    %dma_wait3A_414 = tpu.memref_slice %arg5[%add3A_407, %dma_wait3A_413] : memref<1024x320xi32, #tpu.memory_space<hbm>> -> memref<1x320xi32, #tpu.memory_space<hbm>>
    %dma_wait3A_415 = arith.constant 0 : i32
    %dma_wait3A_416 = arith.constant 0 : i32
    %dma_wait3A_417 = tpu.memref_slice %arg13[%dma_wait3A_408, %dma_wait3A_415, %dma_wait3A_416] : memref<2x1x320xi32, #tpu.memory_space<vmem>> -> memref<1x1x320xi32, #tpu.memory_space<vmem>>
    %dma_wait3A_418 = tpu.memref_squeeze %dma_wait3A_417 : memref<1x1x320xi32, #tpu.memory_space<vmem>> -> memref<1x320xi32, #tpu.memory_space<vmem>>
    %dma_wait3A_419 = arith.constant 0 : i32
    %dma_wait3A_420 = tpu.memref_slice %arg5[%add3A_407, %dma_wait3A_419] : memref<1024x320xi32, #tpu.memory_space<hbm>> -> memref<1x320xi32, #tpu.memory_space<hbm>>
    tpu.wait_dma2 semaphore(%arg19 : memref<!tpu.dma_semaphore, #tpu.memory_space<semaphore_mem>>) src(%dma_wait3A_420 : memref<1x320xi32, #tpu.memory_space<hbm>>) dst(%dma_wait3A_418 : memref<1x320xi32, #tpu.memory_space<vmem>>)
    %add3A_421 = arith.constant 1 : i32
    %add3A_422 = arith.addi %mul3A_2, %add3A_421 : i32
    %dma_start3A_423 = arith.constant 1 : i32
    %dma_start3A_424 = arith.constant 0 : i32
    %dma_start3A_425 = arith.constant 0 : i32
    %dma_start3A_426 = tpu.memref_slice %arg13[%dma_start3A_423, %dma_start3A_424, %dma_start3A_425] : memref<2x1x320xi32, #tpu.memory_space<vmem>> -> memref<1x1x320xi32, #tpu.memory_space<vmem>>
    %dma_start3A_427 = tpu.memref_squeeze %dma_start3A_426 : memref<1x1x320xi32, #tpu.memory_space<vmem>> -> memref<1x320xi32, #tpu.memory_space<vmem>>
    %dma_start3A_428 = arith.constant 0 : i32
    %dma_start3A_429 = tpu.memref_slice %arg5[%add3A_422, %dma_start3A_428] : memref<1024x320xi32, #tpu.memory_space<hbm>> -> memref<1x320xi32, #tpu.memory_space<hbm>>
    %dma_start3A_430 = arith.constant 0 : i32
    %dma_start3A_431 = arith.constant 0 : i32
    %dma_start3A_432 = tpu.memref_slice %arg13[%dma_start3A_423, %dma_start3A_430, %dma_start3A_431] : memref<2x1x320xi32, #tpu.memory_space<vmem>> -> memref<1x1x320xi32, #tpu.memory_space<vmem>>
    %dma_start3A_433 = tpu.memref_squeeze %dma_start3A_432 : memref<1x1x320xi32, #tpu.memory_space<vmem>> -> memref<1x320xi32, #tpu.memory_space<vmem>>
    %dma_start3A_434 = arith.constant 0 : i32
    %dma_start3A_435 = tpu.memref_slice %arg5[%add3A_422, %dma_start3A_434] : memref<1024x320xi32, #tpu.memory_space<hbm>> -> memref<1x320xi32, #tpu.memory_space<hbm>>
    tpu.enqueue_dma source(%dma_start3A_435 : memref<1x320xi32, #tpu.memory_space<hbm>>) target(%dma_start3A_433 : memref<1x320xi32, #tpu.memory_space<vmem>>) target_semaphore(%arg19 : memref<!tpu.dma_semaphore, #tpu.memory_space<semaphore_mem>>)
    %dma_start3A_436 = arith.constant 0 : i32
    %dma_start3A_437 = arith.constant 0 : i32
    %dma_start3A_438 = arith.constant 0 : i32
    %dma_start3A_439 = tpu.memref_slice %arg13[%dma_start3A_436, %dma_start3A_437, %dma_start3A_438] : memref<2x1x320xi32, #tpu.memory_space<vmem>> -> memref<1x1x320xi32, #tpu.memory_space<vmem>>
    %dma_start3A_440 = tpu.memref_squeeze %dma_start3A_439 : memref<1x1x320xi32, #tpu.memory_space<vmem>> -> memref<320xi32, #tpu.memory_space<vmem>>
    %dma_start3A_441 = arith.constant 0 : i32
    %dma_start3A_442 = arith.constant 0 : i32
    %dma_start3A_443 = tpu.memref_slice %arg16[%dma_start3A_441, %dma_start3A_442] : memref<5120x128xf32, #tpu.memory_space<vmem_shared>> -> memref<5120x128xf32, #tpu.memory_space<vmem_shared>>
    tpu.enqueue_indirect_dma source(%arg14 : memref<320x128xf32, #tpu.memory_space<vmem>>) target(%dma_start3A_443 : memref<5120x128xf32, #tpu.memory_space<vmem_shared>>) offsets(%dma_start3A_440 : memref<320xi32, #tpu.memory_space<vmem>>) semaphore(%arg18 : memref<!tpu.dma_semaphore, #tpu.memory_space<semaphore_mem>>) {add = true}
    %add3A_444 = arith.constant 1 : i32
    %add3A_445 = arith.addi %mul3A_2, %add3A_444 : i32
    %dma_wait3A_446 = arith.constant 1 : i32
    %dma_wait3A_447 = arith.constant 0 : i32
    %dma_wait3A_448 = arith.constant 0 : i32
    %dma_wait3A_449 = tpu.memref_slice %arg13[%dma_wait3A_446, %dma_wait3A_447, %dma_wait3A_448] : memref<2x1x320xi32, #tpu.memory_space<vmem>> -> memref<1x1x320xi32, #tpu.memory_space<vmem>>
    %dma_wait3A_450 = tpu.memref_squeeze %dma_wait3A_449 : memref<1x1x320xi32, #tpu.memory_space<vmem>> -> memref<1x320xi32, #tpu.memory_space<vmem>>
    %dma_wait3A_451 = arith.constant 0 : i32
    %dma_wait3A_452 = tpu.memref_slice %arg5[%add3A_445, %dma_wait3A_451] : memref<1024x320xi32, #tpu.memory_space<hbm>> -> memref<1x320xi32, #tpu.memory_space<hbm>>
    %dma_wait3A_453 = arith.constant 0 : i32
    %dma_wait3A_454 = arith.constant 0 : i32
    %dma_wait3A_455 = tpu.memref_slice %arg13[%dma_wait3A_446, %dma_wait3A_453, %dma_wait3A_454] : memref<2x1x320xi32, #tpu.memory_space<vmem>> -> memref<1x1x320xi32, #tpu.memory_space<vmem>>
    %dma_wait3A_456 = tpu.memref_squeeze %dma_wait3A_455 : memref<1x1x320xi32, #tpu.memory_space<vmem>> -> memref<1x320xi32, #tpu.memory_space<vmem>>
    %dma_wait3A_457 = arith.constant 0 : i32
    %dma_wait3A_458 = tpu.memref_slice %arg5[%add3A_445, %dma_wait3A_457] : memref<1024x320xi32, #tpu.memory_space<hbm>> -> memref<1x320xi32, #tpu.memory_space<hbm>>
    tpu.wait_dma2 semaphore(%arg19 : memref<!tpu.dma_semaphore, #tpu.memory_space<semaphore_mem>>) src(%dma_wait3A_458 : memref<1x320xi32, #tpu.memory_space<hbm>>) dst(%dma_wait3A_456 : memref<1x320xi32, #tpu.memory_space<vmem>>)
    %scan3A_459 = arith.constant 0 : i32
    %scan3A_460 = arith.constant 0 : i32
    %scan3A_461 = arith.constant 15 : i32
    %scan3A_462 = arith.addi %scan3A_460, %scan3A_461 : i32
    %scan3A_463 = arith.constant 1 : i32
    scf.for %scan3A_590 = %scan3A_460 to %scan3A_462 step %scan3A_463  : i32 {
      %mul3A_591 = arith.constant 2 : i32
      %mul3A_592 = arith.muli %mul3A_591, %scan3A_590 : i32
      %add3A_593 = arith.constant 1 : i32
      %add3A_594 = arith.addi %mul3A_592, %add3A_593 : i32
      %dma_wait3A_595 = arith.constant 0 : i32
      %dma_wait3A_596 = arith.constant 0 : i32
      %dma_wait3A_597 = arith.constant 0 : i32
      %dma_wait3A_598 = tpu.memref_slice %arg13[%dma_wait3A_595, %dma_wait3A_596, %dma_wait3A_597] : memref<2x1x320xi32, #tpu.memory_space<vmem>> -> memref<1x1x320xi32, #tpu.memory_space<vmem>>
      %dma_wait3A_599 = tpu.memref_squeeze %dma_wait3A_598 : memref<1x1x320xi32, #tpu.memory_space<vmem>> -> memref<320xi32, #tpu.memory_space<vmem>>
      %dma_wait3A_600 = arith.constant 0 : i32
      %dma_wait3A_601 = arith.constant 0 : i32
      %dma_wait3A_602 = tpu.memref_slice %arg16[%dma_wait3A_600, %dma_wait3A_601] : memref<5120x128xf32, #tpu.memory_space<vmem_shared>> -> memref<5120x128xf32, #tpu.memory_space<vmem_shared>>
      tpu.wait_indirect_dma semaphore(%arg18 : memref<!tpu.dma_semaphore, #tpu.memory_space<semaphore_mem>>) src(%arg14 : memref<320x128xf32, #tpu.memory_space<vmem>>) dst(%dma_wait3A_602 : memref<5120x128xf32, #tpu.memory_space<vmem_shared>>)
      %add3A_603 = arith.constant 1 : i32
      %add3A_604 = arith.addi %add3A_594, %add3A_603 : i32
      %mul3A_605 = arith.constant 1 : i32
      %mul3A_606 = arith.muli %add3A_604, %mul3A_605 : i32
      %add3A_607 = arith.addi %mul3A_2, %mul3A_606 : i32
      %dma_start3A_608 = arith.constant 0 : i32
      %dma_start3A_609 = arith.constant 0 : i32
      %dma_start3A_610 = arith.constant 0 : i32
      %dma_start3A_611 = tpu.memref_slice %arg13[%dma_start3A_608, %dma_start3A_609, %dma_start3A_610] : memref<2x1x320xi32, #tpu.memory_space<vmem>> -> memref<1x1x320xi32, #tpu.memory_space<vmem>>
      %dma_start3A_612 = tpu.memref_squeeze %dma_start3A_611 : memref<1x1x320xi32, #tpu.memory_space<vmem>> -> memref<1x320xi32, #tpu.memory_space<vmem>>
      %dma_start3A_613 = arith.constant 0 : i32
      %dma_start3A_614 = tpu.memref_slice %arg5[%add3A_607, %dma_start3A_613] : memref<1024x320xi32, #tpu.memory_space<hbm>> -> memref<1x320xi32, #tpu.memory_space<hbm>>
      %dma_start3A_615 = arith.constant 0 : i32
      %dma_start3A_616 = arith.constant 0 : i32
      %dma_start3A_617 = tpu.memref_slice %arg13[%dma_start3A_608, %dma_start3A_615, %dma_start3A_616] : memref<2x1x320xi32, #tpu.memory_space<vmem>> -> memref<1x1x320xi32, #tpu.memory_space<vmem>>
      %dma_start3A_618 = tpu.memref_squeeze %dma_start3A_617 : memref<1x1x320xi32, #tpu.memory_space<vmem>> -> memref<1x320xi32, #tpu.memory_space<vmem>>
      %dma_start3A_619 = arith.constant 0 : i32
      %dma_start3A_620 = tpu.memref_slice %arg5[%add3A_607, %dma_start3A_619] : memref<1024x320xi32, #tpu.memory_space<hbm>> -> memref<1x320xi32, #tpu.memory_space<hbm>>
      tpu.enqueue_dma source(%dma_start3A_620 : memref<1x320xi32, #tpu.memory_space<hbm>>) target(%dma_start3A_618 : memref<1x320xi32, #tpu.memory_space<vmem>>) target_semaphore(%arg19 : memref<!tpu.dma_semaphore, #tpu.memory_space<semaphore_mem>>)
      %dma_start3A_621 = arith.constant 1 : i32
      %dma_start3A_622 = arith.constant 0 : i32
      %dma_start3A_623 = arith.constant 0 : i32
      %dma_start3A_624 = tpu.memref_slice %arg13[%dma_start3A_621, %dma_start3A_622, %dma_start3A_623] : memref<2x1x320xi32, #tpu.memory_space<vmem>> -> memref<1x1x320xi32, #tpu.memory_space<vmem>>
      %dma_start3A_625 = tpu.memref_squeeze %dma_start3A_624 : memref<1x1x320xi32, #tpu.memory_space<vmem>> -> memref<320xi32, #tpu.memory_space<vmem>>
      %dma_start3A_626 = arith.constant 0 : i32
      %dma_start3A_627 = arith.constant 0 : i32
      %dma_start3A_628 = tpu.memref_slice %arg16[%dma_start3A_626, %dma_start3A_627] : memref<5120x128xf32, #tpu.memory_space<vmem_shared>> -> memref<5120x128xf32, #tpu.memory_space<vmem_shared>>
      tpu.enqueue_indirect_dma source(%arg14 : memref<320x128xf32, #tpu.memory_space<vmem>>) target(%dma_start3A_628 : memref<5120x128xf32, #tpu.memory_space<vmem_shared>>) offsets(%dma_start3A_625 : memref<320xi32, #tpu.memory_space<vmem>>) semaphore(%arg18 : memref<!tpu.dma_semaphore, #tpu.memory_space<semaphore_mem>>) {add = true}
      %add3A_629 = arith.constant 1 : i32
      %add3A_630 = arith.addi %add3A_594, %add3A_629 : i32
      %mul3A_631 = arith.constant 1 : i32
      %mul3A_632 = arith.muli %add3A_630, %mul3A_631 : i32
      %add3A_633 = arith.addi %mul3A_2, %mul3A_632 : i32
      %dma_wait3A_634 = arith.constant 0 : i32
      %dma_wait3A_635 = arith.constant 0 : i32
      %dma_wait3A_636 = arith.constant 0 : i32
      %dma_wait3A_637 = tpu.memref_slice %arg13[%dma_wait3A_634, %dma_wait3A_635, %dma_wait3A_636] : memref<2x1x320xi32, #tpu.memory_space<vmem>> -> memref<1x1x320xi32, #tpu.memory_space<vmem>>
      %dma_wait3A_638 = tpu.memref_squeeze %dma_wait3A_637 : memref<1x1x320xi32, #tpu.memory_space<vmem>> -> memref<1x320xi32, #tpu.memory_space<vmem>>
      %dma_wait3A_639 = arith.constant 0 : i32
      %dma_wait3A_640 = tpu.memref_slice %arg5[%add3A_633, %dma_wait3A_639] : memref<1024x320xi32, #tpu.memory_space<hbm>> -> memref<1x320xi32, #tpu.memory_space<hbm>>
      %dma_wait3A_641 = arith.constant 0 : i32
      %dma_wait3A_642 = arith.constant 0 : i32
      %dma_wait3A_643 = tpu.memref_slice %arg13[%dma_wait3A_634, %dma_wait3A_641, %dma_wait3A_642] : memref<2x1x320xi32, #tpu.memory_space<vmem>> -> memref<1x1x320xi32, #tpu.memory_space<vmem>>
      %dma_wait3A_644 = tpu.memref_squeeze %dma_wait3A_643 : memref<1x1x320xi32, #tpu.memory_space<vmem>> -> memref<1x320xi32, #tpu.memory_space<vmem>>
      %dma_wait3A_645 = arith.constant 0 : i32
      %dma_wait3A_646 = tpu.memref_slice %arg5[%add3A_633, %dma_wait3A_645] : memref<1024x320xi32, #tpu.memory_space<hbm>> -> memref<1x320xi32, #tpu.memory_space<hbm>>
      tpu.wait_dma2 semaphore(%arg19 : memref<!tpu.dma_semaphore, #tpu.memory_space<semaphore_mem>>) src(%dma_wait3A_646 : memref<1x320xi32, #tpu.memory_space<hbm>>) dst(%dma_wait3A_644 : memref<1x320xi32, #tpu.memory_space<vmem>>)
      %mul3A_647 = arith.constant 2 : i32
      %mul3A_648 = arith.muli %mul3A_647, %scan3A_590 : i32
      %add3A_649 = arith.constant 2 : i32
      %add3A_650 = arith.addi %mul3A_648, %add3A_649 : i32
      %dma_wait3A_651 = arith.constant 1 : i32
      %dma_wait3A_652 = arith.constant 0 : i32
      %dma_wait3A_653 = arith.constant 0 : i32
      %dma_wait3A_654 = tpu.memref_slice %arg13[%dma_wait3A_651, %dma_wait3A_652, %dma_wait3A_653] : memref<2x1x320xi32, #tpu.memory_space<vmem>> -> memref<1x1x320xi32, #tpu.memory_space<vmem>>
      %dma_wait3A_655 = tpu.memref_squeeze %dma_wait3A_654 : memref<1x1x320xi32, #tpu.memory_space<vmem>> -> memref<320xi32, #tpu.memory_space<vmem>>
      %dma_wait3A_656 = arith.constant 0 : i32
      %dma_wait3A_657 = arith.constant 0 : i32
      %dma_wait3A_658 = tpu.memref_slice %arg16[%dma_wait3A_656, %dma_wait3A_657] : memref<5120x128xf32, #tpu.memory_space<vmem_shared>> -> memref<5120x128xf32, #tpu.memory_space<vmem_shared>>
      tpu.wait_indirect_dma semaphore(%arg18 : memref<!tpu.dma_semaphore, #tpu.memory_space<semaphore_mem>>) src(%arg14 : memref<320x128xf32, #tpu.memory_space<vmem>>) dst(%dma_wait3A_658 : memref<5120x128xf32, #tpu.memory_space<vmem_shared>>)
      %add3A_659 = arith.constant 1 : i32
      %add3A_660 = arith.addi %add3A_650, %add3A_659 : i32
      %mul3A_661 = arith.constant 1 : i32
      %mul3A_662 = arith.muli %add3A_660, %mul3A_661 : i32
      %add3A_663 = arith.addi %mul3A_2, %mul3A_662 : i32
      %dma_start3A_664 = arith.constant 1 : i32
      %dma_start3A_665 = arith.constant 0 : i32
      %dma_start3A_666 = arith.constant 0 : i32
      %dma_start3A_667 = tpu.memref_slice %arg13[%dma_start3A_664, %dma_start3A_665, %dma_start3A_666] : memref<2x1x320xi32, #tpu.memory_space<vmem>> -> memref<1x1x320xi32, #tpu.memory_space<vmem>>
      %dma_start3A_668 = tpu.memref_squeeze %dma_start3A_667 : memref<1x1x320xi32, #tpu.memory_space<vmem>> -> memref<1x320xi32, #tpu.memory_space<vmem>>
      %dma_start3A_669 = arith.constant 0 : i32
      %dma_start3A_670 = tpu.memref_slice %arg5[%add3A_663, %dma_start3A_669] : memref<1024x320xi32, #tpu.memory_space<hbm>> -> memref<1x320xi32, #tpu.memory_space<hbm>>
      %dma_start3A_671 = arith.constant 0 : i32
      %dma_start3A_672 = arith.constant 0 : i32
      %dma_start3A_673 = tpu.memref_slice %arg13[%dma_start3A_664, %dma_start3A_671, %dma_start3A_672] : memref<2x1x320xi32, #tpu.memory_space<vmem>> -> memref<1x1x320xi32, #tpu.memory_space<vmem>>
      %dma_start3A_674 = tpu.memref_squeeze %dma_start3A_673 : memref<1x1x320xi32, #tpu.memory_space<vmem>> -> memref<1x320xi32, #tpu.memory_space<vmem>>
      %dma_start3A_675 = arith.constant 0 : i32
      %dma_start3A_676 = tpu.memref_slice %arg5[%add3A_663, %dma_start3A_675] : memref<1024x320xi32, #tpu.memory_space<hbm>> -> memref<1x320xi32, #tpu.memory_space<hbm>>
      tpu.enqueue_dma source(%dma_start3A_676 : memref<1x320xi32, #tpu.memory_space<hbm>>) target(%dma_start3A_674 : memref<1x320xi32, #tpu.memory_space<vmem>>) target_semaphore(%arg19 : memref<!tpu.dma_semaphore, #tpu.memory_space<semaphore_mem>>)
      %dma_start3A_677 = arith.constant 0 : i32
      %dma_start3A_678 = arith.constant 0 : i32
      %dma_start3A_679 = arith.constant 0 : i32
      %dma_start3A_680 = tpu.memref_slice %arg13[%dma_start3A_677, %dma_start3A_678, %dma_start3A_679] : memref<2x1x320xi32, #tpu.memory_space<vmem>> -> memref<1x1x320xi32, #tpu.memory_space<vmem>>
      %dma_start3A_681 = tpu.memref_squeeze %dma_start3A_680 : memref<1x1x320xi32, #tpu.memory_space<vmem>> -> memref<320xi32, #tpu.memory_space<vmem>>
      %dma_start3A_682 = arith.constant 0 : i32
      %dma_start3A_683 = arith.constant 0 : i32
      %dma_start3A_684 = tpu.memref_slice %arg16[%dma_start3A_682, %dma_start3A_683] : memref<5120x128xf32, #tpu.memory_space<vmem_shared>> -> memref<5120x128xf32, #tpu.memory_space<vmem_shared>>
      tpu.enqueue_indirect_dma source(%arg14 : memref<320x128xf32, #tpu.memory_space<vmem>>) target(%dma_start3A_684 : memref<5120x128xf32, #tpu.memory_space<vmem_shared>>) offsets(%dma_start3A_681 : memref<320xi32, #tpu.memory_space<vmem>>) semaphore(%arg18 : memref<!tpu.dma_semaphore, #tpu.memory_space<semaphore_mem>>) {add = true}
      %add3A_685 = arith.constant 1 : i32
      %add3A_686 = arith.addi %add3A_650, %add3A_685 : i32
      %mul3A_687 = arith.constant 1 : i32
      %mul3A_688 = arith.muli %add3A_686, %mul3A_687 : i32
      %add3A_689 = arith.addi %mul3A_2, %mul3A_688 : i32
      %dma_wait3A_690 = arith.constant 1 : i32
      %dma_wait3A_691 = arith.constant 0 : i32
      %dma_wait3A_692 = arith.constant 0 : i32
      %dma_wait3A_693 = tpu.memref_slice %arg13[%dma_wait3A_690, %dma_wait3A_691, %dma_wait3A_692] : memref<2x1x320xi32, #tpu.memory_space<vmem>> -> memref<1x1x320xi32, #tpu.memory_space<vmem>>
      %dma_wait3A_694 = tpu.memref_squeeze %dma_wait3A_693 : memref<1x1x320xi32, #tpu.memory_space<vmem>> -> memref<1x320xi32, #tpu.memory_space<vmem>>
      %dma_wait3A_695 = arith.constant 0 : i32
      %dma_wait3A_696 = tpu.memref_slice %arg5[%add3A_689, %dma_wait3A_695] : memref<1024x320xi32, #tpu.memory_space<hbm>> -> memref<1x320xi32, #tpu.memory_space<hbm>>
      %dma_wait3A_697 = arith.constant 0 : i32
      %dma_wait3A_698 = arith.constant 0 : i32
      %dma_wait3A_699 = tpu.memref_slice %arg13[%dma_wait3A_690, %dma_wait3A_697, %dma_wait3A_698] : memref<2x1x320xi32, #tpu.memory_space<vmem>> -> memref<1x1x320xi32, #tpu.memory_space<vmem>>
      %dma_wait3A_700 = tpu.memref_squeeze %dma_wait3A_699 : memref<1x1x320xi32, #tpu.memory_space<vmem>> -> memref<1x320xi32, #tpu.memory_space<vmem>>
      %dma_wait3A_701 = arith.constant 0 : i32
      %dma_wait3A_702 = tpu.memref_slice %arg5[%add3A_689, %dma_wait3A_701] : memref<1024x320xi32, #tpu.memory_space<hbm>> -> memref<1x320xi32, #tpu.memory_space<hbm>>
      tpu.wait_dma2 semaphore(%arg19 : memref<!tpu.dma_semaphore, #tpu.memory_space<semaphore_mem>>) src(%dma_wait3A_702 : memref<1x320xi32, #tpu.memory_space<hbm>>) dst(%dma_wait3A_700 : memref<1x320xi32, #tpu.memory_space<vmem>>)
    }
    %scan3A_464 = arith.constant 15 : i32
    %dma_wait3A_465 = arith.constant 0 : i32
    %dma_wait3A_466 = arith.constant 0 : i32
    %dma_wait3A_467 = arith.constant 0 : i32
    %dma_wait3A_468 = tpu.memref_slice %arg13[%dma_wait3A_465, %dma_wait3A_466, %dma_wait3A_467] : memref<2x1x320xi32, #tpu.memory_space<vmem>> -> memref<1x1x320xi32, #tpu.memory_space<vmem>>
    %dma_wait3A_469 = tpu.memref_squeeze %dma_wait3A_468 : memref<1x1x320xi32, #tpu.memory_space<vmem>> -> memref<320xi32, #tpu.memory_space<vmem>>
    %dma_wait3A_470 = arith.constant 0 : i32
    %dma_wait3A_471 = arith.constant 0 : i32
    %dma_wait3A_472 = tpu.memref_slice %arg16[%dma_wait3A_470, %dma_wait3A_471] : memref<5120x128xf32, #tpu.memory_space<vmem_shared>> -> memref<5120x128xf32, #tpu.memory_space<vmem_shared>>
    tpu.wait_indirect_dma semaphore(%arg18 : memref<!tpu.dma_semaphore, #tpu.memory_space<semaphore_mem>>) src(%arg14 : memref<320x128xf32, #tpu.memory_space<vmem>>) dst(%dma_wait3A_472 : memref<5120x128xf32, #tpu.memory_space<vmem_shared>>)
    %dma_start3A_473 = arith.constant 1 : i32
    %dma_start3A_474 = arith.constant 0 : i32
    %dma_start3A_475 = arith.constant 0 : i32
    %dma_start3A_476 = tpu.memref_slice %arg13[%dma_start3A_473, %dma_start3A_474, %dma_start3A_475] : memref<2x1x320xi32, #tpu.memory_space<vmem>> -> memref<1x1x320xi32, #tpu.memory_space<vmem>>
    %dma_start3A_477 = tpu.memref_squeeze %dma_start3A_476 : memref<1x1x320xi32, #tpu.memory_space<vmem>> -> memref<320xi32, #tpu.memory_space<vmem>>
    %dma_start3A_478 = arith.constant 0 : i32
    %dma_start3A_479 = arith.constant 0 : i32
    %dma_start3A_480 = tpu.memref_slice %arg16[%dma_start3A_478, %dma_start3A_479] : memref<5120x128xf32, #tpu.memory_space<vmem_shared>> -> memref<5120x128xf32, #tpu.memory_space<vmem_shared>>
    tpu.enqueue_indirect_dma source(%arg14 : memref<320x128xf32, #tpu.memory_space<vmem>>) target(%dma_start3A_480 : memref<5120x128xf32, #tpu.memory_space<vmem_shared>>) offsets(%dma_start3A_477 : memref<320xi32, #tpu.memory_space<vmem>>) semaphore(%arg18 : memref<!tpu.dma_semaphore, #tpu.memory_space<semaphore_mem>>) {add = true}
    %dma_wait3A_481 = arith.constant 1 : i32
    %dma_wait3A_482 = arith.constant 0 : i32
    %dma_wait3A_483 = arith.constant 0 : i32
    %dma_wait3A_484 = tpu.memref_slice %arg13[%dma_wait3A_481, %dma_wait3A_482, %dma_wait3A_483] : memref<2x1x320xi32, #tpu.memory_space<vmem>> -> memref<1x1x320xi32, #tpu.memory_space<vmem>>
    %dma_wait3A_485 = tpu.memref_squeeze %dma_wait3A_484 : memref<1x1x320xi32, #tpu.memory_space<vmem>> -> memref<320xi32, #tpu.memory_space<vmem>>
    %dma_wait3A_486 = arith.constant 0 : i32
    %dma_wait3A_487 = arith.constant 0 : i32
    %dma_wait3A_488 = tpu.memref_slice %arg16[%dma_wait3A_486, %dma_wait3A_487] : memref<5120x128xf32, #tpu.memory_space<vmem_shared>> -> memref<5120x128xf32, #tpu.memory_space<vmem_shared>>
    tpu.wait_indirect_dma semaphore(%arg18 : memref<!tpu.dma_semaphore, #tpu.memory_space<semaphore_mem>>) src(%arg14 : memref<320x128xf32, #tpu.memory_space<vmem>>) dst(%dma_wait3A_488 : memref<5120x128xf32, #tpu.memory_space<vmem_shared>>)
    %barrier3A_489 = arith.constant 0 : index
    tpu.barrier barrier_id(%barrier3A_489)
    "tpu.region"() ({
      %run_scoped3A = tpu.sem_alloc : memref<!tpu.dma_semaphore, #tpu.memory_space<semaphore_mem>>
      %dma_start3A_590 = arith.constant 0 : i32
      %dma_start3A_591 = tpu.memref_slice %arg10[%add3A_9, %dma_start3A_590] : memref<10240x128xf32, #tpu.memory_space<hbm>> -> memref<320x128xf32, #tpu.memory_space<hbm>>
      %dma_start3A_592 = arith.constant 0 : i32
      %dma_start3A_593 = tpu.memref_slice %arg16[%mul3A_4, %dma_start3A_592] : memref<5120x128xf32, #tpu.memory_space<vmem_shared>> -> memref<320x128xf32, #tpu.memory_space<vmem_shared>>
      tpu.enqueue_dma source(%dma_start3A_593 : memref<320x128xf32, #tpu.memory_space<vmem_shared>>) target(%dma_start3A_591 : memref<320x128xf32, #tpu.memory_space<hbm>>) target_semaphore(%run_scoped3A : memref<!tpu.dma_semaphore, #tpu.memory_space<semaphore_mem>>)
      %dma_wait3A_594 = arith.constant 0 : i32
      %dma_wait3A_595 = tpu.memref_slice %arg10[%add3A_9, %dma_wait3A_594] : memref<10240x128xf32, #tpu.memory_space<hbm>> -> memref<320x128xf32, #tpu.memory_space<hbm>>
      %dma_wait3A_596 = arith.constant 0 : i32
      %dma_wait3A_597 = tpu.memref_slice %arg16[%mul3A_4, %dma_wait3A_596] : memref<5120x128xf32, #tpu.memory_space<vmem_shared>> -> memref<320x128xf32, #tpu.memory_space<vmem_shared>>
      tpu.wait_dma2 semaphore(%run_scoped3A : memref<!tpu.dma_semaphore, #tpu.memory_space<semaphore_mem>>) src(%dma_wait3A_597 : memref<320x128xf32, #tpu.memory_space<vmem_shared>>) dst(%dma_wait3A_595 : memref<320x128xf32, #tpu.memory_space<hbm>>)
      tpu.yield
    }) : () -> ()
    "tpu.region"() ({
      %run_scoped3A = tpu.sem_alloc : memref<!tpu.dma_semaphore, #tpu.memory_space<semaphore_mem>>
      %dma_start3A_590 = arith.constant 0 : i32
      %dma_start3A_591 = tpu.memref_slice %arg16[%mul3A_4, %dma_start3A_590] : memref<5120x128xf32, #tpu.memory_space<vmem_shared>> -> memref<320x128xf32, #tpu.memory_space<vmem_shared>>
      %dma_start3A_592 = arith.constant 0 : i32
      %dma_start3A_593 = tpu.memref_slice %arg6[%mul3A_4, %dma_start3A_592] : memref<5120x128xf32, #tpu.memory_space<hbm>> -> memref<320x128xf32, #tpu.memory_space<hbm>>
      tpu.enqueue_dma source(%dma_start3A_593 : memref<320x128xf32, #tpu.memory_space<hbm>>) target(%dma_start3A_591 : memref<320x128xf32, #tpu.memory_space<vmem_shared>>) target_semaphore(%run_scoped3A : memref<!tpu.dma_semaphore, #tpu.memory_space<semaphore_mem>>)
      %dma_wait3A_594 = arith.constant 0 : i32
      %dma_wait3A_595 = tpu.memref_slice %arg16[%mul3A_4, %dma_wait3A_594] : memref<5120x128xf32, #tpu.memory_space<vmem_shared>> -> memref<320x128xf32, #tpu.memory_space<vmem_shared>>
      %dma_wait3A_596 = arith.constant 0 : i32
      %dma_wait3A_597 = tpu.memref_slice %arg6[%mul3A_4, %dma_wait3A_596] : memref<5120x128xf32, #tpu.memory_space<hbm>> -> memref<320x128xf32, #tpu.memory_space<hbm>>
      tpu.wait_dma2 semaphore(%run_scoped3A : memref<!tpu.dma_semaphore, #tpu.memory_space<semaphore_mem>>) src(%dma_wait3A_597 : memref<320x128xf32, #tpu.memory_space<hbm>>) dst(%dma_wait3A_595 : memref<320x128xf32, #tpu.memory_space<vmem_shared>>)
      tpu.yield
    }) : () -> ()
    %barrier3A_490 = arith.constant 0 : index
    tpu.barrier barrier_id(%barrier3A_490)
    %add3A_491 = arith.constant 0 : i32
    %add3A_492 = arith.addi %mul3A_2, %add3A_491 : i32
    %dma_start3A_493 = arith.constant 0 : i32
    %dma_start3A_494 = arith.constant 0 : i32
    %dma_start3A_495 = arith.constant 0 : i32
    %dma_start3A_496 = tpu.memref_slice %arg13[%dma_start3A_493, %dma_start3A_494, %dma_start3A_495] : memref<2x1x320xi32, #tpu.memory_space<vmem>> -> memref<1x1x320xi32, #tpu.memory_space<vmem>>
    %dma_start3A_497 = tpu.memref_squeeze %dma_start3A_496 : memref<1x1x320xi32, #tpu.memory_space<vmem>> -> memref<1x320xi32, #tpu.memory_space<vmem>>
    %dma_start3A_498 = arith.constant 0 : i32
    %dma_start3A_499 = tpu.memref_slice %arg4[%add3A_492, %dma_start3A_498] : memref<1024x320xi32, #tpu.memory_space<hbm>> -> memref<1x320xi32, #tpu.memory_space<hbm>>
    %dma_start3A_500 = arith.constant 0 : i32
    %dma_start3A_501 = arith.constant 0 : i32
    %dma_start3A_502 = tpu.memref_slice %arg13[%dma_start3A_493, %dma_start3A_500, %dma_start3A_501] : memref<2x1x320xi32, #tpu.memory_space<vmem>> -> memref<1x1x320xi32, #tpu.memory_space<vmem>>
    %dma_start3A_503 = tpu.memref_squeeze %dma_start3A_502 : memref<1x1x320xi32, #tpu.memory_space<vmem>> -> memref<1x320xi32, #tpu.memory_space<vmem>>
    %dma_start3A_504 = arith.constant 0 : i32
    %dma_start3A_505 = tpu.memref_slice %arg4[%add3A_492, %dma_start3A_504] : memref<1024x320xi32, #tpu.memory_space<hbm>> -> memref<1x320xi32, #tpu.memory_space<hbm>>
    tpu.enqueue_dma source(%dma_start3A_505 : memref<1x320xi32, #tpu.memory_space<hbm>>) target(%dma_start3A_503 : memref<1x320xi32, #tpu.memory_space<vmem>>) target_semaphore(%arg19 : memref<!tpu.dma_semaphore, #tpu.memory_space<semaphore_mem>>)
    %add3A_506 = arith.constant 0 : i32
    %add3A_507 = arith.addi %mul3A_2, %add3A_506 : i32
    %dma_wait3A_508 = arith.constant 0 : i32
    %dma_wait3A_509 = arith.constant 0 : i32
    %dma_wait3A_510 = arith.constant 0 : i32
    %dma_wait3A_511 = tpu.memref_slice %arg13[%dma_wait3A_508, %dma_wait3A_509, %dma_wait3A_510] : memref<2x1x320xi32, #tpu.memory_space<vmem>> -> memref<1x1x320xi32, #tpu.memory_space<vmem>>
    %dma_wait3A_512 = tpu.memref_squeeze %dma_wait3A_511 : memref<1x1x320xi32, #tpu.memory_space<vmem>> -> memref<1x320xi32, #tpu.memory_space<vmem>>
    %dma_wait3A_513 = arith.constant 0 : i32
    %dma_wait3A_514 = tpu.memref_slice %arg4[%add3A_507, %dma_wait3A_513] : memref<1024x320xi32, #tpu.memory_space<hbm>> -> memref<1x320xi32, #tpu.memory_space<hbm>>
    %dma_wait3A_515 = arith.constant 0 : i32
    %dma_wait3A_516 = arith.constant 0 : i32
    %dma_wait3A_517 = tpu.memref_slice %arg13[%dma_wait3A_508, %dma_wait3A_515, %dma_wait3A_516] : memref<2x1x320xi32, #tpu.memory_space<vmem>> -> memref<1x1x320xi32, #tpu.memory_space<vmem>>
    %dma_wait3A_518 = tpu.memref_squeeze %dma_wait3A_517 : memref<1x1x320xi32, #tpu.memory_space<vmem>> -> memref<1x320xi32, #tpu.memory_space<vmem>>
    %dma_wait3A_519 = arith.constant 0 : i32
    %dma_wait3A_520 = tpu.memref_slice %arg4[%add3A_507, %dma_wait3A_519] : memref<1024x320xi32, #tpu.memory_space<hbm>> -> memref<1x320xi32, #tpu.memory_space<hbm>>
    tpu.wait_dma2 semaphore(%arg19 : memref<!tpu.dma_semaphore, #tpu.memory_space<semaphore_mem>>) src(%dma_wait3A_520 : memref<1x320xi32, #tpu.memory_space<hbm>>) dst(%dma_wait3A_518 : memref<1x320xi32, #tpu.memory_space<vmem>>)
    %add3A_521 = arith.constant 1 : i32
    %add3A_522 = arith.addi %mul3A_2, %add3A_521 : i32
    %dma_start3A_523 = arith.constant 1 : i32
    %dma_start3A_524 = arith.constant 0 : i32
    %dma_start3A_525 = arith.constant 0 : i32
    %dma_start3A_526 = tpu.memref_slice %arg13[%dma_start3A_523, %dma_start3A_524, %dma_start3A_525] : memref<2x1x320xi32, #tpu.memory_space<vmem>> -> memref<1x1x320xi32, #tpu.memory_space<vmem>>
    %dma_start3A_527 = tpu.memref_squeeze %dma_start3A_526 : memref<1x1x320xi32, #tpu.memory_space<vmem>> -> memref<1x320xi32, #tpu.memory_space<vmem>>
    %dma_start3A_528 = arith.constant 0 : i32
    %dma_start3A_529 = tpu.memref_slice %arg4[%add3A_522, %dma_start3A_528] : memref<1024x320xi32, #tpu.memory_space<hbm>> -> memref<1x320xi32, #tpu.memory_space<hbm>>
    %dma_start3A_530 = arith.constant 0 : i32
    %dma_start3A_531 = arith.constant 0 : i32
    %dma_start3A_532 = tpu.memref_slice %arg13[%dma_start3A_523, %dma_start3A_530, %dma_start3A_531] : memref<2x1x320xi32, #tpu.memory_space<vmem>> -> memref<1x1x320xi32, #tpu.memory_space<vmem>>
    %dma_start3A_533 = tpu.memref_squeeze %dma_start3A_532 : memref<1x1x320xi32, #tpu.memory_space<vmem>> -> memref<1x320xi32, #tpu.memory_space<vmem>>
    %dma_start3A_534 = arith.constant 0 : i32
    %dma_start3A_535 = tpu.memref_slice %arg4[%add3A_522, %dma_start3A_534] : memref<1024x320xi32, #tpu.memory_space<hbm>> -> memref<1x320xi32, #tpu.memory_space<hbm>>
    tpu.enqueue_dma source(%dma_start3A_535 : memref<1x320xi32, #tpu.memory_space<hbm>>) target(%dma_start3A_533 : memref<1x320xi32, #tpu.memory_space<vmem>>) target_semaphore(%arg19 : memref<!tpu.dma_semaphore, #tpu.memory_space<semaphore_mem>>)
    %dma_start3A_536 = arith.constant 0 : i32
    %dma_start3A_537 = arith.constant 0 : i32
    %dma_start3A_538 = arith.constant 0 : i32
    %dma_start3A_539 = tpu.memref_slice %arg13[%dma_start3A_536, %dma_start3A_537, %dma_start3A_538] : memref<2x1x320xi32, #tpu.memory_space<vmem>> -> memref<1x1x320xi32, #tpu.memory_space<vmem>>
    %dma_start3A_540 = tpu.memref_squeeze %dma_start3A_539 : memref<1x1x320xi32, #tpu.memory_space<vmem>> -> memref<320xi32, #tpu.memory_space<vmem>>
    %dma_start3A_541 = arith.constant 0 : i32
    %dma_start3A_542 = arith.constant 0 : i32
    %dma_start3A_543 = tpu.memref_slice %arg16[%dma_start3A_541, %dma_start3A_542] : memref<5120x128xf32, #tpu.memory_space<vmem_shared>> -> memref<5120x128xf32, #tpu.memory_space<vmem_shared>>
    tpu.enqueue_indirect_dma source(%arg14 : memref<320x128xf32, #tpu.memory_space<vmem>>) target(%dma_start3A_543 : memref<5120x128xf32, #tpu.memory_space<vmem_shared>>) offsets(%dma_start3A_540 : memref<320xi32, #tpu.memory_space<vmem>>) semaphore(%arg18 : memref<!tpu.dma_semaphore, #tpu.memory_space<semaphore_mem>>) {add = true}
    %add3A_544 = arith.constant 1 : i32
    %add3A_545 = arith.addi %mul3A_2, %add3A_544 : i32
    %dma_wait3A_546 = arith.constant 1 : i32
    %dma_wait3A_547 = arith.constant 0 : i32
    %dma_wait3A_548 = arith.constant 0 : i32
    %dma_wait3A_549 = tpu.memref_slice %arg13[%dma_wait3A_546, %dma_wait3A_547, %dma_wait3A_548] : memref<2x1x320xi32, #tpu.memory_space<vmem>> -> memref<1x1x320xi32, #tpu.memory_space<vmem>>
    %dma_wait3A_550 = tpu.memref_squeeze %dma_wait3A_549 : memref<1x1x320xi32, #tpu.memory_space<vmem>> -> memref<1x320xi32, #tpu.memory_space<vmem>>
    %dma_wait3A_551 = arith.constant 0 : i32
    %dma_wait3A_552 = tpu.memref_slice %arg4[%add3A_545, %dma_wait3A_551] : memref<1024x320xi32, #tpu.memory_space<hbm>> -> memref<1x320xi32, #tpu.memory_space<hbm>>
    %dma_wait3A_553 = arith.constant 0 : i32
    %dma_wait3A_554 = arith.constant 0 : i32
    %dma_wait3A_555 = tpu.memref_slice %arg13[%dma_wait3A_546, %dma_wait3A_553, %dma_wait3A_554] : memref<2x1x320xi32, #tpu.memory_space<vmem>> -> memref<1x1x320xi32, #tpu.memory_space<vmem>>
    %dma_wait3A_556 = tpu.memref_squeeze %dma_wait3A_555 : memref<1x1x320xi32, #tpu.memory_space<vmem>> -> memref<1x320xi32, #tpu.memory_space<vmem>>
    %dma_wait3A_557 = arith.constant 0 : i32
    %dma_wait3A_558 = tpu.memref_slice %arg4[%add3A_545, %dma_wait3A_557] : memref<1024x320xi32, #tpu.memory_space<hbm>> -> memref<1x320xi32, #tpu.memory_space<hbm>>
    tpu.wait_dma2 semaphore(%arg19 : memref<!tpu.dma_semaphore, #tpu.memory_space<semaphore_mem>>) src(%dma_wait3A_558 : memref<1x320xi32, #tpu.memory_space<hbm>>) dst(%dma_wait3A_556 : memref<1x320xi32, #tpu.memory_space<vmem>>)
    %scan3A_559 = arith.constant 0 : i32
    %scan3A_560 = arith.constant 0 : i32
    %scan3A_561 = arith.constant 15 : i32
    %scan3A_562 = arith.addi %scan3A_560, %scan3A_561 : i32
    %scan3A_563 = arith.constant 1 : i32
    scf.for %scan3A_590 = %scan3A_560 to %scan3A_562 step %scan3A_563  : i32 {
      %mul3A_591 = arith.constant 2 : i32
      %mul3A_592 = arith.muli %mul3A_591, %scan3A_590 : i32
      %add3A_593 = arith.constant 1 : i32
      %add3A_594 = arith.addi %mul3A_592, %add3A_593 : i32
      %dma_wait3A_595 = arith.constant 0 : i32
      %dma_wait3A_596 = arith.constant 0 : i32
      %dma_wait3A_597 = arith.constant 0 : i32
      %dma_wait3A_598 = tpu.memref_slice %arg13[%dma_wait3A_595, %dma_wait3A_596, %dma_wait3A_597] : memref<2x1x320xi32, #tpu.memory_space<vmem>> -> memref<1x1x320xi32, #tpu.memory_space<vmem>>
      %dma_wait3A_599 = tpu.memref_squeeze %dma_wait3A_598 : memref<1x1x320xi32, #tpu.memory_space<vmem>> -> memref<320xi32, #tpu.memory_space<vmem>>
      %dma_wait3A_600 = arith.constant 0 : i32
      %dma_wait3A_601 = arith.constant 0 : i32
      %dma_wait3A_602 = tpu.memref_slice %arg16[%dma_wait3A_600, %dma_wait3A_601] : memref<5120x128xf32, #tpu.memory_space<vmem_shared>> -> memref<5120x128xf32, #tpu.memory_space<vmem_shared>>
      tpu.wait_indirect_dma semaphore(%arg18 : memref<!tpu.dma_semaphore, #tpu.memory_space<semaphore_mem>>) src(%arg14 : memref<320x128xf32, #tpu.memory_space<vmem>>) dst(%dma_wait3A_602 : memref<5120x128xf32, #tpu.memory_space<vmem_shared>>)
      %add3A_603 = arith.constant 1 : i32
      %add3A_604 = arith.addi %add3A_594, %add3A_603 : i32
      %mul3A_605 = arith.constant 1 : i32
      %mul3A_606 = arith.muli %add3A_604, %mul3A_605 : i32
      %add3A_607 = arith.addi %mul3A_2, %mul3A_606 : i32
      %dma_start3A_608 = arith.constant 0 : i32
      %dma_start3A_609 = arith.constant 0 : i32
      %dma_start3A_610 = arith.constant 0 : i32
      %dma_start3A_611 = tpu.memref_slice %arg13[%dma_start3A_608, %dma_start3A_609, %dma_start3A_610] : memref<2x1x320xi32, #tpu.memory_space<vmem>> -> memref<1x1x320xi32, #tpu.memory_space<vmem>>
      %dma_start3A_612 = tpu.memref_squeeze %dma_start3A_611 : memref<1x1x320xi32, #tpu.memory_space<vmem>> -> memref<1x320xi32, #tpu.memory_space<vmem>>
      %dma_start3A_613 = arith.constant 0 : i32
      %dma_start3A_614 = tpu.memref_slice %arg4[%add3A_607, %dma_start3A_613] : memref<1024x320xi32, #tpu.memory_space<hbm>> -> memref<1x320xi32, #tpu.memory_space<hbm>>
      %dma_start3A_615 = arith.constant 0 : i32
      %dma_start3A_616 = arith.constant 0 : i32
      %dma_start3A_617 = tpu.memref_slice %arg13[%dma_start3A_608, %dma_start3A_615, %dma_start3A_616] : memref<2x1x320xi32, #tpu.memory_space<vmem>> -> memref<1x1x320xi32, #tpu.memory_space<vmem>>
      %dma_start3A_618 = tpu.memref_squeeze %dma_start3A_617 : memref<1x1x320xi32, #tpu.memory_space<vmem>> -> memref<1x320xi32, #tpu.memory_space<vmem>>
      %dma_start3A_619 = arith.constant 0 : i32
      %dma_start3A_620 = tpu.memref_slice %arg4[%add3A_607, %dma_start3A_619] : memref<1024x320xi32, #tpu.memory_space<hbm>> -> memref<1x320xi32, #tpu.memory_space<hbm>>
      tpu.enqueue_dma source(%dma_start3A_620 : memref<1x320xi32, #tpu.memory_space<hbm>>) target(%dma_start3A_618 : memref<1x320xi32, #tpu.memory_space<vmem>>) target_semaphore(%arg19 : memref<!tpu.dma_semaphore, #tpu.memory_space<semaphore_mem>>)
      %dma_start3A_621 = arith.constant 1 : i32
      %dma_start3A_622 = arith.constant 0 : i32
      %dma_start3A_623 = arith.constant 0 : i32
      %dma_start3A_624 = tpu.memref_slice %arg13[%dma_start3A_621, %dma_start3A_622, %dma_start3A_623] : memref<2x1x320xi32, #tpu.memory_space<vmem>> -> memref<1x1x320xi32, #tpu.memory_space<vmem>>
      %dma_start3A_625 = tpu.memref_squeeze %dma_start3A_624 : memref<1x1x320xi32, #tpu.memory_space<vmem>> -> memref<320xi32, #tpu.memory_space<vmem>>
      %dma_start3A_626 = arith.constant 0 : i32
      %dma_start3A_627 = arith.constant 0 : i32
      %dma_start3A_628 = tpu.memref_slice %arg16[%dma_start3A_626, %dma_start3A_627] : memref<5120x128xf32, #tpu.memory_space<vmem_shared>> -> memref<5120x128xf32, #tpu.memory_space<vmem_shared>>
      tpu.enqueue_indirect_dma source(%arg14 : memref<320x128xf32, #tpu.memory_space<vmem>>) target(%dma_start3A_628 : memref<5120x128xf32, #tpu.memory_space<vmem_shared>>) offsets(%dma_start3A_625 : memref<320xi32, #tpu.memory_space<vmem>>) semaphore(%arg18 : memref<!tpu.dma_semaphore, #tpu.memory_space<semaphore_mem>>) {add = true}
      %add3A_629 = arith.constant 1 : i32
      %add3A_630 = arith.addi %add3A_594, %add3A_629 : i32
      %mul3A_631 = arith.constant 1 : i32
      %mul3A_632 = arith.muli %add3A_630, %mul3A_631 : i32
      %add3A_633 = arith.addi %mul3A_2, %mul3A_632 : i32
      %dma_wait3A_634 = arith.constant 0 : i32
      %dma_wait3A_635 = arith.constant 0 : i32
      %dma_wait3A_636 = arith.constant 0 : i32
      %dma_wait3A_637 = tpu.memref_slice %arg13[%dma_wait3A_634, %dma_wait3A_635, %dma_wait3A_636] : memref<2x1x320xi32, #tpu.memory_space<vmem>> -> memref<1x1x320xi32, #tpu.memory_space<vmem>>
      %dma_wait3A_638 = tpu.memref_squeeze %dma_wait3A_637 : memref<1x1x320xi32, #tpu.memory_space<vmem>> -> memref<1x320xi32, #tpu.memory_space<vmem>>
      %dma_wait3A_639 = arith.constant 0 : i32
      %dma_wait3A_640 = tpu.memref_slice %arg4[%add3A_633, %dma_wait3A_639] : memref<1024x320xi32, #tpu.memory_space<hbm>> -> memref<1x320xi32, #tpu.memory_space<hbm>>
      %dma_wait3A_641 = arith.constant 0 : i32
      %dma_wait3A_642 = arith.constant 0 : i32
      %dma_wait3A_643 = tpu.memref_slice %arg13[%dma_wait3A_634, %dma_wait3A_641, %dma_wait3A_642] : memref<2x1x320xi32, #tpu.memory_space<vmem>> -> memref<1x1x320xi32, #tpu.memory_space<vmem>>
      %dma_wait3A_644 = tpu.memref_squeeze %dma_wait3A_643 : memref<1x1x320xi32, #tpu.memory_space<vmem>> -> memref<1x320xi32, #tpu.memory_space<vmem>>
      %dma_wait3A_645 = arith.constant 0 : i32
      %dma_wait3A_646 = tpu.memref_slice %arg4[%add3A_633, %dma_wait3A_645] : memref<1024x320xi32, #tpu.memory_space<hbm>> -> memref<1x320xi32, #tpu.memory_space<hbm>>
      tpu.wait_dma2 semaphore(%arg19 : memref<!tpu.dma_semaphore, #tpu.memory_space<semaphore_mem>>) src(%dma_wait3A_646 : memref<1x320xi32, #tpu.memory_space<hbm>>) dst(%dma_wait3A_644 : memref<1x320xi32, #tpu.memory_space<vmem>>)
      %mul3A_647 = arith.constant 2 : i32
      %mul3A_648 = arith.muli %mul3A_647, %scan3A_590 : i32
      %add3A_649 = arith.constant 2 : i32
      %add3A_650 = arith.addi %mul3A_648, %add3A_649 : i32
      %dma_wait3A_651 = arith.constant 1 : i32
      %dma_wait3A_652 = arith.constant 0 : i32
      %dma_wait3A_653 = arith.constant 0 : i32
      %dma_wait3A_654 = tpu.memref_slice %arg13[%dma_wait3A_651, %dma_wait3A_652, %dma_wait3A_653] : memref<2x1x320xi32, #tpu.memory_space<vmem>> -> memref<1x1x320xi32, #tpu.memory_space<vmem>>
      %dma_wait3A_655 = tpu.memref_squeeze %dma_wait3A_654 : memref<1x1x320xi32, #tpu.memory_space<vmem>> -> memref<320xi32, #tpu.memory_space<vmem>>
      %dma_wait3A_656 = arith.constant 0 : i32
      %dma_wait3A_657 = arith.constant 0 : i32
      %dma_wait3A_658 = tpu.memref_slice %arg16[%dma_wait3A_656, %dma_wait3A_657] : memref<5120x128xf32, #tpu.memory_space<vmem_shared>> -> memref<5120x128xf32, #tpu.memory_space<vmem_shared>>
      tpu.wait_indirect_dma semaphore(%arg18 : memref<!tpu.dma_semaphore, #tpu.memory_space<semaphore_mem>>) src(%arg14 : memref<320x128xf32, #tpu.memory_space<vmem>>) dst(%dma_wait3A_658 : memref<5120x128xf32, #tpu.memory_space<vmem_shared>>)
      %add3A_659 = arith.constant 1 : i32
      %add3A_660 = arith.addi %add3A_650, %add3A_659 : i32
      %mul3A_661 = arith.constant 1 : i32
      %mul3A_662 = arith.muli %add3A_660, %mul3A_661 : i32
      %add3A_663 = arith.addi %mul3A_2, %mul3A_662 : i32
      %dma_start3A_664 = arith.constant 1 : i32
      %dma_start3A_665 = arith.constant 0 : i32
      %dma_start3A_666 = arith.constant 0 : i32
      %dma_start3A_667 = tpu.memref_slice %arg13[%dma_start3A_664, %dma_start3A_665, %dma_start3A_666] : memref<2x1x320xi32, #tpu.memory_space<vmem>> -> memref<1x1x320xi32, #tpu.memory_space<vmem>>
      %dma_start3A_668 = tpu.memref_squeeze %dma_start3A_667 : memref<1x1x320xi32, #tpu.memory_space<vmem>> -> memref<1x320xi32, #tpu.memory_space<vmem>>
      %dma_start3A_669 = arith.constant 0 : i32
      %dma_start3A_670 = tpu.memref_slice %arg4[%add3A_663, %dma_start3A_669] : memref<1024x320xi32, #tpu.memory_space<hbm>> -> memref<1x320xi32, #tpu.memory_space<hbm>>
      %dma_start3A_671 = arith.constant 0 : i32
      %dma_start3A_672 = arith.constant 0 : i32
      %dma_start3A_673 = tpu.memref_slice %arg13[%dma_start3A_664, %dma_start3A_671, %dma_start3A_672] : memref<2x1x320xi32, #tpu.memory_space<vmem>> -> memref<1x1x320xi32, #tpu.memory_space<vmem>>
      %dma_start3A_674 = tpu.memref_squeeze %dma_start3A_673 : memref<1x1x320xi32, #tpu.memory_space<vmem>> -> memref<1x320xi32, #tpu.memory_space<vmem>>
      %dma_start3A_675 = arith.constant 0 : i32
      %dma_start3A_676 = tpu.memref_slice %arg4[%add3A_663, %dma_start3A_675] : memref<1024x320xi32, #tpu.memory_space<hbm>> -> memref<1x320xi32, #tpu.memory_space<hbm>>
      tpu.enqueue_dma source(%dma_start3A_676 : memref<1x320xi32, #tpu.memory_space<hbm>>) target(%dma_start3A_674 : memref<1x320xi32, #tpu.memory_space<vmem>>) target_semaphore(%arg19 : memref<!tpu.dma_semaphore, #tpu.memory_space<semaphore_mem>>)
      %dma_start3A_677 = arith.constant 0 : i32
      %dma_start3A_678 = arith.constant 0 : i32
      %dma_start3A_679 = arith.constant 0 : i32
      %dma_start3A_680 = tpu.memref_slice %arg13[%dma_start3A_677, %dma_start3A_678, %dma_start3A_679] : memref<2x1x320xi32, #tpu.memory_space<vmem>> -> memref<1x1x320xi32, #tpu.memory_space<vmem>>
      %dma_start3A_681 = tpu.memref_squeeze %dma_start3A_680 : memref<1x1x320xi32, #tpu.memory_space<vmem>> -> memref<320xi32, #tpu.memory_space<vmem>>
      %dma_start3A_682 = arith.constant 0 : i32
      %dma_start3A_683 = arith.constant 0 : i32
      %dma_start3A_684 = tpu.memref_slice %arg16[%dma_start3A_682, %dma_start3A_683] : memref<5120x128xf32, #tpu.memory_space<vmem_shared>> -> memref<5120x128xf32, #tpu.memory_space<vmem_shared>>
      tpu.enqueue_indirect_dma source(%arg14 : memref<320x128xf32, #tpu.memory_space<vmem>>) target(%dma_start3A_684 : memref<5120x128xf32, #tpu.memory_space<vmem_shared>>) offsets(%dma_start3A_681 : memref<320xi32, #tpu.memory_space<vmem>>) semaphore(%arg18 : memref<!tpu.dma_semaphore, #tpu.memory_space<semaphore_mem>>) {add = true}
      %add3A_685 = arith.constant 1 : i32
      %add3A_686 = arith.addi %add3A_650, %add3A_685 : i32
      %mul3A_687 = arith.constant 1 : i32
      %mul3A_688 = arith.muli %add3A_686, %mul3A_687 : i32
      %add3A_689 = arith.addi %mul3A_2, %mul3A_688 : i32
      %dma_wait3A_690 = arith.constant 1 : i32
      %dma_wait3A_691 = arith.constant 0 : i32
      %dma_wait3A_692 = arith.constant 0 : i32
      %dma_wait3A_693 = tpu.memref_slice %arg13[%dma_wait3A_690, %dma_wait3A_691, %dma_wait3A_692] : memref<2x1x320xi32, #tpu.memory_space<vmem>> -> memref<1x1x320xi32, #tpu.memory_space<vmem>>
      %dma_wait3A_694 = tpu.memref_squeeze %dma_wait3A_693 : memref<1x1x320xi32, #tpu.memory_space<vmem>> -> memref<1x320xi32, #tpu.memory_space<vmem>>
      %dma_wait3A_695 = arith.constant 0 : i32
      %dma_wait3A_696 = tpu.memref_slice %arg4[%add3A_689, %dma_wait3A_695] : memref<1024x320xi32, #tpu.memory_space<hbm>> -> memref<1x320xi32, #tpu.memory_space<hbm>>
      %dma_wait3A_697 = arith.constant 0 : i32
      %dma_wait3A_698 = arith.constant 0 : i32
      %dma_wait3A_699 = tpu.memref_slice %arg13[%dma_wait3A_690, %dma_wait3A_697, %dma_wait3A_698] : memref<2x1x320xi32, #tpu.memory_space<vmem>> -> memref<1x1x320xi32, #tpu.memory_space<vmem>>
      %dma_wait3A_700 = tpu.memref_squeeze %dma_wait3A_699 : memref<1x1x320xi32, #tpu.memory_space<vmem>> -> memref<1x320xi32, #tpu.memory_space<vmem>>
      %dma_wait3A_701 = arith.constant 0 : i32
      %dma_wait3A_702 = tpu.memref_slice %arg4[%add3A_689, %dma_wait3A_701] : memref<1024x320xi32, #tpu.memory_space<hbm>> -> memref<1x320xi32, #tpu.memory_space<hbm>>
      tpu.wait_dma2 semaphore(%arg19 : memref<!tpu.dma_semaphore, #tpu.memory_space<semaphore_mem>>) src(%dma_wait3A_702 : memref<1x320xi32, #tpu.memory_space<hbm>>) dst(%dma_wait3A_700 : memref<1x320xi32, #tpu.memory_space<vmem>>)
    }
    %scan3A_564 = arith.constant 15 : i32
    %dma_wait3A_565 = arith.constant 0 : i32
    %dma_wait3A_566 = arith.constant 0 : i32
    %dma_wait3A_567 = arith.constant 0 : i32
    %dma_wait3A_568 = tpu.memref_slice %arg13[%dma_wait3A_565, %dma_wait3A_566, %dma_wait3A_567] : memref<2x1x320xi32, #tpu.memory_space<vmem>> -> memref<1x1x320xi32, #tpu.memory_space<vmem>>
    %dma_wait3A_569 = tpu.memref_squeeze %dma_wait3A_568 : memref<1x1x320xi32, #tpu.memory_space<vmem>> -> memref<320xi32, #tpu.memory_space<vmem>>
    %dma_wait3A_570 = arith.constant 0 : i32
    %dma_wait3A_571 = arith.constant 0 : i32
    %dma_wait3A_572 = tpu.memref_slice %arg16[%dma_wait3A_570, %dma_wait3A_571] : memref<5120x128xf32, #tpu.memory_space<vmem_shared>> -> memref<5120x128xf32, #tpu.memory_space<vmem_shared>>
    tpu.wait_indirect_dma semaphore(%arg18 : memref<!tpu.dma_semaphore, #tpu.memory_space<semaphore_mem>>) src(%arg14 : memref<320x128xf32, #tpu.memory_space<vmem>>) dst(%dma_wait3A_572 : memref<5120x128xf32, #tpu.memory_space<vmem_shared>>)
    %dma_start3A_573 = arith.constant 1 : i32
    %dma_start3A_574 = arith.constant 0 : i32
    %dma_start3A_575 = arith.constant 0 : i32
    %dma_start3A_576 = tpu.memref_slice %arg13[%dma_start3A_573, %dma_start3A_574, %dma_start3A_575] : memref<2x1x320xi32, #tpu.memory_space<vmem>> -> memref<1x1x320xi32, #tpu.memory_space<vmem>>
    %dma_start3A_577 = tpu.memref_squeeze %dma_start3A_576 : memref<1x1x320xi32, #tpu.memory_space<vmem>> -> memref<320xi32, #tpu.memory_space<vmem>>
    %dma_start3A_578 = arith.constant 0 : i32
    %dma_start3A_579 = arith.constant 0 : i32
    %dma_start3A_580 = tpu.memref_slice %arg16[%dma_start3A_578, %dma_start3A_579] : memref<5120x128xf32, #tpu.memory_space<vmem_shared>> -> memref<5120x128xf32, #tpu.memory_space<vmem_shared>>
    tpu.enqueue_indirect_dma source(%arg14 : memref<320x128xf32, #tpu.memory_space<vmem>>) target(%dma_start3A_580 : memref<5120x128xf32, #tpu.memory_space<vmem_shared>>) offsets(%dma_start3A_577 : memref<320xi32, #tpu.memory_space<vmem>>) semaphore(%arg18 : memref<!tpu.dma_semaphore, #tpu.memory_space<semaphore_mem>>) {add = true}
    %dma_wait3A_581 = arith.constant 1 : i32
    %dma_wait3A_582 = arith.constant 0 : i32
    %dma_wait3A_583 = arith.constant 0 : i32
    %dma_wait3A_584 = tpu.memref_slice %arg13[%dma_wait3A_581, %dma_wait3A_582, %dma_wait3A_583] : memref<2x1x320xi32, #tpu.memory_space<vmem>> -> memref<1x1x320xi32, #tpu.memory_space<vmem>>
    %dma_wait3A_585 = tpu.memref_squeeze %dma_wait3A_584 : memref<1x1x320xi32, #tpu.memory_space<vmem>> -> memref<320xi32, #tpu.memory_space<vmem>>
    %dma_wait3A_586 = arith.constant 0 : i32
    %dma_wait3A_587 = arith.constant 0 : i32
    %dma_wait3A_588 = tpu.memref_slice %arg16[%dma_wait3A_586, %dma_wait3A_587] : memref<5120x128xf32, #tpu.memory_space<vmem_shared>> -> memref<5120x128xf32, #tpu.memory_space<vmem_shared>>
    tpu.wait_indirect_dma semaphore(%arg18 : memref<!tpu.dma_semaphore, #tpu.memory_space<semaphore_mem>>) src(%arg14 : memref<320x128xf32, #tpu.memory_space<vmem>>) dst(%dma_wait3A_588 : memref<5120x128xf32, #tpu.memory_space<vmem_shared>>)
    %barrier3A_589 = arith.constant 0 : index
    tpu.barrier barrier_id(%barrier3A_589)
    "tpu.region"() ({
      %run_scoped3A = tpu.sem_alloc : memref<!tpu.dma_semaphore, #tpu.memory_space<semaphore_mem>>
      %dma_start3A_590 = arith.constant 0 : i32
      %dma_start3A_591 = tpu.memref_slice %arg11[%add3A_9, %dma_start3A_590] : memref<10240x128xf32, #tpu.memory_space<hbm>> -> memref<320x128xf32, #tpu.memory_space<hbm>>
      %dma_start3A_592 = arith.constant 0 : i32
      %dma_start3A_593 = tpu.memref_slice %arg16[%mul3A_4, %dma_start3A_592] : memref<5120x128xf32, #tpu.memory_space<vmem_shared>> -> memref<320x128xf32, #tpu.memory_space<vmem_shared>>
      tpu.enqueue_dma source(%dma_start3A_593 : memref<320x128xf32, #tpu.memory_space<vmem_shared>>) target(%dma_start3A_591 : memref<320x128xf32, #tpu.memory_space<hbm>>) target_semaphore(%run_scoped3A : memref<!tpu.dma_semaphore, #tpu.memory_space<semaphore_mem>>)
      %dma_wait3A_594 = arith.constant 0 : i32
      %dma_wait3A_595 = tpu.memref_slice %arg11[%add3A_9, %dma_wait3A_594] : memref<10240x128xf32, #tpu.memory_space<hbm>> -> memref<320x128xf32, #tpu.memory_space<hbm>>
      %dma_wait3A_596 = arith.constant 0 : i32
      %dma_wait3A_597 = tpu.memref_slice %arg16[%mul3A_4, %dma_wait3A_596] : memref<5120x128xf32, #tpu.memory_space<vmem_shared>> -> memref<320x128xf32, #tpu.memory_space<vmem_shared>>
      tpu.wait_dma2 semaphore(%run_scoped3A : memref<!tpu.dma_semaphore, #tpu.memory_space<semaphore_mem>>) src(%dma_wait3A_597 : memref<320x128xf32, #tpu.memory_space<vmem_shared>>) dst(%dma_wait3A_595 : memref<320x128xf32, #tpu.memory_space<hbm>>)
      tpu.yield
    }) : () -> ()
    return
  }
}

#map = affine_map<(d0, d1) -> (0, 0)>
module attributes {stable_mosaic.version = 14 : i64} {
  func.func @sc_agg(%arg0: i32, %arg1: i32, %arg2: memref<5120x128xf32, #tpu.memory_space<hbm>>, %arg3: memref<5120x128xf32, #tpu.memory_space<hbm>>, %arg4: memref<1024x320xi32, #tpu.memory_space<hbm>>, %arg5: memref<1024x320xi32, #tpu.memory_space<hbm>>, %arg6: memref<5120x128xf32, #tpu.memory_space<hbm>>, %arg7: memref<10240x128xf32, #tpu.memory_space<hbm>>, %arg8: memref<10240x128xf32, #tpu.memory_space<hbm>>, %arg9: memref<2x1x320xi32, #tpu.memory_space<vmem>>, %arg10: memref<2x1x320xi32, #tpu.memory_space<vmem>>, %arg11: memref<320x128xf32, #tpu.memory_space<vmem>>, %arg12: memref<320x128xf32, #tpu.memory_space<vmem>>, %arg13: memref<5120x128xf32, #tpu.memory_space<vmem_shared>>, %arg14: memref<!tpu.dma_semaphore, #tpu.memory_space<semaphore_mem>>, %arg15: memref<!tpu.dma_semaphore, #tpu.memory_space<semaphore_mem>>, %arg16: memref<!tpu.dma_semaphore, #tpu.memory_space<semaphore_mem>>) attributes {dimension_semantics = [#tpu.dimension_semantics<core_parallel>, #tpu.dimension_semantics<subcore_parallel>], iteration_bounds = array<i64: 2, 16>, scalar_prefetch = 0 : i64, scratch_operands = 8 : i64, tpu.core_type = #tpu.core_type<sc_vector_subcore>, window_params = [{transform_indices = #map}, {transform_indices = #map}, {transform_indices = #map}, {transform_indices = #map}, {transform_indices = #map}, {transform_indices = #map}, {transform_indices = #map}]} {
    %mul3A = arith.constant 16 : i32
    %mul3A_0 = arith.muli %arg0, %mul3A : i32
    %add3A = arith.addi %mul3A_0, %arg1 : i32
    %mul3A_1 = arith.constant 32 : i32
    %mul3A_2 = arith.muli %add3A, %mul3A_1 : i32
    %mul3A_3 = arith.constant 320 : i32
    %mul3A_4 = arith.muli %arg1, %mul3A_3 : i32
    %mul3A_5 = arith.constant 5120 : i32
    %mul3A_6 = arith.muli %arg0, %mul3A_5 : i32
    %mul3A_7 = arith.constant 320 : i32
    %mul3A_8 = arith.muli %arg1, %mul3A_7 : i32
    %add3A_9 = arith.addi %mul3A_6, %mul3A_8 : i32
    "tpu.region"() ({
      %run_scoped3A = tpu.sem_alloc : memref<!tpu.dma_semaphore, #tpu.memory_space<semaphore_mem>>
      %dma_start3A_390 = arith.constant 0 : i32
      %dma_start3A_391 = tpu.memref_slice %arg13[%mul3A_4, %dma_start3A_390] : memref<5120x128xf32, #tpu.memory_space<vmem_shared>> -> memref<320x128xf32, #tpu.memory_space<vmem_shared>>
      %dma_start3A_392 = arith.constant 0 : i32
      %dma_start3A_393 = tpu.memref_slice %arg6[%mul3A_4, %dma_start3A_392] : memref<5120x128xf32, #tpu.memory_space<hbm>> -> memref<320x128xf32, #tpu.memory_space<hbm>>
      tpu.enqueue_dma source(%dma_start3A_393 : memref<320x128xf32, #tpu.memory_space<hbm>>) target(%dma_start3A_391 : memref<320x128xf32, #tpu.memory_space<vmem_shared>>) target_semaphore(%run_scoped3A : memref<!tpu.dma_semaphore, #tpu.memory_space<semaphore_mem>>)
      %dma_wait3A_394 = arith.constant 0 : i32
      %dma_wait3A_395 = tpu.memref_slice %arg13[%mul3A_4, %dma_wait3A_394] : memref<5120x128xf32, #tpu.memory_space<vmem_shared>> -> memref<320x128xf32, #tpu.memory_space<vmem_shared>>
      %dma_wait3A_396 = arith.constant 0 : i32
      %dma_wait3A_397 = tpu.memref_slice %arg6[%mul3A_4, %dma_wait3A_396] : memref<5120x128xf32, #tpu.memory_space<hbm>> -> memref<320x128xf32, #tpu.memory_space<hbm>>
      tpu.wait_dma2 semaphore(%run_scoped3A : memref<!tpu.dma_semaphore, #tpu.memory_space<semaphore_mem>>) src(%dma_wait3A_397 : memref<320x128xf32, #tpu.memory_space<hbm>>) dst(%dma_wait3A_395 : memref<320x128xf32, #tpu.memory_space<vmem_shared>>)
      tpu.yield
    }) : () -> ()
    %barrier3A = arith.constant 0 : index
    tpu.barrier barrier_id(%barrier3A)
    %add3A_10 = arith.constant 0 : i32
    %add3A_11 = arith.addi %mul3A_2, %add3A_10 : i32
    %dma_start3A = arith.constant 0 : i32
    %dma_start3A_12 = arith.constant 0 : i32
    %dma_start3A_13 = arith.constant 0 : i32
    %dma_start3A_14 = tpu.memref_slice %arg9[%dma_start3A, %dma_start3A_12, %dma_start3A_13] : memref<2x1x320xi32, #tpu.memory_space<vmem>> -> memref<1x1x320xi32, #tpu.memory_space<vmem>>
    %dma_start3A_15 = tpu.memref_squeeze %dma_start3A_14 : memref<1x1x320xi32, #tpu.memory_space<vmem>> -> memref<1x320xi32, #tpu.memory_space<vmem>>
    %dma_start3A_16 = arith.constant 0 : i32
    %dma_start3A_17 = tpu.memref_slice %arg4[%add3A_11, %dma_start3A_16] : memref<1024x320xi32, #tpu.memory_space<hbm>> -> memref<1x320xi32, #tpu.memory_space<hbm>>
    %dma_start3A_18 = arith.constant 0 : i32
    %dma_start3A_19 = arith.constant 0 : i32
    %dma_start3A_20 = tpu.memref_slice %arg9[%dma_start3A, %dma_start3A_18, %dma_start3A_19] : memref<2x1x320xi32, #tpu.memory_space<vmem>> -> memref<1x1x320xi32, #tpu.memory_space<vmem>>
    %dma_start3A_21 = tpu.memref_squeeze %dma_start3A_20 : memref<1x1x320xi32, #tpu.memory_space<vmem>> -> memref<1x320xi32, #tpu.memory_space<vmem>>
    %dma_start3A_22 = arith.constant 0 : i32
    %dma_start3A_23 = tpu.memref_slice %arg4[%add3A_11, %dma_start3A_22] : memref<1024x320xi32, #tpu.memory_space<hbm>> -> memref<1x320xi32, #tpu.memory_space<hbm>>
    tpu.enqueue_dma source(%dma_start3A_23 : memref<1x320xi32, #tpu.memory_space<hbm>>) target(%dma_start3A_21 : memref<1x320xi32, #tpu.memory_space<vmem>>) target_semaphore(%arg16 : memref<!tpu.dma_semaphore, #tpu.memory_space<semaphore_mem>>)
    %add3A_24 = arith.constant 0 : i32
    %add3A_25 = arith.addi %mul3A_2, %add3A_24 : i32
    %dma_start3A_26 = arith.constant 0 : i32
    %dma_start3A_27 = arith.constant 0 : i32
    %dma_start3A_28 = arith.constant 0 : i32
    %dma_start3A_29 = tpu.memref_slice %arg10[%dma_start3A_26, %dma_start3A_27, %dma_start3A_28] : memref<2x1x320xi32, #tpu.memory_space<vmem>> -> memref<1x1x320xi32, #tpu.memory_space<vmem>>
    %dma_start3A_30 = tpu.memref_squeeze %dma_start3A_29 : memref<1x1x320xi32, #tpu.memory_space<vmem>> -> memref<1x320xi32, #tpu.memory_space<vmem>>
    %dma_start3A_31 = arith.constant 0 : i32
    %dma_start3A_32 = tpu.memref_slice %arg5[%add3A_25, %dma_start3A_31] : memref<1024x320xi32, #tpu.memory_space<hbm>> -> memref<1x320xi32, #tpu.memory_space<hbm>>
    %dma_start3A_33 = arith.constant 0 : i32
    %dma_start3A_34 = arith.constant 0 : i32
    %dma_start3A_35 = tpu.memref_slice %arg10[%dma_start3A_26, %dma_start3A_33, %dma_start3A_34] : memref<2x1x320xi32, #tpu.memory_space<vmem>> -> memref<1x1x320xi32, #tpu.memory_space<vmem>>
    %dma_start3A_36 = tpu.memref_squeeze %dma_start3A_35 : memref<1x1x320xi32, #tpu.memory_space<vmem>> -> memref<1x320xi32, #tpu.memory_space<vmem>>
    %dma_start3A_37 = arith.constant 0 : i32
    %dma_start3A_38 = tpu.memref_slice %arg5[%add3A_25, %dma_start3A_37] : memref<1024x320xi32, #tpu.memory_space<hbm>> -> memref<1x320xi32, #tpu.memory_space<hbm>>
    tpu.enqueue_dma source(%dma_start3A_38 : memref<1x320xi32, #tpu.memory_space<hbm>>) target(%dma_start3A_36 : memref<1x320xi32, #tpu.memory_space<vmem>>) target_semaphore(%arg16 : memref<!tpu.dma_semaphore, #tpu.memory_space<semaphore_mem>>)
    %add3A_39 = arith.constant 0 : i32
    %add3A_40 = arith.addi %mul3A_2, %add3A_39 : i32
    %dma_wait3A = arith.constant 0 : i32
    %dma_wait3A_41 = arith.constant 0 : i32
    %dma_wait3A_42 = arith.constant 0 : i32
    %dma_wait3A_43 = tpu.memref_slice %arg9[%dma_wait3A, %dma_wait3A_41, %dma_wait3A_42] : memref<2x1x320xi32, #tpu.memory_space<vmem>> -> memref<1x1x320xi32, #tpu.memory_space<vmem>>
    %dma_wait3A_44 = tpu.memref_squeeze %dma_wait3A_43 : memref<1x1x320xi32, #tpu.memory_space<vmem>> -> memref<1x320xi32, #tpu.memory_space<vmem>>
    %dma_wait3A_45 = arith.constant 0 : i32
    %dma_wait3A_46 = tpu.memref_slice %arg4[%add3A_40, %dma_wait3A_45] : memref<1024x320xi32, #tpu.memory_space<hbm>> -> memref<1x320xi32, #tpu.memory_space<hbm>>
    %dma_wait3A_47 = arith.constant 0 : i32
    %dma_wait3A_48 = arith.constant 0 : i32
    %dma_wait3A_49 = tpu.memref_slice %arg9[%dma_wait3A, %dma_wait3A_47, %dma_wait3A_48] : memref<2x1x320xi32, #tpu.memory_space<vmem>> -> memref<1x1x320xi32, #tpu.memory_space<vmem>>
    %dma_wait3A_50 = tpu.memref_squeeze %dma_wait3A_49 : memref<1x1x320xi32, #tpu.memory_space<vmem>> -> memref<1x320xi32, #tpu.memory_space<vmem>>
    %dma_wait3A_51 = arith.constant 0 : i32
    %dma_wait3A_52 = tpu.memref_slice %arg4[%add3A_40, %dma_wait3A_51] : memref<1024x320xi32, #tpu.memory_space<hbm>> -> memref<1x320xi32, #tpu.memory_space<hbm>>
    tpu.wait_dma2 semaphore(%arg16 : memref<!tpu.dma_semaphore, #tpu.memory_space<semaphore_mem>>) src(%dma_wait3A_52 : memref<1x320xi32, #tpu.memory_space<hbm>>) dst(%dma_wait3A_50 : memref<1x320xi32, #tpu.memory_space<vmem>>)
    %add3A_53 = arith.constant 0 : i32
    %add3A_54 = arith.addi %mul3A_2, %add3A_53 : i32
    %dma_wait3A_55 = arith.constant 0 : i32
    %dma_wait3A_56 = arith.constant 0 : i32
    %dma_wait3A_57 = arith.constant 0 : i32
    %dma_wait3A_58 = tpu.memref_slice %arg10[%dma_wait3A_55, %dma_wait3A_56, %dma_wait3A_57] : memref<2x1x320xi32, #tpu.memory_space<vmem>> -> memref<1x1x320xi32, #tpu.memory_space<vmem>>
    %dma_wait3A_59 = tpu.memref_squeeze %dma_wait3A_58 : memref<1x1x320xi32, #tpu.memory_space<vmem>> -> memref<1x320xi32, #tpu.memory_space<vmem>>
    %dma_wait3A_60 = arith.constant 0 : i32
    %dma_wait3A_61 = tpu.memref_slice %arg5[%add3A_54, %dma_wait3A_60] : memref<1024x320xi32, #tpu.memory_space<hbm>> -> memref<1x320xi32, #tpu.memory_space<hbm>>
    %dma_wait3A_62 = arith.constant 0 : i32
    %dma_wait3A_63 = arith.constant 0 : i32
    %dma_wait3A_64 = tpu.memref_slice %arg10[%dma_wait3A_55, %dma_wait3A_62, %dma_wait3A_63] : memref<2x1x320xi32, #tpu.memory_space<vmem>> -> memref<1x1x320xi32, #tpu.memory_space<vmem>>
    %dma_wait3A_65 = tpu.memref_squeeze %dma_wait3A_64 : memref<1x1x320xi32, #tpu.memory_space<vmem>> -> memref<1x320xi32, #tpu.memory_space<vmem>>
    %dma_wait3A_66 = arith.constant 0 : i32
    %dma_wait3A_67 = tpu.memref_slice %arg5[%add3A_54, %dma_wait3A_66] : memref<1024x320xi32, #tpu.memory_space<hbm>> -> memref<1x320xi32, #tpu.memory_space<hbm>>
    tpu.wait_dma2 semaphore(%arg16 : memref<!tpu.dma_semaphore, #tpu.memory_space<semaphore_mem>>) src(%dma_wait3A_67 : memref<1x320xi32, #tpu.memory_space<hbm>>) dst(%dma_wait3A_65 : memref<1x320xi32, #tpu.memory_space<vmem>>)
    %dma_start3A_68 = arith.constant 0 : i32
    %dma_start3A_69 = arith.constant 0 : i32
    %dma_start3A_70 = arith.constant 0 : i32
    %dma_start3A_71 = tpu.memref_slice %arg9[%dma_start3A_68, %dma_start3A_69, %dma_start3A_70] : memref<2x1x320xi32, #tpu.memory_space<vmem>> -> memref<1x1x320xi32, #tpu.memory_space<vmem>>
    %dma_start3A_72 = tpu.memref_squeeze %dma_start3A_71 : memref<1x1x320xi32, #tpu.memory_space<vmem>> -> memref<320xi32, #tpu.memory_space<vmem>>
    %dma_start3A_73 = arith.constant 0 : i32
    %dma_start3A_74 = arith.constant 0 : i32
    %dma_start3A_75 = tpu.memref_slice %arg2[%dma_start3A_73, %dma_start3A_74] : memref<5120x128xf32, #tpu.memory_space<hbm>> -> memref<5120x128xf32, #tpu.memory_space<hbm>>
    tpu.enqueue_indirect_dma source(%dma_start3A_75 : memref<5120x128xf32, #tpu.memory_space<hbm>>) target(%arg11 : memref<320x128xf32, #tpu.memory_space<vmem>>) offsets(%dma_start3A_72 : memref<320xi32, #tpu.memory_space<vmem>>) semaphore(%arg14 : memref<!tpu.dma_semaphore, #tpu.memory_space<semaphore_mem>>)
    %add3A_76 = arith.constant 1 : i32
    %add3A_77 = arith.addi %mul3A_2, %add3A_76 : i32
    %dma_start3A_78 = arith.constant 1 : i32
    %dma_start3A_79 = arith.constant 0 : i32
    %dma_start3A_80 = arith.constant 0 : i32
    %dma_start3A_81 = tpu.memref_slice %arg9[%dma_start3A_78, %dma_start3A_79, %dma_start3A_80] : memref<2x1x320xi32, #tpu.memory_space<vmem>> -> memref<1x1x320xi32, #tpu.memory_space<vmem>>
    %dma_start3A_82 = tpu.memref_squeeze %dma_start3A_81 : memref<1x1x320xi32, #tpu.memory_space<vmem>> -> memref<1x320xi32, #tpu.memory_space<vmem>>
    %dma_start3A_83 = arith.constant 0 : i32
    %dma_start3A_84 = tpu.memref_slice %arg4[%add3A_77, %dma_start3A_83] : memref<1024x320xi32, #tpu.memory_space<hbm>> -> memref<1x320xi32, #tpu.memory_space<hbm>>
    %dma_start3A_85 = arith.constant 0 : i32
    %dma_start3A_86 = arith.constant 0 : i32
    %dma_start3A_87 = tpu.memref_slice %arg9[%dma_start3A_78, %dma_start3A_85, %dma_start3A_86] : memref<2x1x320xi32, #tpu.memory_space<vmem>> -> memref<1x1x320xi32, #tpu.memory_space<vmem>>
    %dma_start3A_88 = tpu.memref_squeeze %dma_start3A_87 : memref<1x1x320xi32, #tpu.memory_space<vmem>> -> memref<1x320xi32, #tpu.memory_space<vmem>>
    %dma_start3A_89 = arith.constant 0 : i32
    %dma_start3A_90 = tpu.memref_slice %arg4[%add3A_77, %dma_start3A_89] : memref<1024x320xi32, #tpu.memory_space<hbm>> -> memref<1x320xi32, #tpu.memory_space<hbm>>
    tpu.enqueue_dma source(%dma_start3A_90 : memref<1x320xi32, #tpu.memory_space<hbm>>) target(%dma_start3A_88 : memref<1x320xi32, #tpu.memory_space<vmem>>) target_semaphore(%arg16 : memref<!tpu.dma_semaphore, #tpu.memory_space<semaphore_mem>>)
    %add3A_91 = arith.constant 1 : i32
    %add3A_92 = arith.addi %mul3A_2, %add3A_91 : i32
    %dma_start3A_93 = arith.constant 1 : i32
    %dma_start3A_94 = arith.constant 0 : i32
    %dma_start3A_95 = arith.constant 0 : i32
    %dma_start3A_96 = tpu.memref_slice %arg10[%dma_start3A_93, %dma_start3A_94, %dma_start3A_95] : memref<2x1x320xi32, #tpu.memory_space<vmem>> -> memref<1x1x320xi32, #tpu.memory_space<vmem>>
    %dma_start3A_97 = tpu.memref_squeeze %dma_start3A_96 : memref<1x1x320xi32, #tpu.memory_space<vmem>> -> memref<1x320xi32, #tpu.memory_space<vmem>>
    %dma_start3A_98 = arith.constant 0 : i32
    %dma_start3A_99 = tpu.memref_slice %arg5[%add3A_92, %dma_start3A_98] : memref<1024x320xi32, #tpu.memory_space<hbm>> -> memref<1x320xi32, #tpu.memory_space<hbm>>
    %dma_start3A_100 = arith.constant 0 : i32
    %dma_start3A_101 = arith.constant 0 : i32
    %dma_start3A_102 = tpu.memref_slice %arg10[%dma_start3A_93, %dma_start3A_100, %dma_start3A_101] : memref<2x1x320xi32, #tpu.memory_space<vmem>> -> memref<1x1x320xi32, #tpu.memory_space<vmem>>
    %dma_start3A_103 = tpu.memref_squeeze %dma_start3A_102 : memref<1x1x320xi32, #tpu.memory_space<vmem>> -> memref<1x320xi32, #tpu.memory_space<vmem>>
    %dma_start3A_104 = arith.constant 0 : i32
    %dma_start3A_105 = tpu.memref_slice %arg5[%add3A_92, %dma_start3A_104] : memref<1024x320xi32, #tpu.memory_space<hbm>> -> memref<1x320xi32, #tpu.memory_space<hbm>>
    tpu.enqueue_dma source(%dma_start3A_105 : memref<1x320xi32, #tpu.memory_space<hbm>>) target(%dma_start3A_103 : memref<1x320xi32, #tpu.memory_space<vmem>>) target_semaphore(%arg16 : memref<!tpu.dma_semaphore, #tpu.memory_space<semaphore_mem>>)
    %dma_wait3A_106 = arith.constant 0 : i32
    %dma_wait3A_107 = arith.constant 0 : i32
    %dma_wait3A_108 = arith.constant 0 : i32
    %dma_wait3A_109 = tpu.memref_slice %arg9[%dma_wait3A_106, %dma_wait3A_107, %dma_wait3A_108] : memref<2x1x320xi32, #tpu.memory_space<vmem>> -> memref<1x1x320xi32, #tpu.memory_space<vmem>>
    %dma_wait3A_110 = tpu.memref_squeeze %dma_wait3A_109 : memref<1x1x320xi32, #tpu.memory_space<vmem>> -> memref<320xi32, #tpu.memory_space<vmem>>
    %dma_wait3A_111 = arith.constant 0 : i32
    %dma_wait3A_112 = arith.constant 0 : i32
    %dma_wait3A_113 = tpu.memref_slice %arg2[%dma_wait3A_111, %dma_wait3A_112] : memref<5120x128xf32, #tpu.memory_space<hbm>> -> memref<5120x128xf32, #tpu.memory_space<hbm>>
    tpu.wait_indirect_dma semaphore(%arg14 : memref<!tpu.dma_semaphore, #tpu.memory_space<semaphore_mem>>) src(%dma_wait3A_113 : memref<5120x128xf32, #tpu.memory_space<hbm>>) dst(%arg11 : memref<320x128xf32, #tpu.memory_space<vmem>>)
    %dma_start3A_114 = arith.constant 0 : i32
    %dma_start3A_115 = arith.constant 0 : i32
    %dma_start3A_116 = arith.constant 0 : i32
    %dma_start3A_117 = tpu.memref_slice %arg10[%dma_start3A_114, %dma_start3A_115, %dma_start3A_116] : memref<2x1x320xi32, #tpu.memory_space<vmem>> -> memref<1x1x320xi32, #tpu.memory_space<vmem>>
    %dma_start3A_118 = tpu.memref_squeeze %dma_start3A_117 : memref<1x1x320xi32, #tpu.memory_space<vmem>> -> memref<320xi32, #tpu.memory_space<vmem>>
    %dma_start3A_119 = arith.constant 0 : i32
    %dma_start3A_120 = arith.constant 0 : i32
    %dma_start3A_121 = tpu.memref_slice %arg13[%dma_start3A_119, %dma_start3A_120] : memref<5120x128xf32, #tpu.memory_space<vmem_shared>> -> memref<5120x128xf32, #tpu.memory_space<vmem_shared>>
    tpu.enqueue_indirect_dma source(%arg11 : memref<320x128xf32, #tpu.memory_space<vmem>>) target(%dma_start3A_121 : memref<5120x128xf32, #tpu.memory_space<vmem_shared>>) offsets(%dma_start3A_118 : memref<320xi32, #tpu.memory_space<vmem>>) semaphore(%arg15 : memref<!tpu.dma_semaphore, #tpu.memory_space<semaphore_mem>>) {add = true}
    %add3A_122 = arith.constant 1 : i32
    %add3A_123 = arith.addi %mul3A_2, %add3A_122 : i32
    %dma_wait3A_124 = arith.constant 1 : i32
    %dma_wait3A_125 = arith.constant 0 : i32
    %dma_wait3A_126 = arith.constant 0 : i32
    %dma_wait3A_127 = tpu.memref_slice %arg9[%dma_wait3A_124, %dma_wait3A_125, %dma_wait3A_126] : memref<2x1x320xi32, #tpu.memory_space<vmem>> -> memref<1x1x320xi32, #tpu.memory_space<vmem>>
    %dma_wait3A_128 = tpu.memref_squeeze %dma_wait3A_127 : memref<1x1x320xi32, #tpu.memory_space<vmem>> -> memref<1x320xi32, #tpu.memory_space<vmem>>
    %dma_wait3A_129 = arith.constant 0 : i32
    %dma_wait3A_130 = tpu.memref_slice %arg4[%add3A_123, %dma_wait3A_129] : memref<1024x320xi32, #tpu.memory_space<hbm>> -> memref<1x320xi32, #tpu.memory_space<hbm>>
    %dma_wait3A_131 = arith.constant 0 : i32
    %dma_wait3A_132 = arith.constant 0 : i32
    %dma_wait3A_133 = tpu.memref_slice %arg9[%dma_wait3A_124, %dma_wait3A_131, %dma_wait3A_132] : memref<2x1x320xi32, #tpu.memory_space<vmem>> -> memref<1x1x320xi32, #tpu.memory_space<vmem>>
    %dma_wait3A_134 = tpu.memref_squeeze %dma_wait3A_133 : memref<1x1x320xi32, #tpu.memory_space<vmem>> -> memref<1x320xi32, #tpu.memory_space<vmem>>
    %dma_wait3A_135 = arith.constant 0 : i32
    %dma_wait3A_136 = tpu.memref_slice %arg4[%add3A_123, %dma_wait3A_135] : memref<1024x320xi32, #tpu.memory_space<hbm>> -> memref<1x320xi32, #tpu.memory_space<hbm>>
    tpu.wait_dma2 semaphore(%arg16 : memref<!tpu.dma_semaphore, #tpu.memory_space<semaphore_mem>>) src(%dma_wait3A_136 : memref<1x320xi32, #tpu.memory_space<hbm>>) dst(%dma_wait3A_134 : memref<1x320xi32, #tpu.memory_space<vmem>>)
    %add3A_137 = arith.constant 1 : i32
    %add3A_138 = arith.addi %mul3A_2, %add3A_137 : i32
    %dma_wait3A_139 = arith.constant 1 : i32
    %dma_wait3A_140 = arith.constant 0 : i32
    %dma_wait3A_141 = arith.constant 0 : i32
    %dma_wait3A_142 = tpu.memref_slice %arg10[%dma_wait3A_139, %dma_wait3A_140, %dma_wait3A_141] : memref<2x1x320xi32, #tpu.memory_space<vmem>> -> memref<1x1x320xi32, #tpu.memory_space<vmem>>
    %dma_wait3A_143 = tpu.memref_squeeze %dma_wait3A_142 : memref<1x1x320xi32, #tpu.memory_space<vmem>> -> memref<1x320xi32, #tpu.memory_space<vmem>>
    %dma_wait3A_144 = arith.constant 0 : i32
    %dma_wait3A_145 = tpu.memref_slice %arg5[%add3A_138, %dma_wait3A_144] : memref<1024x320xi32, #tpu.memory_space<hbm>> -> memref<1x320xi32, #tpu.memory_space<hbm>>
    %dma_wait3A_146 = arith.constant 0 : i32
    %dma_wait3A_147 = arith.constant 0 : i32
    %dma_wait3A_148 = tpu.memref_slice %arg10[%dma_wait3A_139, %dma_wait3A_146, %dma_wait3A_147] : memref<2x1x320xi32, #tpu.memory_space<vmem>> -> memref<1x1x320xi32, #tpu.memory_space<vmem>>
    %dma_wait3A_149 = tpu.memref_squeeze %dma_wait3A_148 : memref<1x1x320xi32, #tpu.memory_space<vmem>> -> memref<1x320xi32, #tpu.memory_space<vmem>>
    %dma_wait3A_150 = arith.constant 0 : i32
    %dma_wait3A_151 = tpu.memref_slice %arg5[%add3A_138, %dma_wait3A_150] : memref<1024x320xi32, #tpu.memory_space<hbm>> -> memref<1x320xi32, #tpu.memory_space<hbm>>
    tpu.wait_dma2 semaphore(%arg16 : memref<!tpu.dma_semaphore, #tpu.memory_space<semaphore_mem>>) src(%dma_wait3A_151 : memref<1x320xi32, #tpu.memory_space<hbm>>) dst(%dma_wait3A_149 : memref<1x320xi32, #tpu.memory_space<vmem>>)
    %dma_start3A_152 = arith.constant 1 : i32
    %dma_start3A_153 = arith.constant 0 : i32
    %dma_start3A_154 = arith.constant 0 : i32
    %dma_start3A_155 = tpu.memref_slice %arg9[%dma_start3A_152, %dma_start3A_153, %dma_start3A_154] : memref<2x1x320xi32, #tpu.memory_space<vmem>> -> memref<1x1x320xi32, #tpu.memory_space<vmem>>
    %dma_start3A_156 = tpu.memref_squeeze %dma_start3A_155 : memref<1x1x320xi32, #tpu.memory_space<vmem>> -> memref<320xi32, #tpu.memory_space<vmem>>
    %dma_start3A_157 = arith.constant 0 : i32
    %dma_start3A_158 = arith.constant 0 : i32
    %dma_start3A_159 = tpu.memref_slice %arg2[%dma_start3A_157, %dma_start3A_158] : memref<5120x128xf32, #tpu.memory_space<hbm>> -> memref<5120x128xf32, #tpu.memory_space<hbm>>
    tpu.enqueue_indirect_dma source(%dma_start3A_159 : memref<5120x128xf32, #tpu.memory_space<hbm>>) target(%arg12 : memref<320x128xf32, #tpu.memory_space<vmem>>) offsets(%dma_start3A_156 : memref<320xi32, #tpu.memory_space<vmem>>) semaphore(%arg14 : memref<!tpu.dma_semaphore, #tpu.memory_space<semaphore_mem>>)
    %scan3A = arith.constant 0 : i32
    %scan3A_160 = arith.constant 0 : i32
    %scan3A_161 = arith.constant 15 : i32
    %scan3A_162 = arith.addi %scan3A_160, %scan3A_161 : i32
    %scan3A_163 = arith.constant 1 : i32
    scf.for %scan3A_390 = %scan3A_160 to %scan3A_162 step %scan3A_163  : i32 {
      %mul3A_391 = arith.constant 2 : i32
      %mul3A_392 = arith.muli %mul3A_391, %scan3A_390 : i32
      %add3A_393 = arith.constant 1 : i32
      %add3A_394 = arith.addi %mul3A_392, %add3A_393 : i32
      %dma_wait3A_395 = arith.constant 0 : i32
      %dma_wait3A_396 = arith.constant 0 : i32
      %dma_wait3A_397 = arith.constant 0 : i32
      %dma_wait3A_398 = tpu.memref_slice %arg10[%dma_wait3A_395, %dma_wait3A_396, %dma_wait3A_397] : memref<2x1x320xi32, #tpu.memory_space<vmem>> -> memref<1x1x320xi32, #tpu.memory_space<vmem>>
      %dma_wait3A_399 = tpu.memref_squeeze %dma_wait3A_398 : memref<1x1x320xi32, #tpu.memory_space<vmem>> -> memref<320xi32, #tpu.memory_space<vmem>>
      %dma_wait3A_400 = arith.constant 0 : i32
      %dma_wait3A_401 = arith.constant 0 : i32
      %dma_wait3A_402 = tpu.memref_slice %arg13[%dma_wait3A_400, %dma_wait3A_401] : memref<5120x128xf32, #tpu.memory_space<vmem_shared>> -> memref<5120x128xf32, #tpu.memory_space<vmem_shared>>
      tpu.wait_indirect_dma semaphore(%arg15 : memref<!tpu.dma_semaphore, #tpu.memory_space<semaphore_mem>>) src(%arg11 : memref<320x128xf32, #tpu.memory_space<vmem>>) dst(%dma_wait3A_402 : memref<5120x128xf32, #tpu.memory_space<vmem_shared>>)
      %add3A_403 = arith.constant 1 : i32
      %add3A_404 = arith.addi %add3A_394, %add3A_403 : i32
      %mul3A_405 = arith.constant 1 : i32
      %mul3A_406 = arith.muli %add3A_404, %mul3A_405 : i32
      %add3A_407 = arith.addi %mul3A_2, %mul3A_406 : i32
      %dma_start3A_408 = arith.constant 0 : i32
      %dma_start3A_409 = arith.constant 0 : i32
      %dma_start3A_410 = arith.constant 0 : i32
      %dma_start3A_411 = tpu.memref_slice %arg9[%dma_start3A_408, %dma_start3A_409, %dma_start3A_410] : memref<2x1x320xi32, #tpu.memory_space<vmem>> -> memref<1x1x320xi32, #tpu.memory_space<vmem>>
      %dma_start3A_412 = tpu.memref_squeeze %dma_start3A_411 : memref<1x1x320xi32, #tpu.memory_space<vmem>> -> memref<1x320xi32, #tpu.memory_space<vmem>>
      %dma_start3A_413 = arith.constant 0 : i32
      %dma_start3A_414 = tpu.memref_slice %arg4[%add3A_407, %dma_start3A_413] : memref<1024x320xi32, #tpu.memory_space<hbm>> -> memref<1x320xi32, #tpu.memory_space<hbm>>
      %dma_start3A_415 = arith.constant 0 : i32
      %dma_start3A_416 = arith.constant 0 : i32
      %dma_start3A_417 = tpu.memref_slice %arg9[%dma_start3A_408, %dma_start3A_415, %dma_start3A_416] : memref<2x1x320xi32, #tpu.memory_space<vmem>> -> memref<1x1x320xi32, #tpu.memory_space<vmem>>
      %dma_start3A_418 = tpu.memref_squeeze %dma_start3A_417 : memref<1x1x320xi32, #tpu.memory_space<vmem>> -> memref<1x320xi32, #tpu.memory_space<vmem>>
      %dma_start3A_419 = arith.constant 0 : i32
      %dma_start3A_420 = tpu.memref_slice %arg4[%add3A_407, %dma_start3A_419] : memref<1024x320xi32, #tpu.memory_space<hbm>> -> memref<1x320xi32, #tpu.memory_space<hbm>>
      tpu.enqueue_dma source(%dma_start3A_420 : memref<1x320xi32, #tpu.memory_space<hbm>>) target(%dma_start3A_418 : memref<1x320xi32, #tpu.memory_space<vmem>>) target_semaphore(%arg16 : memref<!tpu.dma_semaphore, #tpu.memory_space<semaphore_mem>>)
      %add3A_421 = arith.constant 1 : i32
      %add3A_422 = arith.addi %add3A_394, %add3A_421 : i32
      %mul3A_423 = arith.constant 1 : i32
      %mul3A_424 = arith.muli %add3A_422, %mul3A_423 : i32
      %add3A_425 = arith.addi %mul3A_2, %mul3A_424 : i32
      %dma_start3A_426 = arith.constant 0 : i32
      %dma_start3A_427 = arith.constant 0 : i32
      %dma_start3A_428 = arith.constant 0 : i32
      %dma_start3A_429 = tpu.memref_slice %arg10[%dma_start3A_426, %dma_start3A_427, %dma_start3A_428] : memref<2x1x320xi32, #tpu.memory_space<vmem>> -> memref<1x1x320xi32, #tpu.memory_space<vmem>>
      %dma_start3A_430 = tpu.memref_squeeze %dma_start3A_429 : memref<1x1x320xi32, #tpu.memory_space<vmem>> -> memref<1x320xi32, #tpu.memory_space<vmem>>
      %dma_start3A_431 = arith.constant 0 : i32
      %dma_start3A_432 = tpu.memref_slice %arg5[%add3A_425, %dma_start3A_431] : memref<1024x320xi32, #tpu.memory_space<hbm>> -> memref<1x320xi32, #tpu.memory_space<hbm>>
      %dma_start3A_433 = arith.constant 0 : i32
      %dma_start3A_434 = arith.constant 0 : i32
      %dma_start3A_435 = tpu.memref_slice %arg10[%dma_start3A_426, %dma_start3A_433, %dma_start3A_434] : memref<2x1x320xi32, #tpu.memory_space<vmem>> -> memref<1x1x320xi32, #tpu.memory_space<vmem>>
      %dma_start3A_436 = tpu.memref_squeeze %dma_start3A_435 : memref<1x1x320xi32, #tpu.memory_space<vmem>> -> memref<1x320xi32, #tpu.memory_space<vmem>>
      %dma_start3A_437 = arith.constant 0 : i32
      %dma_start3A_438 = tpu.memref_slice %arg5[%add3A_425, %dma_start3A_437] : memref<1024x320xi32, #tpu.memory_space<hbm>> -> memref<1x320xi32, #tpu.memory_space<hbm>>
      tpu.enqueue_dma source(%dma_start3A_438 : memref<1x320xi32, #tpu.memory_space<hbm>>) target(%dma_start3A_436 : memref<1x320xi32, #tpu.memory_space<vmem>>) target_semaphore(%arg16 : memref<!tpu.dma_semaphore, #tpu.memory_space<semaphore_mem>>)
      %dma_wait3A_439 = arith.constant 1 : i32
      %dma_wait3A_440 = arith.constant 0 : i32
      %dma_wait3A_441 = arith.constant 0 : i32
      %dma_wait3A_442 = tpu.memref_slice %arg9[%dma_wait3A_439, %dma_wait3A_440, %dma_wait3A_441] : memref<2x1x320xi32, #tpu.memory_space<vmem>> -> memref<1x1x320xi32, #tpu.memory_space<vmem>>
      %dma_wait3A_443 = tpu.memref_squeeze %dma_wait3A_442 : memref<1x1x320xi32, #tpu.memory_space<vmem>> -> memref<320xi32, #tpu.memory_space<vmem>>
      %dma_wait3A_444 = arith.constant 0 : i32
      %dma_wait3A_445 = arith.constant 0 : i32
      %dma_wait3A_446 = tpu.memref_slice %arg2[%dma_wait3A_444, %dma_wait3A_445] : memref<5120x128xf32, #tpu.memory_space<hbm>> -> memref<5120x128xf32, #tpu.memory_space<hbm>>
      tpu.wait_indirect_dma semaphore(%arg14 : memref<!tpu.dma_semaphore, #tpu.memory_space<semaphore_mem>>) src(%dma_wait3A_446 : memref<5120x128xf32, #tpu.memory_space<hbm>>) dst(%arg12 : memref<320x128xf32, #tpu.memory_space<vmem>>)
      %dma_start3A_447 = arith.constant 1 : i32
      %dma_start3A_448 = arith.constant 0 : i32
      %dma_start3A_449 = arith.constant 0 : i32
      %dma_start3A_450 = tpu.memref_slice %arg10[%dma_start3A_447, %dma_start3A_448, %dma_start3A_449] : memref<2x1x320xi32, #tpu.memory_space<vmem>> -> memref<1x1x320xi32, #tpu.memory_space<vmem>>
      %dma_start3A_451 = tpu.memref_squeeze %dma_start3A_450 : memref<1x1x320xi32, #tpu.memory_space<vmem>> -> memref<320xi32, #tpu.memory_space<vmem>>
      %dma_start3A_452 = arith.constant 0 : i32
      %dma_start3A_453 = arith.constant 0 : i32
      %dma_start3A_454 = tpu.memref_slice %arg13[%dma_start3A_452, %dma_start3A_453] : memref<5120x128xf32, #tpu.memory_space<vmem_shared>> -> memref<5120x128xf32, #tpu.memory_space<vmem_shared>>
      tpu.enqueue_indirect_dma source(%arg12 : memref<320x128xf32, #tpu.memory_space<vmem>>) target(%dma_start3A_454 : memref<5120x128xf32, #tpu.memory_space<vmem_shared>>) offsets(%dma_start3A_451 : memref<320xi32, #tpu.memory_space<vmem>>) semaphore(%arg15 : memref<!tpu.dma_semaphore, #tpu.memory_space<semaphore_mem>>) {add = true}
      %add3A_455 = arith.constant 1 : i32
      %add3A_456 = arith.addi %add3A_394, %add3A_455 : i32
      %mul3A_457 = arith.constant 1 : i32
      %mul3A_458 = arith.muli %add3A_456, %mul3A_457 : i32
      %add3A_459 = arith.addi %mul3A_2, %mul3A_458 : i32
      %dma_wait3A_460 = arith.constant 0 : i32
      %dma_wait3A_461 = arith.constant 0 : i32
      %dma_wait3A_462 = arith.constant 0 : i32
      %dma_wait3A_463 = tpu.memref_slice %arg9[%dma_wait3A_460, %dma_wait3A_461, %dma_wait3A_462] : memref<2x1x320xi32, #tpu.memory_space<vmem>> -> memref<1x1x320xi32, #tpu.memory_space<vmem>>
      %dma_wait3A_464 = tpu.memref_squeeze %dma_wait3A_463 : memref<1x1x320xi32, #tpu.memory_space<vmem>> -> memref<1x320xi32, #tpu.memory_space<vmem>>
      %dma_wait3A_465 = arith.constant 0 : i32
      %dma_wait3A_466 = tpu.memref_slice %arg4[%add3A_459, %dma_wait3A_465] : memref<1024x320xi32, #tpu.memory_space<hbm>> -> memref<1x320xi32, #tpu.memory_space<hbm>>
      %dma_wait3A_467 = arith.constant 0 : i32
      %dma_wait3A_468 = arith.constant 0 : i32
      %dma_wait3A_469 = tpu.memref_slice %arg9[%dma_wait3A_460, %dma_wait3A_467, %dma_wait3A_468] : memref<2x1x320xi32, #tpu.memory_space<vmem>> -> memref<1x1x320xi32, #tpu.memory_space<vmem>>
      %dma_wait3A_470 = tpu.memref_squeeze %dma_wait3A_469 : memref<1x1x320xi32, #tpu.memory_space<vmem>> -> memref<1x320xi32, #tpu.memory_space<vmem>>
      %dma_wait3A_471 = arith.constant 0 : i32
      %dma_wait3A_472 = tpu.memref_slice %arg4[%add3A_459, %dma_wait3A_471] : memref<1024x320xi32, #tpu.memory_space<hbm>> -> memref<1x320xi32, #tpu.memory_space<hbm>>
      tpu.wait_dma2 semaphore(%arg16 : memref<!tpu.dma_semaphore, #tpu.memory_space<semaphore_mem>>) src(%dma_wait3A_472 : memref<1x320xi32, #tpu.memory_space<hbm>>) dst(%dma_wait3A_470 : memref<1x320xi32, #tpu.memory_space<vmem>>)
      %add3A_473 = arith.constant 1 : i32
      %add3A_474 = arith.addi %add3A_394, %add3A_473 : i32
      %mul3A_475 = arith.constant 1 : i32
      %mul3A_476 = arith.muli %add3A_474, %mul3A_475 : i32
      %add3A_477 = arith.addi %mul3A_2, %mul3A_476 : i32
      %dma_wait3A_478 = arith.constant 0 : i32
      %dma_wait3A_479 = arith.constant 0 : i32
      %dma_wait3A_480 = arith.constant 0 : i32
      %dma_wait3A_481 = tpu.memref_slice %arg10[%dma_wait3A_478, %dma_wait3A_479, %dma_wait3A_480] : memref<2x1x320xi32, #tpu.memory_space<vmem>> -> memref<1x1x320xi32, #tpu.memory_space<vmem>>
      %dma_wait3A_482 = tpu.memref_squeeze %dma_wait3A_481 : memref<1x1x320xi32, #tpu.memory_space<vmem>> -> memref<1x320xi32, #tpu.memory_space<vmem>>
      %dma_wait3A_483 = arith.constant 0 : i32
      %dma_wait3A_484 = tpu.memref_slice %arg5[%add3A_477, %dma_wait3A_483] : memref<1024x320xi32, #tpu.memory_space<hbm>> -> memref<1x320xi32, #tpu.memory_space<hbm>>
      %dma_wait3A_485 = arith.constant 0 : i32
      %dma_wait3A_486 = arith.constant 0 : i32
      %dma_wait3A_487 = tpu.memref_slice %arg10[%dma_wait3A_478, %dma_wait3A_485, %dma_wait3A_486] : memref<2x1x320xi32, #tpu.memory_space<vmem>> -> memref<1x1x320xi32, #tpu.memory_space<vmem>>
      %dma_wait3A_488 = tpu.memref_squeeze %dma_wait3A_487 : memref<1x1x320xi32, #tpu.memory_space<vmem>> -> memref<1x320xi32, #tpu.memory_space<vmem>>
      %dma_wait3A_489 = arith.constant 0 : i32
      %dma_wait3A_490 = tpu.memref_slice %arg5[%add3A_477, %dma_wait3A_489] : memref<1024x320xi32, #tpu.memory_space<hbm>> -> memref<1x320xi32, #tpu.memory_space<hbm>>
      tpu.wait_dma2 semaphore(%arg16 : memref<!tpu.dma_semaphore, #tpu.memory_space<semaphore_mem>>) src(%dma_wait3A_490 : memref<1x320xi32, #tpu.memory_space<hbm>>) dst(%dma_wait3A_488 : memref<1x320xi32, #tpu.memory_space<vmem>>)
      %dma_start3A_491 = arith.constant 0 : i32
      %dma_start3A_492 = arith.constant 0 : i32
      %dma_start3A_493 = arith.constant 0 : i32
      %dma_start3A_494 = tpu.memref_slice %arg9[%dma_start3A_491, %dma_start3A_492, %dma_start3A_493] : memref<2x1x320xi32, #tpu.memory_space<vmem>> -> memref<1x1x320xi32, #tpu.memory_space<vmem>>
      %dma_start3A_495 = tpu.memref_squeeze %dma_start3A_494 : memref<1x1x320xi32, #tpu.memory_space<vmem>> -> memref<320xi32, #tpu.memory_space<vmem>>
      %dma_start3A_496 = arith.constant 0 : i32
      %dma_start3A_497 = arith.constant 0 : i32
      %dma_start3A_498 = tpu.memref_slice %arg2[%dma_start3A_496, %dma_start3A_497] : memref<5120x128xf32, #tpu.memory_space<hbm>> -> memref<5120x128xf32, #tpu.memory_space<hbm>>
      tpu.enqueue_indirect_dma source(%dma_start3A_498 : memref<5120x128xf32, #tpu.memory_space<hbm>>) target(%arg11 : memref<320x128xf32, #tpu.memory_space<vmem>>) offsets(%dma_start3A_495 : memref<320xi32, #tpu.memory_space<vmem>>) semaphore(%arg14 : memref<!tpu.dma_semaphore, #tpu.memory_space<semaphore_mem>>)
      %mul3A_499 = arith.constant 2 : i32
      %mul3A_500 = arith.muli %mul3A_499, %scan3A_390 : i32
      %add3A_501 = arith.constant 2 : i32
      %add3A_502 = arith.addi %mul3A_500, %add3A_501 : i32
      %dma_wait3A_503 = arith.constant 1 : i32
      %dma_wait3A_504 = arith.constant 0 : i32
      %dma_wait3A_505 = arith.constant 0 : i32
      %dma_wait3A_506 = tpu.memref_slice %arg10[%dma_wait3A_503, %dma_wait3A_504, %dma_wait3A_505] : memref<2x1x320xi32, #tpu.memory_space<vmem>> -> memref<1x1x320xi32, #tpu.memory_space<vmem>>
      %dma_wait3A_507 = tpu.memref_squeeze %dma_wait3A_506 : memref<1x1x320xi32, #tpu.memory_space<vmem>> -> memref<320xi32, #tpu.memory_space<vmem>>
      %dma_wait3A_508 = arith.constant 0 : i32
      %dma_wait3A_509 = arith.constant 0 : i32
      %dma_wait3A_510 = tpu.memref_slice %arg13[%dma_wait3A_508, %dma_wait3A_509] : memref<5120x128xf32, #tpu.memory_space<vmem_shared>> -> memref<5120x128xf32, #tpu.memory_space<vmem_shared>>
      tpu.wait_indirect_dma semaphore(%arg15 : memref<!tpu.dma_semaphore, #tpu.memory_space<semaphore_mem>>) src(%arg12 : memref<320x128xf32, #tpu.memory_space<vmem>>) dst(%dma_wait3A_510 : memref<5120x128xf32, #tpu.memory_space<vmem_shared>>)
      %add3A_511 = arith.constant 1 : i32
      %add3A_512 = arith.addi %add3A_502, %add3A_511 : i32
      %mul3A_513 = arith.constant 1 : i32
      %mul3A_514 = arith.muli %add3A_512, %mul3A_513 : i32
      %add3A_515 = arith.addi %mul3A_2, %mul3A_514 : i32
      %dma_start3A_516 = arith.constant 1 : i32
      %dma_start3A_517 = arith.constant 0 : i32
      %dma_start3A_518 = arith.constant 0 : i32
      %dma_start3A_519 = tpu.memref_slice %arg9[%dma_start3A_516, %dma_start3A_517, %dma_start3A_518] : memref<2x1x320xi32, #tpu.memory_space<vmem>> -> memref<1x1x320xi32, #tpu.memory_space<vmem>>
      %dma_start3A_520 = tpu.memref_squeeze %dma_start3A_519 : memref<1x1x320xi32, #tpu.memory_space<vmem>> -> memref<1x320xi32, #tpu.memory_space<vmem>>
      %dma_start3A_521 = arith.constant 0 : i32
      %dma_start3A_522 = tpu.memref_slice %arg4[%add3A_515, %dma_start3A_521] : memref<1024x320xi32, #tpu.memory_space<hbm>> -> memref<1x320xi32, #tpu.memory_space<hbm>>
      %dma_start3A_523 = arith.constant 0 : i32
      %dma_start3A_524 = arith.constant 0 : i32
      %dma_start3A_525 = tpu.memref_slice %arg9[%dma_start3A_516, %dma_start3A_523, %dma_start3A_524] : memref<2x1x320xi32, #tpu.memory_space<vmem>> -> memref<1x1x320xi32, #tpu.memory_space<vmem>>
      %dma_start3A_526 = tpu.memref_squeeze %dma_start3A_525 : memref<1x1x320xi32, #tpu.memory_space<vmem>> -> memref<1x320xi32, #tpu.memory_space<vmem>>
      %dma_start3A_527 = arith.constant 0 : i32
      %dma_start3A_528 = tpu.memref_slice %arg4[%add3A_515, %dma_start3A_527] : memref<1024x320xi32, #tpu.memory_space<hbm>> -> memref<1x320xi32, #tpu.memory_space<hbm>>
      tpu.enqueue_dma source(%dma_start3A_528 : memref<1x320xi32, #tpu.memory_space<hbm>>) target(%dma_start3A_526 : memref<1x320xi32, #tpu.memory_space<vmem>>) target_semaphore(%arg16 : memref<!tpu.dma_semaphore, #tpu.memory_space<semaphore_mem>>)
      %add3A_529 = arith.constant 1 : i32
      %add3A_530 = arith.addi %add3A_502, %add3A_529 : i32
      %mul3A_531 = arith.constant 1 : i32
      %mul3A_532 = arith.muli %add3A_530, %mul3A_531 : i32
      %add3A_533 = arith.addi %mul3A_2, %mul3A_532 : i32
      %dma_start3A_534 = arith.constant 1 : i32
      %dma_start3A_535 = arith.constant 0 : i32
      %dma_start3A_536 = arith.constant 0 : i32
      %dma_start3A_537 = tpu.memref_slice %arg10[%dma_start3A_534, %dma_start3A_535, %dma_start3A_536] : memref<2x1x320xi32, #tpu.memory_space<vmem>> -> memref<1x1x320xi32, #tpu.memory_space<vmem>>
      %dma_start3A_538 = tpu.memref_squeeze %dma_start3A_537 : memref<1x1x320xi32, #tpu.memory_space<vmem>> -> memref<1x320xi32, #tpu.memory_space<vmem>>
      %dma_start3A_539 = arith.constant 0 : i32
      %dma_start3A_540 = tpu.memref_slice %arg5[%add3A_533, %dma_start3A_539] : memref<1024x320xi32, #tpu.memory_space<hbm>> -> memref<1x320xi32, #tpu.memory_space<hbm>>
      %dma_start3A_541 = arith.constant 0 : i32
      %dma_start3A_542 = arith.constant 0 : i32
      %dma_start3A_543 = tpu.memref_slice %arg10[%dma_start3A_534, %dma_start3A_541, %dma_start3A_542] : memref<2x1x320xi32, #tpu.memory_space<vmem>> -> memref<1x1x320xi32, #tpu.memory_space<vmem>>
      %dma_start3A_544 = tpu.memref_squeeze %dma_start3A_543 : memref<1x1x320xi32, #tpu.memory_space<vmem>> -> memref<1x320xi32, #tpu.memory_space<vmem>>
      %dma_start3A_545 = arith.constant 0 : i32
      %dma_start3A_546 = tpu.memref_slice %arg5[%add3A_533, %dma_start3A_545] : memref<1024x320xi32, #tpu.memory_space<hbm>> -> memref<1x320xi32, #tpu.memory_space<hbm>>
      tpu.enqueue_dma source(%dma_start3A_546 : memref<1x320xi32, #tpu.memory_space<hbm>>) target(%dma_start3A_544 : memref<1x320xi32, #tpu.memory_space<vmem>>) target_semaphore(%arg16 : memref<!tpu.dma_semaphore, #tpu.memory_space<semaphore_mem>>)
      %dma_wait3A_547 = arith.constant 0 : i32
      %dma_wait3A_548 = arith.constant 0 : i32
      %dma_wait3A_549 = arith.constant 0 : i32
      %dma_wait3A_550 = tpu.memref_slice %arg9[%dma_wait3A_547, %dma_wait3A_548, %dma_wait3A_549] : memref<2x1x320xi32, #tpu.memory_space<vmem>> -> memref<1x1x320xi32, #tpu.memory_space<vmem>>
      %dma_wait3A_551 = tpu.memref_squeeze %dma_wait3A_550 : memref<1x1x320xi32, #tpu.memory_space<vmem>> -> memref<320xi32, #tpu.memory_space<vmem>>
      %dma_wait3A_552 = arith.constant 0 : i32
      %dma_wait3A_553 = arith.constant 0 : i32
      %dma_wait3A_554 = tpu.memref_slice %arg2[%dma_wait3A_552, %dma_wait3A_553] : memref<5120x128xf32, #tpu.memory_space<hbm>> -> memref<5120x128xf32, #tpu.memory_space<hbm>>
      tpu.wait_indirect_dma semaphore(%arg14 : memref<!tpu.dma_semaphore, #tpu.memory_space<semaphore_mem>>) src(%dma_wait3A_554 : memref<5120x128xf32, #tpu.memory_space<hbm>>) dst(%arg11 : memref<320x128xf32, #tpu.memory_space<vmem>>)
      %dma_start3A_555 = arith.constant 0 : i32
      %dma_start3A_556 = arith.constant 0 : i32
      %dma_start3A_557 = arith.constant 0 : i32
      %dma_start3A_558 = tpu.memref_slice %arg10[%dma_start3A_555, %dma_start3A_556, %dma_start3A_557] : memref<2x1x320xi32, #tpu.memory_space<vmem>> -> memref<1x1x320xi32, #tpu.memory_space<vmem>>
      %dma_start3A_559 = tpu.memref_squeeze %dma_start3A_558 : memref<1x1x320xi32, #tpu.memory_space<vmem>> -> memref<320xi32, #tpu.memory_space<vmem>>
      %dma_start3A_560 = arith.constant 0 : i32
      %dma_start3A_561 = arith.constant 0 : i32
      %dma_start3A_562 = tpu.memref_slice %arg13[%dma_start3A_560, %dma_start3A_561] : memref<5120x128xf32, #tpu.memory_space<vmem_shared>> -> memref<5120x128xf32, #tpu.memory_space<vmem_shared>>
      tpu.enqueue_indirect_dma source(%arg11 : memref<320x128xf32, #tpu.memory_space<vmem>>) target(%dma_start3A_562 : memref<5120x128xf32, #tpu.memory_space<vmem_shared>>) offsets(%dma_start3A_559 : memref<320xi32, #tpu.memory_space<vmem>>) semaphore(%arg15 : memref<!tpu.dma_semaphore, #tpu.memory_space<semaphore_mem>>) {add = true}
      %add3A_563 = arith.constant 1 : i32
      %add3A_564 = arith.addi %add3A_502, %add3A_563 : i32
      %mul3A_565 = arith.constant 1 : i32
      %mul3A_566 = arith.muli %add3A_564, %mul3A_565 : i32
      %add3A_567 = arith.addi %mul3A_2, %mul3A_566 : i32
      %dma_wait3A_568 = arith.constant 1 : i32
      %dma_wait3A_569 = arith.constant 0 : i32
      %dma_wait3A_570 = arith.constant 0 : i32
      %dma_wait3A_571 = tpu.memref_slice %arg9[%dma_wait3A_568, %dma_wait3A_569, %dma_wait3A_570] : memref<2x1x320xi32, #tpu.memory_space<vmem>> -> memref<1x1x320xi32, #tpu.memory_space<vmem>>
      %dma_wait3A_572 = tpu.memref_squeeze %dma_wait3A_571 : memref<1x1x320xi32, #tpu.memory_space<vmem>> -> memref<1x320xi32, #tpu.memory_space<vmem>>
      %dma_wait3A_573 = arith.constant 0 : i32
      %dma_wait3A_574 = tpu.memref_slice %arg4[%add3A_567, %dma_wait3A_573] : memref<1024x320xi32, #tpu.memory_space<hbm>> -> memref<1x320xi32, #tpu.memory_space<hbm>>
      %dma_wait3A_575 = arith.constant 0 : i32
      %dma_wait3A_576 = arith.constant 0 : i32
      %dma_wait3A_577 = tpu.memref_slice %arg9[%dma_wait3A_568, %dma_wait3A_575, %dma_wait3A_576] : memref<2x1x320xi32, #tpu.memory_space<vmem>> -> memref<1x1x320xi32, #tpu.memory_space<vmem>>
      %dma_wait3A_578 = tpu.memref_squeeze %dma_wait3A_577 : memref<1x1x320xi32, #tpu.memory_space<vmem>> -> memref<1x320xi32, #tpu.memory_space<vmem>>
      %dma_wait3A_579 = arith.constant 0 : i32
      %dma_wait3A_580 = tpu.memref_slice %arg4[%add3A_567, %dma_wait3A_579] : memref<1024x320xi32, #tpu.memory_space<hbm>> -> memref<1x320xi32, #tpu.memory_space<hbm>>
      tpu.wait_dma2 semaphore(%arg16 : memref<!tpu.dma_semaphore, #tpu.memory_space<semaphore_mem>>) src(%dma_wait3A_580 : memref<1x320xi32, #tpu.memory_space<hbm>>) dst(%dma_wait3A_578 : memref<1x320xi32, #tpu.memory_space<vmem>>)
      %add3A_581 = arith.constant 1 : i32
      %add3A_582 = arith.addi %add3A_502, %add3A_581 : i32
      %mul3A_583 = arith.constant 1 : i32
      %mul3A_584 = arith.muli %add3A_582, %mul3A_583 : i32
      %add3A_585 = arith.addi %mul3A_2, %mul3A_584 : i32
      %dma_wait3A_586 = arith.constant 1 : i32
      %dma_wait3A_587 = arith.constant 0 : i32
      %dma_wait3A_588 = arith.constant 0 : i32
      %dma_wait3A_589 = tpu.memref_slice %arg10[%dma_wait3A_586, %dma_wait3A_587, %dma_wait3A_588] : memref<2x1x320xi32, #tpu.memory_space<vmem>> -> memref<1x1x320xi32, #tpu.memory_space<vmem>>
      %dma_wait3A_590 = tpu.memref_squeeze %dma_wait3A_589 : memref<1x1x320xi32, #tpu.memory_space<vmem>> -> memref<1x320xi32, #tpu.memory_space<vmem>>
      %dma_wait3A_591 = arith.constant 0 : i32
      %dma_wait3A_592 = tpu.memref_slice %arg5[%add3A_585, %dma_wait3A_591] : memref<1024x320xi32, #tpu.memory_space<hbm>> -> memref<1x320xi32, #tpu.memory_space<hbm>>
      %dma_wait3A_593 = arith.constant 0 : i32
      %dma_wait3A_594 = arith.constant 0 : i32
      %dma_wait3A_595 = tpu.memref_slice %arg10[%dma_wait3A_586, %dma_wait3A_593, %dma_wait3A_594] : memref<2x1x320xi32, #tpu.memory_space<vmem>> -> memref<1x1x320xi32, #tpu.memory_space<vmem>>
      %dma_wait3A_596 = tpu.memref_squeeze %dma_wait3A_595 : memref<1x1x320xi32, #tpu.memory_space<vmem>> -> memref<1x320xi32, #tpu.memory_space<vmem>>
      %dma_wait3A_597 = arith.constant 0 : i32
      %dma_wait3A_598 = tpu.memref_slice %arg5[%add3A_585, %dma_wait3A_597] : memref<1024x320xi32, #tpu.memory_space<hbm>> -> memref<1x320xi32, #tpu.memory_space<hbm>>
      tpu.wait_dma2 semaphore(%arg16 : memref<!tpu.dma_semaphore, #tpu.memory_space<semaphore_mem>>) src(%dma_wait3A_598 : memref<1x320xi32, #tpu.memory_space<hbm>>) dst(%dma_wait3A_596 : memref<1x320xi32, #tpu.memory_space<vmem>>)
      %dma_start3A_599 = arith.constant 1 : i32
      %dma_start3A_600 = arith.constant 0 : i32
      %dma_start3A_601 = arith.constant 0 : i32
      %dma_start3A_602 = tpu.memref_slice %arg9[%dma_start3A_599, %dma_start3A_600, %dma_start3A_601] : memref<2x1x320xi32, #tpu.memory_space<vmem>> -> memref<1x1x320xi32, #tpu.memory_space<vmem>>
      %dma_start3A_603 = tpu.memref_squeeze %dma_start3A_602 : memref<1x1x320xi32, #tpu.memory_space<vmem>> -> memref<320xi32, #tpu.memory_space<vmem>>
      %dma_start3A_604 = arith.constant 0 : i32
      %dma_start3A_605 = arith.constant 0 : i32
      %dma_start3A_606 = tpu.memref_slice %arg2[%dma_start3A_604, %dma_start3A_605] : memref<5120x128xf32, #tpu.memory_space<hbm>> -> memref<5120x128xf32, #tpu.memory_space<hbm>>
      tpu.enqueue_indirect_dma source(%dma_start3A_606 : memref<5120x128xf32, #tpu.memory_space<hbm>>) target(%arg12 : memref<320x128xf32, #tpu.memory_space<vmem>>) offsets(%dma_start3A_603 : memref<320xi32, #tpu.memory_space<vmem>>) semaphore(%arg14 : memref<!tpu.dma_semaphore, #tpu.memory_space<semaphore_mem>>)
    }
    %scan3A_164 = arith.constant 15 : i32
    %dma_wait3A_165 = arith.constant 0 : i32
    %dma_wait3A_166 = arith.constant 0 : i32
    %dma_wait3A_167 = arith.constant 0 : i32
    %dma_wait3A_168 = tpu.memref_slice %arg10[%dma_wait3A_165, %dma_wait3A_166, %dma_wait3A_167] : memref<2x1x320xi32, #tpu.memory_space<vmem>> -> memref<1x1x320xi32, #tpu.memory_space<vmem>>
    %dma_wait3A_169 = tpu.memref_squeeze %dma_wait3A_168 : memref<1x1x320xi32, #tpu.memory_space<vmem>> -> memref<320xi32, #tpu.memory_space<vmem>>
    %dma_wait3A_170 = arith.constant 0 : i32
    %dma_wait3A_171 = arith.constant 0 : i32
    %dma_wait3A_172 = tpu.memref_slice %arg13[%dma_wait3A_170, %dma_wait3A_171] : memref<5120x128xf32, #tpu.memory_space<vmem_shared>> -> memref<5120x128xf32, #tpu.memory_space<vmem_shared>>
    tpu.wait_indirect_dma semaphore(%arg15 : memref<!tpu.dma_semaphore, #tpu.memory_space<semaphore_mem>>) src(%arg11 : memref<320x128xf32, #tpu.memory_space<vmem>>) dst(%dma_wait3A_172 : memref<5120x128xf32, #tpu.memory_space<vmem_shared>>)
    %dma_wait3A_173 = arith.constant 1 : i32
    %dma_wait3A_174 = arith.constant 0 : i32
    %dma_wait3A_175 = arith.constant 0 : i32
    %dma_wait3A_176 = tpu.memref_slice %arg9[%dma_wait3A_173, %dma_wait3A_174, %dma_wait3A_175] : memref<2x1x320xi32, #tpu.memory_space<vmem>> -> memref<1x1x320xi32, #tpu.memory_space<vmem>>
    %dma_wait3A_177 = tpu.memref_squeeze %dma_wait3A_176 : memref<1x1x320xi32, #tpu.memory_space<vmem>> -> memref<320xi32, #tpu.memory_space<vmem>>
    %dma_wait3A_178 = arith.constant 0 : i32
    %dma_wait3A_179 = arith.constant 0 : i32
    %dma_wait3A_180 = tpu.memref_slice %arg2[%dma_wait3A_178, %dma_wait3A_179] : memref<5120x128xf32, #tpu.memory_space<hbm>> -> memref<5120x128xf32, #tpu.memory_space<hbm>>
    tpu.wait_indirect_dma semaphore(%arg14 : memref<!tpu.dma_semaphore, #tpu.memory_space<semaphore_mem>>) src(%dma_wait3A_180 : memref<5120x128xf32, #tpu.memory_space<hbm>>) dst(%arg12 : memref<320x128xf32, #tpu.memory_space<vmem>>)
    %dma_start3A_181 = arith.constant 1 : i32
    %dma_start3A_182 = arith.constant 0 : i32
    %dma_start3A_183 = arith.constant 0 : i32
    %dma_start3A_184 = tpu.memref_slice %arg10[%dma_start3A_181, %dma_start3A_182, %dma_start3A_183] : memref<2x1x320xi32, #tpu.memory_space<vmem>> -> memref<1x1x320xi32, #tpu.memory_space<vmem>>
    %dma_start3A_185 = tpu.memref_squeeze %dma_start3A_184 : memref<1x1x320xi32, #tpu.memory_space<vmem>> -> memref<320xi32, #tpu.memory_space<vmem>>
    %dma_start3A_186 = arith.constant 0 : i32
    %dma_start3A_187 = arith.constant 0 : i32
    %dma_start3A_188 = tpu.memref_slice %arg13[%dma_start3A_186, %dma_start3A_187] : memref<5120x128xf32, #tpu.memory_space<vmem_shared>> -> memref<5120x128xf32, #tpu.memory_space<vmem_shared>>
    tpu.enqueue_indirect_dma source(%arg12 : memref<320x128xf32, #tpu.memory_space<vmem>>) target(%dma_start3A_188 : memref<5120x128xf32, #tpu.memory_space<vmem_shared>>) offsets(%dma_start3A_185 : memref<320xi32, #tpu.memory_space<vmem>>) semaphore(%arg15 : memref<!tpu.dma_semaphore, #tpu.memory_space<semaphore_mem>>) {add = true}
    %dma_wait3A_189 = arith.constant 1 : i32
    %dma_wait3A_190 = arith.constant 0 : i32
    %dma_wait3A_191 = arith.constant 0 : i32
    %dma_wait3A_192 = tpu.memref_slice %arg10[%dma_wait3A_189, %dma_wait3A_190, %dma_wait3A_191] : memref<2x1x320xi32, #tpu.memory_space<vmem>> -> memref<1x1x320xi32, #tpu.memory_space<vmem>>
    %dma_wait3A_193 = tpu.memref_squeeze %dma_wait3A_192 : memref<1x1x320xi32, #tpu.memory_space<vmem>> -> memref<320xi32, #tpu.memory_space<vmem>>
    %dma_wait3A_194 = arith.constant 0 : i32
    %dma_wait3A_195 = arith.constant 0 : i32
    %dma_wait3A_196 = tpu.memref_slice %arg13[%dma_wait3A_194, %dma_wait3A_195] : memref<5120x128xf32, #tpu.memory_space<vmem_shared>> -> memref<5120x128xf32, #tpu.memory_space<vmem_shared>>
    tpu.wait_indirect_dma semaphore(%arg15 : memref<!tpu.dma_semaphore, #tpu.memory_space<semaphore_mem>>) src(%arg12 : memref<320x128xf32, #tpu.memory_space<vmem>>) dst(%dma_wait3A_196 : memref<5120x128xf32, #tpu.memory_space<vmem_shared>>)
    %barrier3A_197 = arith.constant 0 : index
    tpu.barrier barrier_id(%barrier3A_197)
    "tpu.region"() ({
      %run_scoped3A = tpu.sem_alloc : memref<!tpu.dma_semaphore, #tpu.memory_space<semaphore_mem>>
      %dma_start3A_390 = arith.constant 0 : i32
      %dma_start3A_391 = tpu.memref_slice %arg7[%add3A_9, %dma_start3A_390] : memref<10240x128xf32, #tpu.memory_space<hbm>> -> memref<320x128xf32, #tpu.memory_space<hbm>>
      %dma_start3A_392 = arith.constant 0 : i32
      %dma_start3A_393 = tpu.memref_slice %arg13[%mul3A_4, %dma_start3A_392] : memref<5120x128xf32, #tpu.memory_space<vmem_shared>> -> memref<320x128xf32, #tpu.memory_space<vmem_shared>>
      tpu.enqueue_dma source(%dma_start3A_393 : memref<320x128xf32, #tpu.memory_space<vmem_shared>>) target(%dma_start3A_391 : memref<320x128xf32, #tpu.memory_space<hbm>>) target_semaphore(%run_scoped3A : memref<!tpu.dma_semaphore, #tpu.memory_space<semaphore_mem>>)
      %dma_wait3A_394 = arith.constant 0 : i32
      %dma_wait3A_395 = tpu.memref_slice %arg7[%add3A_9, %dma_wait3A_394] : memref<10240x128xf32, #tpu.memory_space<hbm>> -> memref<320x128xf32, #tpu.memory_space<hbm>>
      %dma_wait3A_396 = arith.constant 0 : i32
      %dma_wait3A_397 = tpu.memref_slice %arg13[%mul3A_4, %dma_wait3A_396] : memref<5120x128xf32, #tpu.memory_space<vmem_shared>> -> memref<320x128xf32, #tpu.memory_space<vmem_shared>>
      tpu.wait_dma2 semaphore(%run_scoped3A : memref<!tpu.dma_semaphore, #tpu.memory_space<semaphore_mem>>) src(%dma_wait3A_397 : memref<320x128xf32, #tpu.memory_space<vmem_shared>>) dst(%dma_wait3A_395 : memref<320x128xf32, #tpu.memory_space<hbm>>)
      tpu.yield
    }) : () -> ()
    "tpu.region"() ({
      %run_scoped3A = tpu.sem_alloc : memref<!tpu.dma_semaphore, #tpu.memory_space<semaphore_mem>>
      %dma_start3A_390 = arith.constant 0 : i32
      %dma_start3A_391 = tpu.memref_slice %arg13[%mul3A_4, %dma_start3A_390] : memref<5120x128xf32, #tpu.memory_space<vmem_shared>> -> memref<320x128xf32, #tpu.memory_space<vmem_shared>>
      %dma_start3A_392 = arith.constant 0 : i32
      %dma_start3A_393 = tpu.memref_slice %arg6[%mul3A_4, %dma_start3A_392] : memref<5120x128xf32, #tpu.memory_space<hbm>> -> memref<320x128xf32, #tpu.memory_space<hbm>>
      tpu.enqueue_dma source(%dma_start3A_393 : memref<320x128xf32, #tpu.memory_space<hbm>>) target(%dma_start3A_391 : memref<320x128xf32, #tpu.memory_space<vmem_shared>>) target_semaphore(%run_scoped3A : memref<!tpu.dma_semaphore, #tpu.memory_space<semaphore_mem>>)
      %dma_wait3A_394 = arith.constant 0 : i32
      %dma_wait3A_395 = tpu.memref_slice %arg13[%mul3A_4, %dma_wait3A_394] : memref<5120x128xf32, #tpu.memory_space<vmem_shared>> -> memref<320x128xf32, #tpu.memory_space<vmem_shared>>
      %dma_wait3A_396 = arith.constant 0 : i32
      %dma_wait3A_397 = tpu.memref_slice %arg6[%mul3A_4, %dma_wait3A_396] : memref<5120x128xf32, #tpu.memory_space<hbm>> -> memref<320x128xf32, #tpu.memory_space<hbm>>
      tpu.wait_dma2 semaphore(%run_scoped3A : memref<!tpu.dma_semaphore, #tpu.memory_space<semaphore_mem>>) src(%dma_wait3A_397 : memref<320x128xf32, #tpu.memory_space<hbm>>) dst(%dma_wait3A_395 : memref<320x128xf32, #tpu.memory_space<vmem_shared>>)
      tpu.yield
    }) : () -> ()
    %barrier3A_198 = arith.constant 0 : index
    tpu.barrier barrier_id(%barrier3A_198)
    %add3A_199 = arith.constant 0 : i32
    %add3A_200 = arith.addi %mul3A_2, %add3A_199 : i32
    %dma_start3A_201 = arith.constant 0 : i32
    %dma_start3A_202 = arith.constant 0 : i32
    %dma_start3A_203 = arith.constant 0 : i32
    %dma_start3A_204 = tpu.memref_slice %arg9[%dma_start3A_201, %dma_start3A_202, %dma_start3A_203] : memref<2x1x320xi32, #tpu.memory_space<vmem>> -> memref<1x1x320xi32, #tpu.memory_space<vmem>>
    %dma_start3A_205 = tpu.memref_squeeze %dma_start3A_204 : memref<1x1x320xi32, #tpu.memory_space<vmem>> -> memref<1x320xi32, #tpu.memory_space<vmem>>
    %dma_start3A_206 = arith.constant 0 : i32
    %dma_start3A_207 = tpu.memref_slice %arg5[%add3A_200, %dma_start3A_206] : memref<1024x320xi32, #tpu.memory_space<hbm>> -> memref<1x320xi32, #tpu.memory_space<hbm>>
    %dma_start3A_208 = arith.constant 0 : i32
    %dma_start3A_209 = arith.constant 0 : i32
    %dma_start3A_210 = tpu.memref_slice %arg9[%dma_start3A_201, %dma_start3A_208, %dma_start3A_209] : memref<2x1x320xi32, #tpu.memory_space<vmem>> -> memref<1x1x320xi32, #tpu.memory_space<vmem>>
    %dma_start3A_211 = tpu.memref_squeeze %dma_start3A_210 : memref<1x1x320xi32, #tpu.memory_space<vmem>> -> memref<1x320xi32, #tpu.memory_space<vmem>>
    %dma_start3A_212 = arith.constant 0 : i32
    %dma_start3A_213 = tpu.memref_slice %arg5[%add3A_200, %dma_start3A_212] : memref<1024x320xi32, #tpu.memory_space<hbm>> -> memref<1x320xi32, #tpu.memory_space<hbm>>
    tpu.enqueue_dma source(%dma_start3A_213 : memref<1x320xi32, #tpu.memory_space<hbm>>) target(%dma_start3A_211 : memref<1x320xi32, #tpu.memory_space<vmem>>) target_semaphore(%arg16 : memref<!tpu.dma_semaphore, #tpu.memory_space<semaphore_mem>>)
    %add3A_214 = arith.constant 0 : i32
    %add3A_215 = arith.addi %mul3A_2, %add3A_214 : i32
    %dma_start3A_216 = arith.constant 0 : i32
    %dma_start3A_217 = arith.constant 0 : i32
    %dma_start3A_218 = arith.constant 0 : i32
    %dma_start3A_219 = tpu.memref_slice %arg10[%dma_start3A_216, %dma_start3A_217, %dma_start3A_218] : memref<2x1x320xi32, #tpu.memory_space<vmem>> -> memref<1x1x320xi32, #tpu.memory_space<vmem>>
    %dma_start3A_220 = tpu.memref_squeeze %dma_start3A_219 : memref<1x1x320xi32, #tpu.memory_space<vmem>> -> memref<1x320xi32, #tpu.memory_space<vmem>>
    %dma_start3A_221 = arith.constant 0 : i32
    %dma_start3A_222 = tpu.memref_slice %arg4[%add3A_215, %dma_start3A_221] : memref<1024x320xi32, #tpu.memory_space<hbm>> -> memref<1x320xi32, #tpu.memory_space<hbm>>
    %dma_start3A_223 = arith.constant 0 : i32
    %dma_start3A_224 = arith.constant 0 : i32
    %dma_start3A_225 = tpu.memref_slice %arg10[%dma_start3A_216, %dma_start3A_223, %dma_start3A_224] : memref<2x1x320xi32, #tpu.memory_space<vmem>> -> memref<1x1x320xi32, #tpu.memory_space<vmem>>
    %dma_start3A_226 = tpu.memref_squeeze %dma_start3A_225 : memref<1x1x320xi32, #tpu.memory_space<vmem>> -> memref<1x320xi32, #tpu.memory_space<vmem>>
    %dma_start3A_227 = arith.constant 0 : i32
    %dma_start3A_228 = tpu.memref_slice %arg4[%add3A_215, %dma_start3A_227] : memref<1024x320xi32, #tpu.memory_space<hbm>> -> memref<1x320xi32, #tpu.memory_space<hbm>>
    tpu.enqueue_dma source(%dma_start3A_228 : memref<1x320xi32, #tpu.memory_space<hbm>>) target(%dma_start3A_226 : memref<1x320xi32, #tpu.memory_space<vmem>>) target_semaphore(%arg16 : memref<!tpu.dma_semaphore, #tpu.memory_space<semaphore_mem>>)
    %add3A_229 = arith.constant 0 : i32
    %add3A_230 = arith.addi %mul3A_2, %add3A_229 : i32
    %dma_wait3A_231 = arith.constant 0 : i32
    %dma_wait3A_232 = arith.constant 0 : i32
    %dma_wait3A_233 = arith.constant 0 : i32
    %dma_wait3A_234 = tpu.memref_slice %arg9[%dma_wait3A_231, %dma_wait3A_232, %dma_wait3A_233] : memref<2x1x320xi32, #tpu.memory_space<vmem>> -> memref<1x1x320xi32, #tpu.memory_space<vmem>>
    %dma_wait3A_235 = tpu.memref_squeeze %dma_wait3A_234 : memref<1x1x320xi32, #tpu.memory_space<vmem>> -> memref<1x320xi32, #tpu.memory_space<vmem>>
    %dma_wait3A_236 = arith.constant 0 : i32
    %dma_wait3A_237 = tpu.memref_slice %arg5[%add3A_230, %dma_wait3A_236] : memref<1024x320xi32, #tpu.memory_space<hbm>> -> memref<1x320xi32, #tpu.memory_space<hbm>>
    %dma_wait3A_238 = arith.constant 0 : i32
    %dma_wait3A_239 = arith.constant 0 : i32
    %dma_wait3A_240 = tpu.memref_slice %arg9[%dma_wait3A_231, %dma_wait3A_238, %dma_wait3A_239] : memref<2x1x320xi32, #tpu.memory_space<vmem>> -> memref<1x1x320xi32, #tpu.memory_space<vmem>>
    %dma_wait3A_241 = tpu.memref_squeeze %dma_wait3A_240 : memref<1x1x320xi32, #tpu.memory_space<vmem>> -> memref<1x320xi32, #tpu.memory_space<vmem>>
    %dma_wait3A_242 = arith.constant 0 : i32
    %dma_wait3A_243 = tpu.memref_slice %arg5[%add3A_230, %dma_wait3A_242] : memref<1024x320xi32, #tpu.memory_space<hbm>> -> memref<1x320xi32, #tpu.memory_space<hbm>>
    tpu.wait_dma2 semaphore(%arg16 : memref<!tpu.dma_semaphore, #tpu.memory_space<semaphore_mem>>) src(%dma_wait3A_243 : memref<1x320xi32, #tpu.memory_space<hbm>>) dst(%dma_wait3A_241 : memref<1x320xi32, #tpu.memory_space<vmem>>)
    %add3A_244 = arith.constant 0 : i32
    %add3A_245 = arith.addi %mul3A_2, %add3A_244 : i32
    %dma_wait3A_246 = arith.constant 0 : i32
    %dma_wait3A_247 = arith.constant 0 : i32
    %dma_wait3A_248 = arith.constant 0 : i32
    %dma_wait3A_249 = tpu.memref_slice %arg10[%dma_wait3A_246, %dma_wait3A_247, %dma_wait3A_248] : memref<2x1x320xi32, #tpu.memory_space<vmem>> -> memref<1x1x320xi32, #tpu.memory_space<vmem>>
    %dma_wait3A_250 = tpu.memref_squeeze %dma_wait3A_249 : memref<1x1x320xi32, #tpu.memory_space<vmem>> -> memref<1x320xi32, #tpu.memory_space<vmem>>
    %dma_wait3A_251 = arith.constant 0 : i32
    %dma_wait3A_252 = tpu.memref_slice %arg4[%add3A_245, %dma_wait3A_251] : memref<1024x320xi32, #tpu.memory_space<hbm>> -> memref<1x320xi32, #tpu.memory_space<hbm>>
    %dma_wait3A_253 = arith.constant 0 : i32
    %dma_wait3A_254 = arith.constant 0 : i32
    %dma_wait3A_255 = tpu.memref_slice %arg10[%dma_wait3A_246, %dma_wait3A_253, %dma_wait3A_254] : memref<2x1x320xi32, #tpu.memory_space<vmem>> -> memref<1x1x320xi32, #tpu.memory_space<vmem>>
    %dma_wait3A_256 = tpu.memref_squeeze %dma_wait3A_255 : memref<1x1x320xi32, #tpu.memory_space<vmem>> -> memref<1x320xi32, #tpu.memory_space<vmem>>
    %dma_wait3A_257 = arith.constant 0 : i32
    %dma_wait3A_258 = tpu.memref_slice %arg4[%add3A_245, %dma_wait3A_257] : memref<1024x320xi32, #tpu.memory_space<hbm>> -> memref<1x320xi32, #tpu.memory_space<hbm>>
    tpu.wait_dma2 semaphore(%arg16 : memref<!tpu.dma_semaphore, #tpu.memory_space<semaphore_mem>>) src(%dma_wait3A_258 : memref<1x320xi32, #tpu.memory_space<hbm>>) dst(%dma_wait3A_256 : memref<1x320xi32, #tpu.memory_space<vmem>>)
    %dma_start3A_259 = arith.constant 0 : i32
    %dma_start3A_260 = arith.constant 0 : i32
    %dma_start3A_261 = arith.constant 0 : i32
    %dma_start3A_262 = tpu.memref_slice %arg9[%dma_start3A_259, %dma_start3A_260, %dma_start3A_261] : memref<2x1x320xi32, #tpu.memory_space<vmem>> -> memref<1x1x320xi32, #tpu.memory_space<vmem>>
    %dma_start3A_263 = tpu.memref_squeeze %dma_start3A_262 : memref<1x1x320xi32, #tpu.memory_space<vmem>> -> memref<320xi32, #tpu.memory_space<vmem>>
    %dma_start3A_264 = arith.constant 0 : i32
    %dma_start3A_265 = arith.constant 0 : i32
    %dma_start3A_266 = tpu.memref_slice %arg3[%dma_start3A_264, %dma_start3A_265] : memref<5120x128xf32, #tpu.memory_space<hbm>> -> memref<5120x128xf32, #tpu.memory_space<hbm>>
    tpu.enqueue_indirect_dma source(%dma_start3A_266 : memref<5120x128xf32, #tpu.memory_space<hbm>>) target(%arg11 : memref<320x128xf32, #tpu.memory_space<vmem>>) offsets(%dma_start3A_263 : memref<320xi32, #tpu.memory_space<vmem>>) semaphore(%arg14 : memref<!tpu.dma_semaphore, #tpu.memory_space<semaphore_mem>>)
    %add3A_267 = arith.constant 1 : i32
    %add3A_268 = arith.addi %mul3A_2, %add3A_267 : i32
    %dma_start3A_269 = arith.constant 1 : i32
    %dma_start3A_270 = arith.constant 0 : i32
    %dma_start3A_271 = arith.constant 0 : i32
    %dma_start3A_272 = tpu.memref_slice %arg9[%dma_start3A_269, %dma_start3A_270, %dma_start3A_271] : memref<2x1x320xi32, #tpu.memory_space<vmem>> -> memref<1x1x320xi32, #tpu.memory_space<vmem>>
    %dma_start3A_273 = tpu.memref_squeeze %dma_start3A_272 : memref<1x1x320xi32, #tpu.memory_space<vmem>> -> memref<1x320xi32, #tpu.memory_space<vmem>>
    %dma_start3A_274 = arith.constant 0 : i32
    %dma_start3A_275 = tpu.memref_slice %arg5[%add3A_268, %dma_start3A_274] : memref<1024x320xi32, #tpu.memory_space<hbm>> -> memref<1x320xi32, #tpu.memory_space<hbm>>
    %dma_start3A_276 = arith.constant 0 : i32
    %dma_start3A_277 = arith.constant 0 : i32
    %dma_start3A_278 = tpu.memref_slice %arg9[%dma_start3A_269, %dma_start3A_276, %dma_start3A_277] : memref<2x1x320xi32, #tpu.memory_space<vmem>> -> memref<1x1x320xi32, #tpu.memory_space<vmem>>
    %dma_start3A_279 = tpu.memref_squeeze %dma_start3A_278 : memref<1x1x320xi32, #tpu.memory_space<vmem>> -> memref<1x320xi32, #tpu.memory_space<vmem>>
    %dma_start3A_280 = arith.constant 0 : i32
    %dma_start3A_281 = tpu.memref_slice %arg5[%add3A_268, %dma_start3A_280] : memref<1024x320xi32, #tpu.memory_space<hbm>> -> memref<1x320xi32, #tpu.memory_space<hbm>>
    tpu.enqueue_dma source(%dma_start3A_281 : memref<1x320xi32, #tpu.memory_space<hbm>>) target(%dma_start3A_279 : memref<1x320xi32, #tpu.memory_space<vmem>>) target_semaphore(%arg16 : memref<!tpu.dma_semaphore, #tpu.memory_space<semaphore_mem>>)
    %add3A_282 = arith.constant 1 : i32
    %add3A_283 = arith.addi %mul3A_2, %add3A_282 : i32
    %dma_start3A_284 = arith.constant 1 : i32
    %dma_start3A_285 = arith.constant 0 : i32
    %dma_start3A_286 = arith.constant 0 : i32
    %dma_start3A_287 = tpu.memref_slice %arg10[%dma_start3A_284, %dma_start3A_285, %dma_start3A_286] : memref<2x1x320xi32, #tpu.memory_space<vmem>> -> memref<1x1x320xi32, #tpu.memory_space<vmem>>
    %dma_start3A_288 = tpu.memref_squeeze %dma_start3A_287 : memref<1x1x320xi32, #tpu.memory_space<vmem>> -> memref<1x320xi32, #tpu.memory_space<vmem>>
    %dma_start3A_289 = arith.constant 0 : i32
    %dma_start3A_290 = tpu.memref_slice %arg4[%add3A_283, %dma_start3A_289] : memref<1024x320xi32, #tpu.memory_space<hbm>> -> memref<1x320xi32, #tpu.memory_space<hbm>>
    %dma_start3A_291 = arith.constant 0 : i32
    %dma_start3A_292 = arith.constant 0 : i32
    %dma_start3A_293 = tpu.memref_slice %arg10[%dma_start3A_284, %dma_start3A_291, %dma_start3A_292] : memref<2x1x320xi32, #tpu.memory_space<vmem>> -> memref<1x1x320xi32, #tpu.memory_space<vmem>>
    %dma_start3A_294 = tpu.memref_squeeze %dma_start3A_293 : memref<1x1x320xi32, #tpu.memory_space<vmem>> -> memref<1x320xi32, #tpu.memory_space<vmem>>
    %dma_start3A_295 = arith.constant 0 : i32
    %dma_start3A_296 = tpu.memref_slice %arg4[%add3A_283, %dma_start3A_295] : memref<1024x320xi32, #tpu.memory_space<hbm>> -> memref<1x320xi32, #tpu.memory_space<hbm>>
    tpu.enqueue_dma source(%dma_start3A_296 : memref<1x320xi32, #tpu.memory_space<hbm>>) target(%dma_start3A_294 : memref<1x320xi32, #tpu.memory_space<vmem>>) target_semaphore(%arg16 : memref<!tpu.dma_semaphore, #tpu.memory_space<semaphore_mem>>)
    %dma_wait3A_297 = arith.constant 0 : i32
    %dma_wait3A_298 = arith.constant 0 : i32
    %dma_wait3A_299 = arith.constant 0 : i32
    %dma_wait3A_300 = tpu.memref_slice %arg9[%dma_wait3A_297, %dma_wait3A_298, %dma_wait3A_299] : memref<2x1x320xi32, #tpu.memory_space<vmem>> -> memref<1x1x320xi32, #tpu.memory_space<vmem>>
    %dma_wait3A_301 = tpu.memref_squeeze %dma_wait3A_300 : memref<1x1x320xi32, #tpu.memory_space<vmem>> -> memref<320xi32, #tpu.memory_space<vmem>>
    %dma_wait3A_302 = arith.constant 0 : i32
    %dma_wait3A_303 = arith.constant 0 : i32
    %dma_wait3A_304 = tpu.memref_slice %arg3[%dma_wait3A_302, %dma_wait3A_303] : memref<5120x128xf32, #tpu.memory_space<hbm>> -> memref<5120x128xf32, #tpu.memory_space<hbm>>
    tpu.wait_indirect_dma semaphore(%arg14 : memref<!tpu.dma_semaphore, #tpu.memory_space<semaphore_mem>>) src(%dma_wait3A_304 : memref<5120x128xf32, #tpu.memory_space<hbm>>) dst(%arg11 : memref<320x128xf32, #tpu.memory_space<vmem>>)
    %dma_start3A_305 = arith.constant 0 : i32
    %dma_start3A_306 = arith.constant 0 : i32
    %dma_start3A_307 = arith.constant 0 : i32
    %dma_start3A_308 = tpu.memref_slice %arg10[%dma_start3A_305, %dma_start3A_306, %dma_start3A_307] : memref<2x1x320xi32, #tpu.memory_space<vmem>> -> memref<1x1x320xi32, #tpu.memory_space<vmem>>
    %dma_start3A_309 = tpu.memref_squeeze %dma_start3A_308 : memref<1x1x320xi32, #tpu.memory_space<vmem>> -> memref<320xi32, #tpu.memory_space<vmem>>
    %dma_start3A_310 = arith.constant 0 : i32
    %dma_start3A_311 = arith.constant 0 : i32
    %dma_start3A_312 = tpu.memref_slice %arg13[%dma_start3A_310, %dma_start3A_311] : memref<5120x128xf32, #tpu.memory_space<vmem_shared>> -> memref<5120x128xf32, #tpu.memory_space<vmem_shared>>
    tpu.enqueue_indirect_dma source(%arg11 : memref<320x128xf32, #tpu.memory_space<vmem>>) target(%dma_start3A_312 : memref<5120x128xf32, #tpu.memory_space<vmem_shared>>) offsets(%dma_start3A_309 : memref<320xi32, #tpu.memory_space<vmem>>) semaphore(%arg15 : memref<!tpu.dma_semaphore, #tpu.memory_space<semaphore_mem>>) {add = true}
    %add3A_313 = arith.constant 1 : i32
    %add3A_314 = arith.addi %mul3A_2, %add3A_313 : i32
    %dma_wait3A_315 = arith.constant 1 : i32
    %dma_wait3A_316 = arith.constant 0 : i32
    %dma_wait3A_317 = arith.constant 0 : i32
    %dma_wait3A_318 = tpu.memref_slice %arg9[%dma_wait3A_315, %dma_wait3A_316, %dma_wait3A_317] : memref<2x1x320xi32, #tpu.memory_space<vmem>> -> memref<1x1x320xi32, #tpu.memory_space<vmem>>
    %dma_wait3A_319 = tpu.memref_squeeze %dma_wait3A_318 : memref<1x1x320xi32, #tpu.memory_space<vmem>> -> memref<1x320xi32, #tpu.memory_space<vmem>>
    %dma_wait3A_320 = arith.constant 0 : i32
    %dma_wait3A_321 = tpu.memref_slice %arg5[%add3A_314, %dma_wait3A_320] : memref<1024x320xi32, #tpu.memory_space<hbm>> -> memref<1x320xi32, #tpu.memory_space<hbm>>
    %dma_wait3A_322 = arith.constant 0 : i32
    %dma_wait3A_323 = arith.constant 0 : i32
    %dma_wait3A_324 = tpu.memref_slice %arg9[%dma_wait3A_315, %dma_wait3A_322, %dma_wait3A_323] : memref<2x1x320xi32, #tpu.memory_space<vmem>> -> memref<1x1x320xi32, #tpu.memory_space<vmem>>
    %dma_wait3A_325 = tpu.memref_squeeze %dma_wait3A_324 : memref<1x1x320xi32, #tpu.memory_space<vmem>> -> memref<1x320xi32, #tpu.memory_space<vmem>>
    %dma_wait3A_326 = arith.constant 0 : i32
    %dma_wait3A_327 = tpu.memref_slice %arg5[%add3A_314, %dma_wait3A_326] : memref<1024x320xi32, #tpu.memory_space<hbm>> -> memref<1x320xi32, #tpu.memory_space<hbm>>
    tpu.wait_dma2 semaphore(%arg16 : memref<!tpu.dma_semaphore, #tpu.memory_space<semaphore_mem>>) src(%dma_wait3A_327 : memref<1x320xi32, #tpu.memory_space<hbm>>) dst(%dma_wait3A_325 : memref<1x320xi32, #tpu.memory_space<vmem>>)
    %add3A_328 = arith.constant 1 : i32
    %add3A_329 = arith.addi %mul3A_2, %add3A_328 : i32
    %dma_wait3A_330 = arith.constant 1 : i32
    %dma_wait3A_331 = arith.constant 0 : i32
    %dma_wait3A_332 = arith.constant 0 : i32
    %dma_wait3A_333 = tpu.memref_slice %arg10[%dma_wait3A_330, %dma_wait3A_331, %dma_wait3A_332] : memref<2x1x320xi32, #tpu.memory_space<vmem>> -> memref<1x1x320xi32, #tpu.memory_space<vmem>>
    %dma_wait3A_334 = tpu.memref_squeeze %dma_wait3A_333 : memref<1x1x320xi32, #tpu.memory_space<vmem>> -> memref<1x320xi32, #tpu.memory_space<vmem>>
    %dma_wait3A_335 = arith.constant 0 : i32
    %dma_wait3A_336 = tpu.memref_slice %arg4[%add3A_329, %dma_wait3A_335] : memref<1024x320xi32, #tpu.memory_space<hbm>> -> memref<1x320xi32, #tpu.memory_space<hbm>>
    %dma_wait3A_337 = arith.constant 0 : i32
    %dma_wait3A_338 = arith.constant 0 : i32
    %dma_wait3A_339 = tpu.memref_slice %arg10[%dma_wait3A_330, %dma_wait3A_337, %dma_wait3A_338] : memref<2x1x320xi32, #tpu.memory_space<vmem>> -> memref<1x1x320xi32, #tpu.memory_space<vmem>>
    %dma_wait3A_340 = tpu.memref_squeeze %dma_wait3A_339 : memref<1x1x320xi32, #tpu.memory_space<vmem>> -> memref<1x320xi32, #tpu.memory_space<vmem>>
    %dma_wait3A_341 = arith.constant 0 : i32
    %dma_wait3A_342 = tpu.memref_slice %arg4[%add3A_329, %dma_wait3A_341] : memref<1024x320xi32, #tpu.memory_space<hbm>> -> memref<1x320xi32, #tpu.memory_space<hbm>>
    tpu.wait_dma2 semaphore(%arg16 : memref<!tpu.dma_semaphore, #tpu.memory_space<semaphore_mem>>) src(%dma_wait3A_342 : memref<1x320xi32, #tpu.memory_space<hbm>>) dst(%dma_wait3A_340 : memref<1x320xi32, #tpu.memory_space<vmem>>)
    %dma_start3A_343 = arith.constant 1 : i32
    %dma_start3A_344 = arith.constant 0 : i32
    %dma_start3A_345 = arith.constant 0 : i32
    %dma_start3A_346 = tpu.memref_slice %arg9[%dma_start3A_343, %dma_start3A_344, %dma_start3A_345] : memref<2x1x320xi32, #tpu.memory_space<vmem>> -> memref<1x1x320xi32, #tpu.memory_space<vmem>>
    %dma_start3A_347 = tpu.memref_squeeze %dma_start3A_346 : memref<1x1x320xi32, #tpu.memory_space<vmem>> -> memref<320xi32, #tpu.memory_space<vmem>>
    %dma_start3A_348 = arith.constant 0 : i32
    %dma_start3A_349 = arith.constant 0 : i32
    %dma_start3A_350 = tpu.memref_slice %arg3[%dma_start3A_348, %dma_start3A_349] : memref<5120x128xf32, #tpu.memory_space<hbm>> -> memref<5120x128xf32, #tpu.memory_space<hbm>>
    tpu.enqueue_indirect_dma source(%dma_start3A_350 : memref<5120x128xf32, #tpu.memory_space<hbm>>) target(%arg12 : memref<320x128xf32, #tpu.memory_space<vmem>>) offsets(%dma_start3A_347 : memref<320xi32, #tpu.memory_space<vmem>>) semaphore(%arg14 : memref<!tpu.dma_semaphore, #tpu.memory_space<semaphore_mem>>)
    %scan3A_351 = arith.constant 0 : i32
    %scan3A_352 = arith.constant 0 : i32
    %scan3A_353 = arith.constant 15 : i32
    %scan3A_354 = arith.addi %scan3A_352, %scan3A_353 : i32
    %scan3A_355 = arith.constant 1 : i32
    scf.for %scan3A_390 = %scan3A_352 to %scan3A_354 step %scan3A_355  : i32 {
      %mul3A_391 = arith.constant 2 : i32
      %mul3A_392 = arith.muli %mul3A_391, %scan3A_390 : i32
      %add3A_393 = arith.constant 1 : i32
      %add3A_394 = arith.addi %mul3A_392, %add3A_393 : i32
      %dma_wait3A_395 = arith.constant 0 : i32
      %dma_wait3A_396 = arith.constant 0 : i32
      %dma_wait3A_397 = arith.constant 0 : i32
      %dma_wait3A_398 = tpu.memref_slice %arg10[%dma_wait3A_395, %dma_wait3A_396, %dma_wait3A_397] : memref<2x1x320xi32, #tpu.memory_space<vmem>> -> memref<1x1x320xi32, #tpu.memory_space<vmem>>
      %dma_wait3A_399 = tpu.memref_squeeze %dma_wait3A_398 : memref<1x1x320xi32, #tpu.memory_space<vmem>> -> memref<320xi32, #tpu.memory_space<vmem>>
      %dma_wait3A_400 = arith.constant 0 : i32
      %dma_wait3A_401 = arith.constant 0 : i32
      %dma_wait3A_402 = tpu.memref_slice %arg13[%dma_wait3A_400, %dma_wait3A_401] : memref<5120x128xf32, #tpu.memory_space<vmem_shared>> -> memref<5120x128xf32, #tpu.memory_space<vmem_shared>>
      tpu.wait_indirect_dma semaphore(%arg15 : memref<!tpu.dma_semaphore, #tpu.memory_space<semaphore_mem>>) src(%arg11 : memref<320x128xf32, #tpu.memory_space<vmem>>) dst(%dma_wait3A_402 : memref<5120x128xf32, #tpu.memory_space<vmem_shared>>)
      %add3A_403 = arith.constant 1 : i32
      %add3A_404 = arith.addi %add3A_394, %add3A_403 : i32
      %mul3A_405 = arith.constant 1 : i32
      %mul3A_406 = arith.muli %add3A_404, %mul3A_405 : i32
      %add3A_407 = arith.addi %mul3A_2, %mul3A_406 : i32
      %dma_start3A_408 = arith.constant 0 : i32
      %dma_start3A_409 = arith.constant 0 : i32
      %dma_start3A_410 = arith.constant 0 : i32
      %dma_start3A_411 = tpu.memref_slice %arg9[%dma_start3A_408, %dma_start3A_409, %dma_start3A_410] : memref<2x1x320xi32, #tpu.memory_space<vmem>> -> memref<1x1x320xi32, #tpu.memory_space<vmem>>
      %dma_start3A_412 = tpu.memref_squeeze %dma_start3A_411 : memref<1x1x320xi32, #tpu.memory_space<vmem>> -> memref<1x320xi32, #tpu.memory_space<vmem>>
      %dma_start3A_413 = arith.constant 0 : i32
      %dma_start3A_414 = tpu.memref_slice %arg5[%add3A_407, %dma_start3A_413] : memref<1024x320xi32, #tpu.memory_space<hbm>> -> memref<1x320xi32, #tpu.memory_space<hbm>>
      %dma_start3A_415 = arith.constant 0 : i32
      %dma_start3A_416 = arith.constant 0 : i32
      %dma_start3A_417 = tpu.memref_slice %arg9[%dma_start3A_408, %dma_start3A_415, %dma_start3A_416] : memref<2x1x320xi32, #tpu.memory_space<vmem>> -> memref<1x1x320xi32, #tpu.memory_space<vmem>>
      %dma_start3A_418 = tpu.memref_squeeze %dma_start3A_417 : memref<1x1x320xi32, #tpu.memory_space<vmem>> -> memref<1x320xi32, #tpu.memory_space<vmem>>
      %dma_start3A_419 = arith.constant 0 : i32
      %dma_start3A_420 = tpu.memref_slice %arg5[%add3A_407, %dma_start3A_419] : memref<1024x320xi32, #tpu.memory_space<hbm>> -> memref<1x320xi32, #tpu.memory_space<hbm>>
      tpu.enqueue_dma source(%dma_start3A_420 : memref<1x320xi32, #tpu.memory_space<hbm>>) target(%dma_start3A_418 : memref<1x320xi32, #tpu.memory_space<vmem>>) target_semaphore(%arg16 : memref<!tpu.dma_semaphore, #tpu.memory_space<semaphore_mem>>)
      %add3A_421 = arith.constant 1 : i32
      %add3A_422 = arith.addi %add3A_394, %add3A_421 : i32
      %mul3A_423 = arith.constant 1 : i32
      %mul3A_424 = arith.muli %add3A_422, %mul3A_423 : i32
      %add3A_425 = arith.addi %mul3A_2, %mul3A_424 : i32
      %dma_start3A_426 = arith.constant 0 : i32
      %dma_start3A_427 = arith.constant 0 : i32
      %dma_start3A_428 = arith.constant 0 : i32
      %dma_start3A_429 = tpu.memref_slice %arg10[%dma_start3A_426, %dma_start3A_427, %dma_start3A_428] : memref<2x1x320xi32, #tpu.memory_space<vmem>> -> memref<1x1x320xi32, #tpu.memory_space<vmem>>
      %dma_start3A_430 = tpu.memref_squeeze %dma_start3A_429 : memref<1x1x320xi32, #tpu.memory_space<vmem>> -> memref<1x320xi32, #tpu.memory_space<vmem>>
      %dma_start3A_431 = arith.constant 0 : i32
      %dma_start3A_432 = tpu.memref_slice %arg4[%add3A_425, %dma_start3A_431] : memref<1024x320xi32, #tpu.memory_space<hbm>> -> memref<1x320xi32, #tpu.memory_space<hbm>>
      %dma_start3A_433 = arith.constant 0 : i32
      %dma_start3A_434 = arith.constant 0 : i32
      %dma_start3A_435 = tpu.memref_slice %arg10[%dma_start3A_426, %dma_start3A_433, %dma_start3A_434] : memref<2x1x320xi32, #tpu.memory_space<vmem>> -> memref<1x1x320xi32, #tpu.memory_space<vmem>>
      %dma_start3A_436 = tpu.memref_squeeze %dma_start3A_435 : memref<1x1x320xi32, #tpu.memory_space<vmem>> -> memref<1x320xi32, #tpu.memory_space<vmem>>
      %dma_start3A_437 = arith.constant 0 : i32
      %dma_start3A_438 = tpu.memref_slice %arg4[%add3A_425, %dma_start3A_437] : memref<1024x320xi32, #tpu.memory_space<hbm>> -> memref<1x320xi32, #tpu.memory_space<hbm>>
      tpu.enqueue_dma source(%dma_start3A_438 : memref<1x320xi32, #tpu.memory_space<hbm>>) target(%dma_start3A_436 : memref<1x320xi32, #tpu.memory_space<vmem>>) target_semaphore(%arg16 : memref<!tpu.dma_semaphore, #tpu.memory_space<semaphore_mem>>)
      %dma_wait3A_439 = arith.constant 1 : i32
      %dma_wait3A_440 = arith.constant 0 : i32
      %dma_wait3A_441 = arith.constant 0 : i32
      %dma_wait3A_442 = tpu.memref_slice %arg9[%dma_wait3A_439, %dma_wait3A_440, %dma_wait3A_441] : memref<2x1x320xi32, #tpu.memory_space<vmem>> -> memref<1x1x320xi32, #tpu.memory_space<vmem>>
      %dma_wait3A_443 = tpu.memref_squeeze %dma_wait3A_442 : memref<1x1x320xi32, #tpu.memory_space<vmem>> -> memref<320xi32, #tpu.memory_space<vmem>>
      %dma_wait3A_444 = arith.constant 0 : i32
      %dma_wait3A_445 = arith.constant 0 : i32
      %dma_wait3A_446 = tpu.memref_slice %arg3[%dma_wait3A_444, %dma_wait3A_445] : memref<5120x128xf32, #tpu.memory_space<hbm>> -> memref<5120x128xf32, #tpu.memory_space<hbm>>
      tpu.wait_indirect_dma semaphore(%arg14 : memref<!tpu.dma_semaphore, #tpu.memory_space<semaphore_mem>>) src(%dma_wait3A_446 : memref<5120x128xf32, #tpu.memory_space<hbm>>) dst(%arg12 : memref<320x128xf32, #tpu.memory_space<vmem>>)
      %dma_start3A_447 = arith.constant 1 : i32
      %dma_start3A_448 = arith.constant 0 : i32
      %dma_start3A_449 = arith.constant 0 : i32
      %dma_start3A_450 = tpu.memref_slice %arg10[%dma_start3A_447, %dma_start3A_448, %dma_start3A_449] : memref<2x1x320xi32, #tpu.memory_space<vmem>> -> memref<1x1x320xi32, #tpu.memory_space<vmem>>
      %dma_start3A_451 = tpu.memref_squeeze %dma_start3A_450 : memref<1x1x320xi32, #tpu.memory_space<vmem>> -> memref<320xi32, #tpu.memory_space<vmem>>
      %dma_start3A_452 = arith.constant 0 : i32
      %dma_start3A_453 = arith.constant 0 : i32
      %dma_start3A_454 = tpu.memref_slice %arg13[%dma_start3A_452, %dma_start3A_453] : memref<5120x128xf32, #tpu.memory_space<vmem_shared>> -> memref<5120x128xf32, #tpu.memory_space<vmem_shared>>
      tpu.enqueue_indirect_dma source(%arg12 : memref<320x128xf32, #tpu.memory_space<vmem>>) target(%dma_start3A_454 : memref<5120x128xf32, #tpu.memory_space<vmem_shared>>) offsets(%dma_start3A_451 : memref<320xi32, #tpu.memory_space<vmem>>) semaphore(%arg15 : memref<!tpu.dma_semaphore, #tpu.memory_space<semaphore_mem>>) {add = true}
      %add3A_455 = arith.constant 1 : i32
      %add3A_456 = arith.addi %add3A_394, %add3A_455 : i32
      %mul3A_457 = arith.constant 1 : i32
      %mul3A_458 = arith.muli %add3A_456, %mul3A_457 : i32
      %add3A_459 = arith.addi %mul3A_2, %mul3A_458 : i32
      %dma_wait3A_460 = arith.constant 0 : i32
      %dma_wait3A_461 = arith.constant 0 : i32
      %dma_wait3A_462 = arith.constant 0 : i32
      %dma_wait3A_463 = tpu.memref_slice %arg9[%dma_wait3A_460, %dma_wait3A_461, %dma_wait3A_462] : memref<2x1x320xi32, #tpu.memory_space<vmem>> -> memref<1x1x320xi32, #tpu.memory_space<vmem>>
      %dma_wait3A_464 = tpu.memref_squeeze %dma_wait3A_463 : memref<1x1x320xi32, #tpu.memory_space<vmem>> -> memref<1x320xi32, #tpu.memory_space<vmem>>
      %dma_wait3A_465 = arith.constant 0 : i32
      %dma_wait3A_466 = tpu.memref_slice %arg5[%add3A_459, %dma_wait3A_465] : memref<1024x320xi32, #tpu.memory_space<hbm>> -> memref<1x320xi32, #tpu.memory_space<hbm>>
      %dma_wait3A_467 = arith.constant 0 : i32
      %dma_wait3A_468 = arith.constant 0 : i32
      %dma_wait3A_469 = tpu.memref_slice %arg9[%dma_wait3A_460, %dma_wait3A_467, %dma_wait3A_468] : memref<2x1x320xi32, #tpu.memory_space<vmem>> -> memref<1x1x320xi32, #tpu.memory_space<vmem>>
      %dma_wait3A_470 = tpu.memref_squeeze %dma_wait3A_469 : memref<1x1x320xi32, #tpu.memory_space<vmem>> -> memref<1x320xi32, #tpu.memory_space<vmem>>
      %dma_wait3A_471 = arith.constant 0 : i32
      %dma_wait3A_472 = tpu.memref_slice %arg5[%add3A_459, %dma_wait3A_471] : memref<1024x320xi32, #tpu.memory_space<hbm>> -> memref<1x320xi32, #tpu.memory_space<hbm>>
      tpu.wait_dma2 semaphore(%arg16 : memref<!tpu.dma_semaphore, #tpu.memory_space<semaphore_mem>>) src(%dma_wait3A_472 : memref<1x320xi32, #tpu.memory_space<hbm>>) dst(%dma_wait3A_470 : memref<1x320xi32, #tpu.memory_space<vmem>>)
      %add3A_473 = arith.constant 1 : i32
      %add3A_474 = arith.addi %add3A_394, %add3A_473 : i32
      %mul3A_475 = arith.constant 1 : i32
      %mul3A_476 = arith.muli %add3A_474, %mul3A_475 : i32
      %add3A_477 = arith.addi %mul3A_2, %mul3A_476 : i32
      %dma_wait3A_478 = arith.constant 0 : i32
      %dma_wait3A_479 = arith.constant 0 : i32
      %dma_wait3A_480 = arith.constant 0 : i32
      %dma_wait3A_481 = tpu.memref_slice %arg10[%dma_wait3A_478, %dma_wait3A_479, %dma_wait3A_480] : memref<2x1x320xi32, #tpu.memory_space<vmem>> -> memref<1x1x320xi32, #tpu.memory_space<vmem>>
      %dma_wait3A_482 = tpu.memref_squeeze %dma_wait3A_481 : memref<1x1x320xi32, #tpu.memory_space<vmem>> -> memref<1x320xi32, #tpu.memory_space<vmem>>
      %dma_wait3A_483 = arith.constant 0 : i32
      %dma_wait3A_484 = tpu.memref_slice %arg4[%add3A_477, %dma_wait3A_483] : memref<1024x320xi32, #tpu.memory_space<hbm>> -> memref<1x320xi32, #tpu.memory_space<hbm>>
      %dma_wait3A_485 = arith.constant 0 : i32
      %dma_wait3A_486 = arith.constant 0 : i32
      %dma_wait3A_487 = tpu.memref_slice %arg10[%dma_wait3A_478, %dma_wait3A_485, %dma_wait3A_486] : memref<2x1x320xi32, #tpu.memory_space<vmem>> -> memref<1x1x320xi32, #tpu.memory_space<vmem>>
      %dma_wait3A_488 = tpu.memref_squeeze %dma_wait3A_487 : memref<1x1x320xi32, #tpu.memory_space<vmem>> -> memref<1x320xi32, #tpu.memory_space<vmem>>
      %dma_wait3A_489 = arith.constant 0 : i32
      %dma_wait3A_490 = tpu.memref_slice %arg4[%add3A_477, %dma_wait3A_489] : memref<1024x320xi32, #tpu.memory_space<hbm>> -> memref<1x320xi32, #tpu.memory_space<hbm>>
      tpu.wait_dma2 semaphore(%arg16 : memref<!tpu.dma_semaphore, #tpu.memory_space<semaphore_mem>>) src(%dma_wait3A_490 : memref<1x320xi32, #tpu.memory_space<hbm>>) dst(%dma_wait3A_488 : memref<1x320xi32, #tpu.memory_space<vmem>>)
      %dma_start3A_491 = arith.constant 0 : i32
      %dma_start3A_492 = arith.constant 0 : i32
      %dma_start3A_493 = arith.constant 0 : i32
      %dma_start3A_494 = tpu.memref_slice %arg9[%dma_start3A_491, %dma_start3A_492, %dma_start3A_493] : memref<2x1x320xi32, #tpu.memory_space<vmem>> -> memref<1x1x320xi32, #tpu.memory_space<vmem>>
      %dma_start3A_495 = tpu.memref_squeeze %dma_start3A_494 : memref<1x1x320xi32, #tpu.memory_space<vmem>> -> memref<320xi32, #tpu.memory_space<vmem>>
      %dma_start3A_496 = arith.constant 0 : i32
      %dma_start3A_497 = arith.constant 0 : i32
      %dma_start3A_498 = tpu.memref_slice %arg3[%dma_start3A_496, %dma_start3A_497] : memref<5120x128xf32, #tpu.memory_space<hbm>> -> memref<5120x128xf32, #tpu.memory_space<hbm>>
      tpu.enqueue_indirect_dma source(%dma_start3A_498 : memref<5120x128xf32, #tpu.memory_space<hbm>>) target(%arg11 : memref<320x128xf32, #tpu.memory_space<vmem>>) offsets(%dma_start3A_495 : memref<320xi32, #tpu.memory_space<vmem>>) semaphore(%arg14 : memref<!tpu.dma_semaphore, #tpu.memory_space<semaphore_mem>>)
      %mul3A_499 = arith.constant 2 : i32
      %mul3A_500 = arith.muli %mul3A_499, %scan3A_390 : i32
      %add3A_501 = arith.constant 2 : i32
      %add3A_502 = arith.addi %mul3A_500, %add3A_501 : i32
      %dma_wait3A_503 = arith.constant 1 : i32
      %dma_wait3A_504 = arith.constant 0 : i32
      %dma_wait3A_505 = arith.constant 0 : i32
      %dma_wait3A_506 = tpu.memref_slice %arg10[%dma_wait3A_503, %dma_wait3A_504, %dma_wait3A_505] : memref<2x1x320xi32, #tpu.memory_space<vmem>> -> memref<1x1x320xi32, #tpu.memory_space<vmem>>
      %dma_wait3A_507 = tpu.memref_squeeze %dma_wait3A_506 : memref<1x1x320xi32, #tpu.memory_space<vmem>> -> memref<320xi32, #tpu.memory_space<vmem>>
      %dma_wait3A_508 = arith.constant 0 : i32
      %dma_wait3A_509 = arith.constant 0 : i32
      %dma_wait3A_510 = tpu.memref_slice %arg13[%dma_wait3A_508, %dma_wait3A_509] : memref<5120x128xf32, #tpu.memory_space<vmem_shared>> -> memref<5120x128xf32, #tpu.memory_space<vmem_shared>>
      tpu.wait_indirect_dma semaphore(%arg15 : memref<!tpu.dma_semaphore, #tpu.memory_space<semaphore_mem>>) src(%arg12 : memref<320x128xf32, #tpu.memory_space<vmem>>) dst(%dma_wait3A_510 : memref<5120x128xf32, #tpu.memory_space<vmem_shared>>)
      %add3A_511 = arith.constant 1 : i32
      %add3A_512 = arith.addi %add3A_502, %add3A_511 : i32
      %mul3A_513 = arith.constant 1 : i32
      %mul3A_514 = arith.muli %add3A_512, %mul3A_513 : i32
      %add3A_515 = arith.addi %mul3A_2, %mul3A_514 : i32
      %dma_start3A_516 = arith.constant 1 : i32
      %dma_start3A_517 = arith.constant 0 : i32
      %dma_start3A_518 = arith.constant 0 : i32
      %dma_start3A_519 = tpu.memref_slice %arg9[%dma_start3A_516, %dma_start3A_517, %dma_start3A_518] : memref<2x1x320xi32, #tpu.memory_space<vmem>> -> memref<1x1x320xi32, #tpu.memory_space<vmem>>
      %dma_start3A_520 = tpu.memref_squeeze %dma_start3A_519 : memref<1x1x320xi32, #tpu.memory_space<vmem>> -> memref<1x320xi32, #tpu.memory_space<vmem>>
      %dma_start3A_521 = arith.constant 0 : i32
      %dma_start3A_522 = tpu.memref_slice %arg5[%add3A_515, %dma_start3A_521] : memref<1024x320xi32, #tpu.memory_space<hbm>> -> memref<1x320xi32, #tpu.memory_space<hbm>>
      %dma_start3A_523 = arith.constant 0 : i32
      %dma_start3A_524 = arith.constant 0 : i32
      %dma_start3A_525 = tpu.memref_slice %arg9[%dma_start3A_516, %dma_start3A_523, %dma_start3A_524] : memref<2x1x320xi32, #tpu.memory_space<vmem>> -> memref<1x1x320xi32, #tpu.memory_space<vmem>>
      %dma_start3A_526 = tpu.memref_squeeze %dma_start3A_525 : memref<1x1x320xi32, #tpu.memory_space<vmem>> -> memref<1x320xi32, #tpu.memory_space<vmem>>
      %dma_start3A_527 = arith.constant 0 : i32
      %dma_start3A_528 = tpu.memref_slice %arg5[%add3A_515, %dma_start3A_527] : memref<1024x320xi32, #tpu.memory_space<hbm>> -> memref<1x320xi32, #tpu.memory_space<hbm>>
      tpu.enqueue_dma source(%dma_start3A_528 : memref<1x320xi32, #tpu.memory_space<hbm>>) target(%dma_start3A_526 : memref<1x320xi32, #tpu.memory_space<vmem>>) target_semaphore(%arg16 : memref<!tpu.dma_semaphore, #tpu.memory_space<semaphore_mem>>)
      %add3A_529 = arith.constant 1 : i32
      %add3A_530 = arith.addi %add3A_502, %add3A_529 : i32
      %mul3A_531 = arith.constant 1 : i32
      %mul3A_532 = arith.muli %add3A_530, %mul3A_531 : i32
      %add3A_533 = arith.addi %mul3A_2, %mul3A_532 : i32
      %dma_start3A_534 = arith.constant 1 : i32
      %dma_start3A_535 = arith.constant 0 : i32
      %dma_start3A_536 = arith.constant 0 : i32
      %dma_start3A_537 = tpu.memref_slice %arg10[%dma_start3A_534, %dma_start3A_535, %dma_start3A_536] : memref<2x1x320xi32, #tpu.memory_space<vmem>> -> memref<1x1x320xi32, #tpu.memory_space<vmem>>
      %dma_start3A_538 = tpu.memref_squeeze %dma_start3A_537 : memref<1x1x320xi32, #tpu.memory_space<vmem>> -> memref<1x320xi32, #tpu.memory_space<vmem>>
      %dma_start3A_539 = arith.constant 0 : i32
      %dma_start3A_540 = tpu.memref_slice %arg4[%add3A_533, %dma_start3A_539] : memref<1024x320xi32, #tpu.memory_space<hbm>> -> memref<1x320xi32, #tpu.memory_space<hbm>>
      %dma_start3A_541 = arith.constant 0 : i32
      %dma_start3A_542 = arith.constant 0 : i32
      %dma_start3A_543 = tpu.memref_slice %arg10[%dma_start3A_534, %dma_start3A_541, %dma_start3A_542] : memref<2x1x320xi32, #tpu.memory_space<vmem>> -> memref<1x1x320xi32, #tpu.memory_space<vmem>>
      %dma_start3A_544 = tpu.memref_squeeze %dma_start3A_543 : memref<1x1x320xi32, #tpu.memory_space<vmem>> -> memref<1x320xi32, #tpu.memory_space<vmem>>
      %dma_start3A_545 = arith.constant 0 : i32
      %dma_start3A_546 = tpu.memref_slice %arg4[%add3A_533, %dma_start3A_545] : memref<1024x320xi32, #tpu.memory_space<hbm>> -> memref<1x320xi32, #tpu.memory_space<hbm>>
      tpu.enqueue_dma source(%dma_start3A_546 : memref<1x320xi32, #tpu.memory_space<hbm>>) target(%dma_start3A_544 : memref<1x320xi32, #tpu.memory_space<vmem>>) target_semaphore(%arg16 : memref<!tpu.dma_semaphore, #tpu.memory_space<semaphore_mem>>)
      %dma_wait3A_547 = arith.constant 0 : i32
      %dma_wait3A_548 = arith.constant 0 : i32
      %dma_wait3A_549 = arith.constant 0 : i32
      %dma_wait3A_550 = tpu.memref_slice %arg9[%dma_wait3A_547, %dma_wait3A_548, %dma_wait3A_549] : memref<2x1x320xi32, #tpu.memory_space<vmem>> -> memref<1x1x320xi32, #tpu.memory_space<vmem>>
      %dma_wait3A_551 = tpu.memref_squeeze %dma_wait3A_550 : memref<1x1x320xi32, #tpu.memory_space<vmem>> -> memref<320xi32, #tpu.memory_space<vmem>>
      %dma_wait3A_552 = arith.constant 0 : i32
      %dma_wait3A_553 = arith.constant 0 : i32
      %dma_wait3A_554 = tpu.memref_slice %arg3[%dma_wait3A_552, %dma_wait3A_553] : memref<5120x128xf32, #tpu.memory_space<hbm>> -> memref<5120x128xf32, #tpu.memory_space<hbm>>
      tpu.wait_indirect_dma semaphore(%arg14 : memref<!tpu.dma_semaphore, #tpu.memory_space<semaphore_mem>>) src(%dma_wait3A_554 : memref<5120x128xf32, #tpu.memory_space<hbm>>) dst(%arg11 : memref<320x128xf32, #tpu.memory_space<vmem>>)
      %dma_start3A_555 = arith.constant 0 : i32
      %dma_start3A_556 = arith.constant 0 : i32
      %dma_start3A_557 = arith.constant 0 : i32
      %dma_start3A_558 = tpu.memref_slice %arg10[%dma_start3A_555, %dma_start3A_556, %dma_start3A_557] : memref<2x1x320xi32, #tpu.memory_space<vmem>> -> memref<1x1x320xi32, #tpu.memory_space<vmem>>
      %dma_start3A_559 = tpu.memref_squeeze %dma_start3A_558 : memref<1x1x320xi32, #tpu.memory_space<vmem>> -> memref<320xi32, #tpu.memory_space<vmem>>
      %dma_start3A_560 = arith.constant 0 : i32
      %dma_start3A_561 = arith.constant 0 : i32
      %dma_start3A_562 = tpu.memref_slice %arg13[%dma_start3A_560, %dma_start3A_561] : memref<5120x128xf32, #tpu.memory_space<vmem_shared>> -> memref<5120x128xf32, #tpu.memory_space<vmem_shared>>
      tpu.enqueue_indirect_dma source(%arg11 : memref<320x128xf32, #tpu.memory_space<vmem>>) target(%dma_start3A_562 : memref<5120x128xf32, #tpu.memory_space<vmem_shared>>) offsets(%dma_start3A_559 : memref<320xi32, #tpu.memory_space<vmem>>) semaphore(%arg15 : memref<!tpu.dma_semaphore, #tpu.memory_space<semaphore_mem>>) {add = true}
      %add3A_563 = arith.constant 1 : i32
      %add3A_564 = arith.addi %add3A_502, %add3A_563 : i32
      %mul3A_565 = arith.constant 1 : i32
      %mul3A_566 = arith.muli %add3A_564, %mul3A_565 : i32
      %add3A_567 = arith.addi %mul3A_2, %mul3A_566 : i32
      %dma_wait3A_568 = arith.constant 1 : i32
      %dma_wait3A_569 = arith.constant 0 : i32
      %dma_wait3A_570 = arith.constant 0 : i32
      %dma_wait3A_571 = tpu.memref_slice %arg9[%dma_wait3A_568, %dma_wait3A_569, %dma_wait3A_570] : memref<2x1x320xi32, #tpu.memory_space<vmem>> -> memref<1x1x320xi32, #tpu.memory_space<vmem>>
      %dma_wait3A_572 = tpu.memref_squeeze %dma_wait3A_571 : memref<1x1x320xi32, #tpu.memory_space<vmem>> -> memref<1x320xi32, #tpu.memory_space<vmem>>
      %dma_wait3A_573 = arith.constant 0 : i32
      %dma_wait3A_574 = tpu.memref_slice %arg5[%add3A_567, %dma_wait3A_573] : memref<1024x320xi32, #tpu.memory_space<hbm>> -> memref<1x320xi32, #tpu.memory_space<hbm>>
      %dma_wait3A_575 = arith.constant 0 : i32
      %dma_wait3A_576 = arith.constant 0 : i32
      %dma_wait3A_577 = tpu.memref_slice %arg9[%dma_wait3A_568, %dma_wait3A_575, %dma_wait3A_576] : memref<2x1x320xi32, #tpu.memory_space<vmem>> -> memref<1x1x320xi32, #tpu.memory_space<vmem>>
      %dma_wait3A_578 = tpu.memref_squeeze %dma_wait3A_577 : memref<1x1x320xi32, #tpu.memory_space<vmem>> -> memref<1x320xi32, #tpu.memory_space<vmem>>
      %dma_wait3A_579 = arith.constant 0 : i32
      %dma_wait3A_580 = tpu.memref_slice %arg5[%add3A_567, %dma_wait3A_579] : memref<1024x320xi32, #tpu.memory_space<hbm>> -> memref<1x320xi32, #tpu.memory_space<hbm>>
      tpu.wait_dma2 semaphore(%arg16 : memref<!tpu.dma_semaphore, #tpu.memory_space<semaphore_mem>>) src(%dma_wait3A_580 : memref<1x320xi32, #tpu.memory_space<hbm>>) dst(%dma_wait3A_578 : memref<1x320xi32, #tpu.memory_space<vmem>>)
      %add3A_581 = arith.constant 1 : i32
      %add3A_582 = arith.addi %add3A_502, %add3A_581 : i32
      %mul3A_583 = arith.constant 1 : i32
      %mul3A_584 = arith.muli %add3A_582, %mul3A_583 : i32
      %add3A_585 = arith.addi %mul3A_2, %mul3A_584 : i32
      %dma_wait3A_586 = arith.constant 1 : i32
      %dma_wait3A_587 = arith.constant 0 : i32
      %dma_wait3A_588 = arith.constant 0 : i32
      %dma_wait3A_589 = tpu.memref_slice %arg10[%dma_wait3A_586, %dma_wait3A_587, %dma_wait3A_588] : memref<2x1x320xi32, #tpu.memory_space<vmem>> -> memref<1x1x320xi32, #tpu.memory_space<vmem>>
      %dma_wait3A_590 = tpu.memref_squeeze %dma_wait3A_589 : memref<1x1x320xi32, #tpu.memory_space<vmem>> -> memref<1x320xi32, #tpu.memory_space<vmem>>
      %dma_wait3A_591 = arith.constant 0 : i32
      %dma_wait3A_592 = tpu.memref_slice %arg4[%add3A_585, %dma_wait3A_591] : memref<1024x320xi32, #tpu.memory_space<hbm>> -> memref<1x320xi32, #tpu.memory_space<hbm>>
      %dma_wait3A_593 = arith.constant 0 : i32
      %dma_wait3A_594 = arith.constant 0 : i32
      %dma_wait3A_595 = tpu.memref_slice %arg10[%dma_wait3A_586, %dma_wait3A_593, %dma_wait3A_594] : memref<2x1x320xi32, #tpu.memory_space<vmem>> -> memref<1x1x320xi32, #tpu.memory_space<vmem>>
      %dma_wait3A_596 = tpu.memref_squeeze %dma_wait3A_595 : memref<1x1x320xi32, #tpu.memory_space<vmem>> -> memref<1x320xi32, #tpu.memory_space<vmem>>
      %dma_wait3A_597 = arith.constant 0 : i32
      %dma_wait3A_598 = tpu.memref_slice %arg4[%add3A_585, %dma_wait3A_597] : memref<1024x320xi32, #tpu.memory_space<hbm>> -> memref<1x320xi32, #tpu.memory_space<hbm>>
      tpu.wait_dma2 semaphore(%arg16 : memref<!tpu.dma_semaphore, #tpu.memory_space<semaphore_mem>>) src(%dma_wait3A_598 : memref<1x320xi32, #tpu.memory_space<hbm>>) dst(%dma_wait3A_596 : memref<1x320xi32, #tpu.memory_space<vmem>>)
      %dma_start3A_599 = arith.constant 1 : i32
      %dma_start3A_600 = arith.constant 0 : i32
      %dma_start3A_601 = arith.constant 0 : i32
      %dma_start3A_602 = tpu.memref_slice %arg9[%dma_start3A_599, %dma_start3A_600, %dma_start3A_601] : memref<2x1x320xi32, #tpu.memory_space<vmem>> -> memref<1x1x320xi32, #tpu.memory_space<vmem>>
      %dma_start3A_603 = tpu.memref_squeeze %dma_start3A_602 : memref<1x1x320xi32, #tpu.memory_space<vmem>> -> memref<320xi32, #tpu.memory_space<vmem>>
      %dma_start3A_604 = arith.constant 0 : i32
      %dma_start3A_605 = arith.constant 0 : i32
      %dma_start3A_606 = tpu.memref_slice %arg3[%dma_start3A_604, %dma_start3A_605] : memref<5120x128xf32, #tpu.memory_space<hbm>> -> memref<5120x128xf32, #tpu.memory_space<hbm>>
      tpu.enqueue_indirect_dma source(%dma_start3A_606 : memref<5120x128xf32, #tpu.memory_space<hbm>>) target(%arg12 : memref<320x128xf32, #tpu.memory_space<vmem>>) offsets(%dma_start3A_603 : memref<320xi32, #tpu.memory_space<vmem>>) semaphore(%arg14 : memref<!tpu.dma_semaphore, #tpu.memory_space<semaphore_mem>>)
    }
    %scan3A_356 = arith.constant 15 : i32
    %dma_wait3A_357 = arith.constant 0 : i32
    %dma_wait3A_358 = arith.constant 0 : i32
    %dma_wait3A_359 = arith.constant 0 : i32
    %dma_wait3A_360 = tpu.memref_slice %arg10[%dma_wait3A_357, %dma_wait3A_358, %dma_wait3A_359] : memref<2x1x320xi32, #tpu.memory_space<vmem>> -> memref<1x1x320xi32, #tpu.memory_space<vmem>>
    %dma_wait3A_361 = tpu.memref_squeeze %dma_wait3A_360 : memref<1x1x320xi32, #tpu.memory_space<vmem>> -> memref<320xi32, #tpu.memory_space<vmem>>
    %dma_wait3A_362 = arith.constant 0 : i32
    %dma_wait3A_363 = arith.constant 0 : i32
    %dma_wait3A_364 = tpu.memref_slice %arg13[%dma_wait3A_362, %dma_wait3A_363] : memref<5120x128xf32, #tpu.memory_space<vmem_shared>> -> memref<5120x128xf32, #tpu.memory_space<vmem_shared>>
    tpu.wait_indirect_dma semaphore(%arg15 : memref<!tpu.dma_semaphore, #tpu.memory_space<semaphore_mem>>) src(%arg11 : memref<320x128xf32, #tpu.memory_space<vmem>>) dst(%dma_wait3A_364 : memref<5120x128xf32, #tpu.memory_space<vmem_shared>>)
    %dma_wait3A_365 = arith.constant 1 : i32
    %dma_wait3A_366 = arith.constant 0 : i32
    %dma_wait3A_367 = arith.constant 0 : i32
    %dma_wait3A_368 = tpu.memref_slice %arg9[%dma_wait3A_365, %dma_wait3A_366, %dma_wait3A_367] : memref<2x1x320xi32, #tpu.memory_space<vmem>> -> memref<1x1x320xi32, #tpu.memory_space<vmem>>
    %dma_wait3A_369 = tpu.memref_squeeze %dma_wait3A_368 : memref<1x1x320xi32, #tpu.memory_space<vmem>> -> memref<320xi32, #tpu.memory_space<vmem>>
    %dma_wait3A_370 = arith.constant 0 : i32
    %dma_wait3A_371 = arith.constant 0 : i32
    %dma_wait3A_372 = tpu.memref_slice %arg3[%dma_wait3A_370, %dma_wait3A_371] : memref<5120x128xf32, #tpu.memory_space<hbm>> -> memref<5120x128xf32, #tpu.memory_space<hbm>>
    tpu.wait_indirect_dma semaphore(%arg14 : memref<!tpu.dma_semaphore, #tpu.memory_space<semaphore_mem>>) src(%dma_wait3A_372 : memref<5120x128xf32, #tpu.memory_space<hbm>>) dst(%arg12 : memref<320x128xf32, #tpu.memory_space<vmem>>)
    %dma_start3A_373 = arith.constant 1 : i32
    %dma_start3A_374 = arith.constant 0 : i32
    %dma_start3A_375 = arith.constant 0 : i32
    %dma_start3A_376 = tpu.memref_slice %arg10[%dma_start3A_373, %dma_start3A_374, %dma_start3A_375] : memref<2x1x320xi32, #tpu.memory_space<vmem>> -> memref<1x1x320xi32, #tpu.memory_space<vmem>>
    %dma_start3A_377 = tpu.memref_squeeze %dma_start3A_376 : memref<1x1x320xi32, #tpu.memory_space<vmem>> -> memref<320xi32, #tpu.memory_space<vmem>>
    %dma_start3A_378 = arith.constant 0 : i32
    %dma_start3A_379 = arith.constant 0 : i32
    %dma_start3A_380 = tpu.memref_slice %arg13[%dma_start3A_378, %dma_start3A_379] : memref<5120x128xf32, #tpu.memory_space<vmem_shared>> -> memref<5120x128xf32, #tpu.memory_space<vmem_shared>>
    tpu.enqueue_indirect_dma source(%arg12 : memref<320x128xf32, #tpu.memory_space<vmem>>) target(%dma_start3A_380 : memref<5120x128xf32, #tpu.memory_space<vmem_shared>>) offsets(%dma_start3A_377 : memref<320xi32, #tpu.memory_space<vmem>>) semaphore(%arg15 : memref<!tpu.dma_semaphore, #tpu.memory_space<semaphore_mem>>) {add = true}
    %dma_wait3A_381 = arith.constant 1 : i32
    %dma_wait3A_382 = arith.constant 0 : i32
    %dma_wait3A_383 = arith.constant 0 : i32
    %dma_wait3A_384 = tpu.memref_slice %arg10[%dma_wait3A_381, %dma_wait3A_382, %dma_wait3A_383] : memref<2x1x320xi32, #tpu.memory_space<vmem>> -> memref<1x1x320xi32, #tpu.memory_space<vmem>>
    %dma_wait3A_385 = tpu.memref_squeeze %dma_wait3A_384 : memref<1x1x320xi32, #tpu.memory_space<vmem>> -> memref<320xi32, #tpu.memory_space<vmem>>
    %dma_wait3A_386 = arith.constant 0 : i32
    %dma_wait3A_387 = arith.constant 0 : i32
    %dma_wait3A_388 = tpu.memref_slice %arg13[%dma_wait3A_386, %dma_wait3A_387] : memref<5120x128xf32, #tpu.memory_space<vmem_shared>> -> memref<5120x128xf32, #tpu.memory_space<vmem_shared>>
    tpu.wait_indirect_dma semaphore(%arg15 : memref<!tpu.dma_semaphore, #tpu.memory_space<semaphore_mem>>) src(%arg12 : memref<320x128xf32, #tpu.memory_space<vmem>>) dst(%dma_wait3A_388 : memref<5120x128xf32, #tpu.memory_space<vmem_shared>>)
    %barrier3A_389 = arith.constant 0 : index
    tpu.barrier barrier_id(%barrier3A_389)
    "tpu.region"() ({
      %run_scoped3A = tpu.sem_alloc : memref<!tpu.dma_semaphore, #tpu.memory_space<semaphore_mem>>
      %dma_start3A_390 = arith.constant 0 : i32
      %dma_start3A_391 = tpu.memref_slice %arg8[%add3A_9, %dma_start3A_390] : memref<10240x128xf32, #tpu.memory_space<hbm>> -> memref<320x128xf32, #tpu.memory_space<hbm>>
      %dma_start3A_392 = arith.constant 0 : i32
      %dma_start3A_393 = tpu.memref_slice %arg13[%mul3A_4, %dma_start3A_392] : memref<5120x128xf32, #tpu.memory_space<vmem_shared>> -> memref<320x128xf32, #tpu.memory_space<vmem_shared>>
      tpu.enqueue_dma source(%dma_start3A_393 : memref<320x128xf32, #tpu.memory_space<vmem_shared>>) target(%dma_start3A_391 : memref<320x128xf32, #tpu.memory_space<hbm>>) target_semaphore(%run_scoped3A : memref<!tpu.dma_semaphore, #tpu.memory_space<semaphore_mem>>)
      %dma_wait3A_394 = arith.constant 0 : i32
      %dma_wait3A_395 = tpu.memref_slice %arg8[%add3A_9, %dma_wait3A_394] : memref<10240x128xf32, #tpu.memory_space<hbm>> -> memref<320x128xf32, #tpu.memory_space<hbm>>
      %dma_wait3A_396 = arith.constant 0 : i32
      %dma_wait3A_397 = tpu.memref_slice %arg13[%mul3A_4, %dma_wait3A_396] : memref<5120x128xf32, #tpu.memory_space<vmem_shared>> -> memref<320x128xf32, #tpu.memory_space<vmem_shared>>
      tpu.wait_dma2 semaphore(%run_scoped3A : memref<!tpu.dma_semaphore, #tpu.memory_space<semaphore_mem>>) src(%dma_wait3A_397 : memref<320x128xf32, #tpu.memory_space<vmem_shared>>) dst(%dma_wait3A_395 : memref<320x128xf32, #tpu.memory_space<hbm>>)
      tpu.yield
    }) : () -> ()
    return
  }
}

module attributes {stable_mosaic.version = 14 : i64} {
  func.func @_proj2_body(%arg0: memref<5000x128xf32, #tpu.memory_space<vmem>>, %arg1: memref<128x128xf32, #tpu.memory_space<vmem>>, %arg2: memref<1x128xf32, #tpu.memory_space<vmem>>, %arg3: memref<5000x128xf32, #tpu.memory_space<vmem>>, %arg4: memref<128x128xf32, #tpu.memory_space<vmem>>, %arg5: memref<1x128xf32, #tpu.memory_space<vmem>>, %arg6: memref<5120x128xf32, #tpu.memory_space<vmem>>, %arg7: memref<5120x128xf32, #tpu.memory_space<vmem>>) attributes {dimension_semantics = [], scalar_prefetch = 0 : i64, scratch_operands = 0 : i64, tpu.core_type = #tpu.core_type<tc>} {
    %get3A = arith.constant 0 : index
    %get3A_0 = arith.constant 0 : index
    %get3A_1 = vector.load %arg0[%get3A, %get3A_0] : memref<5000x128xf32, #tpu.memory_space<vmem>>, vector<5000x128xf32>
    %get3A_2 = arith.constant 0 : index
    %get3A_3 = arith.constant 0 : index
    %get3A_4 = vector.load %arg1[%get3A_2, %get3A_3] : memref<128x128xf32, #tpu.memory_space<vmem>>, vector<128x128xf32>
    %get3A_5 = arith.constant 0 : index
    %get3A_6 = arith.constant 0 : index
    %get3A_7 = vector.load %arg2[%get3A_5, %get3A_6] : memref<1x128xf32, #tpu.memory_space<vmem>>, vector<1x128xf32>
    %dot_general3A = arith.constant dense<0.000000e+00> : vector<5000x128xf32>
    %dot_general3A_8 = tpu.matmul %get3A_1, %get3A_4, %dot_general3A {dimension_numbers = #tpu.dot_dimension_numbers<[1], [1], [0], [0], [0, 0, 1, 0], [], []>, transpose_lhs_hint = false} : vector<5000x128xf32>, vector<128x128xf32>, vector<5000x128xf32> -> vector<5000x128xf32>
    %add3A = vector.broadcast %get3A_7 : vector<1x128xf32> to vector<5000x128xf32>
    %add3A_9 = arith.addf %dot_general3A_8, %add3A : vector<5000x128xf32>
    %swap3A = arith.constant 0 : index
    %swap3A_10 = arith.constant 0 : index
    %swap3A_11 = vector.load %arg6[%swap3A, %swap3A_10] : memref<5120x128xf32, #tpu.memory_space<vmem>>, vector<5000x128xf32>
    tpu.vector_store %arg6[%swap3A, %swap3A_10], %add3A_9 {strides = array<i32>} : memref<5120x128xf32, #tpu.memory_space<vmem>>, vector<5000x128xf32>,
    %broadcast_in_dim3A = arith.constant 0.000000e+00 : f32
    %broadcast_in_dim3A_12 = vector.broadcast %broadcast_in_dim3A : f32 to vector<120x128xf32>
    %swap3A_13 = arith.constant 5000 : index
    %swap3A_14 = arith.constant 0 : index
    %swap3A_15 = vector.load %arg6[%swap3A_13, %swap3A_14] : memref<5120x128xf32, #tpu.memory_space<vmem>>, vector<120x128xf32>
    tpu.vector_store %arg6[%swap3A_13, %swap3A_14], %broadcast_in_dim3A_12 {strides = array<i32>} : memref<5120x128xf32, #tpu.memory_space<vmem>>, vector<120x128xf32>,
    %get3A_16 = arith.constant 0 : index
    %get3A_17 = arith.constant 0 : index
    %get3A_18 = vector.load %arg3[%get3A_16, %get3A_17] : memref<5000x128xf32, #tpu.memory_space<vmem>>, vector<5000x128xf32>
    %get3A_19 = arith.constant 0 : index
    %get3A_20 = arith.constant 0 : index
    %get3A_21 = vector.load %arg4[%get3A_19, %get3A_20] : memref<128x128xf32, #tpu.memory_space<vmem>>, vector<128x128xf32>
    %get3A_22 = arith.constant 0 : index
    %get3A_23 = arith.constant 0 : index
    %get3A_24 = vector.load %arg5[%get3A_22, %get3A_23] : memref<1x128xf32, #tpu.memory_space<vmem>>, vector<1x128xf32>
    %dot_general3A_25 = arith.constant dense<0.000000e+00> : vector<5000x128xf32>
    %dot_general3A_26 = tpu.matmul %get3A_18, %get3A_21, %dot_general3A_25 {dimension_numbers = #tpu.dot_dimension_numbers<[1], [1], [0], [0], [0, 0, 1, 0], [], []>, transpose_lhs_hint = false} : vector<5000x128xf32>, vector<128x128xf32>, vector<5000x128xf32> -> vector<5000x128xf32>
    %add3A_27 = vector.broadcast %get3A_24 : vector<1x128xf32> to vector<5000x128xf32>
    %add3A_28 = arith.addf %dot_general3A_26, %add3A_27 : vector<5000x128xf32>
    %swap3A_29 = arith.constant 0 : index
    %swap3A_30 = arith.constant 0 : index
    %swap3A_31 = vector.load %arg7[%swap3A_29, %swap3A_30] : memref<5120x128xf32, #tpu.memory_space<vmem>>, vector<5000x128xf32>
    tpu.vector_store %arg7[%swap3A_29, %swap3A_30], %add3A_28 {strides = array<i32>} : memref<5120x128xf32, #tpu.memory_space<vmem>>, vector<5000x128xf32>,
    %broadcast_in_dim3A_32 = arith.constant 0.000000e+00 : f32
    %broadcast_in_dim3A_33 = vector.broadcast %broadcast_in_dim3A_32 : f32 to vector<120x128xf32>
    %swap3A_34 = arith.constant 5000 : index
    %swap3A_35 = arith.constant 0 : index
    %swap3A_36 = vector.load %arg7[%swap3A_34, %swap3A_35] : memref<5120x128xf32, #tpu.memory_space<vmem>>, vector<120x128xf32>
    tpu.vector_store %arg7[%swap3A_34, %swap3A_35], %broadcast_in_dim3A_33 {strides = array<i32>} : memref<5120x128xf32, #tpu.memory_space<vmem>>, vector<120x128xf32>,
    return
  }
}

module attributes {stable_mosaic.version = 14 : i64} {
  func.func @_combine_proj2_body(%arg0: memref<10240x128xf32, #tpu.memory_space<vmem>>, %arg1: memref<10240x128xf32, #tpu.memory_space<vmem>>, %arg2: memref<5120x128xf32, #tpu.memory_space<vmem>>, %arg3: memref<5120x128xf32, #tpu.memory_space<vmem>>, %arg4: memref<10240x128xf32, #tpu.memory_space<vmem>>, %arg5: memref<10240x128xf32, #tpu.memory_space<vmem>>, %arg6: memref<128x128xf32, #tpu.memory_space<vmem>>, %arg7: memref<1x128xf32, #tpu.memory_space<vmem>>, %arg8: memref<128x128xf32, #tpu.memory_space<vmem>>, %arg9: memref<1x128xf32, #tpu.memory_space<vmem>>, %arg10: memref<5120x128xf32, #tpu.memory_space<vmem>>, %arg11: memref<5120x128xf32, #tpu.memory_space<vmem>>) attributes {dimension_semantics = [], scalar_prefetch = 0 : i64, scratch_operands = 0 : i64, tpu.core_type = #tpu.core_type<tc>} {
    %get3A = arith.constant 0 : index
    %get3A_0 = arith.constant 0 : index
    %get3A_1 = vector.load %arg0[%get3A, %get3A_0] : memref<10240x128xf32, #tpu.memory_space<vmem>>, vector<10240x128xf32>
    %get3A_2 = arith.constant 0 : index
    %get3A_3 = arith.constant 0 : index
    %get3A_4 = vector.load %arg2[%get3A_2, %get3A_3] : memref<5120x128xf32, #tpu.memory_space<vmem>>, vector<5120x128xf32>
    %get3A_5 = arith.constant 0 : index
    %get3A_6 = arith.constant 0 : index
    %get3A_7 = vector.load %arg4[%get3A_5, %get3A_6] : memref<10240x128xf32, #tpu.memory_space<vmem>>, vector<10240x128xf32>
    %slice3A = vector.extract_strided_slice %get3A_1 {offsets = [0, 0], sizes = [5000, 128], strides = [1, 1]} : vector<10240x128xf32> to vector<5000x128xf32>
    %slice3A_8 = vector.extract_strided_slice %get3A_1 {offsets = [5120, 0], sizes = [5000, 128], strides = [1, 1]} : vector<10240x128xf32> to vector<5000x128xf32>
    %add3A = arith.addf %slice3A, %slice3A_8 : vector<5000x128xf32>
    %slice3A_9 = vector.extract_strided_slice %get3A_7 {offsets = [0, 0], sizes = [5000, 1], strides = [1, 1]} : vector<10240x128xf32> to vector<5000x1xf32>
    %slice3A_10 = vector.extract_strided_slice %get3A_7 {offsets = [5120, 0], sizes = [5000, 1], strides = [1, 1]} : vector<10240x128xf32> to vector<5000x1xf32>
    %add3A_11 = arith.addf %slice3A_9, %slice3A_10 : vector<5000x1xf32>
    %slice3A_12 = vector.extract_strided_slice %get3A_4 {offsets = [0, 0], sizes = [5000, 128], strides = [1, 1]} : vector<5120x128xf32> to vector<5000x128xf32>
    %add3A_13 = arith.addf %add3A, %slice3A_12 : vector<5000x128xf32>
    %add3A_14 = arith.constant 1.000000e+00 : f32
    %add3A_15 = vector.broadcast %add3A_14 : f32 to vector<5000x1xf32>
    %add3A_16 = arith.addf %add3A_11, %add3A_15 : vector<5000x1xf32>
    %div3A = vector.broadcast %add3A_16 : vector<5000x1xf32> to vector<5000x128xf32>
    %div3A_17 = arith.divf %add3A_13, %div3A : vector<5000x128xf32>
    %get3A_18 = arith.constant 0 : index
    %get3A_19 = arith.constant 0 : index
    %get3A_20 = vector.load %arg1[%get3A_18, %get3A_19] : memref<10240x128xf32, #tpu.memory_space<vmem>>, vector<10240x128xf32>
    %get3A_21 = arith.constant 0 : index
    %get3A_22 = arith.constant 0 : index
    %get3A_23 = vector.load %arg3[%get3A_21, %get3A_22] : memref<5120x128xf32, #tpu.memory_space<vmem>>, vector<5120x128xf32>
    %get3A_24 = arith.constant 0 : index
    %get3A_25 = arith.constant 0 : index
    %get3A_26 = vector.load %arg5[%get3A_24, %get3A_25] : memref<10240x128xf32, #tpu.memory_space<vmem>>, vector<10240x128xf32>
    %slice3A_27 = vector.extract_strided_slice %get3A_20 {offsets = [0, 0], sizes = [5000, 128], strides = [1, 1]} : vector<10240x128xf32> to vector<5000x128xf32>
    %slice3A_28 = vector.extract_strided_slice %get3A_20 {offsets = [5120, 0], sizes = [5000, 128], strides = [1, 1]} : vector<10240x128xf32> to vector<5000x128xf32>
    %add3A_29 = arith.addf %slice3A_27, %slice3A_28 : vector<5000x128xf32>
    %slice3A_30 = vector.extract_strided_slice %get3A_26 {offsets = [0, 0], sizes = [5000, 1], strides = [1, 1]} : vector<10240x128xf32> to vector<5000x1xf32>
    %slice3A_31 = vector.extract_strided_slice %get3A_26 {offsets = [5120, 0], sizes = [5000, 1], strides = [1, 1]} : vector<10240x128xf32> to vector<5000x1xf32>
    %add3A_32 = arith.addf %slice3A_30, %slice3A_31 : vector<5000x1xf32>
    %slice3A_33 = vector.extract_strided_slice %get3A_23 {offsets = [0, 0], sizes = [5000, 128], strides = [1, 1]} : vector<5120x128xf32> to vector<5000x128xf32>
    %add3A_34 = arith.addf %add3A_29, %slice3A_33 : vector<5000x128xf32>
    %add3A_35 = arith.constant 1.000000e+00 : f32
    %add3A_36 = vector.broadcast %add3A_35 : f32 to vector<5000x1xf32>
    %add3A_37 = arith.addf %add3A_32, %add3A_36 : vector<5000x1xf32>
    %div3A_38 = vector.broadcast %add3A_37 : vector<5000x1xf32> to vector<5000x128xf32>
    %div3A_39 = arith.divf %add3A_34, %div3A_38 : vector<5000x128xf32>
    %get3A_40 = arith.constant 0 : index
    %get3A_41 = arith.constant 0 : index
    %get3A_42 = vector.load %arg6[%get3A_40, %get3A_41] : memref<128x128xf32, #tpu.memory_space<vmem>>, vector<128x128xf32>
    %get3A_43 = arith.constant 0 : index
    %get3A_44 = arith.constant 0 : index
    %get3A_45 = vector.load %arg7[%get3A_43, %get3A_44] : memref<1x128xf32, #tpu.memory_space<vmem>>, vector<1x128xf32>
    %dot_general3A = arith.constant dense<0.000000e+00> : vector<5000x128xf32>
    %dot_general3A_46 = tpu.matmul %div3A_17, %get3A_42, %dot_general3A {dimension_numbers = #tpu.dot_dimension_numbers<[1], [1], [0], [0], [0, 0, 1, 0], [], []>, transpose_lhs_hint = false} : vector<5000x128xf32>, vector<128x128xf32>, vector<5000x128xf32> -> vector<5000x128xf32>
    %add3A_47 = vector.broadcast %get3A_45 : vector<1x128xf32> to vector<5000x128xf32>
    %add3A_48 = arith.addf %dot_general3A_46, %add3A_47 : vector<5000x128xf32>
    %swap3A = arith.constant 0 : index
    %swap3A_49 = arith.constant 0 : index
    %swap3A_50 = vector.load %arg10[%swap3A, %swap3A_49] : memref<5120x128xf32, #tpu.memory_space<vmem>>, vector<5000x128xf32>
    tpu.vector_store %arg10[%swap3A, %swap3A_49], %add3A_48 {strides = array<i32>} : memref<5120x128xf32, #tpu.memory_space<vmem>>, vector<5000x128xf32>,
    %broadcast_in_dim3A = arith.constant 0.000000e+00 : f32
    %broadcast_in_dim3A_51 = vector.broadcast %broadcast_in_dim3A : f32 to vector<120x128xf32>
    %swap3A_52 = arith.constant 5000 : index
    %swap3A_53 = arith.constant 0 : index
    %swap3A_54 = vector.load %arg10[%swap3A_52, %swap3A_53] : memref<5120x128xf32, #tpu.memory_space<vmem>>, vector<120x128xf32>
    tpu.vector_store %arg10[%swap3A_52, %swap3A_53], %broadcast_in_dim3A_51 {strides = array<i32>} : memref<5120x128xf32, #tpu.memory_space<vmem>>, vector<120x128xf32>,
    %get3A_55 = arith.constant 0 : index
    %get3A_56 = arith.constant 0 : index
    %get3A_57 = vector.load %arg8[%get3A_55, %get3A_56] : memref<128x128xf32, #tpu.memory_space<vmem>>, vector<128x128xf32>
    %get3A_58 = arith.constant 0 : index
    %get3A_59 = arith.constant 0 : index
    %get3A_60 = vector.load %arg9[%get3A_58, %get3A_59] : memref<1x128xf32, #tpu.memory_space<vmem>>, vector<1x128xf32>
    %dot_general3A_61 = arith.constant dense<0.000000e+00> : vector<5000x128xf32>
    %dot_general3A_62 = tpu.matmul %div3A_39, %get3A_57, %dot_general3A_61 {dimension_numbers = #tpu.dot_dimension_numbers<[1], [1], [0], [0], [0, 0, 1, 0], [], []>, transpose_lhs_hint = false} : vector<5000x128xf32>, vector<128x128xf32>, vector<5000x128xf32> -> vector<5000x128xf32>
    %add3A_63 = vector.broadcast %get3A_60 : vector<1x128xf32> to vector<5000x128xf32>
    %add3A_64 = arith.addf %dot_general3A_62, %add3A_63 : vector<5000x128xf32>
    %swap3A_65 = arith.constant 0 : index
    %swap3A_66 = arith.constant 0 : index
    %swap3A_67 = vector.load %arg11[%swap3A_65, %swap3A_66] : memref<5120x128xf32, #tpu.memory_space<vmem>>, vector<5000x128xf32>
    tpu.vector_store %arg11[%swap3A_65, %swap3A_66], %add3A_64 {strides = array<i32>} : memref<5120x128xf32, #tpu.memory_space<vmem>>, vector<5000x128xf32>,
    %broadcast_in_dim3A_68 = arith.constant 0.000000e+00 : f32
    %broadcast_in_dim3A_69 = vector.broadcast %broadcast_in_dim3A_68 : f32 to vector<120x128xf32>
    %swap3A_70 = arith.constant 5000 : index
    %swap3A_71 = arith.constant 0 : index
    %swap3A_72 = vector.load %arg11[%swap3A_70, %swap3A_71] : memref<5120x128xf32, #tpu.memory_space<vmem>>, vector<120x128xf32>
    tpu.vector_store %arg11[%swap3A_70, %swap3A_71], %broadcast_in_dim3A_69 {strides = array<i32>} : memref<5120x128xf32, #tpu.memory_space<vmem>>, vector<120x128xf32>,
    return
  }
}

module attributes {stable_mosaic.version = 14 : i64} {
  func.func @_final2_body(%arg0: memref<10240x128xf32, #tpu.memory_space<vmem>>, %arg1: memref<10240x128xf32, #tpu.memory_space<vmem>>, %arg2: memref<5120x128xf32, #tpu.memory_space<vmem>>, %arg3: memref<5120x128xf32, #tpu.memory_space<vmem>>, %arg4: memref<10240x128xf32, #tpu.memory_space<vmem>>, %arg5: memref<10240x128xf32, #tpu.memory_space<vmem>>, %arg6: memref<5000x128xf32, #tpu.memory_space<vmem>>, %arg7: memref<5000x128xf32, #tpu.memory_space<vmem>>) attributes {dimension_semantics = [], scalar_prefetch = 0 : i64, scratch_operands = 0 : i64, tpu.core_type = #tpu.core_type<tc>} {
    %get3A = arith.constant 0 : index
    %get3A_0 = arith.constant 0 : index
    %get3A_1 = vector.load %arg0[%get3A, %get3A_0] : memref<10240x128xf32, #tpu.memory_space<vmem>>, vector<10240x128xf32>
    %get3A_2 = arith.constant 0 : index
    %get3A_3 = arith.constant 0 : index
    %get3A_4 = vector.load %arg2[%get3A_2, %get3A_3] : memref<5120x128xf32, #tpu.memory_space<vmem>>, vector<5120x128xf32>
    %get3A_5 = arith.constant 0 : index
    %get3A_6 = arith.constant 0 : index
    %get3A_7 = vector.load %arg4[%get3A_5, %get3A_6] : memref<10240x128xf32, #tpu.memory_space<vmem>>, vector<10240x128xf32>
    %slice3A = vector.extract_strided_slice %get3A_1 {offsets = [0, 0], sizes = [5000, 128], strides = [1, 1]} : vector<10240x128xf32> to vector<5000x128xf32>
    %slice3A_8 = vector.extract_strided_slice %get3A_1 {offsets = [5120, 0], sizes = [5000, 128], strides = [1, 1]} : vector<10240x128xf32> to vector<5000x128xf32>
    %add3A = arith.addf %slice3A, %slice3A_8 : vector<5000x128xf32>
    %slice3A_9 = vector.extract_strided_slice %get3A_7 {offsets = [0, 0], sizes = [5000, 1], strides = [1, 1]} : vector<10240x128xf32> to vector<5000x1xf32>
    %slice3A_10 = vector.extract_strided_slice %get3A_7 {offsets = [5120, 0], sizes = [5000, 1], strides = [1, 1]} : vector<10240x128xf32> to vector<5000x1xf32>
    %add3A_11 = arith.addf %slice3A_9, %slice3A_10 : vector<5000x1xf32>
    %slice3A_12 = vector.extract_strided_slice %get3A_4 {offsets = [0, 0], sizes = [5000, 128], strides = [1, 1]} : vector<5120x128xf32> to vector<5000x128xf32>
    %add3A_13 = arith.addf %add3A, %slice3A_12 : vector<5000x128xf32>
    %add3A_14 = arith.constant 1.000000e+00 : f32
    %add3A_15 = vector.broadcast %add3A_14 : f32 to vector<5000x1xf32>
    %add3A_16 = arith.addf %add3A_11, %add3A_15 : vector<5000x1xf32>
    %div3A = vector.broadcast %add3A_16 : vector<5000x1xf32> to vector<5000x128xf32>
    %div3A_17 = arith.divf %add3A_13, %div3A : vector<5000x128xf32>
    %swap3A = arith.constant 0 : index
    %swap3A_18 = arith.constant 0 : index
    %swap3A_19 = vector.load %arg6[%swap3A, %swap3A_18] : memref<5000x128xf32, #tpu.memory_space<vmem>>, vector<5000x128xf32>
    tpu.vector_store %arg6[%swap3A, %swap3A_18], %div3A_17 {strides = array<i32>} : memref<5000x128xf32, #tpu.memory_space<vmem>>, vector<5000x128xf32>,
    %get3A_20 = arith.constant 0 : index
    %get3A_21 = arith.constant 0 : index
    %get3A_22 = vector.load %arg1[%get3A_20, %get3A_21] : memref<10240x128xf32, #tpu.memory_space<vmem>>, vector<10240x128xf32>
    %get3A_23 = arith.constant 0 : index
    %get3A_24 = arith.constant 0 : index
    %get3A_25 = vector.load %arg3[%get3A_23, %get3A_24] : memref<5120x128xf32, #tpu.memory_space<vmem>>, vector<5120x128xf32>
    %get3A_26 = arith.constant 0 : index
    %get3A_27 = arith.constant 0 : index
    %get3A_28 = vector.load %arg5[%get3A_26, %get3A_27] : memref<10240x128xf32, #tpu.memory_space<vmem>>, vector<10240x128xf32>
    %slice3A_29 = vector.extract_strided_slice %get3A_22 {offsets = [0, 0], sizes = [5000, 128], strides = [1, 1]} : vector<10240x128xf32> to vector<5000x128xf32>
    %slice3A_30 = vector.extract_strided_slice %get3A_22 {offsets = [5120, 0], sizes = [5000, 128], strides = [1, 1]} : vector<10240x128xf32> to vector<5000x128xf32>
    %add3A_31 = arith.addf %slice3A_29, %slice3A_30 : vector<5000x128xf32>
    %slice3A_32 = vector.extract_strided_slice %get3A_28 {offsets = [0, 0], sizes = [5000, 1], strides = [1, 1]} : vector<10240x128xf32> to vector<5000x1xf32>
    %slice3A_33 = vector.extract_strided_slice %get3A_28 {offsets = [5120, 0], sizes = [5000, 1], strides = [1, 1]} : vector<10240x128xf32> to vector<5000x1xf32>
    %add3A_34 = arith.addf %slice3A_32, %slice3A_33 : vector<5000x1xf32>
    %slice3A_35 = vector.extract_strided_slice %get3A_25 {offsets = [0, 0], sizes = [5000, 128], strides = [1, 1]} : vector<5120x128xf32> to vector<5000x128xf32>
    %add3A_36 = arith.addf %add3A_31, %slice3A_35 : vector<5000x128xf32>
    %add3A_37 = arith.constant 1.000000e+00 : f32
    %add3A_38 = vector.broadcast %add3A_37 : f32 to vector<5000x1xf32>
    %add3A_39 = arith.addf %add3A_34, %add3A_38 : vector<5000x1xf32>
    %div3A_40 = vector.broadcast %add3A_39 : vector<5000x1xf32> to vector<5000x128xf32>
    %div3A_41 = arith.divf %add3A_36, %div3A_40 : vector<5000x128xf32>
    %swap3A_42 = arith.constant 0 : index
    %swap3A_43 = arith.constant 0 : index
    %swap3A_44 = vector.load %arg7[%swap3A_42, %swap3A_43] : memref<5000x128xf32, #tpu.memory_space<vmem>>, vector<5000x128xf32>
    tpu.vector_store %arg7[%swap3A_42, %swap3A_43], %div3A_41 {strides = array<i32>} : memref<5000x128xf32, #tpu.memory_space<vmem>>, vector<5000x128xf32>,
    return
  }
}

</mosaic_0001>

<sc_bundles>
// kernel: sc_agg.3.cloned.1.call-start
scs
__scs_entry_jumppad:
0x0: {  	(pc) =	sbr.rel $0x88, $3  }
0x1: {  	(tag) =	ssettag $0x0;
	lr =	simm.s32 $0x1  }
0x2: {  	[smem:$0x3F96] =	sst lr;
	_ =	strace $0xD0000000  }
0x3: {  	_ = 	snop  }
0x4: {  	_ = 	snop  }
0x5: {  	_ = 	snop  }
0x6: {  	_ = 	snop  }
0x7: {  	_ = 	snop  }
__scs_overlays_trampoline_lowered:
0x8: {  	[smem:$0x3FA5] =	sst s0  }
0x9: {  	[smem:$0x3FA6] =	sst s1  }
0xa: {  	[smem:$0x3FA7] =	sst s2  }
0xb: {  	[smem:$0x3FA8] =	sst s3  }
0xc: {  	[smem:$0x3FA9] =	sst s4  }
0xd: {  	[smem:$0x3FAA] =	sst s5  }
0xe: {  	[smem:$0x3FAB] =	sst s6  }
0xf: {  	[smem:$0x3FAC] =	sst s7  }
0x10: {  	[smem:$0x3FAD] =	sst s8  }
0x11: {  	[smem:$0x3FAE] =	sst s9;
	s0 =	simm.s32 @!p0 $0x0  }
0x12: {  	s1 =	sld [smem:$0x3F94];
	s0 =	simm.s32 @p0 $0x1  }
0x13: {  	[smem:$0x3FAF] =	sst s0;
	s0 =	simm.s32 @!p1 $0x0  }
0x14: {  	s2 =	sld [smem:$0x3F93];
	s0 =	simm.s32 @p1 $0x1  }
0x15: {  	[smem:$0x3FB0] =	sst s0;
	s0 =	simm.s32 @!p2 $0x0  }
0x16: {  	s3 =	sld [smem:$0x3FDB];
	s0 =	simm.s32 @p2 $0x1  }
0x17: {  	s4 =	simm.s32 $0x1BF5;
	[smem:$0x3FB2] =	sst s0  }
0x18: {  	s0 =	sld [smem:$0x3F95];
	_ =	swait.ge [sflag:s4], $0x0  }
0x19: {  	s7 =	sld [smem:$0x3F96]  }
0x1a: {  	s8 =	sadd.s32 $0xFFFFE003, lr  }
0x1b: {  	s9 =	sadd.s32 $0xFFFFFEF7, lr;
	s5 =	simm.s32 $0xFFFFFFFF;
	p2 =	slt.u32 s8, $0xFFFFF086  }
0x1c: {  	p1 =	slt.u32 s9, $0xF7A;
	s5 =	simm.s32 @!p2 $0x0  }
0x1d: {  	s5 =	simm.s32 @p1 $0x1;
	p0 =	seq.s32 s7, s2  }
0x1e: {  	s7 =	smul.u32 @!p0 $0xF7A, s2;
	p2 =	seq.s32 @!p0 s5, $0x0  }
0x1f: {  	s9 =	smul.u32 $0xF7A, s1;
	s8 =	simm.s32 @!p0 $0x1BF5;
	p2 =	por !p2, p0  }
0x20: {  	[sflag:s8] =	ssyncset.s32 @!p0 $0xFFFFF086;
	s6 =	sadd.s32 @!p0 s3, s7;
	s7 =	simm.s32 @!p0 $0x108  }
0x21: {  	s3 =	sadd.s32 s3, s9;
	s6 =	sadd.s32 @!p0 $0x88, s6;
	s7 =	simm.s32 @p2 $0x1082  }
0x22: {  	[simem:s7], [sflag:s8] =	dma.local @!p0 [hbm:s6], $0xF7A  }
0x23: {  	s9 =	sor.u32 $0xD0000000, s2;
	s6 =	simm.s32 $0x108;
	_ =	swait.ge @!p0 [sflag:s8], $0x0  }
0x24: {  	s3 =	sadd.s32 $0x88, s3;
	s6 =	simm.s32 @!p1 $0x1082;
	[sflag:s4] =	ssyncset.s32 $0xFFFFF086  }
0x25: {  	[simem:s6], [sflag:s4] =	dma.local [hbm:s3], $0xF7A  }
0x26: {  	[smem:$0x3F96] =	sst s1;
	(tag) =	ssettag s2;
	_ =	strace s9  }
0x27: {  	s1 =	sld [smem:$0x3FA6]  }
0x28: {  	s2 =	sld [smem:$0x3FA7]  }
0x29: {  	s4 =	sld [smem:$0x3FA9]  }
0x2a: {  	p0 =	seq.s32 s5, $0x0;
	s5 =	sld [smem:$0x3FAA]  }
0x2b: {  	s6 =	sld [smem:$0x3FAB]  }
0x2c: {  	s7 =	sld [smem:$0x3FAC]  }
0x2d: {  	s3 =	simm.s32 $0x108;
	s8 =	sld [smem:$0x3FAD]  }
0x2e: {  	s3 =	simm.s32 @!p0 $0x1082;
	s9 =	sld [smem:$0x3FAE]  }
0x2f: {  	lr =	sadd.s32 s0, s3;
	s0 =	sld [smem:$0x3FA5]  }
0x30: {  	s3 =	sld [smem:$0x3FA8]  }
0x31: {  	[smem:$0x3FB1] =	sst s10  }
0x32: {  	s10 =	sld [smem:$0x3FAF];
	_ =	sdelay $0x3  }
0x33: {  	p0 =	seq.s32 s10, $0x1;
	s10 =	sld [smem:$0x3FB1];
	_ =	sdelay $0x3  }
0x34: {  	[smem:$0x3FB1] =	sst s10  }
0x35: {  	s10 =	sld [smem:$0x3FB0];
	_ =	sdelay $0x3  }
0x36: {  	p1 =	seq.s32 s10, $0x1;
	s10 =	sld [smem:$0x3FB1];
	_ =	sdelay $0x3  }
0x37: {  	[smem:$0x3FB1] =	sst s10  }
0x38: {  	s10 =	sld [smem:$0x3FB2]  }
0x39: {  	_ = 	snop;
	(pc) =	sbr.ind lr, $3  }
0x3a: {  	_ = 	snop  }
0x3b: {  	_ = 	snop  }
0x3c: {  	p2 =	seq.s32 s10, $0x1;
	s10 =	sld [smem:$0x3FB1]  }
0x3d: {  	_ =	shalt  }
0x3e: {  	_ =	shalt  }
0x3f: {  	_ =	shalt  }
0x40: {  	_ =	shalt  }
0x41: {  	_ =	shalt  }
0x42: {  	_ =	shalt  }
0x43: {  	_ =	shalt  }
0x44: {  	_ =	shalt  }
0x45: {  	_ =	shalt  }
0x46: {  	_ =	shalt  }
0x47: {  	_ =	shalt  }
0x48: {  	_ =	shalt  }
0x49: {  	_ =	shalt  }
0x4a: {  	_ =	shalt  }
0x4b: {  	_ =	shalt  }
0x4c: {  	_ =	shalt  }
0x4d: {  	_ =	shalt  }
0x4e: {  	_ =	shalt  }
0x4f: {  	_ =	shalt  }
0x50: {  	_ =	shalt  }
0x51: {  	_ =	shalt  }
0x52: {  	_ =	shalt  }
0x53: {  	_ =	shalt  }
0x54: {  	_ =	shalt  }
0x55: {  	_ =	shalt  }
0x56: {  	_ =	shalt  }
0x57: {  	_ =	shalt  }
0x58: {  	_ =	shalt  }
0x59: {  	_ =	shalt  }
0x5a: {  	_ =	shalt  }
0x5b: {  	_ =	shalt  }
0x5c: {  	_ =	shalt  }
0x5d: {  	_ =	shalt  }
0x5e: {  	_ =	shalt  }
0x5f: {  	_ =	shalt  }
0x60: {  	_ =	shalt  }
0x61: {  	_ =	shalt  }
0x62: {  	_ =	shalt  }
0x63: {  	_ =	shalt  }
0x64: {  	_ =	shalt  }
0x65: {  	_ =	shalt  }
0x66: {  	_ =	shalt  }
0x67: {  	_ =	shalt  }
0x68: {  	_ =	shalt  }
0x69: {  	_ =	shalt  }
0x6a: {  	_ =	shalt  }
0x6b: {  	_ =	shalt  }
0x6c: {  	_ =	shalt  }
0x6d: {  	_ =	shalt  }
0x6e: {  	_ =	shalt  }
0x6f: {  	_ =	shalt  }
0x70: {  	_ =	shalt  }
0x71: {  	_ =	shalt  }
0x72: {  	_ =	shalt  }
0x73: {  	_ =	shalt  }
0x74: {  	_ =	shalt  }
0x75: {  	_ =	shalt  }
0x76: {  	_ =	shalt  }
0x77: {  	_ =	shalt  }
0x78: {  	_ =	shalt  }
0x79: {  	_ =	shalt  }
0x7a: {  	_ =	shalt  }
0x7b: {  	_ =	shalt  }
0x7c: {  	_ =	shalt  }
0x7d: {  	_ =	shalt  }
0x7e: {  	_ =	shalt  }
0x7f: {  	_ =	shalt  }
0x80: {  	_ =	shalt  }
0x81: {  	_ =	shalt  }
0x82: {  	_ =	shalt  }
0x83: {  	_ =	shalt  }
0x84: {  	_ =	shalt  }
0x85: {  	_ =	shalt  }
0x86: {  	_ =	shalt  }
0x87: {  	_ =	shalt  }
.Lfunc_end0:
.L_simem_size_0:
called_computation.1_lowered:
.L_overlay_start_0:
0x88: {  	s2 =	sld [smem:$0x3FD9]  }
0x89: {  	s3 =	sld [smem:$0x3FFE];
	_ =	sdelay $0x1  }
0x8a: {  	s1 =	srdreg.scid  }
0x8b: {  	s0 =	sand.u32 $0x1, s1  }
0x8c: {  	s14 =	sshll.u32 s0, $0xA;
	s2 =	sadd.s32 s3, s2  }
0x8d: {  	s2 =	sadd.s32 s2, s14  }
0x8e: {  	[smem:$0x3FBD] =	sst s2  }
0x8f: {  	_ = 	snop  }
0x90: {  	s2 =	sld [smem:$0x3FD0];
	_ =	sdelay $0x2  }
0x91: {  	s15 =	simm.s32 $0xA;
	s4 =	simm.s32 $0x10  }
0x92: {  	[smem:s4], [sflag:s15] =	dma.local [hbm:s2], $0x1  }
0x93: {  	_ =	swait.eq [sflag:s15], $0x1  }
0x94: {  	[sflag:s15] =	ssyncset.done $0x0  }
0x95: {  	s16 =	sld [smem:$0x10];
	[sflag:s15] =	ssyncadd.s32 $0xFFFFFFFF  }
0x96: {  	s17 =	sld [smem:$0x11];
	(tm) =	ssettm $0x1  }
0x97: {  	s18 =	sld [smem:$0x3FFB];
	_ =	sdelay $0x3  }
0x98: {  	_ =	strace s18  }
0x99: {  	s4 =	sld [smem:$0x3FFC];
	_ =	sdelay $0x3  }
0x9a: {  	_ =	strace s4  }
0x9b: {  	s4 =	sld [smem:$0x3FFD];
	_ =	sdelay $0x3  }
0x9c: {  	_ =	strace s4  }
0x9d: {  	_ =	strace $0x8FFFFFFF  }
0x9e: {  	s19 =	sld [smem:$0x3FDB];
	_ =	sdelay $0x1  }
0x9f: {  	s5 =	simm.s32 $_scs_section_size  }
0xa0: {  	s6 =	simm.s32 $_size__tile_overlayer_lowered;
	s7 =	simm.s32 $_tile_overlayer_lowered  }
0xa1: {  	s22 =	simm.s32 $0x1BFF;
	s21 =	sshll.u32 s7, $0x1;
	s4 =	sadd.s32 s5, s19  }
0xa2: {  	s8 =	simm.s32 $0x0;
	s20 =	sshll.u32 s6, $0x1;
	s6 =	sadd.s32 s21, s4  }
0xa3: {  	[timem:s8], [sflag:s22] =	dma.local [hbm:s6], s20  }
0xa4: {  	_ =	swait.ge [sflag:s22], s20  }
0xa5: {  	s5 =	ssub.s32 $0x0, s20;
	[sflag:s22] =	ssyncset.done $0x0  }
0xa6: {  	[sflag:s22] =	ssyncadd.s32 s5;
	_ =	sdelay $0x1  }
0xa7: {  	s23 =	simm.s32 $0x1B8B  }
0xa8: {  	_ =	swait.ge [sflag:s23], $0x1  }
0xa9: {  	[sflag:s23] =	ssyncset.done $0x0  }
0xaa: {  	s25 =	simm.s32 $0x1B8E;
	s24 =	sld [smem:$0x3FFE];
	[sflag:s23] =	ssyncadd.s32 $0xFFFFFFFF  }
0xab: {  	s26 =	simm.s32 $execute0_lowered;
	[smem:$0x3FD2] =	sst s25  }
0xac: {  	s6 =	sshll.u32 s26, $0x1;
	_ =	strace $0x80000049;
	[dreg:$0x1] =	wrdreg $0xFFFFFFFF  }
0xad: {  	s28 =	simm.s32 $_size_execute0_lowered;
	s4 =	sadd.s32 s4, s6;
	[dreg:$0x0] =	wrdreg $0x0  }
0xae: {  	s6 =	sshll.u32 s28, $0x1;
	[dreg:$0x2] =	wrdreg s4  }
0xaf: {  	[dreg:$0x3] =	wrdreg s6  }
0xb0: {  	[dreg:$0x4] =	wrdreg $0xC0  }
0xb1: {  	_ =	task [dreg:s8], $0x5FFFF  }
0xb2: {  	[dreg:$0x1] =	wrdreg $0xFFFFFFFF  }
0xb3: {  	[dreg:$0x0] =	wrdreg $0x60  }
0xb4: {  	[dreg:$0x2] =	wrdreg s24  }
0xb5: {  	[dreg:$0x3] =	wrdreg s17  }
0xb6: {  	[dreg:$0x4] =	wrdreg s16  }
0xb7: {  	[dreg:$0x5] =	wrdreg $0x146000  }
0xb8: {  	[dreg:$0x6] =	wrdreg $0x9  }
0xb9: {  	_ =	task.clear_ibuf [dreg:s8], $0x7FFFF;
	_ =	strace $0x90000049  }
0xba: {  	s29 =	simm.s32 $0x9;
	_ =	strace $0x8000004B  }
0xbb: {  	_ =	swait.ge [sflag:s29], $0x1  }
0xbc: {  	[sflag:s29] =	ssyncadd.s32 $0xFFFFFFFF  }
0xbd: {  	_ =	strace $0x9000004B  }
0xbe: {  	_ =	sfence  }
0xbf: {  	s30 =	sld [smem:$0x0];
	_ =	sdelay $0x2  }
0xc0: {  	s31 =	sshll.u32 s1, $0xD;
	s1 =	sshrl.u32 s1, $0x2  }
0xc1: {  	s3 =	sand.u32 $0x4000, s31;
	s1 =	sadd.s32 s1, s30  }
0xc2: {  	s0 =	sor.u32 s3, s0;
	s1 =	sshll.u32 s1, $0x11  }
0xc3: {  	s0 =	sor.u32 s1, s0  }
0xc4: {  	s0 =	sadd.s32 $0x8F2B, s0  }
0xc5: {  	[sflag:s0] =	ssyncadd.remote.s32 $0x1  }
0xc6: {  	_ =	sfence.sel $0xFFFF  }
0xc7: {  	[dreg:$0x0] =	wrdreg $0xFFFFFFFF;
	(pc) =	sbr.abs _section_cstart, $3  }
0xc8: {  	[dreg:$0x1] =	wrdreg $0xFFFFFFFF  }
0xc9: {  	_ =	task.clear_ibuf [dreg:s8], $0x2FFFF;
	_ =	strace $0x9FFFFFFF  }
0xca: {  	(tm) =	ssettm $0x7FFFFFFF  }
0xcb: {  	_ =	shalt  }
tec
execute0_lowered:
.L_overlay_start_1:
0x0: {  	(tag) =	ssettag $0x1  }
0x1: {  	s0 =	rddreg [dreg:$0x0]  }
0x2: {  	s2 =	rddreg [dreg:$0x1]  }
0x3: {  	s3 =	rddreg [dreg:$0x2]  }
0x4: {  	s4 =	rddreg [dreg:$0x3]  }
0x5: {  	s13 =	stileid.u32;
	s6 =	srdreg.scid;
	s5 =	simm.s32 $0x0  }
0x6: {  	s28 =	simm.s32 $0x1;
	s29 =	simm.s32 $0xA600;
	s30 =	simm.s32 $0x2  }
0x7: {  	s31 =	simm.s32 $0x180;
	s1 =	smul.u32 $0x1400, s13;
	s8 =	sand.u32 $0x1, s6  }
0x8: {  	s9 =	smul.u32 $0x140, s13;
	[smem:$0x7FF] =	sst s5;
	s6 =	sadd.s32 $0x4000, s0  }
0x9: {  	s7 =	sadd.s32 $0x18000, s0;
	s11 =	sshll.u32 s13, $0x5;
	s15 =	smul.u32 $0x28000, s13  }
0xa: {  	s20 =	sshll.u32 s13, $0x6;
	s10 =	smul.u32 $0x1400, s8;
	_ =	strace $0x8000004A  }
0xb: {  	s14 =	sshll.u32 s8, $0x9;
	s8 =	ssub.s32 $0x2, s8;
	s1 =	sadd.s32 s1, s0  }
0xc: {  	s16 =	sshrl.u32 s8, $0x1;
	s17 =	sshrl.u32 s15, $0x2;
	s9 =	sadd.s32 s9, s10  }
0xd: {  	s10 =	sor.u32 s11, s14;
	s8 =	ssub.s32 s8, s16;
	s19 =	sadd.s32 s17, s4  }
0xe: {  	s15 =	sadd.s32 $0x2D400, s1;
	s16 =	sor.u32 $0x1C04, s20;
	s20 =	simm.s32 $0x80  }
0xf: {  	s9 =	sshll.u32 s9, $0x4;
	s12 =	sshrl.u32 s10, $0x3;
	s26 =	smax.u32 s8, $0x1  }
0x10: {  	s17 =	sor.u32 $0x2, s10;
	[dreg:$0x5] =	wrdreg s15;
	s18 =	smul.u32 $0x180, s12  }
0x11: {  	s0 =	sadd.s32 s9, s0;
	[dreg:$0xc] =	wrdreg s26;
	s26 =	simm.s32 $0x480  }
0x12: {  	s25 =	sadd.s32 $0x41400, s0;
	s0 =	sadd.s32 $0x69400, s0;
	s21 =	sadd.s32 s2, s18  }
0x13: {  	s22 =	sor.u32 $0x10, s18;
	s23 =	sadd.s32 s3, s18;
	[dreg:$0xa] =	wrdreg s25  }
0x14: {  	[dreg:$0xb] =	wrdreg s0;
	s18 =	sshrl.u32 s19, $0x3;
	s19 =	simm.s32 $0x4  }
0x15: {  	s25 =	simm.s32 $0x600;
	s0 =	simm.s32 $0x0;
	[dreg:$0x6] =	wrdreg s21  }
0x16: {  	[dreg:$0x7] =	wrdreg s23;
	s24 =	sadd.s32 s2, s22;
	s1 =	sadd.s32 s3, s22  }
0x17: {  	s21 =	simm.s32 $0x400;
	s22 =	simm.s32 $0x300;
	[dreg:$0x8] =	wrdreg s24  }
0x18: {  	s23 =	simm.s32 $0x3;
	[dreg:$0x9] =	wrdreg s1;
	s24 =	simm.s32 $0x140  }
.LBB2_1:
0x19: {  	[spmem:s18], [sflag:s16] =	dma.local [hbm:s15], $0x1400  }
0x1a: {  	_ =	swait.ge [sflag:s19], $0x1400  }
0x1b: {  	[sflag:s19] =	ssyncset.done $0x0  }
0x1c: {  	[sflag:s19] =	ssyncadd.s32 $0xFFFFEC00  }
0x1d: {  	[bflag:$0x0] =	sbarrier.arrive $0xFFFF  }
0x1e: {  	s1 =	rddreg [dreg:$0x6]  }
0x1f: {  	[tilespmem:s5], [sflag:$0x3] =	stream.strided.gather [hbm4b:s1+s20], $0x180, s21, s20, $0x38;
	[tilespmem:$0x1E600] =	vst v63  }
0x20: {  	s14 =	rddreg [dreg:$0x7]  }
0x21: {  	[tilespmem:s22], [sflag:$0x3] =	stream.strided.gather [hbm4b:s14+s20], $0x180, s21, s20, $0x38;
	[tilespmem:$0x1E600] =	vst v63  }
0x22: {  	_ =	swait.ge [sflag:s23], $0x180  }
0x23: {  	[sflag:s23] =	ssyncset.done $0x0  }
0x24: {  	[sflag:s23] =	ssyncadd.s32 $0xFFFFFE80  }
0x25: {  	_ =	swait.ge [sflag:s23], $0x180  }
0x26: {  	[sflag:s23] =	ssyncset.done $0x0  }
0x27: {  	[sflag:s23] =	ssyncadd.s32 $0xFFFFFE80  }
0x28: {  	[tilespmem:s25], [sflag:$0x1] =	stream.indirect.gather [hbm4b:s6+s24], $0x80, s5, s24, $0xb8;
	[tilespmem:$0x1E600] =	vst v63  }
0x29: {  	s15 =	rddreg [dreg:$0x8]  }
0x2a: {  	[tilespmem:s31], [sflag:$0x3] =	stream.strided.gather [hbm4b:s15+s20], $0x180, s21, s20, $0x38;
	[tilespmem:$0x1E600] =	vst v63  }
0x2b: {  	s9 =	smov.u32 s16;
	s16 =	rddreg [dreg:$0x9]  }
0x2c: {  	[tilespmem:s26], [sflag:$0x3] =	stream.strided.gather [hbm4b:s16+s20], $0x180, s21, s20, $0x38;
	[tilespmem:$0x1E600] =	vst v63  }
0x2d: {  	_ =	swait.ge [sflag:s28], $0xA000  }
0x2e: {  	[sflag:s28] =	ssyncset.done $0x0  }
0x2f: {  	[sflag:s28] =	ssyncadd.s32 $0xFFFF6000  }
0x30: {  	[spmem:s4] =	stream.indirect.scatter.add.f32 [tilespmem:s25], [sflag:$0x2], $0x80, s22, s24, $0xb8;
	[tilespmem:$0x1E600] =	vst v63  }
0x31: {  	_ =	swait.ge [sflag:s23], $0x180  }
0x32: {  	[sflag:s23] =	ssyncset.done $0x0  }
0x33: {  	[sflag:s23] =	ssyncadd.s32 $0xFFFFFE80  }
0x34: {  	s8 =	sshrl.u32 s17, $0x3;
	_ =	swait.ge [sflag:s23], $0x180  }
0x35: {  	s1 =	smul.u32 $0xC00, s8;
	s8 =	simm.s32 $0x100;
	[sflag:s23] =	ssyncset.done $0x0  }
0x36: {  	s8 =	sand.u32 $0x300, s8;
	[sflag:s23] =	ssyncadd.s32 $0xFFFFFE80  }
0x37: {  	[tilespmem:s29], [sflag:$0x1] =	stream.indirect.gather [hbm4b:s6+s24], $0x80, s31, s24, $0xb8;
	[tilespmem:$0x1E600] =	vst v63  }
0x38: {  	s8 =	sor.u32 s8, s1;
	_ =	swait.ge [sflag:s30], $0xA000  }
0x39: {  	s8 =	sshrl.u32 s8, $0x3;
	[sflag:s30] =	ssyncset.done $0x0  }
0x3a: {  	s10 =	sadd.s32 s2, s8;
	[sflag:s30] =	ssyncadd.s32 $0xFFFF6000  }
0x3b: {  	[tilespmem:s5], [sflag:$0x3] =	stream.strided.gather [hbm4b:s10+s20], $0x180, s21, s20, $0x38;
	[tilespmem:$0x1E600] =	vst v63  }
0x3c: {  	s8 =	sadd.s32 s3, s8  }
0x3d: {  	[tilespmem:s22], [sflag:$0x3] =	stream.strided.gather [hbm4b:s8+s20], $0x180, s21, s20, $0x38;
	[tilespmem:$0x1E600] =	vst v63  }
0x3e: {  	_ =	swait.ge [sflag:s28], $0xA000  }
0x3f: {  	[sflag:s28] =	ssyncset.done $0x0  }
0x40: {  	[sflag:s28] =	ssyncadd.s32 $0xFFFF6000  }
0x41: {  	[spmem:s4] =	stream.indirect.scatter.add.f32 [tilespmem:s29], [sflag:$0x2], $0x80, s26, s24, $0xb8;
	[tilespmem:$0x1E600] =	vst v63  }
0x42: {  	_ =	swait.ge [sflag:s23], $0x180  }
0x43: {  	[sflag:s23] =	ssyncset.done $0x0  }
0x44: {  	[sflag:s23] =	ssyncadd.s32 $0xFFFFFE80  }
0x45: {  	s10 =	sadd.s32 $0x1, s17;
	_ =	swait.ge [sflag:s23], $0x180  }
0x46: {  	s8 =	sshrl.u32 s10, $0x3;
	[sflag:s23] =	ssyncset.done $0x0  }
0x47: {  	s11 =	sand.u32 $0x380, s31;
	s14 =	smul.u32 $0xC00, s8;
	[sflag:s23] =	ssyncadd.s32 $0xFFFFFE80  }
0x48: {  	[tilespmem:s25], [sflag:$0x1] =	stream.indirect.gather [hbm4b:s6+s24], $0x80, s5, s24, $0xb8;
	[tilespmem:$0x1E600] =	vst v63  }
0x49: {  	s8 =	sor.u32 s11, s14;
	_ =	swait.ge [sflag:s30], $0xA000  }
0x4a: {  	s8 =	sshrl.u32 s8, $0x3;
	[sflag:s30] =	ssyncset.done $0x0  }
0x4b: {  	s12 =	sadd.s32 s2, s8;
	[sflag:s30] =	ssyncadd.s32 $0xFFFF6000  }
0x4c: {  	[tilespmem:s31], [sflag:$0x3] =	stream.strided.gather [hbm4b:s12+s20], $0x180, s21, s20, $0x38;
	[tilespmem:$0x1E600] =	vst v63  }
0x4d: {  	s8 =	sadd.s32 s3, s8  }
0x4e: {  	[tilespmem:s26], [sflag:$0x3] =	stream.strided.gather [hbm4b:s8+s20], $0x180, s21, s20, $0x38;
	[tilespmem:$0x1E600] =	vst v63  }
0x4f: {  	_ =	swait.ge [sflag:s28], $0xA000  }
0x50: {  	[sflag:s28] =	ssyncset.done $0x0  }
0x51: {  	[sflag:s28] =	ssyncadd.s32 $0xFFFF6000  }
0x52: {  	[spmem:s4] =	stream.indirect.scatter.add.f32 [tilespmem:s25], [sflag:$0x2], $0x80, s22, s24, $0xb8;
	[tilespmem:$0x1E600] =	vst v63  }
0x53: {  	_ =	swait.ge [sflag:s23], $0x180  }
0x54: {  	s16 =	sadd.s32 $0x2, s17;
	[sflag:s23] =	ssyncset.done $0x0  }
0x55: {  	s13 =	sshrl.u32 s16, $0x3;
	[sflag:s23] =	ssyncadd.s32 $0xFFFFFE80  }
0x56: {  	s15 =	simm.s32 $0x280;
	s10 =	smul.u32 $0xC00, s13;
	_ =	swait.ge [sflag:s23], $0x180  }
0x57: {  	s12 =	simm.s32 $0x200;
	s8 =	simm.s32 $0x380;
	[sflag:s23] =	ssyncset.done $0x0  }
.LBB2_2:
0x58: {  	s12 =	sand.u32 $0x300, s12  }
0x59: {  	[sflag:s23] =	ssyncadd.s32 $0xFFFFFE80;
	s13 =	smov.u32 s8;
	s11 =	sadd.s32 $0x100, s8  }
0x5a: {  	[tilespmem:s29], [sflag:$0x1] =	stream.indirect.gather [hbm4b:s6+s24], $0x80, s31, s24, $0xb8;
	[tilespmem:$0x1E600] =	vst v63  }
0x5b: {  	p0 =	sne.s32 s8, $0xF80;
	s8 =	sor.u32 s12, s10;
	_ =	swait.ge [sflag:s30], $0xA000  }
0x5c: {  	s8 =	sshrl.u32 s8, $0x3;
	[sflag:s30] =	ssyncset.done $0x0  }
0x5d: {  	s10 =	sadd.s32 s2, s8;
	s8 =	sadd.s32 s3, s8;
	[sflag:s30] =	ssyncadd.s32 $0xFFFF6000  }
0x5e: {  	[tilespmem:s5], [sflag:$0x3] =	stream.strided.gather [hbm4b:s10+s20], $0x180, s21, s20, $0x38;
	[tilespmem:$0x1E600] =	vst v63  }
0x5f: {  	_ = 	snop  }
0x60: {  	[tilespmem:s22], [sflag:$0x3] =	stream.strided.gather [hbm4b:s8+s20], $0x180, s21, s20, $0x38;
	[tilespmem:$0x1E600] =	vst v63  }
0x61: {  	_ =	swait.ge [sflag:s28], $0xA000  }
0x62: {  	[sflag:s28] =	ssyncset.done $0x0  }
0x63: {  	[sflag:s28] =	ssyncadd.s32 $0xFFFF6000  }
0x64: {  	[spmem:s4] =	stream.indirect.scatter.add.f32 [tilespmem:s29], [sflag:$0x2], $0x80, s26, s24, $0xb8;
	[tilespmem:$0x1E600] =	vst v63  }
0x65: {  	_ =	swait.ge [sflag:s23], $0x180  }
0x66: {  	[sflag:s23] =	ssyncset.done $0x0  }
0x67: {  	s8 =	sadd.s32 $0x1, s16;
	[sflag:s23] =	ssyncadd.s32 $0xFFFFFE80  }
0x68: {  	s8 =	sshrl.u32 s8, $0x3;
	_ =	swait.ge [sflag:s23], $0x180  }
0x69: {  	s8 =	smul.u32 $0xC00, s8;
	[sflag:s23] =	ssyncset.done $0x0  }
0x6a: {  	s10 =	sand.u32 $0x380, s15;
	s15 =	smov.u32 s13;
	[sflag:s23] =	ssyncadd.s32 $0xFFFFFE80  }
0x6b: {  	[tilespmem:s25], [sflag:$0x1] =	stream.indirect.gather [hbm4b:s6+s24], $0x80, s5, s24, $0xb8;
	[tilespmem:$0x1E600] =	vst v63  }
0x6c: {  	s8 =	sor.u32 s10, s8;
	_ =	swait.ge [sflag:s30], $0xA000  }
0x6d: {  	s8 =	sshrl.u32 s8, $0x3;
	[sflag:s30] =	ssyncset.done $0x0  }
0x6e: {  	s10 =	sadd.s32 s2, s8;
	s8 =	sadd.s32 s3, s8;
	[sflag:s30] =	ssyncadd.s32 $0xFFFF6000  }
0x6f: {  	[tilespmem:s31], [sflag:$0x3] =	stream.strided.gather [hbm4b:s10+s20], $0x180, s21, s20, $0x38;
	[tilespmem:$0x1E600] =	vst v63  }
0x70: {  	_ = 	snop  }
0x71: {  	[tilespmem:s26], [sflag:$0x3] =	stream.strided.gather [hbm4b:s8+s20], $0x180, s21, s20, $0x38;
	[tilespmem:$0x1E600] =	vst v63  }
0x72: {  	_ =	swait.ge [sflag:s28], $0xA000  }
0x73: {  	[sflag:s28] =	ssyncset.done $0x0  }
0x74: {  	[sflag:s28] =	ssyncadd.s32 $0xFFFF6000  }
0x75: {  	[spmem:s4] =	stream.indirect.scatter.add.f32 [tilespmem:s25], [sflag:$0x2], $0x80, s22, s24, $0xb8;
	[tilespmem:$0x1E600] =	vst v63  }
.Ltmp0:
0x76: {  	_ =	swait.ge [sflag:s23], $0x180;
	(pc) =	sbr.rel @p0 .LBB2_2-.Ltmp0, $4  }
0x77: {  	[sflag:s23] =	ssyncset.done $0x0  }
0x78: {  	s16 =	sadd.s32 $0x2, s16;
	[sflag:s23] =	ssyncadd.s32 $0xFFFFFE80  }
0x79: {  	s12 =	sadd.s32 $0xFFFFFF80, s15;
	s8 =	sshrl.u32 s16, $0x3;
	_ =	swait.ge [sflag:s23], $0x180  }
0x7a: {  	s10 =	smul.u32 $0xC00, s8;
	s8 =	smov.u32 s11;
	[sflag:s23] =	ssyncset.done $0x0  }
0x7b: {  	s8 =	sand.u32 $0x300, s12;
	[sflag:s23] =	ssyncadd.s32 $0xFFFFFE80  }
0x7c: {  	[tilespmem:s29], [sflag:$0x1] =	stream.indirect.gather [hbm4b:s6+s24], $0x80, s31, s24, $0xb8;
	[tilespmem:$0x1E600] =	vst v63  }
0x7d: {  	s8 =	sor.u32 s8, s10;
	_ =	swait.ge [sflag:s30], $0xA000  }
0x7e: {  	s8 =	sshrl.u32 s8, $0x3;
	[sflag:s30] =	ssyncset.done $0x0  }
0x7f: {  	s13 =	sadd.s32 s2, s8;
	[sflag:s30] =	ssyncadd.s32 $0xFFFF6000  }
0x80: {  	[tilespmem:s5], [sflag:$0x3] =	stream.strided.gather [hbm4b:s13+s20], $0x180, s21, s20, $0x38;
	[tilespmem:$0x1E600] =	vst v63  }
0x81: {  	s8 =	sadd.s32 s3, s8  }
0x82: {  	[tilespmem:s22], [sflag:$0x3] =	stream.strided.gather [hbm4b:s8+s20], $0x180, s21, s20, $0x38;
	[tilespmem:$0x1E600] =	vst v63  }
0x83: {  	_ =	swait.ge [sflag:s28], $0xA000  }
0x84: {  	[sflag:s28] =	ssyncset.done $0x0  }
0x85: {  	[sflag:s28] =	ssyncadd.s32 $0xFFFF6000  }
0x86: {  	[spmem:s4] =	stream.indirect.scatter.add.f32 [tilespmem:s29], [sflag:$0x2], $0x80, s26, s24, $0xb8;
	[tilespmem:$0x1E600] =	vst v63  }
0x87: {  	_ =	swait.ge [sflag:s23], $0x180  }
0x88: {  	[sflag:s23] =	ssyncset.done $0x0  }
0x89: {  	[sflag:s23] =	ssyncadd.s32 $0xFFFFFE80  }
0x8a: {  	s11 =	sadd.s32 $0x1, s16;
	_ =	swait.ge [sflag:s23], $0x180  }
0x8b: {  	s8 =	sshrl.u32 s11, $0x3;
	[sflag:s23] =	ssyncset.done $0x0  }
0x8c: {  	s12 =	sand.u32 $0x380, s15;
	s8 =	smul.u32 $0xC00, s8;
	[sflag:s23] =	ssyncadd.s32 $0xFFFFFE80  }
0x8d: {  	[tilespmem:s25], [sflag:$0x1] =	stream.indirect.gather [hbm4b:s6+s24], $0x80, s5, s24, $0xb8;
	[tilespmem:$0x1E600] =	vst v63  }
0x8e: {  	s8 =	sor.u32 s12, s8;
	_ =	swait.ge [sflag:s30], $0xA000  }
0x8f: {  	s8 =	sshrl.u32 s8, $0x3;
	[sflag:s30] =	ssyncset.done $0x0  }
0x90: {  	s13 =	sadd.s32 s2, s8;
	[sflag:s30] =	ssyncadd.s32 $0xFFFF6000  }
0x91: {  	[tilespmem:s31], [sflag:$0x3] =	stream.strided.gather [hbm4b:s13+s20], $0x180, s21, s20, $0x38;
	[tilespmem:$0x1E600] =	vst v63  }
0x92: {  	s8 =	sadd.s32 s3, s8  }
0x93: {  	[tilespmem:s26], [sflag:$0x3] =	stream.strided.gather [hbm4b:s8+s20], $0x180, s21, s20, $0x38;
	[tilespmem:$0x1E600] =	vst v63  }
0x94: {  	_ =	swait.ge [sflag:s28], $0xA000  }
0x95: {  	[sflag:s28] =	ssyncset.done $0x0  }
0x96: {  	[sflag:s28] =	ssyncadd.s32 $0xFFFF6000  }
0x97: {  	[spmem:s4] =	stream.indirect.scatter.add.f32 [tilespmem:s25], [sflag:$0x2], $0x80, s22, s24, $0xb8;
	[tilespmem:$0x1E600] =	vst v63  }
0x98: {  	_ =	swait.ge [sflag:s23], $0x180  }
0x99: {  	[sflag:s23] =	ssyncset.done $0x0  }
0x9a: {  	[sflag:s23] =	ssyncadd.s32 $0xFFFFFE80  }
0x9b: {  	_ =	swait.ge [sflag:s23], $0x180  }
0x9c: {  	[sflag:s23] =	ssyncset.done $0x0  }
0x9d: {  	[sflag:s23] =	ssyncadd.s32 $0xFFFFFE80  }
0x9e: {  	[tilespmem:s29], [sflag:$0x1] =	stream.indirect.gather [hbm4b:s6+s24], $0x80, s31, s24, $0xb8;
	[tilespmem:$0x1E600] =	vst v63  }
0x9f: {  	_ =	swait.ge [sflag:s30], $0xA000  }
0xa0: {  	[sflag:s30] =	ssyncset.done $0x0  }
0xa1: {  	[sflag:s30] =	ssyncadd.s32 $0xFFFF6000  }
0xa2: {  	_ =	swait.ge [sflag:s28], $0xA000  }
0xa3: {  	[sflag:s28] =	ssyncset.done $0x0  }
0xa4: {  	[sflag:s28] =	ssyncadd.s32 $0xFFFF6000  }
0xa5: {  	[spmem:s4] =	stream.indirect.scatter.add.f32 [tilespmem:s29], [sflag:$0x2], $0x80, s26, s24, $0xb8;
	[tilespmem:$0x1E600] =	vst v63  }
0xa6: {  	_ =	swait.ge [sflag:s30], $0xA000  }
0xa7: {  	[sflag:s30] =	ssyncset.done $0x0  }
0xa8: {  	[sflag:s30] =	ssyncadd.s32 $0xFFFF6000  }
0xa9: {  	[bflag:$0x0] =	sbarrier.arrive $0xFFFF  }
0xaa: {  	s15 =	rddreg [dreg:$0xa]  }
0xab: {  	[hbm:s15], [sflag:s9] =	dma.local [spmem:s18], $0x1400  }
0xac: {  	_ =	swait.ge [sflag:s19], $0x1400  }
0xad: {  	[sflag:s19] =	ssyncset.done $0x0  }
0xae: {  	s15 =	rddreg [dreg:$0x5];
	[sflag:s19] =	ssyncadd.s32 $0xFFFFEC00  }
0xaf: {  	[spmem:s18], [sflag:s9] =	dma.local [hbm:s15], $0x1400  }
0xb0: {  	_ =	swait.ge [sflag:s19], $0x1400  }
0xb1: {  	[sflag:s19] =	ssyncset.done $0x0  }
0xb2: {  	[sflag:s19] =	ssyncadd.s32 $0xFFFFEC00  }
0xb3: {  	[bflag:$0x0] =	sbarrier.arrive $0xFFFF  }
0xb4: {  	s16 =	smov.u32 s9;
	s9 =	rddreg [dreg:$0x7]  }
0xb5: {  	[tilespmem:s5], [sflag:$0x3] =	stream.strided.gather [hbm4b:s9+s20], $0x180, s21, s20, $0x38;
	[tilespmem:$0x1E600] =	vst v63  }
0xb6: {  	s10 =	rddreg [dreg:$0x6]  }
0xb7: {  	[tilespmem:s22], [sflag:$0x3] =	stream.strided.gather [hbm4b:s10+s20], $0x180, s21, s20, $0x38;
	[tilespmem:$0x1E600] =	vst v63  }
0xb8: {  	_ =	swait.ge [sflag:s23], $0x180  }
0xb9: {  	[sflag:s23] =	ssyncset.done $0x0  }
0xba: {  	[sflag:s23] =	ssyncadd.s32 $0xFFFFFE80  }
0xbb: {  	_ =	swait.ge [sflag:s23], $0x180  }
0xbc: {  	[sflag:s23] =	ssyncset.done $0x0  }
0xbd: {  	[sflag:s23] =	ssyncadd.s32 $0xFFFFFE80  }
0xbe: {  	[tilespmem:s25], [sflag:$0x1] =	stream.indirect.gather [hbm4b:s7+s24], $0x80, s5, s24, $0xb8;
	[tilespmem:$0x1E600] =	vst v63  }
0xbf: {  	s8 =	simm.s32 $0x180;
	s11 =	rddreg [dreg:$0x9]  }
0xc0: {  	[tilespmem:s8], [sflag:$0x3] =	stream.strided.gather [hbm4b:s11+s20], $0x180, s21, s20, $0x38;
	[tilespmem:$0x1E600] =	vst v63  }
0xc1: {  	s12 =	rddreg [dreg:$0x8]  }
0xc2: {  	[tilespmem:s26], [sflag:$0x3] =	stream.strided.gather [hbm4b:s12+s20], $0x180, s21, s20, $0x38;
	[tilespmem:$0x1E600] =	vst v63  }
0xc3: {  	_ =	swait.ge [sflag:s28], $0xA000  }
0xc4: {  	[sflag:s28] =	ssyncset.done $0x0  }
0xc5: {  	[sflag:s28] =	ssyncadd.s32 $0xFFFF6000  }
0xc6: {  	[spmem:s4] =	stream.indirect.scatter.add.f32 [tilespmem:s25], [sflag:$0x2], $0x80, s22, s24, $0xb8;
	[tilespmem:$0x1E600] =	vst v63  }
0xc7: {  	_ =	swait.ge [sflag:s23], $0x180  }
0xc8: {  	[sflag:s23] =	ssyncset.done $0x0  }
0xc9: {  	[sflag:s23] =	ssyncadd.s32 $0xFFFFFE80  }
0xca: {  	_ =	swait.ge [sflag:s23], $0x180  }
0xcb: {  	s13 =	simm.s32 $0x100;
	[sflag:s23] =	ssyncset.done $0x0  }
0xcc: {  	s10 =	sand.u32 $0x300, s13;
	[sflag:s23] =	ssyncadd.s32 $0xFFFFFE80  }
0xcd: {  	[tilespmem:s29], [sflag:$0x1] =	stream.indirect.gather [hbm4b:s7+s24], $0x80, s8, s24, $0xb8;
	[tilespmem:$0x1E600] =	vst v63  }
0xce: {  	s1 =	sor.u32 s10, s1;
	_ =	swait.ge [sflag:s30], $0xA000  }
0xcf: {  	s1 =	sshrl.u32 s1, $0x3;
	[sflag:s30] =	ssyncset.done $0x0  }
0xd0: {  	s9 =	sadd.s32 s3, s1;
	[sflag:s30] =	ssyncadd.s32 $0xFFFF6000  }
0xd1: {  	[tilespmem:s5], [sflag:$0x3] =	stream.strided.gather [hbm4b:s9+s20], $0x180, s21, s20, $0x38;
	[tilespmem:$0x1E600] =	vst v63  }
0xd2: {  	s1 =	sadd.s32 s2, s1  }
0xd3: {  	[tilespmem:s22], [sflag:$0x3] =	stream.strided.gather [hbm4b:s1+s20], $0x180, s21, s20, $0x38;
	[tilespmem:$0x1E600] =	vst v63  }
0xd4: {  	_ =	swait.ge [sflag:s28], $0xA000  }
0xd5: {  	[sflag:s28] =	ssyncset.done $0x0  }
0xd6: {  	[sflag:s28] =	ssyncadd.s32 $0xFFFF6000  }
0xd7: {  	[spmem:s4] =	stream.indirect.scatter.add.f32 [tilespmem:s29], [sflag:$0x2], $0x80, s26, s24, $0xb8;
	[tilespmem:$0x1E600] =	vst v63  }
0xd8: {  	_ =	swait.ge [sflag:s23], $0x180  }
0xd9: {  	[sflag:s23] =	ssyncset.done $0x0  }
0xda: {  	[sflag:s23] =	ssyncadd.s32 $0xFFFFFE80  }
0xdb: {  	_ =	swait.ge [sflag:s23], $0x180  }
0xdc: {  	[sflag:s23] =	ssyncset.done $0x0  }
0xdd: {  	s11 =	sand.u32 $0x380, s8;
	[sflag:s23] =	ssyncadd.s32 $0xFFFFFE80  }
0xde: {  	[tilespmem:s25], [sflag:$0x1] =	stream.indirect.gather [hbm4b:s7+s24], $0x80, s5, s24, $0xb8;
	[tilespmem:$0x1E600] =	vst v63  }
0xdf: {  	s1 =	sor.u32 s11, s14;
	_ =	swait.ge [sflag:s30], $0xA000  }
0xe0: {  	s1 =	sshrl.u32 s1, $0x3;
	[sflag:s30] =	ssyncset.done $0x0  }
0xe1: {  	s12 =	sadd.s32 s3, s1;
	[sflag:s30] =	ssyncadd.s32 $0xFFFF6000  }
0xe2: {  	[tilespmem:s31], [sflag:$0x3] =	stream.strided.gather [hbm4b:s12+s20], $0x180, s21, s20, $0x38;
	[tilespmem:$0x1E600] =	vst v63  }
0xe3: {  	s1 =	sadd.s32 s2, s1  }
0xe4: {  	[tilespmem:s26], [sflag:$0x3] =	stream.strided.gather [hbm4b:s1+s20], $0x180, s21, s20, $0x38;
	[tilespmem:$0x1E600] =	vst v63  }
0xe5: {  	_ =	swait.ge [sflag:s28], $0xA000  }
0xe6: {  	[sflag:s28] =	ssyncset.done $0x0  }
0xe7: {  	[sflag:s28] =	ssyncadd.s32 $0xFFFF6000  }
0xe8: {  	[spmem:s4] =	stream.indirect.scatter.add.f32 [tilespmem:s25], [sflag:$0x2], $0x80, s22, s24, $0xb8;
	[tilespmem:$0x1E600] =	vst v63  }
0xe9: {  	_ =	swait.ge [sflag:s23], $0x180  }
0xea: {  	s14 =	sadd.s32 $0x2, s17;
	[sflag:s23] =	ssyncset.done $0x0  }
0xeb: {  	s13 =	sshrl.u32 s14, $0x3;
	[sflag:s23] =	ssyncadd.s32 $0xFFFFFE80  }
0xec: {  	s11 =	simm.s32 $0x380;
	s10 =	smul.u32 $0xC00, s13;
	_ =	swait.ge [sflag:s23], $0x180  }
0xed: {  	s12 =	simm.s32 $0x200;
	s1 =	simm.s32 $0x280;
	[sflag:s23] =	ssyncset.done $0x0  }
.LBB2_4:
0xee: {  	s12 =	sand.u32 $0x300, s12  }
0xef: {  	[sflag:s23] =	ssyncadd.s32 $0xFFFFFE80;
	s13 =	smov.u32 s11;
	s8 =	sadd.s32 $0x100, s11  }
0xf0: {  	[tilespmem:s29], [sflag:$0x1] =	stream.indirect.gather [hbm4b:s7+s24], $0x80, s31, s24, $0xb8;
	[tilespmem:$0x1E600] =	vst v63  }
0xf1: {  	p0 =	sne.s32 s11, $0xF80;
	s10 =	sor.u32 s12, s10;
	_ =	swait.ge [sflag:s30], $0xA000  }
0xf2: {  	s10 =	sshrl.u32 s10, $0x3;
	[sflag:s30] =	ssyncset.done $0x0  }
0xf3: {  	s11 =	sadd.s32 s3, s10;
	s10 =	sadd.s32 s2, s10;
	[sflag:s30] =	ssyncadd.s32 $0xFFFF6000  }
0xf4: {  	[tilespmem:s5], [sflag:$0x3] =	stream.strided.gather [hbm4b:s11+s20], $0x180, s21, s20, $0x38;
	[tilespmem:$0x1E600] =	vst v63  }
0xf5: {  	_ = 	snop  }
0xf6: {  	[tilespmem:s22], [sflag:$0x3] =	stream.strided.gather [hbm4b:s10+s20], $0x180, s21, s20, $0x38;
	[tilespmem:$0x1E600] =	vst v63  }
0xf7: {  	_ =	swait.ge [sflag:s28], $0xA000  }
0xf8: {  	[sflag:s28] =	ssyncset.done $0x0  }
0xf9: {  	[sflag:s28] =	ssyncadd.s32 $0xFFFF6000  }
0xfa: {  	[spmem:s4] =	stream.indirect.scatter.add.f32 [tilespmem:s29], [sflag:$0x2], $0x80, s26, s24, $0xb8;
	[tilespmem:$0x1E600] =	vst v63  }
0xfb: {  	_ =	swait.ge [sflag:s23], $0x180  }
0xfc: {  	[sflag:s23] =	ssyncset.done $0x0  }
0xfd: {  	s10 =	sadd.s32 $0x1, s14;
	[sflag:s23] =	ssyncadd.s32 $0xFFFFFE80  }
0xfe: {  	s10 =	sshrl.u32 s10, $0x3;
	_ =	swait.ge [sflag:s23], $0x180  }
0xff: {  	s10 =	smul.u32 $0xC00, s10;
	[sflag:s23] =	ssyncset.done $0x0  }
0x100: {  	s11 =	sand.u32 $0x380, s1;
	s1 =	smov.u32 s13;
	[sflag:s23] =	ssyncadd.s32 $0xFFFFFE80  }
0x101: {  	[tilespmem:s25], [sflag:$0x1] =	stream.indirect.gather [hbm4b:s7+s24], $0x80, s5, s24, $0xb8;
	[tilespmem:$0x1E600] =	vst v63  }
0x102: {  	s10 =	sor.u32 s11, s10;
	_ =	swait.ge [sflag:s30], $0xA000  }
0x103: {  	s10 =	sshrl.u32 s10, $0x3;
	[sflag:s30] =	ssyncset.done $0x0  }
0x104: {  	s11 =	sadd.s32 s3, s10;
	s10 =	sadd.s32 s2, s10;
	[sflag:s30] =	ssyncadd.s32 $0xFFFF6000  }
0x105: {  	[tilespmem:s31], [sflag:$0x3] =	stream.strided.gather [hbm4b:s11+s20], $0x180, s21, s20, $0x38;
	[tilespmem:$0x1E600] =	vst v63  }
0x106: {  	_ = 	snop  }
0x107: {  	[tilespmem:s26], [sflag:$0x3] =	stream.strided.gather [hbm4b:s10+s20], $0x180, s21, s20, $0x38;
	[tilespmem:$0x1E600] =	vst v63  }
0x108: {  	_ =	swait.ge [sflag:s28], $0xA000  }
0x109: {  	[sflag:s28] =	ssyncset.done $0x0  }
0x10a: {  	[sflag:s28] =	ssyncadd.s32 $0xFFFF6000  }
0x10b: {  	[spmem:s4] =	stream.indirect.scatter.add.f32 [tilespmem:s25], [sflag:$0x2], $0x80, s22, s24, $0xb8;
	[tilespmem:$0x1E600] =	vst v63  }
.Ltmp1:
0x10c: {  	_ =	swait.ge [sflag:s23], $0x180;
	(pc) =	sbr.rel @p0 .LBB2_4-.Ltmp1, $4  }
0x10d: {  	[sflag:s23] =	ssyncset.done $0x0  }
0x10e: {  	s14 =	sadd.s32 $0x2, s14;
	[sflag:s23] =	ssyncadd.s32 $0xFFFFFE80  }
0x10f: {  	s12 =	sadd.s32 $0xFFFFFF80, s1;
	s10 =	sshrl.u32 s14, $0x3;
	_ =	swait.ge [sflag:s23], $0x180  }
0x110: {  	s11 =	smov.u32 s8;
	s10 =	smul.u32 $0xC00, s10;
	[sflag:s23] =	ssyncset.done $0x0  }
0x111: {  	s8 =	sand.u32 $0x300, s12;
	[sflag:s23] =	ssyncadd.s32 $0xFFFFFE80  }
0x112: {  	[tilespmem:s29], [sflag:$0x1] =	stream.indirect.gather [hbm4b:s7+s24], $0x80, s31, s24, $0xb8;
	[tilespmem:$0x1E600] =	vst v63  }
0x113: {  	s8 =	sor.u32 s8, s10;
	_ =	swait.ge [sflag:s30], $0xA000  }
0x114: {  	s8 =	sshrl.u32 s8, $0x3;
	[sflag:s30] =	ssyncset.done $0x0  }
0x115: {  	s9 =	sadd.s32 s3, s8;
	[sflag:s30] =	ssyncadd.s32 $0xFFFF6000  }
0x116: {  	[tilespmem:s5], [sflag:$0x3] =	stream.strided.gather [hbm4b:s9+s20], $0x180, s21, s20, $0x38;
	[tilespmem:$0x1E600] =	vst v63  }
0x117: {  	s8 =	sadd.s32 s2, s8  }
0x118: {  	[tilespmem:s22], [sflag:$0x3] =	stream.strided.gather [hbm4b:s8+s20], $0x180, s21, s20, $0x38;
	[tilespmem:$0x1E600] =	vst v63  }
0x119: {  	_ =	swait.ge [sflag:s28], $0xA000  }
0x11a: {  	[sflag:s28] =	ssyncset.done $0x0  }
0x11b: {  	[sflag:s28] =	ssyncadd.s32 $0xFFFF6000  }
0x11c: {  	[spmem:s4] =	stream.indirect.scatter.add.f32 [tilespmem:s29], [sflag:$0x2], $0x80, s26, s24, $0xb8;
	[tilespmem:$0x1E600] =	vst v63  }
0x11d: {  	_ =	swait.ge [sflag:s23], $0x180  }
0x11e: {  	[sflag:s23] =	ssyncset.done $0x0  }
0x11f: {  	[sflag:s23] =	ssyncadd.s32 $0xFFFFFE80  }
0x120: {  	s11 =	sadd.s32 $0x1, s14;
	_ =	swait.ge [sflag:s23], $0x180  }
0x121: {  	s8 =	sshrl.u32 s11, $0x3;
	[sflag:s23] =	ssyncset.done $0x0  }
0x122: {  	s1 =	sand.u32 $0x380, s1;
	s8 =	smul.u32 $0xC00, s8;
	[sflag:s23] =	ssyncadd.s32 $0xFFFFFE80  }
0x123: {  	[tilespmem:s25], [sflag:$0x1] =	stream.indirect.gather [hbm4b:s7+s24], $0x80, s5, s24, $0xb8;
	[tilespmem:$0x1E600] =	vst v63  }
0x124: {  	s1 =	sor.u32 s1, s8;
	_ =	swait.ge [sflag:s30], $0xA000  }
0x125: {  	s1 =	sshrl.u32 s1, $0x3;
	[sflag:s30] =	ssyncset.done $0x0  }
0x126: {  	s12 =	sadd.s32 s3, s1;
	[sflag:s30] =	ssyncadd.s32 $0xFFFF6000  }
0x127: {  	[tilespmem:s31], [sflag:$0x3] =	stream.strided.gather [hbm4b:s12+s20], $0x180, s21, s20, $0x38;
	[tilespmem:$0x1E600] =	vst v63  }
0x128: {  	s1 =	sadd.s32 s2, s1  }
0x129: {  	[tilespmem:s26], [sflag:$0x3] =	stream.strided.gather [hbm4b:s1+s20], $0x180, s21, s20, $0x38;
	[tilespmem:$0x1E600] =	vst v63  }
0x12a: {  	_ =	swait.ge [sflag:s28], $0xA000  }
0x12b: {  	[sflag:s28] =	ssyncset.done $0x0  }
0x12c: {  	[sflag:s28] =	ssyncadd.s32 $0xFFFF6000  }
0x12d: {  	[spmem:s4] =	stream.indirect.scatter.add.f32 [tilespmem:s25], [sflag:$0x2], $0x80, s22, s24, $0xb8;
	[tilespmem:$0x1E600] =	vst v63  }
0x12e: {  	_ =	swait.ge [sflag:s23], $0x180  }
0x12f: {  	[sflag:s23] =	ssyncset.done $0x0  }
0x130: {  	[sflag:s23] =	ssyncadd.s32 $0xFFFFFE80  }
0x131: {  	_ =	swait.ge [sflag:s23], $0x180  }
0x132: {  	[sflag:s23] =	ssyncset.done $0x0  }
0x133: {  	[sflag:s23] =	ssyncadd.s32 $0xFFFFFE80  }
0x134: {  	[tilespmem:s29], [sflag:$0x1] =	stream.indirect.gather [hbm4b:s7+s24], $0x80, s31, s24, $0xb8;
	[tilespmem:$0x1E600] =	vst v63  }
0x135: {  	_ =	swait.ge [sflag:s30], $0xA000  }
0x136: {  	[sflag:s30] =	ssyncset.done $0x0  }
0x137: {  	[sflag:s30] =	ssyncadd.s32 $0xFFFF6000  }
0x138: {  	_ =	swait.ge [sflag:s28], $0xA000  }
0x139: {  	[sflag:s28] =	ssyncset.done $0x0  }
0x13a: {  	[sflag:s28] =	ssyncadd.s32 $0xFFFF6000  }
0x13b: {  	[spmem:s4] =	stream.indirect.scatter.add.f32 [tilespmem:s29], [sflag:$0x2], $0x80, s26, s24, $0xb8;
	[tilespmem:$0x1E600] =	vst v63  }
0x13c: {  	_ =	swait.ge [sflag:s30], $0xA000  }
0x13d: {  	[sflag:s30] =	ssyncset.done $0x0  }
0x13e: {  	[sflag:s30] =	ssyncadd.s32 $0xFFFF6000  }
0x13f: {  	[bflag:$0x0] =	sbarrier.arrive $0xFFFF  }
0x140: {  	s13 =	rddreg [dreg:$0xb]  }
0x141: {  	[hbm:s13], [sflag:s16] =	dma.local [spmem:s18], $0x1400  }
0x142: {  	_ =	swait.ge [sflag:s19], $0x1400  }
0x143: {  	s0 =	sadd.s32 $0x1, s0;
	s14 =	rddreg [dreg:$0xc]  }
0x144: {  	p0 =	sne.s32 s0, s14  }
.Ltmp2:
0x145: {  	_ = 	snop;
	(pc) =	sbr.rel @p0 .LBB2_1-.Ltmp2, $3  }
0x146: {  	_ =	sdelay $0x1  }
0x147: {  	[sflag:s19] =	ssyncset.done $0x0  }
0x148: {  	[sflag:s19] =	ssyncadd.s32 $0xFFFFEC00  }
0x149: {  	_ =	sfence.sel $0x180000  }
0x14a: {  	[bflag:$0x0] =	sbarrier.arrive $0xFFFF  }
0x14b: {  	_ =	strace $0x9000004A  }
0x14c: {  	s0 =	stileid.u32;
	[bflag:$0x2] =	sbarrier.arrive $0xFFFF  }
0x14d: {  	p0 =	sne.s32 s0, $0x0;
	s0 =	rddreg [dreg:$0x4]  }
0x14e: {  	s0 =	sadd.s32 @!p0 $0x100000, s0  }
0x14f: {  	[sflag:s0] =	ssyncadd.tile.s32 @!p0 $0x1;
	_ =	shalt  }
.Lfunc_end2:
_tile_overlayer_lowered:
.L_overlay_start_2:
0x150: {  	(tag) =	ssettag $0x2  }
0x151: {  	s0 =	rddreg [dreg:$0x0];
	s2 =	stileid.u32  }
0x152: {  	s1 =	rddreg [dreg:$0x1];
	p0 =	sne.s32 s2, $0x0  }
0x153: {  	s3 =	rddreg [dreg:$0x2];
	[bflag:$0x3] =	sbarrier.arrive $0xFFFF;
	s2 =	simm.s32 @!p0 $0x1C04  }
0x154: {  	[timem:s3], [sflag:s2] =	dma.local @!p0 [hbm:s0], s1  }
0x155: {  	s0 =	simm.s32 @!p0 $0x4  }
0x156: {  	_ =	swait.ge @!p0 [sflag:s0], s1  }
0x157: {  	s1 =	ssub.s32 @!p0 $0x0, s1;
	[sflag:s0] =	ssyncset.done @!p0 $0x0  }
0x158: {  	[sflag:s0] =	ssyncadd.s32 @!p0 s1  }
0x159: {  	[bflag:$0x3] =	sbarrier.arrive $0xFFFF  }
0x15a: {  	_ =	shalt  }

// kernel: sc_agg_deg.3.cloned.1.call-start
scs
__scs_entry_jumppad:
0x0: {  	(pc) =	sbr.rel $0x88, $3  }
0x1: {  	(tag) =	ssettag $0x0;
	lr =	simm.s32 $0x1  }
0x2: {  	[smem:$0x3F96] =	sst lr;
	_ =	strace $0xD0000000  }
0x3: {  	_ = 	snop  }
0x4: {  	_ = 	snop  }
0x5: {  	_ = 	snop  }
0x6: {  	_ = 	snop  }
0x7: {  	_ = 	snop  }
__scs_overlays_trampoline_lowered:
0x8: {  	[smem:$0x3FA5] =	sst s0  }
0x9: {  	[smem:$0x3FA6] =	sst s1  }
0xa: {  	[smem:$0x3FA7] =	sst s2  }
0xb: {  	[smem:$0x3FA8] =	sst s3  }
0xc: {  	[smem:$0x3FA9] =	sst s4  }
0xd: {  	[smem:$0x3FAA] =	sst s5  }
0xe: {  	[smem:$0x3FAB] =	sst s6  }
0xf: {  	[smem:$0x3FAC] =	sst s7  }
0x10: {  	[smem:$0x3FAD] =	sst s8  }
0x11: {  	[smem:$0x3FAE] =	sst s9;
	s0 =	simm.s32 @!p0 $0x0  }
0x12: {  	s1 =	sld [smem:$0x3F94];
	s0 =	simm.s32 @p0 $0x1  }
0x13: {  	[smem:$0x3FAF] =	sst s0;
	s0 =	simm.s32 @!p1 $0x0  }
0x14: {  	s2 =	sld [smem:$0x3F93];
	s0 =	simm.s32 @p1 $0x1  }
0x15: {  	[smem:$0x3FB0] =	sst s0;
	s0 =	simm.s32 @!p2 $0x0  }
0x16: {  	s3 =	sld [smem:$0x3FDB];
	s0 =	simm.s32 @p2 $0x1  }
0x17: {  	s4 =	simm.s32 $0x1BF5;
	[smem:$0x3FB2] =	sst s0  }
0x18: {  	s0 =	sld [smem:$0x3F95];
	_ =	swait.ge [sflag:s4], $0x0  }
0x19: {  	s7 =	sld [smem:$0x3F96]  }
0x1a: {  	s8 =	sadd.s32 $0xFFFFE003, lr  }
0x1b: {  	s9 =	sadd.s32 $0xFFFFFEF7, lr;
	s5 =	simm.s32 $0xFFFFFFFF;
	p2 =	slt.u32 s8, $0xFFFFF086  }
0x1c: {  	p1 =	slt.u32 s9, $0xF7A;
	s5 =	simm.s32 @!p2 $0x0  }
0x1d: {  	s5 =	simm.s32 @p1 $0x1;
	p0 =	seq.s32 s7, s2  }
0x1e: {  	s7 =	smul.u32 @!p0 $0xF7A, s2;
	p2 =	seq.s32 @!p0 s5, $0x0  }
0x1f: {  	s9 =	smul.u32 $0xF7A, s1;
	s8 =	simm.s32 @!p0 $0x1BF5;
	p2 =	por !p2, p0  }
0x20: {  	[sflag:s8] =	ssyncset.s32 @!p0 $0xFFFFF086;
	s6 =	sadd.s32 @!p0 s3, s7;
	s7 =	simm.s32 @!p0 $0x108  }
0x21: {  	s3 =	sadd.s32 s3, s9;
	s6 =	sadd.s32 @!p0 $0x88, s6;
	s7 =	simm.s32 @p2 $0x1082  }
0x22: {  	[simem:s7], [sflag:s8] =	dma.local @!p0 [hbm:s6], $0xF7A  }
0x23: {  	s9 =	sor.u32 $0xD0000000, s2;
	s6 =	simm.s32 $0x108;
	_ =	swait.ge @!p0 [sflag:s8], $0x0  }
0x24: {  	s3 =	sadd.s32 $0x88, s3;
	s6 =	simm.s32 @!p1 $0x1082;
	[sflag:s4] =	ssyncset.s32 $0xFFFFF086  }
0x25: {  	[simem:s6], [sflag:s4] =	dma.local [hbm:s3], $0xF7A  }
0x26: {  	[smem:$0x3F96] =	sst s1;
	(tag) =	ssettag s2;
	_ =	strace s9  }
0x27: {  	s1 =	sld [smem:$0x3FA6]  }
0x28: {  	s2 =	sld [smem:$0x3FA7]  }
0x29: {  	s4 =	sld [smem:$0x3FA9]  }
0x2a: {  	p0 =	seq.s32 s5, $0x0;
	s5 =	sld [smem:$0x3FAA]  }
0x2b: {  	s6 =	sld [smem:$0x3FAB]  }
0x2c: {  	s7 =	sld [smem:$0x3FAC]  }
0x2d: {  	s3 =	simm.s32 $0x108;
	s8 =	sld [smem:$0x3FAD]  }
0x2e: {  	s3 =	simm.s32 @!p0 $0x1082;
	s9 =	sld [smem:$0x3FAE]  }
0x2f: {  	lr =	sadd.s32 s0, s3;
	s0 =	sld [smem:$0x3FA5]  }
0x30: {  	s3 =	sld [smem:$0x3FA8]  }
0x31: {  	[smem:$0x3FB1] =	sst s10  }
0x32: {  	s10 =	sld [smem:$0x3FAF];
	_ =	sdelay $0x3  }
0x33: {  	p0 =	seq.s32 s10, $0x1;
	s10 =	sld [smem:$0x3FB1];
	_ =	sdelay $0x3  }
0x34: {  	[smem:$0x3FB1] =	sst s10  }
0x35: {  	s10 =	sld [smem:$0x3FB0];
	_ =	sdelay $0x3  }
0x36: {  	p1 =	seq.s32 s10, $0x1;
	s10 =	sld [smem:$0x3FB1];
	_ =	sdelay $0x3  }
0x37: {  	[smem:$0x3FB1] =	sst s10  }
0x38: {  	s10 =	sld [smem:$0x3FB2]  }
0x39: {  	_ = 	snop;
	(pc) =	sbr.ind lr, $3  }
0x3a: {  	_ = 	snop  }
0x3b: {  	_ = 	snop  }
0x3c: {  	p2 =	seq.s32 s10, $0x1;
	s10 =	sld [smem:$0x3FB1]  }
0x3d: {  	_ =	shalt  }
0x3e: {  	_ =	shalt  }
0x3f: {  	_ =	shalt  }
0x40: {  	_ =	shalt  }
0x41: {  	_ =	shalt  }
0x42: {  	_ =	shalt  }
0x43: {  	_ =	shalt  }
0x44: {  	_ =	shalt  }
0x45: {  	_ =	shalt  }
0x46: {  	_ =	shalt  }
0x47: {  	_ =	shalt  }
0x48: {  	_ =	shalt  }
0x49: {  	_ =	shalt  }
0x4a: {  	_ =	shalt  }
0x4b: {  	_ =	shalt  }
0x4c: {  	_ =	shalt  }
0x4d: {  	_ =	shalt  }
0x4e: {  	_ =	shalt  }
0x4f: {  	_ =	shalt  }
0x50: {  	_ =	shalt  }
0x51: {  	_ =	shalt  }
0x52: {  	_ =	shalt  }
0x53: {  	_ =	shalt  }
0x54: {  	_ =	shalt  }
0x55: {  	_ =	shalt  }
0x56: {  	_ =	shalt  }
0x57: {  	_ =	shalt  }
0x58: {  	_ =	shalt  }
0x59: {  	_ =	shalt  }
0x5a: {  	_ =	shalt  }
0x5b: {  	_ =	shalt  }
0x5c: {  	_ =	shalt  }
0x5d: {  	_ =	shalt  }
0x5e: {  	_ =	shalt  }
0x5f: {  	_ =	shalt  }
0x60: {  	_ =	shalt  }
0x61: {  	_ =	shalt  }
0x62: {  	_ =	shalt  }
0x63: {  	_ =	shalt  }
0x64: {  	_ =	shalt  }
0x65: {  	_ =	shalt  }
0x66: {  	_ =	shalt  }
0x67: {  	_ =	shalt  }
0x68: {  	_ =	shalt  }
0x69: {  	_ =	shalt  }
0x6a: {  	_ =	shalt  }
0x6b: {  	_ =	shalt  }
0x6c: {  	_ =	shalt  }
0x6d: {  	_ =	shalt  }
0x6e: {  	_ =	shalt  }
0x6f: {  	_ =	shalt  }
0x70: {  	_ =	shalt  }
0x71: {  	_ =	shalt  }
0x72: {  	_ =	shalt  }
0x73: {  	_ =	shalt  }
0x74: {  	_ =	shalt  }
0x75: {  	_ =	shalt  }
0x76: {  	_ =	shalt  }
0x77: {  	_ =	shalt  }
0x78: {  	_ =	shalt  }
0x79: {  	_ =	shalt  }
0x7a: {  	_ =	shalt  }
0x7b: {  	_ =	shalt  }
0x7c: {  	_ =	shalt  }
0x7d: {  	_ =	shalt  }
0x7e: {  	_ =	shalt  }
0x7f: {  	_ =	shalt  }
0x80: {  	_ =	shalt  }
0x81: {  	_ =	shalt  }
0x82: {  	_ =	shalt  }
0x83: {  	_ =	shalt  }
0x84: {  	_ =	shalt  }
0x85: {  	_ =	shalt  }
0x86: {  	_ =	shalt  }
0x87: {  	_ =	shalt  }
.Lfunc_end0:
.L_simem_size_0:
called_computation_lowered:
.L_overlay_start_0:
0x88: {  	s2 =	sld [smem:$0x3FD9]  }
0x89: {  	s3 =	sld [smem:$0x3FFE];
	_ =	sdelay $0x1  }
0x8a: {  	s1 =	srdreg.scid  }
0x8b: {  	s0 =	sand.u32 $0x1, s1  }
0x8c: {  	s14 =	sshll.u32 s0, $0xA;
	s2 =	sadd.s32 s3, s2  }
0x8d: {  	s2 =	sadd.s32 s2, s14  }
0x8e: {  	[smem:$0x3FBD] =	sst s2  }
0x8f: {  	_ = 	snop  }
0x90: {  	s2 =	sld [smem:$0x3FD0];
	_ =	sdelay $0x2  }
0x91: {  	s15 =	simm.s32 $0xA;
	s4 =	simm.s32 $0x10  }
0x92: {  	[smem:s4], [sflag:s15] =	dma.local [hbm:s2], $0x1  }
0x93: {  	_ =	swait.eq [sflag:s15], $0x1  }
0x94: {  	[sflag:s15] =	ssyncset.done $0x0  }
0x95: {  	s16 =	sld [smem:$0x10];
	[sflag:s15] =	ssyncadd.s32 $0xFFFFFFFF  }
0x96: {  	s17 =	sld [smem:$0x11];
	(tm) =	ssettm $0x1  }
0x97: {  	s18 =	sld [smem:$0x3FFB];
	_ =	sdelay $0x3  }
0x98: {  	_ =	strace s18  }
0x99: {  	s4 =	sld [smem:$0x3FFC];
	_ =	sdelay $0x3  }
0x9a: {  	_ =	strace s4  }
0x9b: {  	s4 =	sld [smem:$0x3FFD];
	_ =	sdelay $0x3  }
0x9c: {  	_ =	strace s4  }
0x9d: {  	_ =	strace $0x8FFFFFFF  }
0x9e: {  	s19 =	sld [smem:$0x3FDB];
	_ =	sdelay $0x1  }
0x9f: {  	s5 =	simm.s32 $_scs_section_size  }
0xa0: {  	s6 =	simm.s32 $_size__tile_overlayer_lowered;
	s7 =	simm.s32 $_tile_overlayer_lowered  }
0xa1: {  	s22 =	simm.s32 $0x1BFF;
	s21 =	sshll.u32 s7, $0x1;
	s4 =	sadd.s32 s5, s19  }
0xa2: {  	s8 =	simm.s32 $0x0;
	s20 =	sshll.u32 s6, $0x1;
	s6 =	sadd.s32 s21, s4  }
0xa3: {  	[timem:s8], [sflag:s22] =	dma.local [hbm:s6], s20  }
0xa4: {  	_ =	swait.ge [sflag:s22], s20  }
0xa5: {  	s5 =	ssub.s32 $0x0, s20;
	[sflag:s22] =	ssyncset.done $0x0  }
0xa6: {  	[sflag:s22] =	ssyncadd.s32 s5;
	_ =	sdelay $0x1  }
0xa7: {  	s23 =	simm.s32 $0x1B8B  }
0xa8: {  	_ =	swait.ge [sflag:s23], $0x1  }
0xa9: {  	[sflag:s23] =	ssyncset.done $0x0  }
0xaa: {  	s25 =	simm.s32 $0x1B8E;
	s24 =	sld [smem:$0x3FFE];
	[sflag:s23] =	ssyncadd.s32 $0xFFFFFFFF  }
0xab: {  	s26 =	simm.s32 $execute0_lowered;
	[smem:$0x3FD2] =	sst s25  }
0xac: {  	s6 =	sshll.u32 s26, $0x1;
	_ =	strace $0x80000046;
	[dreg:$0x1] =	wrdreg $0xFFFFFFFF  }
0xad: {  	s28 =	simm.s32 $_size_execute0_lowered;
	s4 =	sadd.s32 s4, s6;
	[dreg:$0x0] =	wrdreg $0x0  }
0xae: {  	s6 =	sshll.u32 s28, $0x1;
	[dreg:$0x2] =	wrdreg s4  }
0xaf: {  	[dreg:$0x3] =	wrdreg s6  }
0xb0: {  	[dreg:$0x4] =	wrdreg $0xC0  }
0xb1: {  	_ =	task [dreg:s8], $0x5FFFF  }
0xb2: {  	[dreg:$0x1] =	wrdreg $0xFFFFFFFF  }
0xb3: {  	[dreg:$0x0] =	wrdreg $0x60  }
0xb4: {  	[dreg:$0x2] =	wrdreg s24  }
0xb5: {  	[dreg:$0x3] =	wrdreg s17  }
0xb6: {  	[dreg:$0x4] =	wrdreg s16  }
0xb7: {  	[dreg:$0x5] =	wrdreg $0x146000  }
0xb8: {  	[dreg:$0x6] =	wrdreg $0x9  }
0xb9: {  	_ =	task.clear_ibuf [dreg:s8], $0x7FFFF;
	_ =	strace $0x90000046  }
0xba: {  	s29 =	simm.s32 $0x9;
	_ =	strace $0x80000048  }
0xbb: {  	_ =	swait.ge [sflag:s29], $0x1  }
0xbc: {  	[sflag:s29] =	ssyncadd.s32 $0xFFFFFFFF  }
0xbd: {  	_ =	strace $0x90000048  }
0xbe: {  	_ =	sfence  }
0xbf: {  	s30 =	sld [smem:$0x0];
	_ =	sdelay $0x2  }
0xc0: {  	s31 =	sshll.u32 s1, $0xD;
	s1 =	sshrl.u32 s1, $0x2  }
0xc1: {  	s3 =	sand.u32 $0x4000, s31;
	s1 =	sadd.s32 s1, s30  }
0xc2: {  	s0 =	sor.u32 s3, s0;
	s1 =	sshll.u32 s1, $0x11  }
0xc3: {  	s0 =	sor.u32 s1, s0  }
0xc4: {  	s0 =	sadd.s32 $0x8F2B, s0  }
0xc5: {  	[sflag:s0] =	ssyncadd.remote.s32 $0x1  }
0xc6: {  	_ =	sfence.sel $0xFFFF  }
0xc7: {  	[dreg:$0x0] =	wrdreg $0xFFFFFFFF;
	(pc) =	sbr.abs _section_cstart, $3  }
0xc8: {  	[dreg:$0x1] =	wrdreg $0xFFFFFFFF  }
0xc9: {  	_ =	task.clear_ibuf [dreg:s8], $0x2FFFF;
	_ =	strace $0x9FFFFFFF  }
0xca: {  	(tm) =	ssettm $0x7FFFFFFF  }
0xcb: {  	_ =	shalt  }
tec
execute0_lowered:
.L_overlay_start_1:
0x0: {  	(tag) =	ssettag $0x1  }
0x1: {  	s0 =	rddreg [dreg:$0x0]  }
0x2: {  	s2 =	rddreg [dreg:$0x1]  }
0x3: {  	s3 =	rddreg [dreg:$0x2]  }
0x4: {  	s4 =	rddreg [dreg:$0x3]  }
0x5: {  	s14 =	stileid.u32;
	s5 =	simm.s32 $0x0;
	s6 =	srdreg.scid  }
0x6: {  	s28 =	simm.s32 $0x140;
	s29 =	simm.s32 $0x600;
	s30 =	simm.s32 $0x480  }
0x7: {  	s31 =	simm.s32 $0x1;
	s1 =	smul.u32 $0x1400, s14;
	[smem:$0x7FF] =	sst s5  }
0x8: {  	s8 =	sand.u32 $0x1, s6;
	s9 =	smul.u32 $0x140, s14;
	s6 =	sadd.s32 $0x18000, s0  }
0x9: {  	s7 =	sadd.s32 $0x4000, s0;
	s11 =	sadd.s32 $0x2C000, s0;
	s15 =	sshll.u32 s14, $0x5  }
0xa: {  	s16 =	smul.u32 $0x28000, s14;
	s19 =	sshll.u32 s14, $0x6;
	_ =	strace $0x80000047  }
0xb: {  	s10 =	smul.u32 $0x1400, s8;
	[dreg:$0x5] =	wrdreg s11;
	s13 =	sshll.u32 s8, $0x9  }
0xc: {  	s8 =	ssub.s32 $0x2, s8;
	s1 =	sadd.s32 s1, s0;
	s11 =	sor.u32 s15, s13  }
0xd: {  	s12 =	sshrl.u32 s8, $0x1;
	s15 =	simm.s32 $0x0;
	s9 =	sadd.s32 s9, s10  }
0xe: {  	s17 =	sshrl.u32 s11, $0x3;
	s10 =	sshrl.u32 s16, $0x2;
	s8 =	ssub.s32 s8, s12  }
0xf: {  	s14 =	sadd.s32 $0x2D400, s1;
	s9 =	sshll.u32 s9, $0x4;
	s13 =	smul.u32 $0x180, s17  }
0x10: {  	s18 =	sadd.s32 s10, s4;
	s26 =	smax.u32 s8, $0x1;
	[dreg:$0x6] =	wrdreg s14  }
0x11: {  	s0 =	sadd.s32 s9, s0;
	[dreg:$0xf] =	wrdreg s26;
	s9 =	sadd.s32 s2, s13  }
0x12: {  	s10 =	sor.u32 $0x1C04, s19;
	s21 =	sadd.s32 s3, s13;
	[dreg:$0x7] =	wrdreg s9  }
0x13: {  	s8 =	simm.s32 $0x180;
	s23 =	sadd.s32 $0x41400, s0;
	[dreg:$0x8] =	wrdreg s21  }
0x14: {  	s26 =	simm.s32 $0x3;
	s24 =	sadd.s32 $0x69400, s0;
	[dreg:$0xb] =	wrdreg s23  }
0x15: {  	s20 =	sor.u32 $0x10, s13;
	s25 =	sadd.s32 $0x91400, s0;
	[dreg:$0xc] =	wrdreg s24  }
0x16: {  	s0 =	sadd.s32 $0xB9400, s0;
	s22 =	sadd.s32 s2, s20;
	[dreg:$0xd] =	wrdreg s25  }
0x17: {  	s1 =	sadd.s32 s3, s20;
	[dreg:$0xe] =	wrdreg s0;
	s20 =	sor.u32 $0x2, s11  }
0x18: {  	s21 =	sshrl.u32 s18, $0x3;
	s23 =	simm.s32 $0x80;
	s24 =	simm.s32 $0x400  }
0x19: {  	s25 =	simm.s32 $0x300;
	s0 =	simm.s32 $0xA600;
	[dreg:$0x9] =	wrdreg s22  }
0x1a: {  	[dreg:$0xa] =	wrdreg s1;
	s22 =	simm.s32 $0x4;
	s1 =	simm.s32 $0x2  }
.LBB2_1:
0x1b: {  	[spmem:s21], [sflag:s10] =	dma.local [hbm:s14], $0x1400  }
0x1c: {  	_ =	swait.ge [sflag:s22], $0x1400  }
0x1d: {  	[sflag:s22] =	ssyncset.done $0x0  }
0x1e: {  	[sflag:s22] =	ssyncadd.s32 $0xFFFFEC00  }
0x1f: {  	[bflag:$0x0] =	sbarrier.arrive $0xFFFF  }
0x20: {  	s9 =	rddreg [dreg:$0x7]  }
0x21: {  	[tilespmem:s5], [sflag:$0x3] =	stream.strided.gather [hbm4b:s9+s23], $0x180, s24, s23, $0x38;
	[tilespmem:$0x1E600] =	vst v63  }
0x22: {  	s16 =	rddreg [dreg:$0x8]  }
0x23: {  	[tilespmem:s25], [sflag:$0x3] =	stream.strided.gather [hbm4b:s16+s23], $0x180, s24, s23, $0x38;
	[tilespmem:$0x1E600] =	vst v63  }
0x24: {  	_ =	swait.ge [sflag:s26], $0x180  }
0x25: {  	[sflag:s26] =	ssyncset.done $0x0  }
0x26: {  	[sflag:s26] =	ssyncadd.s32 $0xFFFFFE80  }
0x27: {  	_ =	swait.ge [sflag:s26], $0x180  }
0x28: {  	[sflag:s26] =	ssyncset.done $0x0  }
0x29: {  	[sflag:s26] =	ssyncadd.s32 $0xFFFFFE80  }
0x2a: {  	[tilespmem:s29], [sflag:$0x1] =	stream.indirect.gather [hbm4b:s6+s28], $0x80, s5, s28, $0xb8;
	[tilespmem:$0x1E600] =	vst v63  }
0x2b: {  	s17 =	rddreg [dreg:$0x9]  }
0x2c: {  	[tilespmem:s8], [sflag:$0x3] =	stream.strided.gather [hbm4b:s17+s23], $0x180, s24, s23, $0x38;
	[tilespmem:$0x1E600] =	vst v63  }
0x2d: {  	s18 =	rddreg [dreg:$0xa]  }
0x2e: {  	[tilespmem:s30], [sflag:$0x3] =	stream.strided.gather [hbm4b:s18+s23], $0x180, s24, s23, $0x38;
	[tilespmem:$0x1E600] =	vst v63  }
0x2f: {  	_ =	swait.ge [sflag:s31], $0xA000  }
0x30: {  	[sflag:s31] =	ssyncset.done $0x0  }
0x31: {  	[sflag:s31] =	ssyncadd.s32 $0xFFFF6000  }
0x32: {  	[spmem:s4] =	stream.indirect.scatter.add.f32 [tilespmem:s29], [sflag:$0x2], $0x80, s25, s28, $0xb8;
	[tilespmem:$0x1E600] =	vst v63  }
0x33: {  	_ =	swait.ge [sflag:s26], $0x180  }
0x34: {  	[sflag:s26] =	ssyncset.done $0x0  }
0x35: {  	[sflag:s26] =	ssyncadd.s32 $0xFFFFFE80  }
0x36: {  	_ =	swait.ge [sflag:s26], $0x180  }
0x37: {  	s11 =	sshrl.u32 s20, $0x3;
	s19 =	simm.s32 $0x100;
	[sflag:s26] =	ssyncset.done $0x0  }
0x38: {  	s16 =	smul.u32 $0xC00, s11;
	s11 =	sand.u32 $0x300, s19;
	[sflag:s26] =	ssyncadd.s32 $0xFFFFFE80  }
0x39: {  	[tilespmem:s0], [sflag:$0x1] =	stream.indirect.gather [hbm4b:s6+s28], $0x80, s8, s28, $0xb8;
	[tilespmem:$0x1E600] =	vst v63  }
0x3a: {  	s11 =	sor.u32 s11, s16;
	_ =	swait.ge [sflag:s1], $0xA000  }
0x3b: {  	s11 =	sshrl.u32 s11, $0x3;
	[sflag:s1] =	ssyncset.done $0x0  }
0x3c: {  	s12 =	sadd.s32 s2, s11;
	[sflag:s1] =	ssyncadd.s32 $0xFFFF6000  }
0x3d: {  	[tilespmem:s5], [sflag:$0x3] =	stream.strided.gather [hbm4b:s12+s23], $0x180, s24, s23, $0x38;
	[tilespmem:$0x1E600] =	vst v63  }
0x3e: {  	s11 =	sadd.s32 s3, s11  }
0x3f: {  	[tilespmem:s25], [sflag:$0x3] =	stream.strided.gather [hbm4b:s11+s23], $0x180, s24, s23, $0x38;
	[tilespmem:$0x1E600] =	vst v63  }
0x40: {  	_ =	swait.ge [sflag:s31], $0xA000  }
0x41: {  	[sflag:s31] =	ssyncset.done $0x0  }
0x42: {  	[sflag:s31] =	ssyncadd.s32 $0xFFFF6000  }
0x43: {  	[spmem:s4] =	stream.indirect.scatter.add.f32 [tilespmem:s0], [sflag:$0x2], $0x80, s30, s28, $0xb8;
	[tilespmem:$0x1E600] =	vst v63  }
0x44: {  	_ =	swait.ge [sflag:s26], $0x180  }
0x45: {  	[sflag:s26] =	ssyncset.done $0x0  }
0x46: {  	[sflag:s26] =	ssyncadd.s32 $0xFFFFFE80  }
0x47: {  	s9 =	sadd.s32 $0x1, s20;
	_ =	swait.ge [sflag:s26], $0x180  }
0x48: {  	s11 =	sshrl.u32 s9, $0x3;
	[sflag:s26] =	ssyncset.done $0x0  }
0x49: {  	s12 =	sand.u32 $0x380, s8;
	s17 =	smul.u32 $0xC00, s11;
	[sflag:s26] =	ssyncadd.s32 $0xFFFFFE80  }
0x4a: {  	[tilespmem:s29], [sflag:$0x1] =	stream.indirect.gather [hbm4b:s6+s28], $0x80, s5, s28, $0xb8;
	[tilespmem:$0x1E600] =	vst v63  }
0x4b: {  	s11 =	sor.u32 s12, s17;
	_ =	swait.ge [sflag:s1], $0xA000  }
0x4c: {  	s11 =	sshrl.u32 s11, $0x3;
	[sflag:s1] =	ssyncset.done $0x0  }
0x4d: {  	s13 =	sadd.s32 s2, s11;
	[sflag:s1] =	ssyncadd.s32 $0xFFFF6000  }
0x4e: {  	[tilespmem:s8], [sflag:$0x3] =	stream.strided.gather [hbm4b:s13+s23], $0x180, s24, s23, $0x38;
	[tilespmem:$0x1E600] =	vst v63  }
0x4f: {  	s11 =	sadd.s32 s3, s11  }
0x50: {  	[tilespmem:s30], [sflag:$0x3] =	stream.strided.gather [hbm4b:s11+s23], $0x180, s24, s23, $0x38;
	[tilespmem:$0x1E600] =	vst v63  }
0x51: {  	_ =	swait.ge [sflag:s31], $0xA000  }
0x52: {  	[sflag:s31] =	ssyncset.done $0x0  }
0x53: {  	[sflag:s31] =	ssyncadd.s32 $0xFFFF6000  }
0x54: {  	[spmem:s4] =	stream.indirect.scatter.add.f32 [tilespmem:s29], [sflag:$0x2], $0x80, s25, s28, $0xb8;
	[tilespmem:$0x1E600] =	vst v63  }
0x55: {  	_ =	swait.ge [sflag:s26], $0x180  }
0x56: {  	s19 =	sadd.s32 $0x2, s20;
	[sflag:s26] =	ssyncset.done $0x0  }
0x57: {  	s14 =	sshrl.u32 s19, $0x3;
	[sflag:s26] =	ssyncadd.s32 $0xFFFFFE80  }
0x58: {  	s18 =	simm.s32 $0x280;
	s12 =	smul.u32 $0xC00, s14;
	_ =	swait.ge [sflag:s26], $0x180  }
0x59: {  	s14 =	simm.s32 $0x200;
	s11 =	simm.s32 $0x380;
	[sflag:s26] =	ssyncset.done $0x0  }
.LBB2_2:
0x5a: {  	s14 =	sand.u32 $0x300, s14  }
0x5b: {  	[sflag:s26] =	ssyncadd.s32 $0xFFFFFE80;
	s9 =	smov.u32 s11;
	s13 =	sadd.s32 $0x100, s11  }
0x5c: {  	[tilespmem:s0], [sflag:$0x1] =	stream.indirect.gather [hbm4b:s6+s28], $0x80, s8, s28, $0xb8;
	[tilespmem:$0x1E600] =	vst v63  }
0x5d: {  	p0 =	sne.s32 s11, $0xF80;
	s11 =	sor.u32 s14, s12;
	_ =	swait.ge [sflag:s1], $0xA000  }
0x5e: {  	s11 =	sshrl.u32 s11, $0x3;
	[sflag:s1] =	ssyncset.done $0x0  }
0x5f: {  	s12 =	sadd.s32 s2, s11;
	s11 =	sadd.s32 s3, s11;
	[sflag:s1] =	ssyncadd.s32 $0xFFFF6000  }
0x60: {  	[tilespmem:s5], [sflag:$0x3] =	stream.strided.gather [hbm4b:s12+s23], $0x180, s24, s23, $0x38;
	[tilespmem:$0x1E600] =	vst v63  }
0x61: {  	_ = 	snop  }
0x62: {  	[tilespmem:s25], [sflag:$0x3] =	stream.strided.gather [hbm4b:s11+s23], $0x180, s24, s23, $0x38;
	[tilespmem:$0x1E600] =	vst v63  }
0x63: {  	_ =	swait.ge [sflag:s31], $0xA000  }
0x64: {  	[sflag:s31] =	ssyncset.done $0x0  }
0x65: {  	[sflag:s31] =	ssyncadd.s32 $0xFFFF6000  }
0x66: {  	[spmem:s4] =	stream.indirect.scatter.add.f32 [tilespmem:s0], [sflag:$0x2], $0x80, s30, s28, $0xb8;
	[tilespmem:$0x1E600] =	vst v63  }
0x67: {  	_ =	swait.ge [sflag:s26], $0x180  }
0x68: {  	[sflag:s26] =	ssyncset.done $0x0  }
0x69: {  	s11 =	sadd.s32 $0x1, s19;
	[sflag:s26] =	ssyncadd.s32 $0xFFFFFE80  }
0x6a: {  	s11 =	sshrl.u32 s11, $0x3;
	_ =	swait.ge [sflag:s26], $0x180  }
0x6b: {  	s11 =	smul.u32 $0xC00, s11;
	[sflag:s26] =	ssyncset.done $0x0  }
0x6c: {  	s12 =	sand.u32 $0x380, s18;
	s18 =	smov.u32 s9;
	[sflag:s26] =	ssyncadd.s32 $0xFFFFFE80  }
0x6d: {  	[tilespmem:s29], [sflag:$0x1] =	stream.indirect.gather [hbm4b:s6+s28], $0x80, s5, s28, $0xb8;
	[tilespmem:$0x1E600] =	vst v63  }
0x6e: {  	s9 =	sor.u32 s12, s11;
	_ =	swait.ge [sflag:s1], $0xA000  }
0x6f: {  	s9 =	sshrl.u32 s9, $0x3;
	[sflag:s1] =	ssyncset.done $0x0  }
0x70: {  	s11 =	sadd.s32 s2, s9;
	s9 =	sadd.s32 s3, s9;
	[sflag:s1] =	ssyncadd.s32 $0xFFFF6000  }
0x71: {  	[tilespmem:s8], [sflag:$0x3] =	stream.strided.gather [hbm4b:s11+s23], $0x180, s24, s23, $0x38;
	[tilespmem:$0x1E600] =	vst v63  }
0x72: {  	_ = 	snop  }
0x73: {  	[tilespmem:s30], [sflag:$0x3] =	stream.strided.gather [hbm4b:s9+s23], $0x180, s24, s23, $0x38;
	[tilespmem:$0x1E600] =	vst v63  }
0x74: {  	_ =	swait.ge [sflag:s31], $0xA000  }
0x75: {  	[sflag:s31] =	ssyncset.done $0x0  }
0x76: {  	[sflag:s31] =	ssyncadd.s32 $0xFFFF6000  }
0x77: {  	[spmem:s4] =	stream.indirect.scatter.add.f32 [tilespmem:s29], [sflag:$0x2], $0x80, s25, s28, $0xb8;
	[tilespmem:$0x1E600] =	vst v63  }
.Ltmp0:
0x78: {  	_ =	swait.ge [sflag:s26], $0x180;
	(pc) =	sbr.rel @p0 .LBB2_2-.Ltmp0, $4  }
0x79: {  	[sflag:s26] =	ssyncset.done $0x0  }
0x7a: {  	s19 =	sadd.s32 $0x2, s19;
	[sflag:s26] =	ssyncadd.s32 $0xFFFFFE80  }
0x7b: {  	s14 =	sadd.s32 $0xFFFFFF80, s18;
	s9 =	sshrl.u32 s19, $0x3;
	_ =	swait.ge [sflag:s26], $0x180  }
0x7c: {  	s11 =	smov.u32 s13;
	s12 =	smul.u32 $0xC00, s9;
	[sflag:s26] =	ssyncset.done $0x0  }
0x7d: {  	s9 =	sand.u32 $0x300, s14;
	[sflag:s26] =	ssyncadd.s32 $0xFFFFFE80  }
0x7e: {  	[tilespmem:s0], [sflag:$0x1] =	stream.indirect.gather [hbm4b:s6+s28], $0x80, s8, s28, $0xb8;
	[tilespmem:$0x1E600] =	vst v63  }
0x7f: {  	s9 =	sor.u32 s9, s12;
	_ =	swait.ge [sflag:s1], $0xA000  }
0x80: {  	s9 =	sshrl.u32 s9, $0x3;
	[sflag:s1] =	ssyncset.done $0x0  }
0x81: {  	s11 =	sadd.s32 s2, s9;
	[sflag:s1] =	ssyncadd.s32 $0xFFFF6000  }
0x82: {  	[tilespmem:s5], [sflag:$0x3] =	stream.strided.gather [hbm4b:s11+s23], $0x180, s24, s23, $0x38;
	[tilespmem:$0x1E600] =	vst v63  }
0x83: {  	s9 =	sadd.s32 s3, s9  }
0x84: {  	[tilespmem:s25], [sflag:$0x3] =	stream.strided.gather [hbm4b:s9+s23], $0x180, s24, s23, $0x38;
	[tilespmem:$0x1E600] =	vst v63  }
0x85: {  	_ =	swait.ge [sflag:s31], $0xA000  }
0x86: {  	[sflag:s31] =	ssyncset.done $0x0  }
0x87: {  	[sflag:s31] =	ssyncadd.s32 $0xFFFF6000  }
0x88: {  	[spmem:s4] =	stream.indirect.scatter.add.f32 [tilespmem:s0], [sflag:$0x2], $0x80, s30, s28, $0xb8;
	[tilespmem:$0x1E600] =	vst v63  }
0x89: {  	_ =	swait.ge [sflag:s26], $0x180  }
0x8a: {  	[sflag:s26] =	ssyncset.done $0x0  }
0x8b: {  	[sflag:s26] =	ssyncadd.s32 $0xFFFFFE80  }
0x8c: {  	s12 =	sadd.s32 $0x1, s19;
	_ =	swait.ge [sflag:s26], $0x180  }
0x8d: {  	s9 =	sshrl.u32 s12, $0x3;
	[sflag:s26] =	ssyncset.done $0x0  }
0x8e: {  	s13 =	sand.u32 $0x380, s18;
	s9 =	smul.u32 $0xC00, s9;
	[sflag:s26] =	ssyncadd.s32 $0xFFFFFE80  }
0x8f: {  	[tilespmem:s29], [sflag:$0x1] =	stream.indirect.gather [hbm4b:s6+s28], $0x80, s5, s28, $0xb8;
	[tilespmem:$0x1E600] =	vst v63  }
0x90: {  	s9 =	sor.u32 s13, s9;
	_ =	swait.ge [sflag:s1], $0xA000  }
0x91: {  	s9 =	sshrl.u32 s9, $0x3;
	[sflag:s1] =	ssyncset.done $0x0  }
0x92: {  	s14 =	sadd.s32 s2, s9;
	[sflag:s1] =	ssyncadd.s32 $0xFFFF6000  }
0x93: {  	[tilespmem:s8], [sflag:$0x3] =	stream.strided.gather [hbm4b:s14+s23], $0x180, s24, s23, $0x38;
	[tilespmem:$0x1E600] =	vst v63  }
0x94: {  	s9 =	sadd.s32 s3, s9  }
0x95: {  	[tilespmem:s30], [sflag:$0x3] =	stream.strided.gather [hbm4b:s9+s23], $0x180, s24, s23, $0x38;
	[tilespmem:$0x1E600] =	vst v63  }
0x96: {  	_ =	swait.ge [sflag:s31], $0xA000  }
0x97: {  	[sflag:s31] =	ssyncset.done $0x0  }
0x98: {  	[sflag:s31] =	ssyncadd.s32 $0xFFFF6000  }
0x99: {  	[spmem:s4] =	stream.indirect.scatter.add.f32 [tilespmem:s29], [sflag:$0x2], $0x80, s25, s28, $0xb8;
	[tilespmem:$0x1E600] =	vst v63  }
0x9a: {  	_ =	swait.ge [sflag:s26], $0x180  }
0x9b: {  	[sflag:s26] =	ssyncset.done $0x0  }
0x9c: {  	[sflag:s26] =	ssyncadd.s32 $0xFFFFFE80  }
0x9d: {  	_ =	swait.ge [sflag:s26], $0x180  }
0x9e: {  	[sflag:s26] =	ssyncset.done $0x0  }
0x9f: {  	[sflag:s26] =	ssyncadd.s32 $0xFFFFFE80  }
0xa0: {  	[tilespmem:s0], [sflag:$0x1] =	stream.indirect.gather [hbm4b:s6+s28], $0x80, s8, s28, $0xb8;
	[tilespmem:$0x1E600] =	vst v63  }
0xa1: {  	_ =	swait.ge [sflag:s1], $0xA000  }
0xa2: {  	[sflag:s1] =	ssyncset.done $0x0  }
0xa3: {  	[sflag:s1] =	ssyncadd.s32 $0xFFFF6000  }
0xa4: {  	_ =	swait.ge [sflag:s31], $0xA000  }
0xa5: {  	[sflag:s31] =	ssyncset.done $0x0  }
0xa6: {  	[sflag:s31] =	ssyncadd.s32 $0xFFFF6000  }
0xa7: {  	[spmem:s4] =	stream.indirect.scatter.add.f32 [tilespmem:s0], [sflag:$0x2], $0x80, s30, s28, $0xb8;
	[tilespmem:$0x1E600] =	vst v63  }
0xa8: {  	_ =	swait.ge [sflag:s1], $0xA000  }
0xa9: {  	[sflag:s1] =	ssyncset.done $0x0  }
0xaa: {  	[sflag:s1] =	ssyncadd.s32 $0xFFFF6000  }
0xab: {  	[bflag:$0x0] =	sbarrier.arrive $0xFFFF  }
0xac: {  	s18 =	rddreg [dreg:$0xb]  }
0xad: {  	[hbm:s18], [sflag:s10] =	dma.local [spmem:s21], $0x1400  }
0xae: {  	_ =	swait.ge [sflag:s22], $0x1400  }
0xaf: {  	[sflag:s22] =	ssyncset.done $0x0  }
0xb0: {  	s19 =	rddreg [dreg:$0x6];
	[sflag:s22] =	ssyncadd.s32 $0xFFFFEC00  }
0xb1: {  	[spmem:s21], [sflag:s10] =	dma.local [hbm:s19], $0x1400  }
0xb2: {  	_ =	swait.ge [sflag:s22], $0x1400  }
0xb3: {  	[sflag:s22] =	ssyncset.done $0x0  }
0xb4: {  	[sflag:s22] =	ssyncadd.s32 $0xFFFFEC00  }
0xb5: {  	[bflag:$0x0] =	sbarrier.arrive $0xFFFF  }
0xb6: {  	s11 =	rddreg [dreg:$0x8]  }
0xb7: {  	[tilespmem:s5], [sflag:$0x3] =	stream.strided.gather [hbm4b:s11+s23], $0x180, s24, s23, $0x38;
	[tilespmem:$0x1E600] =	vst v63  }
0xb8: {  	s12 =	rddreg [dreg:$0x7]  }
0xb9: {  	[tilespmem:s25], [sflag:$0x3] =	stream.strided.gather [hbm4b:s12+s23], $0x180, s24, s23, $0x38;
	[tilespmem:$0x1E600] =	vst v63  }
0xba: {  	_ =	swait.ge [sflag:s26], $0x180  }
0xbb: {  	[sflag:s26] =	ssyncset.done $0x0  }
0xbc: {  	[sflag:s26] =	ssyncadd.s32 $0xFFFFFE80  }
0xbd: {  	_ =	swait.ge [sflag:s26], $0x180  }
0xbe: {  	[sflag:s26] =	ssyncset.done $0x0  }
0xbf: {  	[sflag:s26] =	ssyncadd.s32 $0xFFFFFE80  }
0xc0: {  	[tilespmem:s29], [sflag:$0x1] =	stream.indirect.gather [hbm4b:s7+s28], $0x80, s5, s28, $0xb8;
	[tilespmem:$0x1E600] =	vst v63  }
0xc1: {  	s9 =	simm.s32 $0x180;
	s13 =	rddreg [dreg:$0xa]  }
0xc2: {  	[tilespmem:s9], [sflag:$0x3] =	stream.strided.gather [hbm4b:s13+s23], $0x180, s24, s23, $0x38;
	[tilespmem:$0x1E600] =	vst v63  }
0xc3: {  	s14 =	rddreg [dreg:$0x9]  }
0xc4: {  	[tilespmem:s30], [sflag:$0x3] =	stream.strided.gather [hbm4b:s14+s23], $0x180, s24, s23, $0x38;
	[tilespmem:$0x1E600] =	vst v63  }
0xc5: {  	_ =	swait.ge [sflag:s31], $0xA000  }
0xc6: {  	[sflag:s31] =	ssyncset.done $0x0  }
0xc7: {  	[sflag:s31] =	ssyncadd.s32 $0xFFFF6000  }
0xc8: {  	[spmem:s4] =	stream.indirect.scatter.add.f32 [tilespmem:s29], [sflag:$0x2], $0x80, s25, s28, $0xb8;
	[tilespmem:$0x1E600] =	vst v63  }
0xc9: {  	_ =	swait.ge [sflag:s26], $0x180  }
0xca: {  	[sflag:s26] =	ssyncset.done $0x0  }
0xcb: {  	[sflag:s26] =	ssyncadd.s32 $0xFFFFFE80  }
0xcc: {  	_ =	swait.ge [sflag:s26], $0x180  }
0xcd: {  	s18 =	simm.s32 $0x100;
	[sflag:s26] =	ssyncset.done $0x0  }
0xce: {  	s11 =	sand.u32 $0x300, s18;
	[sflag:s26] =	ssyncadd.s32 $0xFFFFFE80  }
0xcf: {  	[tilespmem:s0], [sflag:$0x1] =	stream.indirect.gather [hbm4b:s7+s28], $0x80, s9, s28, $0xb8;
	[tilespmem:$0x1E600] =	vst v63  }
0xd0: {  	s11 =	sor.u32 s11, s16;
	_ =	swait.ge [sflag:s1], $0xA000  }
0xd1: {  	s11 =	sshrl.u32 s11, $0x3;
	[sflag:s1] =	ssyncset.done $0x0  }
0xd2: {  	s19 =	sadd.s32 s3, s11;
	[sflag:s1] =	ssyncadd.s32 $0xFFFF6000  }
0xd3: {  	[tilespmem:s5], [sflag:$0x3] =	stream.strided.gather [hbm4b:s19+s23], $0x180, s24, s23, $0x38;
	[tilespmem:$0x1E600] =	vst v63  }
0xd4: {  	s11 =	sadd.s32 s2, s11  }
0xd5: {  	[tilespmem:s25], [sflag:$0x3] =	stream.strided.gather [hbm4b:s11+s23], $0x180, s24, s23, $0x38;
	[tilespmem:$0x1E600] =	vst v63  }
0xd6: {  	_ =	swait.ge [sflag:s31], $0xA000  }
0xd7: {  	[sflag:s31] =	ssyncset.done $0x0  }
0xd8: {  	[sflag:s31] =	ssyncadd.s32 $0xFFFF6000  }
0xd9: {  	[spmem:s4] =	stream.indirect.scatter.add.f32 [tilespmem:s0], [sflag:$0x2], $0x80, s30, s28, $0xb8;
	[tilespmem:$0x1E600] =	vst v63  }
0xda: {  	_ =	swait.ge [sflag:s26], $0x180  }
0xdb: {  	[sflag:s26] =	ssyncset.done $0x0  }
0xdc: {  	[sflag:s26] =	ssyncadd.s32 $0xFFFFFE80  }
0xdd: {  	_ =	swait.ge [sflag:s26], $0x180  }
0xde: {  	[sflag:s26] =	ssyncset.done $0x0  }
0xdf: {  	s9 =	sand.u32 $0x380, s9;
	[sflag:s26] =	ssyncadd.s32 $0xFFFFFE80  }
0xe0: {  	[tilespmem:s29], [sflag:$0x1] =	stream.indirect.gather [hbm4b:s7+s28], $0x80, s5, s28, $0xb8;
	[tilespmem:$0x1E600] =	vst v63  }
0xe1: {  	s9 =	sor.u32 s9, s17;
	_ =	swait.ge [sflag:s1], $0xA000  }
0xe2: {  	s9 =	sshrl.u32 s9, $0x3;
	[sflag:s1] =	ssyncset.done $0x0  }
0xe3: {  	s13 =	sadd.s32 s3, s9;
	[sflag:s1] =	ssyncadd.s32 $0xFFFF6000  }
0xe4: {  	[tilespmem:s8], [sflag:$0x3] =	stream.strided.gather [hbm4b:s13+s23], $0x180, s24, s23, $0x38;
	[tilespmem:$0x1E600] =	vst v63  }
0xe5: {  	s9 =	sadd.s32 s2, s9  }
0xe6: {  	[tilespmem:s30], [sflag:$0x3] =	stream.strided.gather [hbm4b:s9+s23], $0x180, s24, s23, $0x38;
	[tilespmem:$0x1E600] =	vst v63  }
0xe7: {  	_ =	swait.ge [sflag:s31], $0xA000  }
0xe8: {  	[sflag:s31] =	ssyncset.done $0x0  }
0xe9: {  	[sflag:s31] =	ssyncadd.s32 $0xFFFF6000  }
0xea: {  	[spmem:s4] =	stream.indirect.scatter.add.f32 [tilespmem:s29], [sflag:$0x2], $0x80, s25, s28, $0xb8;
	[tilespmem:$0x1E600] =	vst v63  }
0xeb: {  	_ =	swait.ge [sflag:s26], $0x180  }
0xec: {  	s19 =	sadd.s32 $0x2, s20;
	[sflag:s26] =	ssyncset.done $0x0  }
0xed: {  	s14 =	sshrl.u32 s19, $0x3;
	[sflag:s26] =	ssyncadd.s32 $0xFFFFFE80  }
0xee: {  	s18 =	simm.s32 $0x280;
	s12 =	smul.u32 $0xC00, s14;
	_ =	swait.ge [sflag:s26], $0x180  }
0xef: {  	s14 =	simm.s32 $0x200;
	s13 =	simm.s32 $0x380;
	[sflag:s26] =	ssyncset.done $0x0  }
.LBB2_4:
0xf0: {  	s9 =	sand.u32 $0x300, s14  }
0xf1: {  	[sflag:s26] =	ssyncadd.s32 $0xFFFFFE80;
	s14 =	smov.u32 s13;
	s11 =	sadd.s32 $0x100, s13  }
0xf2: {  	[tilespmem:s0], [sflag:$0x1] =	stream.indirect.gather [hbm4b:s7+s28], $0x80, s8, s28, $0xb8;
	[tilespmem:$0x1E600] =	vst v63  }
0xf3: {  	p0 =	sne.s32 s13, $0xF80;
	s9 =	sor.u32 s9, s12;
	_ =	swait.ge [sflag:s1], $0xA000  }
0xf4: {  	s9 =	sshrl.u32 s9, $0x3;
	[sflag:s1] =	ssyncset.done $0x0  }
0xf5: {  	s12 =	sadd.s32 s3, s9;
	s9 =	sadd.s32 s2, s9;
	[sflag:s1] =	ssyncadd.s32 $0xFFFF6000  }
0xf6: {  	[tilespmem:s5], [sflag:$0x3] =	stream.strided.gather [hbm4b:s12+s23], $0x180, s24, s23, $0x38;
	[tilespmem:$0x1E600] =	vst v63  }
0xf7: {  	_ = 	snop  }
0xf8: {  	[tilespmem:s25], [sflag:$0x3] =	stream.strided.gather [hbm4b:s9+s23], $0x180, s24, s23, $0x38;
	[tilespmem:$0x1E600] =	vst v63  }
0xf9: {  	_ =	swait.ge [sflag:s31], $0xA000  }
0xfa: {  	[sflag:s31] =	ssyncset.done $0x0  }
0xfb: {  	[sflag:s31] =	ssyncadd.s32 $0xFFFF6000  }
0xfc: {  	[spmem:s4] =	stream.indirect.scatter.add.f32 [tilespmem:s0], [sflag:$0x2], $0x80, s30, s28, $0xb8;
	[tilespmem:$0x1E600] =	vst v63  }
0xfd: {  	_ =	swait.ge [sflag:s26], $0x180  }
0xfe: {  	[sflag:s26] =	ssyncset.done $0x0  }
0xff: {  	s9 =	sadd.s32 $0x1, s19;
	[sflag:s26] =	ssyncadd.s32 $0xFFFFFE80  }
0x100: {  	s9 =	sshrl.u32 s9, $0x3;
	_ =	swait.ge [sflag:s26], $0x180  }
0x101: {  	s9 =	smul.u32 $0xC00, s9;
	[sflag:s26] =	ssyncset.done $0x0  }
0x102: {  	s12 =	sand.u32 $0x380, s18;
	s18 =	smov.u32 s14;
	[sflag:s26] =	ssyncadd.s32 $0xFFFFFE80  }
0x103: {  	[tilespmem:s29], [sflag:$0x1] =	stream.indirect.gather [hbm4b:s7+s28], $0x80, s5, s28, $0xb8;
	[tilespmem:$0x1E600] =	vst v63  }
0x104: {  	s9 =	sor.u32 s12, s9;
	_ =	swait.ge [sflag:s1], $0xA000  }
0x105: {  	s9 =	sshrl.u32 s9, $0x3;
	[sflag:s1] =	ssyncset.done $0x0  }
0x106: {  	s12 =	sadd.s32 s3, s9;
	s9 =	sadd.s32 s2, s9;
	[sflag:s1] =	ssyncadd.s32 $0xFFFF6000  }
0x107: {  	[tilespmem:s8], [sflag:$0x3] =	stream.strided.gather [hbm4b:s12+s23], $0x180, s24, s23, $0x38;
	[tilespmem:$0x1E600] =	vst v63  }
0x108: {  	_ = 	snop  }
0x109: {  	[tilespmem:s30], [sflag:$0x3] =	stream.strided.gather [hbm4b:s9+s23], $0x180, s24, s23, $0x38;
	[tilespmem:$0x1E600] =	vst v63  }
0x10a: {  	_ =	swait.ge [sflag:s31], $0xA000  }
0x10b: {  	[sflag:s31] =	ssyncset.done $0x0  }
0x10c: {  	[sflag:s31] =	ssyncadd.s32 $0xFFFF6000  }
0x10d: {  	[spmem:s4] =	stream.indirect.scatter.add.f32 [tilespmem:s29], [sflag:$0x2], $0x80, s25, s28, $0xb8;
	[tilespmem:$0x1E600] =	vst v63  }
.Ltmp1:
0x10e: {  	_ =	swait.ge [sflag:s26], $0x180;
	(pc) =	sbr.rel @p0 .LBB2_4-.Ltmp1, $4  }
0x10f: {  	[sflag:s26] =	ssyncset.done $0x0  }
0x110: {  	s19 =	sadd.s32 $0x2, s19;
	[sflag:s26] =	ssyncadd.s32 $0xFFFFFE80  }
0x111: {  	s13 =	smov.u32 s11;
	s9 =	sshrl.u32 s19, $0x3;
	_ =	swait.ge [sflag:s26], $0x180  }
0x112: {  	s14 =	sadd.s32 $0xFFFFFF80, s18;
	s12 =	smul.u32 $0xC00, s9;
	[sflag:s26] =	ssyncset.done $0x0  }
0x113: {  	s9 =	sand.u32 $0x300, s14;
	[sflag:s26] =	ssyncadd.s32 $0xFFFFFE80  }
0x114: {  	[tilespmem:s0], [sflag:$0x1] =	stream.indirect.gather [hbm4b:s7+s28], $0x80, s8, s28, $0xb8;
	[tilespmem:$0x1E600] =	vst v63  }
0x115: {  	s9 =	sor.u32 s9, s12;
	_ =	swait.ge [sflag:s1], $0xA000  }
0x116: {  	s9 =	sshrl.u32 s9, $0x3;
	[sflag:s1] =	ssyncset.done $0x0  }
0x117: {  	s11 =	sadd.s32 s3, s9;
	[sflag:s1] =	ssyncadd.s32 $0xFFFF6000  }
0x118: {  	[tilespmem:s5], [sflag:$0x3] =	stream.strided.gather [hbm4b:s11+s23], $0x180, s24, s23, $0x38;
	[tilespmem:$0x1E600] =	vst v63  }
0x119: {  	s9 =	sadd.s32 s2, s9  }
0x11a: {  	[tilespmem:s25], [sflag:$0x3] =	stream.strided.gather [hbm4b:s9+s23], $0x180, s24, s23, $0x38;
	[tilespmem:$0x1E600] =	vst v63  }
0x11b: {  	_ =	swait.ge [sflag:s31], $0xA000  }
0x11c: {  	[sflag:s31] =	ssyncset.done $0x0  }
0x11d: {  	[sflag:s31] =	ssyncadd.s32 $0xFFFF6000  }
0x11e: {  	[spmem:s4] =	stream.indirect.scatter.add.f32 [tilespmem:s0], [sflag:$0x2], $0x80, s30, s28, $0xb8;
	[tilespmem:$0x1E600] =	vst v63  }
0x11f: {  	_ =	swait.ge [sflag:s26], $0x180  }
0x120: {  	[sflag:s26] =	ssyncset.done $0x0  }
0x121: {  	[sflag:s26] =	ssyncadd.s32 $0xFFFFFE80  }
0x122: {  	s13 =	sadd.s32 $0x1, s19;
	_ =	swait.ge [sflag:s26], $0x180  }
0x123: {  	s9 =	sshrl.u32 s13, $0x3;
	[sflag:s26] =	ssyncset.done $0x0  }
0x124: {  	s14 =	sand.u32 $0x380, s18;
	s9 =	smul.u32 $0xC00, s9;
	[sflag:s26] =	ssyncadd.s32 $0xFFFFFE80  }
0x125: {  	[tilespmem:s29], [sflag:$0x1] =	stream.indirect.gather [hbm4b:s7+s28], $0x80, s5, s28, $0xb8;
	[tilespmem:$0x1E600] =	vst v63  }
0x126: {  	s9 =	sor.u32 s14, s9;
	_ =	swait.ge [sflag:s1], $0xA000  }
0x127: {  	s9 =	sshrl.u32 s9, $0x3;
	[sflag:s1] =	ssyncset.done $0x0  }
0x128: {  	s18 =	sadd.s32 s3, s9;
	[sflag:s1] =	ssyncadd.s32 $0xFFFF6000  }
0x129: {  	[tilespmem:s8], [sflag:$0x3] =	stream.strided.gather [hbm4b:s18+s23], $0x180, s24, s23, $0x38;
	[tilespmem:$0x1E600] =	vst v63  }
0x12a: {  	s9 =	sadd.s32 s2, s9  }
0x12b: {  	[tilespmem:s30], [sflag:$0x3] =	stream.strided.gather [hbm4b:s9+s23], $0x180, s24, s23, $0x38;
	[tilespmem:$0x1E600] =	vst v63  }
0x12c: {  	_ =	swait.ge [sflag:s31], $0xA000  }
0x12d: {  	[sflag:s31] =	ssyncset.done $0x0  }
0x12e: {  	[sflag:s31] =	ssyncadd.s32 $0xFFFF6000  }
0x12f: {  	[spmem:s4] =	stream.indirect.scatter.add.f32 [tilespmem:s29], [sflag:$0x2], $0x80, s25, s28, $0xb8;
	[tilespmem:$0x1E600] =	vst v63  }
0x130: {  	_ =	swait.ge [sflag:s26], $0x180  }
0x131: {  	[sflag:s26] =	ssyncset.done $0x0  }
0x132: {  	[sflag:s26] =	ssyncadd.s32 $0xFFFFFE80  }
0x133: {  	_ =	swait.ge [sflag:s26], $0x180  }
0x134: {  	[sflag:s26] =	ssyncset.done $0x0  }
0x135: {  	[sflag:s26] =	ssyncadd.s32 $0xFFFFFE80  }
0x136: {  	[tilespmem:s0], [sflag:$0x1] =	stream.indirect.gather [hbm4b:s7+s28], $0x80, s8, s28, $0xb8;
	[tilespmem:$0x1E600] =	vst v63  }
0x137: {  	_ =	swait.ge [sflag:s1], $0xA000  }
0x138: {  	[sflag:s1] =	ssyncset.done $0x0  }
0x139: {  	[sflag:s1] =	ssyncadd.s32 $0xFFFF6000  }
0x13a: {  	_ =	swait.ge [sflag:s31], $0xA000  }
0x13b: {  	[sflag:s31] =	ssyncset.done $0x0  }
0x13c: {  	[sflag:s31] =	ssyncadd.s32 $0xFFFF6000  }
0x13d: {  	[spmem:s4] =	stream.indirect.scatter.add.f32 [tilespmem:s0], [sflag:$0x2], $0x80, s30, s28, $0xb8;
	[tilespmem:$0x1E600] =	vst v63  }
0x13e: {  	_ =	swait.ge [sflag:s1], $0xA000  }
0x13f: {  	[sflag:s1] =	ssyncset.done $0x0  }
0x140: {  	[sflag:s1] =	ssyncadd.s32 $0xFFFF6000  }
0x141: {  	[bflag:$0x0] =	sbarrier.arrive $0xFFFF  }
0x142: {  	s19 =	rddreg [dreg:$0xc]  }
0x143: {  	[hbm:s19], [sflag:s10] =	dma.local [spmem:s21], $0x1400  }
0x144: {  	_ =	swait.ge [sflag:s22], $0x1400  }
0x145: {  	[sflag:s22] =	ssyncset.done $0x0  }
0x146: {  	s11 =	rddreg [dreg:$0x5];
	[sflag:s22] =	ssyncadd.s32 $0xFFFFEC00  }
0x147: {  	[tilespmem:s29], [sflag:$0x4] =	stream.linear.gather [hbm4b:s11+s5], $0xA000, $0x38;
	[tilespmem:$0x1E600] =	vst v63  }
0x148: {  	_ =	swait.ge [sflag:s22], $0xA000  }
0x149: {  	[sflag:s22] =	ssyncset.done $0x0  }
0x14a: {  	s14 =	rddreg [dreg:$0x6];
	[sflag:s22] =	ssyncadd.s32 $0xFFFF6000  }
0x14b: {  	[spmem:s21], [sflag:s10] =	dma.local [hbm:s14], $0x1400  }
0x14c: {  	_ =	swait.ge [sflag:s22], $0x1400  }
0x14d: {  	[sflag:s22] =	ssyncset.done $0x0  }
0x14e: {  	[sflag:s22] =	ssyncadd.s32 $0xFFFFEC00  }
0x14f: {  	[bflag:$0x0] =	sbarrier.arrive $0xFFFF  }
0x150: {  	s12 =	rddreg [dreg:$0x8]  }
0x151: {  	[tilespmem:s25], [sflag:$0x3] =	stream.strided.gather [hbm4b:s12+s23], $0x180, s24, s23, $0x38;
	[tilespmem:$0x1E600] =	vst v63  }
0x152: {  	_ =	swait.ge [sflag:s26], $0x180  }
0x153: {  	[sflag:s26] =	ssyncset.done $0x0  }
0x154: {  	s13 =	rddreg [dreg:$0xa];
	[sflag:s26] =	ssyncadd.s32 $0xFFFFFE80  }
0x155: {  	[tilespmem:s30], [sflag:$0x3] =	stream.strided.gather [hbm4b:s13+s23], $0x180, s24, s23, $0x38;
	[tilespmem:$0x1E600] =	vst v63  }
0x156: {  	_ = 	snop  }
0x157: {  	[spmem:s4] =	stream.indirect.scatter.add.f32 [tilespmem:s29], [sflag:$0x2], $0x80, s25, s28, $0xb8;
	[tilespmem:$0x1E600] =	vst v63  }
0x158: {  	_ =	swait.ge [sflag:s26], $0x180  }
0x159: {  	s18 =	simm.s32 $0x100;
	[sflag:s26] =	ssyncset.done $0x0  }
0x15a: {  	s9 =	sand.u32 $0x300, s18;
	[sflag:s26] =	ssyncadd.s32 $0xFFFFFE80  }
0x15b: {  	s9 =	sor.u32 s9, s16;
	_ =	swait.ge [sflag:s1], $0xA000  }
0x15c: {  	s9 =	sshrl.u32 s9, $0x3;
	[sflag:s1] =	ssyncset.done $0x0  }
0x15d: {  	s9 =	sadd.s32 s3, s9;
	[sflag:s1] =	ssyncadd.s32 $0xFFFF6000  }
0x15e: {  	[tilespmem:s25], [sflag:$0x3] =	stream.strided.gather [hbm4b:s9+s23], $0x180, s24, s23, $0x38;
	[tilespmem:$0x1E600] =	vst v63  }
0x15f: {  	_ = 	snop  }
0x160: {  	[spmem:s4] =	stream.indirect.scatter.add.f32 [tilespmem:s29], [sflag:$0x2], $0x80, s30, s28, $0xb8;
	[tilespmem:$0x1E600] =	vst v63  }
0x161: {  	_ =	swait.ge [sflag:s26], $0x180  }
0x162: {  	s19 =	simm.s32 $0x180;
	[sflag:s26] =	ssyncset.done $0x0  }
0x163: {  	s9 =	sand.u32 $0x380, s19;
	[sflag:s26] =	ssyncadd.s32 $0xFFFFFE80  }
0x164: {  	s9 =	sor.u32 s9, s17;
	_ =	swait.ge [sflag:s1], $0xA000  }
0x165: {  	s9 =	sshrl.u32 s9, $0x3;
	[sflag:s1] =	ssyncset.done $0x0  }
0x166: {  	s9 =	sadd.s32 s3, s9;
	[sflag:s1] =	ssyncadd.s32 $0xFFFF6000  }
0x167: {  	[tilespmem:s30], [sflag:$0x3] =	stream.strided.gather [hbm4b:s9+s23], $0x180, s24, s23, $0x38;
	[tilespmem:$0x1E600] =	vst v63  }
0x168: {  	_ = 	snop  }
0x169: {  	[spmem:s4] =	stream.indirect.scatter.add.f32 [tilespmem:s29], [sflag:$0x2], $0x80, s25, s28, $0xb8;
	[tilespmem:$0x1E600] =	vst v63  }
0x16a: {  	s18 =	sadd.s32 $0x2, s20;
	s11 =	simm.s32 $0x280;
	_ =	swait.ge [sflag:s26], $0x180  }
0x16b: {  	s12 =	sshrl.u32 s18, $0x3;
	s19 =	simm.s32 $0x380;
	[sflag:s26] =	ssyncset.done $0x0  }
.LBB2_6:
0x16c: {  	s9 =	smul.u32 $0xC00, s12  }
0x16d: {  	s12 =	sadd.s32 $0xFFFFFF80, s11;
	[sflag:s26] =	ssyncadd.s32 $0xFFFFFE80;
	s13 =	smov.u32 s19  }
0x16e: {  	p0 =	sne.s32 s19, $0xF80;
	s19 =	sadd.s32 $0x100, s19;
	s12 =	sand.u32 $0x300, s12  }
0x16f: {  	_ =	swait.ge [sflag:s1], $0xA000;
	s9 =	sor.u32 s12, s9  }
0x170: {  	[sflag:s1] =	ssyncset.done $0x0;
	s9 =	sshrl.u32 s9, $0x3  }
0x171: {  	[sflag:s1] =	ssyncadd.s32 $0xFFFF6000;
	s9 =	sadd.s32 s3, s9  }
0x172: {  	[tilespmem:s25], [sflag:$0x3] =	stream.strided.gather [hbm4b:s9+s23], $0x180, s24, s23, $0x38;
	[tilespmem:$0x1E600] =	vst v63  }
0x173: {  	s9 =	sadd.s32 $0x1, s18  }
0x174: {  	[spmem:s4] =	stream.indirect.scatter.add.f32 [tilespmem:s29], [sflag:$0x2], $0x80, s30, s28, $0xb8;
	[tilespmem:$0x1E600] =	vst v63  }
0x175: {  	s9 =	sshrl.u32 s9, $0x3;
	_ =	swait.ge [sflag:s26], $0x180  }
0x176: {  	s9 =	smul.u32 $0xC00, s9;
	[sflag:s26] =	ssyncset.done $0x0  }
0x177: {  	s12 =	sand.u32 $0x380, s11;
	s11 =	smov.u32 s13;
	[sflag:s26] =	ssyncadd.s32 $0xFFFFFE80  }
0x178: {  	s9 =	sor.u32 s12, s9;
	_ =	swait.ge [sflag:s1], $0xA000  }
0x179: {  	s9 =	sshrl.u32 s9, $0x3;
	[sflag:s1] =	ssyncset.done $0x0  }
0x17a: {  	s9 =	sadd.s32 s3, s9;
	[sflag:s1] =	ssyncadd.s32 $0xFFFF6000  }
0x17b: {  	[tilespmem:s30], [sflag:$0x3] =	stream.strided.gather [hbm4b:s9+s23], $0x180, s24, s23, $0x38;
	[tilespmem:$0x1E600] =	vst v63  }
.Ltmp2:
0x17c: {  	_ = 	snop;
	(pc) =	sbr.rel @p0 .LBB2_6-.Ltmp2, $4  }
0x17d: {  	_ = 	snop  }
0x17e: {  	[spmem:s4] =	stream.indirect.scatter.add.f32 [tilespmem:s29], [sflag:$0x2], $0x80, s25, s28, $0xb8;
	[tilespmem:$0x1E600] =	vst v63  }
0x17f: {  	s18 =	sadd.s32 $0x2, s18;
	_ =	swait.ge [sflag:s26], $0x180  }
0x180: {  	s12 =	sshrl.u32 s18, $0x3;
	[sflag:s26] =	ssyncset.done $0x0  }
0x181: {  	s9 =	smul.u32 $0xC00, s12;
	s13 =	sadd.s32 $0xFFFFFF80, s11  }
0x182: {  	[sflag:s26] =	ssyncadd.s32 $0xFFFFFE80;
	s12 =	sand.u32 $0x300, s13  }
0x183: {  	_ =	swait.ge [sflag:s1], $0xA000;
	s9 =	sor.u32 s12, s9  }
0x184: {  	[sflag:s1] =	ssyncset.done $0x0;
	s9 =	sshrl.u32 s9, $0x3  }
0x185: {  	[sflag:s1] =	ssyncadd.s32 $0xFFFF6000;
	s9 =	sadd.s32 s3, s9  }
0x186: {  	[tilespmem:s25], [sflag:$0x3] =	stream.strided.gather [hbm4b:s9+s23], $0x180, s24, s23, $0x38;
	[tilespmem:$0x1E600] =	vst v63  }
0x187: {  	s18 =	sadd.s32 $0x1, s18  }
0x188: {  	[spmem:s4] =	stream.indirect.scatter.add.f32 [tilespmem:s29], [sflag:$0x2], $0x80, s30, s28, $0xb8;
	[tilespmem:$0x1E600] =	vst v63  }
0x189: {  	s9 =	sshrl.u32 s18, $0x3;
	_ =	swait.ge [sflag:s26], $0x180  }
0x18a: {  	s9 =	smul.u32 $0xC00, s9;
	[sflag:s26] =	ssyncset.done $0x0  }
0x18b: {  	s19 =	sand.u32 $0x380, s11;
	[sflag:s26] =	ssyncadd.s32 $0xFFFFFE80  }
0x18c: {  	s9 =	sor.u32 s19, s9;
	_ =	swait.ge [sflag:s1], $0xA000  }
0x18d: {  	s9 =	sshrl.u32 s9, $0x3;
	[sflag:s1] =	ssyncset.done $0x0  }
0x18e: {  	s9 =	sadd.s32 s3, s9;
	[sflag:s1] =	ssyncadd.s32 $0xFFFF6000  }
0x18f: {  	[tilespmem:s30], [sflag:$0x3] =	stream.strided.gather [hbm4b:s9+s23], $0x180, s24, s23, $0x38;
	[tilespmem:$0x1E600] =	vst v63  }
0x190: {  	_ = 	snop  }
0x191: {  	[spmem:s4] =	stream.indirect.scatter.add.f32 [tilespmem:s29], [sflag:$0x2], $0x80, s25, s28, $0xb8;
	[tilespmem:$0x1E600] =	vst v63  }
0x192: {  	_ =	swait.ge [sflag:s26], $0x180  }
0x193: {  	[sflag:s26] =	ssyncset.done $0x0  }
0x194: {  	[sflag:s26] =	ssyncadd.s32 $0xFFFFFE80  }
0x195: {  	_ =	swait.ge [sflag:s1], $0xA000  }
0x196: {  	[sflag:s1] =	ssyncset.done $0x0  }
0x197: {  	[sflag:s1] =	ssyncadd.s32 $0xFFFF6000  }
0x198: {  	[spmem:s4] =	stream.indirect.scatter.add.f32 [tilespmem:s29], [sflag:$0x2], $0x80, s30, s28, $0xb8;
	[tilespmem:$0x1E600] =	vst v63  }
0x199: {  	_ =	swait.ge [sflag:s1], $0xA000  }
0x19a: {  	[sflag:s1] =	ssyncset.done $0x0  }
0x19b: {  	[sflag:s1] =	ssyncadd.s32 $0xFFFF6000  }
0x19c: {  	[bflag:$0x0] =	sbarrier.arrive $0xFFFF  }
0x19d: {  	s11 =	rddreg [dreg:$0xd]  }
0x19e: {  	[hbm:s11], [sflag:s10] =	dma.local [spmem:s21], $0x1400  }
0x19f: {  	_ =	swait.ge [sflag:s22], $0x1400  }
0x1a0: {  	[sflag:s22] =	ssyncset.done $0x0  }
0x1a1: {  	[sflag:s22] =	ssyncadd.s32 $0xFFFFEC00  }
0x1a2: {  	[spmem:s21], [sflag:s10] =	dma.local [hbm:s14], $0x1400  }
0x1a3: {  	_ =	swait.ge [sflag:s22], $0x1400  }
0x1a4: {  	[sflag:s22] =	ssyncset.done $0x0  }
0x1a5: {  	[sflag:s22] =	ssyncadd.s32 $0xFFFFEC00  }
0x1a6: {  	[bflag:$0x0] =	sbarrier.arrive $0xFFFF  }
0x1a7: {  	s12 =	rddreg [dreg:$0x7]  }
0x1a8: {  	[tilespmem:s25], [sflag:$0x3] =	stream.strided.gather [hbm4b:s12+s23], $0x180, s24, s23, $0x38;
	[tilespmem:$0x1E600] =	vst v63  }
0x1a9: {  	_ =	swait.ge [sflag:s26], $0x180  }
0x1aa: {  	[sflag:s26] =	ssyncset.done $0x0  }
0x1ab: {  	s13 =	rddreg [dreg:$0x9];
	[sflag:s26] =	ssyncadd.s32 $0xFFFFFE80  }
0x1ac: {  	[tilespmem:s30], [sflag:$0x3] =	stream.strided.gather [hbm4b:s13+s23], $0x180, s24, s23, $0x38;
	[tilespmem:$0x1E600] =	vst v63  }
0x1ad: {  	_ = 	snop  }
0x1ae: {  	[spmem:s4] =	stream.indirect.scatter.add.f32 [tilespmem:s29], [sflag:$0x2], $0x80, s25, s28, $0xb8;
	[tilespmem:$0x1E600] =	vst v63  }
0x1af: {  	_ =	swait.ge [sflag:s26], $0x180  }
0x1b0: {  	s18 =	simm.s32 $0x100;
	[sflag:s26] =	ssyncset.done $0x0  }
0x1b1: {  	s9 =	sand.u32 $0x300, s18;
	[sflag:s26] =	ssyncadd.s32 $0xFFFFFE80  }
0x1b2: {  	s9 =	sor.u32 s9, s16;
	_ =	swait.ge [sflag:s1], $0xA000  }
0x1b3: {  	s9 =	sshrl.u32 s9, $0x3;
	[sflag:s1] =	ssyncset.done $0x0  }
0x1b4: {  	s9 =	sadd.s32 s2, s9;
	[sflag:s1] =	ssyncadd.s32 $0xFFFF6000  }
0x1b5: {  	[tilespmem:s25], [sflag:$0x3] =	stream.strided.gather [hbm4b:s9+s23], $0x180, s24, s23, $0x38;
	[tilespmem:$0x1E600] =	vst v63  }
0x1b6: {  	_ = 	snop  }
0x1b7: {  	[spmem:s4] =	stream.indirect.scatter.add.f32 [tilespmem:s29], [sflag:$0x2], $0x80, s30, s28, $0xb8;
	[tilespmem:$0x1E600] =	vst v63  }
0x1b8: {  	_ =	swait.ge [sflag:s26], $0x180  }
0x1b9: {  	s19 =	simm.s32 $0x180;
	[sflag:s26] =	ssyncset.done $0x0  }
0x1ba: {  	s9 =	sand.u32 $0x380, s19;
	[sflag:s26] =	ssyncadd.s32 $0xFFFFFE80  }
0x1bb: {  	s9 =	sor.u32 s9, s17;
	_ =	swait.ge [sflag:s1], $0xA000  }
0x1bc: {  	s9 =	sshrl.u32 s9, $0x3;
	[sflag:s1] =	ssyncset.done $0x0  }
0x1bd: {  	s9 =	sadd.s32 s2, s9;
	[sflag:s1] =	ssyncadd.s32 $0xFFFF6000  }
0x1be: {  	[tilespmem:s30], [sflag:$0x3] =	stream.strided.gather [hbm4b:s9+s23], $0x180, s24, s23, $0x38;
	[tilespmem:$0x1E600] =	vst v63  }
0x1bf: {  	_ = 	snop  }
0x1c0: {  	[spmem:s4] =	stream.indirect.scatter.add.f32 [tilespmem:s29], [sflag:$0x2], $0x80, s25, s28, $0xb8;
	[tilespmem:$0x1E600] =	vst v63  }
0x1c1: {  	s16 =	sadd.s32 $0x2, s20;
	s11 =	simm.s32 $0x280;
	_ =	swait.ge [sflag:s26], $0x180  }
0x1c2: {  	s12 =	sshrl.u32 s16, $0x3;
	s17 =	simm.s32 $0x380;
	[sflag:s26] =	ssyncset.done $0x0  }
.LBB2_8:
0x1c3: {  	s9 =	smul.u32 $0xC00, s12  }
0x1c4: {  	s12 =	sadd.s32 $0xFFFFFF80, s11;
	[sflag:s26] =	ssyncadd.s32 $0xFFFFFE80;
	s13 =	smov.u32 s17  }
0x1c5: {  	p0 =	sne.s32 s17, $0xF80;
	s17 =	sadd.s32 $0x100, s17;
	s12 =	sand.u32 $0x300, s12  }
0x1c6: {  	_ =	swait.ge [sflag:s1], $0xA000;
	s9 =	sor.u32 s12, s9  }
0x1c7: {  	[sflag:s1] =	ssyncset.done $0x0;
	s9 =	sshrl.u32 s9, $0x3  }
0x1c8: {  	[sflag:s1] =	ssyncadd.s32 $0xFFFF6000;
	s9 =	sadd.s32 s2, s9  }
0x1c9: {  	[tilespmem:s25], [sflag:$0x3] =	stream.strided.gather [hbm4b:s9+s23], $0x180, s24, s23, $0x38;
	[tilespmem:$0x1E600] =	vst v63  }
0x1ca: {  	s9 =	sadd.s32 $0x1, s16  }
0x1cb: {  	[spmem:s4] =	stream.indirect.scatter.add.f32 [tilespmem:s29], [sflag:$0x2], $0x80, s30, s28, $0xb8;
	[tilespmem:$0x1E600] =	vst v63  }
0x1cc: {  	s9 =	sshrl.u32 s9, $0x3;
	_ =	swait.ge [sflag:s26], $0x180  }
0x1cd: {  	s9 =	smul.u32 $0xC00, s9;
	[sflag:s26] =	ssyncset.done $0x0  }
0x1ce: {  	s12 =	sand.u32 $0x380, s11;
	s11 =	smov.u32 s13;
	[sflag:s26] =	ssyncadd.s32 $0xFFFFFE80  }
0x1cf: {  	s9 =	sor.u32 s12, s9;
	_ =	swait.ge [sflag:s1], $0xA000  }
0x1d0: {  	s9 =	sshrl.u32 s9, $0x3;
	[sflag:s1] =	ssyncset.done $0x0  }
0x1d1: {  	s9 =	sadd.s32 s2, s9;
	[sflag:s1] =	ssyncadd.s32 $0xFFFF6000  }
0x1d2: {  	[tilespmem:s30], [sflag:$0x3] =	stream.strided.gather [hbm4b:s9+s23], $0x180, s24, s23, $0x38;
	[tilespmem:$0x1E600] =	vst v63  }
.Ltmp3:
0x1d3: {  	_ = 	snop;
	(pc) =	sbr.rel @p0 .LBB2_8-.Ltmp3, $4  }
0x1d4: {  	_ = 	snop  }
0x1d5: {  	[spmem:s4] =	stream.indirect.scatter.add.f32 [tilespmem:s29], [sflag:$0x2], $0x80, s25, s28, $0xb8;
	[tilespmem:$0x1E600] =	vst v63  }
0x1d6: {  	s16 =	sadd.s32 $0x2, s16;
	_ =	swait.ge [sflag:s26], $0x180  }
0x1d7: {  	s12 =	sshrl.u32 s16, $0x3;
	[sflag:s26] =	ssyncset.done $0x0  }
0x1d8: {  	s9 =	smul.u32 $0xC00, s12;
	s13 =	sadd.s32 $0xFFFFFF80, s11  }
0x1d9: {  	[sflag:s26] =	ssyncadd.s32 $0xFFFFFE80;
	s12 =	sand.u32 $0x300, s13  }
0x1da: {  	_ =	swait.ge [sflag:s1], $0xA000;
	s9 =	sor.u32 s12, s9  }
0x1db: {  	[sflag:s1] =	ssyncset.done $0x0;
	s9 =	sshrl.u32 s9, $0x3  }
0x1dc: {  	[sflag:s1] =	ssyncadd.s32 $0xFFFF6000;
	s9 =	sadd.s32 s2, s9  }
0x1dd: {  	[tilespmem:s25], [sflag:$0x3] =	stream.strided.gather [hbm4b:s9+s23], $0x180, s24, s23, $0x38;
	[tilespmem:$0x1E600] =	vst v63  }
0x1de: {  	s16 =	sadd.s32 $0x1, s16  }
0x1df: {  	[spmem:s4] =	stream.indirect.scatter.add.f32 [tilespmem:s29], [sflag:$0x2], $0x80, s30, s28, $0xb8;
	[tilespmem:$0x1E600] =	vst v63  }
0x1e0: {  	s9 =	sshrl.u32 s16, $0x3;
	_ =	swait.ge [sflag:s26], $0x180  }
0x1e1: {  	s9 =	smul.u32 $0xC00, s9;
	[sflag:s26] =	ssyncset.done $0x0  }
0x1e2: {  	s17 =	sand.u32 $0x380, s11;
	[sflag:s26] =	ssyncadd.s32 $0xFFFFFE80  }
0x1e3: {  	s9 =	sor.u32 s17, s9;
	_ =	swait.ge [sflag:s1], $0xA000  }
0x1e4: {  	s9 =	sshrl.u32 s9, $0x3;
	[sflag:s1] =	ssyncset.done $0x0  }
0x1e5: {  	s9 =	sadd.s32 s2, s9;
	[sflag:s1] =	ssyncadd.s32 $0xFFFF6000  }
0x1e6: {  	[tilespmem:s30], [sflag:$0x3] =	stream.strided.gather [hbm4b:s9+s23], $0x180, s24, s23, $0x38;
	[tilespmem:$0x1E600] =	vst v63  }
0x1e7: {  	_ = 	snop  }
0x1e8: {  	[spmem:s4] =	stream.indirect.scatter.add.f32 [tilespmem:s29], [sflag:$0x2], $0x80, s25, s28, $0xb8;
	[tilespmem:$0x1E600] =	vst v63  }
0x1e9: {  	_ =	swait.ge [sflag:s26], $0x180  }
0x1ea: {  	[sflag:s26] =	ssyncset.done $0x0  }
0x1eb: {  	[sflag:s26] =	ssyncadd.s32 $0xFFFFFE80  }
0x1ec: {  	_ =	swait.ge [sflag:s1], $0xA000  }
0x1ed: {  	[sflag:s1] =	ssyncset.done $0x0  }
0x1ee: {  	[sflag:s1] =	ssyncadd.s32 $0xFFFF6000  }
0x1ef: {  	[spmem:s4] =	stream.indirect.scatter.add.f32 [tilespmem:s29], [sflag:$0x2], $0x80, s30, s28, $0xb8;
	[tilespmem:$0x1E600] =	vst v63  }
0x1f0: {  	_ =	swait.ge [sflag:s1], $0xA000  }
0x1f1: {  	[sflag:s1] =	ssyncset.done $0x0  }
0x1f2: {  	[sflag:s1] =	ssyncadd.s32 $0xFFFF6000  }
0x1f3: {  	[bflag:$0x0] =	sbarrier.arrive $0xFFFF  }
0x1f4: {  	s18 =	rddreg [dreg:$0xe]  }
0x1f5: {  	[hbm:s18], [sflag:s10] =	dma.local [spmem:s21], $0x1400  }
0x1f6: {  	_ =	swait.ge [sflag:s22], $0x1400  }
0x1f7: {  	s15 =	sadd.s32 $0x1, s15;
	s19 =	rddreg [dreg:$0xf]  }
0x1f8: {  	p0 =	sne.s32 s15, s19  }
.Ltmp4:
0x1f9: {  	_ = 	snop;
	(pc) =	sbr.rel @p0 .LBB2_1-.Ltmp4, $3  }
0x1fa: {  	_ =	sdelay $0x1  }
0x1fb: {  	[sflag:s22] =	ssyncset.done $0x0  }
0x1fc: {  	[sflag:s22] =	ssyncadd.s32 $0xFFFFEC00  }
0x1fd: {  	_ =	sfence.sel $0x180000  }
0x1fe: {  	[bflag:$0x0] =	sbarrier.arrive $0xFFFF  }
0x1ff: {  	_ =	strace $0x90000047  }
0x200: {  	s0 =	stileid.u32;
	[bflag:$0x2] =	sbarrier.arrive $0xFFFF  }
0x201: {  	p0 =	sne.s32 s0, $0x0;
	s0 =	rddreg [dreg:$0x4]  }
0x202: {  	s0 =	sadd.s32 @!p0 $0x100000, s0  }
0x203: {  	[sflag:s0] =	ssyncadd.tile.s32 @!p0 $0x1;
	_ =	shalt  }
.Lfunc_end2:
_tile_overlayer_lowered:
.L_overlay_start_2:
0x204: {  	(tag) =	ssettag $0x2  }
0x205: {  	s0 =	rddreg [dreg:$0x0];
	s2 =	stileid.u32  }
0x206: {  	s1 =	rddreg [dreg:$0x1];
	p0 =	sne.s32 s2, $0x0  }
0x207: {  	s3 =	rddreg [dreg:$0x2];
	[bflag:$0x3] =	sbarrier.arrive $0xFFFF;
	s2 =	simm.s32 @!p0 $0x1C04  }
0x208: {  	[timem:s3], [sflag:s2] =	dma.local @!p0 [hbm:s0], s1  }
0x209: {  	s0 =	simm.s32 @!p0 $0x4  }
0x20a: {  	_ =	swait.ge @!p0 [sflag:s0], s1  }
0x20b: {  	s1 =	ssub.s32 @!p0 $0x0, s1;
	[sflag:s0] =	ssyncset.done @!p0 $0x0  }
0x20c: {  	[sflag:s0] =	ssyncadd.s32 @!p0 s1  }
0x20d: {  	[bflag:$0x3] =	sbarrier.arrive $0xFFFF  }
0x20e: {  	_ =	shalt  }

</sc_bundles>
